<compile_context>
chip_gen: v7x
topology: tpu7x:2x2x1
jax: 0.10.2.dev20260603
libtpu: 0.0.44.dev20260713+nightly
codegen_flags: <defaults>
</compile_context>

<pallas_src>
import functools

import jax
import jax.numpy as jnp
from jax import lax
from jax.experimental import pallas as pl
from jax.experimental.pallas import tpu as pltpu
from jax.experimental.pallas import tpu_sc as plsc

EPS = 1e-6
CH = 128
NSUB = 16
NCORE = 2


def _mesh():
    return plsc.VectorSubcoreMesh(core_axis_name="c", subcore_axis_name="s")


def _chunked_rows(n, sid, fn_full, fn_tail):
    nfull = n // 128
    tail = n - nfull * 128
    nj = (nfull + NSUB) // NSUB

    def body(j, _):
        k = sid + j * NSUB

        @pl.when(k < nfull)
        def _():
            fn_full(k * 128)

        if tail:
            @pl.when(k == nfull)
            def _():
                fn_tail(nfull * 128)
        return 0

    lax.fori_loop(0, nj, body, 0)


def _zero_acc(acc, zbuf, sid, n):
    _chunked_rows(
        n, sid,
        lambda off: pltpu.sync_copy(zbuf, acc.at[pl.ds(off, 128)]),
        lambda off: pltpu.sync_copy(zbuf.at[pl.ds(0, n - (n // 128) * 128)],
                                    acc.at[pl.ds(off, n - (n // 128) * 128)]))


NBUF = 4


def _edge_pass(tab, ep, acc, ebuf, rows, isem, gsem, ssem, base, nch):

    def fire_idx(j):
        pltpu.async_copy(ep.at[base + j], ebuf.at[lax.rem(j, NBUF)],
                         isem.at[lax.rem(j, NBUF)])

    def fire_gather(j):
        s = lax.rem(j, NBUF)
        pltpu.make_async_copy(ep.at[base + j], ebuf.at[s], isem.at[s]).wait()
        pltpu.async_copy(tab.at[ebuf.at[s, 0]], rows.at[s], gsem.at[s])

    def fire_scatter(j):
        s = lax.rem(j, NBUF)
        pltpu.make_async_copy(tab.at[ebuf.at[s, 0]], rows.at[s],
                              gsem.at[s]).wait()
        pltpu.async_copy(rows.at[s], acc.at[ebuf.at[s, 1]], ssem.at[s],
                         add=True)

    def wait_scatter(j):
        s = lax.rem(j, NBUF)
        pltpu.make_async_copy(rows.at[s], acc.at[ebuf.at[s, 1]],
                              ssem.at[s]).wait()

    fire_idx(0)
    fire_idx(1)
    fire_idx(2)
    fire_gather(0)
    fire_gather(1)

    def eb(i, _):
        @pl.when(i >= 1)
        def _():
            wait_scatter(i - 1)

        @pl.when(i + 3 < nch)
        def _():
            fire_idx(i + 3)

        @pl.when(i + 2 < nch)
        def _():
            fire_gather(i + 2)

        fire_scatter(i)
        return 0

    lax.fori_loop(0, nch, eb, 0)
    wait_scatter(nch - 1)


def _writeback(acc, out, bb, sid, n):
    tail = n - (n // 128) * 128

    def full(off):
        pltpu.sync_copy(acc.at[pl.ds(off, 128)], bb)
        pltpu.sync_copy(bb, out.at[pl.ds(off, 128)])

    def part(off):
        pltpu.sync_copy(acc.at[pl.ds(off, tail)], bb.at[pl.ds(0, tail)])
        pltpu.sync_copy(bb.at[pl.ds(0, tail)], out.at[pl.ds(off, tail)])

    _chunked_rows(n, sid, full, part)


def _make_pool1(n, nch1):
    @functools.partial(
        pl.kernel,
        out_type=jax.ShapeDtypeStruct((NCORE, n, 16), jnp.float32),
        mesh=_mesh(),
        compiler_params=pltpu.CompilerParams(use_tc_tiling_on_sc=False),
        scratch_types=[
            pltpu.VMEM((NBUF, 2, CH), jnp.int32),
            pltpu.VMEM((NBUF, CH, 16), jnp.float32),
            pltpu.VMEM((128, 16), jnp.float32),
            pltpu.VMEM((128, 16), jnp.float32),
            pltpu.VMEM_SHARED((n + 8, 16), jnp.float32),
            pltpu.SemaphoreType.DMA((NBUF,)),
            pltpu.SemaphoreType.DMA((NBUF,)),
            pltpu.SemaphoreType.DMA((NBUF,)),
        ],
    )
    def pool1(u16, ep, zhbm, out, ebuf, rows, bb, zbuf, acc, isem, gsem, ssem):
        cid = lax.axis_index("c")
        sid = lax.axis_index("s")
        pltpu.sync_copy(zhbm, zbuf)
        _zero_acc(acc, zbuf, sid, n)
        plsc.subcore_barrier()
        base = (cid * NSUB + sid) * nch1
        _edge_pass(u16, ep, acc, ebuf, rows, isem, gsem, ssem, base, nch1)
        plsc.subcore_barrier()
        for c in range(NCORE):
            @pl.when(cid == c)
            def _(c=c):
                _writeback(acc, out.at[c], bb, sid, n)
        plsc.subcore_barrier()

    return pool1


def _make_pool2(npad, n, nch2):
    sds = jax.ShapeDtypeStruct((npad, 32), jnp.float32)

    @functools.partial(
        pl.kernel,
        out_type=(sds,) * 6,
        mesh=_mesh(),
        compiler_params=pltpu.CompilerParams(use_tc_tiling_on_sc=False),
        scratch_types=[
            pltpu.VMEM((NBUF, 2, CH), jnp.int32),
            pltpu.VMEM((NBUF, CH, 32), jnp.float32),
            pltpu.VMEM((128, 32), jnp.float32),
            pltpu.VMEM((128, 32), jnp.float32),
            pltpu.VMEM_SHARED((npad, 32), jnp.float32),
            pltpu.SemaphoreType.DMA((NBUF,)),
            pltpu.SemaphoreType.DMA((NBUF,)),
            pltpu.SemaphoreType.DMA((NBUF,)),
        ],
    )
    def pool2(x0, x1, x2, x3, x4, x5, ep, zhbm,
              o0, o1, o2, o3, o4, o5, ebuf, rows, bb, zbuf, acc,
              isem, gsem, ssem):
        cid = lax.axis_index("c")
        sid = lax.axis_index("s")
        pltpu.sync_copy(zhbm, zbuf)
        tabs = ((x0, o0), (x1, o1), (x2, o2), (x3, o3), (x4, o4), (x5, o5))
        for c in range(NCORE):
            @pl.when(cid == c)
            def _(c=c):
                for t in range(3):
                    tab, out = tabs[3 * c + t]
                    _zero_acc(acc, zbuf, sid, npad)
                    plsc.subcore_barrier()
                    _edge_pass(tab, ep, acc, ebuf, rows, isem, gsem, ssem,
                               sid * nch2, nch2)
                    plsc.subcore_barrier()
                    _writeback(acc, out, bb, sid, npad)
                    plsc.subcore_barrier()

    return pool2


def _l1_body(uv_ref, coef_ref, o0, o1, o2, o3, o4, o5):
    wi = coef_ref[0:1, :]
    wp = coef_ref[1:2, :]
    bs = coef_ref[2:3, :]
    qi = coef_ref[3:4, :]
    qp = coef_ref[4:5, :]
    qb = coef_ref[5:6, :]
    f_aj = []
    for a in range(4):
        u = uv_ref[:, 32 * a:32 * a + 3]
        v = uv_ref[:, 32 * a + 16:32 * a + 19]
        uu = jnp.sum(u * u, 1, keepdims=True)
        uv = jnp.sum(u * v, 1, keepdims=True)
        vv = jnp.sum(v * v, 1, keepdims=True)
        us = jnp.sum(u, 1, keepdims=True)
        vs = jnp.sum(v, 1, keepdims=True)
        dot = (uu * (wi * qi) + uv * (wi * qp + wp * qi) + vv * (wp * qp)
               + us * (wi * qb + bs * qi) + vs * (wp * qb + bs * qp)
               + 3.0 * bs * qb)
        dns = (uu * qi * qi + 2.0 * uv * qi * qp + vv * qp * qp
               + 2.0 * us * qi * qb + 2.0 * vs * qp * qb + 3.0 * qb * qb)
        c = 0.8 * jnp.where(dot < 0, dot / (dns + EPS), 0.0)
        a1 = (1.0 + wi) - c * qi
        a2 = wp - c * qp
        a3 = bs - c * qb
        f_aj.append([a1 * u[:, j:j + 1] + a2 * v[:, j:j + 1] + a3
                     for j in range(3)])
    outs = ((o0, o1), (o2, o3), (o4, o5))
    for j in range(3):
        outs[j][0][...] = jnp.concatenate(
            [f_aj[a][j][:, :32] for a in range(4)], axis=1)
        outs[j][1][...] = jnp.concatenate(
            [f_aj[a][j][:, 32:] for a in range(4)], axis=1)


def _interleave_halves(lo, hi):
    parts = []
    for a in range(4):
        parts.append(lo[:, 32 * a:32 * a + 32])
        parts.append(hi[:, 32 * a:32 * a + 32])
    return jnp.concatenate(parts, axis=1)


def _l2_body(nvalid, brows, s0, s1, s2, s3, s4, s5, q0, q1, q2, q3, q4, q5,
             wit_t, wit_b, wpt_t, wpt_b, d2bd, b2t, out_ref):
    sl = (s0, s1, s2, s3, s4, s5)
    ql = (q0, q1, q2, q3, q4, q5)

    def mm(a, b):
        return jnp.dot(a, b, preferred_element_type=jnp.float32)

    gr = (pl.program_id(0) * brows
          + jax.lax.broadcasted_iota(jnp.int32, (brows, 1), 0))
    w = gr < nvalid
    embs, x1p = [], []
    for j in range(3):
        emb = (mm(sl[2 * j][...], wit_t[...]) + mm(sl[2 * j + 1][...], wit_b[...])
               + mm(ql[2 * j][...], wpt_t[...]) + mm(ql[2 * j + 1][...], wpt_b[...])
               + b2t[0:1, :])
        embs.append(emb)
        x1p.append(_interleave_halves(sl[2 * j][...], sl[2 * j + 1][...]))
    d = [mm(embs[j], d2bd[...]) for j in range(3)]
    dot = embs[0] * d[0] + embs[1] * d[1] + embs[2] * d[2]
    dns = d[0] * d[0] + d[1] * d[1] + d[2] * d[2]
    c = 0.8 * jnp.where(dot < 0, dot / (dns + EPS), 0.0)
    rows = [jnp.sum(jnp.where(w, embs[j] - c * d[j] + x1p[j], 0.0), axis=0)
            for j in range(3)]
    res = jnp.stack(rows, axis=0)

    @pl.when(pl.program_id(0) == 0)
    def _():
        out_ref[...] = res

    @pl.when(pl.program_id(0) != 0)
    def _():
        out_ref[...] = out_ref[...] + res


def kernel(loc, edges, W1i, b1i, W1p, b1p, D1, W2i, b2i, W2p, b2p, D2, Wo, bo):
    n, _ = loc.shape
    e = edges.shape[1]

    mean_loc = jnp.mean(loc, axis=0)
    u = loc - mean_loc
    u16 = jnp.pad(u, ((0, 0), (0, 13)))

    nch1 = (((e + 31) // 32 + CH - 1) // CH)
    nch2 = (((e + 15) // 16 + CH - 1) // CH)
    lp = max(32 * nch1, 16 * nch2) * CH
    srcp = jnp.zeros((lp,), jnp.int32).at[:e].set(edges[0])
    dstp = jnp.full((lp,), n, jnp.int32).at[:e].set(edges[1])
    edges_p = jnp.stack([srcp.reshape(-1, CH), dstp.reshape(-1, CH)], axis=1)

    z16 = jnp.zeros((128, 16), jnp.float32)
    z32 = jnp.zeros((128, 32), jnp.float32)

    wi, wp = W1i[:, 0], W1p[:, 0]
    bs = b1i + b1p
    coef = jnp.zeros((8, 64), jnp.float32)
    coef = coef.at[0].set(wi).at[1].set(wp).at[2].set(bs)
    coef = coef.at[3].set(D1 @ wi).at[4].set(D1 @ wp).at[5].set(D1 @ bs)

    partials = _make_pool1(n, nch1)(u16, edges_p, z16)

    npad = ((n + 63) // 64) * 64
    bn = next(npad // g for g in range(16, 64)
              if npad % g == 0 and (npad // g) % 32 == 0)
    grid = (npad // bn,)
    uvcat = jnp.pad(
        jnp.concatenate([u16, partials[0] + partials[1]], axis=1),
        ((0, npad - n), (0, 0))).reshape(npad // 4, 128)
    sds_pk = jax.ShapeDtypeStruct((npad // 4, 128), jnp.float32)
    slabs_pk = pl.pallas_call(
        _l1_body,
        grid=grid,
        in_specs=[
            pl.BlockSpec((bn // 4, 128), lambda i: (i, 0)),
            pl.BlockSpec((8, 64), lambda i: (0, 0)),
        ],
        out_specs=[pl.BlockSpec((bn // 4, 128), lambda i: (i, 0))] * 6,
        out_shape=[sds_pk] * 6,
    )(uvcat, coef)

    slabs = [s.reshape(npad, 32) for s in slabs_pk]
    pooled = _make_pool2(npad, n, nch2)(*slabs, edges_p, z32)
    pooled_pk = [p.reshape(npad // 4, 128) for p in pooled]

    b2t = jnp.tile((b2i + b2p)[None, :], (1, 4))
    eye4 = jnp.eye(4, dtype=jnp.float32)
    w2it, w2pt, d2t = W2i.T, W2p.T, D2.T
    bd = lambda m: jnp.kron(eye4, m)
    s = pl.pallas_call(
        functools.partial(_l2_body, n // 4, bn // 4),
        grid=grid,
        in_specs=(
            [pl.BlockSpec((bn // 4, 128), lambda i: (i, 0))] * 12
            + [pl.BlockSpec((128, 256), lambda i: (0, 0))] * 4
            + [pl.BlockSpec((256, 256), lambda i: (0, 0))]
            + [pl.BlockSpec((1, 256), lambda i: (0, 0))]
        ),
        out_specs=pl.BlockSpec((3, 256), lambda i: (0, 0)),
        out_shape=jax.ShapeDtypeStruct((3, 256), jnp.float32),
    )(*slabs_pk, *pooled_pk,
      bd(w2it[:32, :]), bd(w2it[32:, :]),
      bd(w2pt[:32, :]), bd(w2pt[32:, :]), bd(d2t), b2t)
    s = s.reshape(3, 4, 64).sum(axis=1)

    out = (s @ Wo.T + bo).reshape(1, 3, 4)
    rot = out[:, :, :3]
    trans = out[:, :, 3:] + mean_loc[None, :, None]
    return (rot, jnp.squeeze(trans))

# --- scband reference (transcript-rebuilt; emitter-appended) ---
"""Pipeline reference for scband-vnshallow-net-30983894073344 (READ-ONLY COPY).

The authoritative reference and input builder live on the scoring server;
editing this copy changes nothing except your own understanding.
"""

import jax, jax.numpy as jnp
import numpy as np

EPS = 1e-6
NEG_SLOPE = 0.2


def _vn_leaky_relu(x, D):
    # x: [N, C, 3]; D: [C, C] (map_to_dir weight, no bias)
    xt = jnp.swapaxes(x, 1, 2)            # [N, 3, C]
    d = jnp.swapaxes(xt @ D.T, 1, 2)      # [N, C, 3]
    dot = jnp.sum(x * d, axis=2, keepdims=True)
    dns = jnp.sum(d * d, axis=2, keepdims=True)
    mask = (dot >= 0).astype(x.dtype)
    x_neg = x - (dot / (dns + EPS)) * d
    return NEG_SLOPE * x + (1.0 - NEG_SLOPE) * (mask * x + (1.0 - mask) * x_neg)


def _deepset_layer(x, edges, Wi, bi, Wp, bp, D):
    # x: [N, 3, C_in]; edges: int[2, E]
    n = x.shape[0]
    identity = x @ Wi.T + bi                              # [N, 3, C_out]
    nodes_1 = jnp.take(x, edges[0], axis=0)               # [E, 3, C_in] gather
    pooled = jax.ops.segment_sum(nodes_1, edges[1], num_segments=n)  # scatter-add
    pooling = pooled @ Wp.T + bp                          # [N, 3, C_out]
    embedding = identity + pooling
    emb = jnp.swapaxes(embedding, 1, 2)                   # [N, C_out, 3]
    out = _vn_leaky_relu(emb, D)
    out = jnp.swapaxes(out, 1, 2)                         # [N, 3, C_out]
    # dropout p=0.0 is identity; residual broadcasts [N,3,C_out] + [N,3,C_in]
    return out + x


def _lin_init(k, out_dim, in_dim):
    bound = 1.0 / np.sqrt(in_dim)
    kw, kb = jax.random.split(k)
    W = jax.random.uniform(kw, (out_dim, in_dim), minval=-bound, maxval=bound, dtype=jnp.float32)
    b = jax.random.uniform(kb, (out_dim,), minval=-bound, maxval=bound, dtype=jnp.float32)
    return W, b


def setup_inputs(seed: int = 0) -> dict:
    key = jax.random.key(seed)
    ks = jax.random.split(key, 12)
    N, E, H, OUT, IN = 50000, 800000, 64, 4, 1
    loc = jax.random.normal(ks[0], (N, 3), dtype=jnp.float32)
    edges = jax.random.randint(ks[1], (2, E), 0, N, dtype=jnp.int32)
    W1i, b1i = _lin_init(ks[2], H, IN)
    W1p, b1p = _lin_init(ks[3], H, IN)
    D1 = jax.random.uniform(ks[4], (H, H), minval=-1.0 / np.sqrt(H), maxval=1.0 / np.sqrt(H), dtype=jnp.float32)
    W2i, b2i = _lin_init(ks[5], H, H)
    W2p, b2p = _lin_init(ks[6], H, H)
    D2 = jax.random.uniform(ks[7], (H, H), minval=-1.0 / np.sqrt(H), maxval=1.0 / np.sqrt(H), dtype=jnp.float32)
    Wo, bo = _lin_init(ks[8], OUT, H)
    return {"loc": loc, "edges": edges,
            "W1i": W1i, "b1i": b1i, "W1p": W1p, "b1p": b1p, "D1": D1,
            "W2i": W2i, "b2i": b2i, "W2p": W2p, "b2p": b2p, "D2": D2,
            "Wo": Wo, "bo": bo}


def reference(loc, edges, W1i, b1i, W1p, b1p, D1, W2i, b2i, W2p, b2p, D2, Wo, bo):
    # batch_size = 1 -> batch_indices are all zeros; the first ts.scatter result is
    # dead code (overwritten by torch.mean), so only the final assignment matters.
    mean_loc = jnp.mean(loc, axis=0)                      # [3]
    canonical_loc = loc - mean_loc
    features = canonical_loc[:, :, None]                  # [N, 3, 1] (stack dim=2)
    x = _deepset_layer(features, edges, W1i, b1i, W1p, b1p, D1)
    x = _deepset_layer(x, edges, W2i, b2i, W2p, b2p, D2)
    # ts.scatter over all-zero batch_indices with reduce='sum' -> global sum
    x = jnp.sum(x, axis=0, keepdims=True)                 # [1, 3, 64]
    output = x @ Wo.T + bo                                # [1, 3, 4]
    output = output.reshape(-1, 3, 4)
    rotation_vectors = output[:, :, :3]
    translation_vectors = output[:, :, 3:] + mean_loc[None, :, None]
    return (rotation_vectors, jnp.squeeze(translation_vectors))

if __name__ == "__main__":
    import jax
    _d = setup_inputs()
    print(jax.jit(kernel)(*tuple(_d.values())))

</pallas_src>

<mosaic_0001>
#map = affine_map<(d0, d1) -> (0, 0)>
#map1 = affine_map<(d0, d1) -> (0, 0, 0)>
module attributes {stable_mosaic.version = 14 : i64} {
  func.func @pool1(%arg0: i32, %arg1: i32, %arg2: memref<50000x16xf32, #tpu.memory_space<hbm>>, %arg3: memref<6272x2x128xi32, #tpu.memory_space<hbm>>, %arg4: memref<128x16xf32, #tpu.memory_space<hbm>>, %arg5: memref<2x50000x16xf32, #tpu.memory_space<hbm>>, %arg6: memref<4x2x128xi32, #tpu.memory_space<vmem>>, %arg7: memref<4x128x16xf32, #tpu.memory_space<vmem>>, %arg8: memref<128x16xf32, #tpu.memory_space<vmem>>, %arg9: memref<128x16xf32, #tpu.memory_space<vmem>>, %arg10: memref<50008x16xf32, #tpu.memory_space<vmem_shared>>, %arg11: memref<4x!tpu.dma_semaphore, #tpu.memory_space<semaphore_mem>>, %arg12: memref<4x!tpu.dma_semaphore, #tpu.memory_space<semaphore_mem>>, %arg13: memref<4x!tpu.dma_semaphore, #tpu.memory_space<semaphore_mem>>) attributes {dimension_semantics = [#tpu.dimension_semantics<core_parallel>, #tpu.dimension_semantics<subcore_parallel>], iteration_bounds = array<i64: 2, 16>, scalar_prefetch = 0 : i64, scratch_operands = 8 : i64, tpu.core_type = #tpu.core_type<sc_vector_subcore>, window_params = [{transform_indices = #map}, {transform_indices = #map1}, {transform_indices = #map}, {transform_indices = #map1}]} {
    "tpu.region"() ({
      %run_scoped3A = tpu.sem_alloc : memref<!tpu.dma_semaphore, #tpu.memory_space<semaphore_mem>>
      tpu.enqueue_dma source(%arg4 : memref<128x16xf32, #tpu.memory_space<hbm>>) target(%arg9 : memref<128x16xf32, #tpu.memory_space<vmem>>) target_semaphore(%run_scoped3A : memref<!tpu.dma_semaphore, #tpu.memory_space<semaphore_mem>>)
      tpu.wait_dma2 semaphore(%run_scoped3A : memref<!tpu.dma_semaphore, #tpu.memory_space<semaphore_mem>>) src(%arg4 : memref<128x16xf32, #tpu.memory_space<hbm>>) dst(%arg9 : memref<128x16xf32, #tpu.memory_space<vmem>>)
      tpu.yield
    }) : () -> ()
    %scan3A = arith.constant 0 : i32
    %scan3A_0 = arith.constant 0 : i32
    %scan3A_1 = arith.constant 25 : i32
    %scan3A_2 = arith.addi %scan3A_0, %scan3A_1 : i32
    %scan3A_3 = arith.constant 1 : i32
    %scan3A_4 = scf.for %scan3A_188 = %scan3A_0 to %scan3A_2 step %scan3A_3 iter_args(%scan3A_189 = %scan3A) -> (i32)  : i32 {
      %mul3A_190 = arith.constant 16 : i32
      %mul3A_191 = arith.muli %scan3A_188, %mul3A_190 : i32
      %add3A_192 = arith.addi %arg1, %mul3A_191 : i32
      %lt3A = arith.constant 390 : i32
      %lt3A_193 = arith.cmpi slt, %add3A_192, %lt3A : i32
      %convert_element_type3A_194 = arith.extui %lt3A_193 : i1 to i32
      %cond3A_195 = arith.constant 0 : i32
      %cond3A_196 = arith.cmpi ne, %convert_element_type3A_194, %cond3A_195 : i32
      scf.if %cond3A_196 {
        %mul3A_203 = arith.constant 128 : i32
        %mul3A_204 = arith.muli %add3A_192, %mul3A_203 : i32
        "tpu.region"() ({
          %run_scoped3A = tpu.sem_alloc : memref<!tpu.dma_semaphore, #tpu.memory_space<semaphore_mem>>
          %dma_start3A_205 = arith.constant 0 : i32
          %dma_start3A_206 = tpu.memref_slice %arg10[%mul3A_204, %dma_start3A_205] : memref<50008x16xf32, #tpu.memory_space<vmem_shared>> -> memref<128x16xf32, #tpu.memory_space<vmem_shared>>
          %dma_start3A_207 = arith.constant 0 : i32
          %dma_start3A_208 = tpu.memref_slice %arg10[%mul3A_204, %dma_start3A_207] : memref<50008x16xf32, #tpu.memory_space<vmem_shared>> -> memref<128x16xf32, #tpu.memory_space<vmem_shared>>
          tpu.enqueue_dma source(%arg9 : memref<128x16xf32, #tpu.memory_space<vmem>>) target(%dma_start3A_208 : memref<128x16xf32, #tpu.memory_space<vmem_shared>>) target_semaphore(%run_scoped3A : memref<!tpu.dma_semaphore, #tpu.memory_space<semaphore_mem>>)
          %dma_wait3A_209 = arith.constant 0 : i32
          %dma_wait3A_210 = tpu.memref_slice %arg10[%mul3A_204, %dma_wait3A_209] : memref<50008x16xf32, #tpu.memory_space<vmem_shared>> -> memref<128x16xf32, #tpu.memory_space<vmem_shared>>
          %dma_wait3A_211 = arith.constant 0 : i32
          %dma_wait3A_212 = tpu.memref_slice %arg10[%mul3A_204, %dma_wait3A_211] : memref<50008x16xf32, #tpu.memory_space<vmem_shared>> -> memref<128x16xf32, #tpu.memory_space<vmem_shared>>
          tpu.wait_dma2 semaphore(%run_scoped3A : memref<!tpu.dma_semaphore, #tpu.memory_space<semaphore_mem>>) src(%arg9 : memref<128x16xf32, #tpu.memory_space<vmem>>) dst(%dma_wait3A_212 : memref<128x16xf32, #tpu.memory_space<vmem_shared>>)
          tpu.yield
        }) : () -> ()
      } else {
      }
      %eq3A_197 = arith.constant 390 : i32
      %eq3A_198 = arith.cmpi eq, %add3A_192, %eq3A_197 : i32
      %convert_element_type3A_199 = arith.extui %eq3A_198 : i1 to i32
      %cond3A_200 = arith.constant 0 : i32
      %cond3A_201 = arith.cmpi ne, %convert_element_type3A_199, %cond3A_200 : i32
      scf.if %cond3A_201 {
        "tpu.region"() ({
          %run_scoped3A = tpu.sem_alloc : memref<!tpu.dma_semaphore, #tpu.memory_space<semaphore_mem>>
          %dma_start3A_203 = arith.constant 0 : i32
          %dma_start3A_204 = arith.constant 0 : i32
          %dma_start3A_205 = tpu.memref_slice %arg9[%dma_start3A_203, %dma_start3A_204] : memref<128x16xf32, #tpu.memory_space<vmem>> -> memref<80x16xf32, #tpu.memory_space<vmem>>
          %dma_start3A_206 = arith.constant 49920 : i32
          %dma_start3A_207 = arith.constant 0 : i32
          %dma_start3A_208 = tpu.memref_slice %arg10[%dma_start3A_206, %dma_start3A_207] : memref<50008x16xf32, #tpu.memory_space<vmem_shared>> -> memref<80x16xf32, #tpu.memory_space<vmem_shared>>
          %dma_start3A_209 = arith.constant 49920 : i32
          %dma_start3A_210 = arith.constant 0 : i32
          %dma_start3A_211 = tpu.memref_slice %arg10[%dma_start3A_209, %dma_start3A_210] : memref<50008x16xf32, #tpu.memory_space<vmem_shared>> -> memref<80x16xf32, #tpu.memory_space<vmem_shared>>
          %dma_start3A_212 = arith.constant 0 : i32
          %dma_start3A_213 = arith.constant 0 : i32
          %dma_start3A_214 = tpu.memref_slice %arg9[%dma_start3A_212, %dma_start3A_213] : memref<128x16xf32, #tpu.memory_space<vmem>> -> memref<80x16xf32, #tpu.memory_space<vmem>>
          tpu.enqueue_dma source(%dma_start3A_214 : memref<80x16xf32, #tpu.memory_space<vmem>>) target(%dma_start3A_211 : memref<80x16xf32, #tpu.memory_space<vmem_shared>>) target_semaphore(%run_scoped3A : memref<!tpu.dma_semaphore, #tpu.memory_space<semaphore_mem>>)
          %dma_wait3A_215 = arith.constant 0 : i32
          %dma_wait3A_216 = arith.constant 0 : i32
          %dma_wait3A_217 = tpu.memref_slice %arg9[%dma_wait3A_215, %dma_wait3A_216] : memref<128x16xf32, #tpu.memory_space<vmem>> -> memref<80x16xf32, #tpu.memory_space<vmem>>
          %dma_wait3A_218 = arith.constant 49920 : i32
          %dma_wait3A_219 = arith.constant 0 : i32
          %dma_wait3A_220 = tpu.memref_slice %arg10[%dma_wait3A_218, %dma_wait3A_219] : memref<50008x16xf32, #tpu.memory_space<vmem_shared>> -> memref<80x16xf32, #tpu.memory_space<vmem_shared>>
          %dma_wait3A_221 = arith.constant 49920 : i32
          %dma_wait3A_222 = arith.constant 0 : i32
          %dma_wait3A_223 = tpu.memref_slice %arg10[%dma_wait3A_221, %dma_wait3A_222] : memref<50008x16xf32, #tpu.memory_space<vmem_shared>> -> memref<80x16xf32, #tpu.memory_space<vmem_shared>>
          %dma_wait3A_224 = arith.constant 0 : i32
          %dma_wait3A_225 = arith.constant 0 : i32
          %dma_wait3A_226 = tpu.memref_slice %arg9[%dma_wait3A_224, %dma_wait3A_225] : memref<128x16xf32, #tpu.memory_space<vmem>> -> memref<80x16xf32, #tpu.memory_space<vmem>>
          tpu.wait_dma2 semaphore(%run_scoped3A : memref<!tpu.dma_semaphore, #tpu.memory_space<semaphore_mem>>) src(%dma_wait3A_226 : memref<80x16xf32, #tpu.memory_space<vmem>>) dst(%dma_wait3A_223 : memref<80x16xf32, #tpu.memory_space<vmem_shared>>)
          tpu.yield
        }) : () -> ()
      } else {
      }
      %scan3A_202 = arith.constant 0 : i32
      scf.yield %scan3A_202 : i32
    }
    %scan3A_5 = arith.constant 25 : i32
    %barrier3A = arith.constant 0 : index
    tpu.barrier barrier_id(%barrier3A)
    %mul3A = arith.constant 16 : i32
    %mul3A_6 = arith.muli %arg0, %mul3A : i32
    %add3A = arith.addi %mul3A_6, %arg1 : i32
    %mul3A_7 = arith.constant 196 : i32
    %mul3A_8 = arith.muli %add3A, %mul3A_7 : i32
    %add3A_9 = arith.constant 0 : i32
    %add3A_10 = arith.addi %mul3A_8, %add3A_9 : i32
    %rem3A = arith.constant 0 : i32
    %rem3A_11 = arith.constant 4 : i32
    %rem3A_12 = arith.remsi %rem3A, %rem3A_11 : i32
    %rem3A_13 = arith.constant 0 : i32
    %rem3A_14 = arith.constant 4 : i32
    %rem3A_15 = arith.remsi %rem3A_13, %rem3A_14 : i32
    %dma_start3A = arith.constant 0 : i32
    %dma_start3A_16 = arith.constant 0 : i32
    %dma_start3A_17 = tpu.memref_slice %arg6[%rem3A_12, %dma_start3A, %dma_start3A_16] : memref<4x2x128xi32, #tpu.memory_space<vmem>> -> memref<1x2x128xi32, #tpu.memory_space<vmem>>
    %dma_start3A_18 = tpu.memref_squeeze %dma_start3A_17 : memref<1x2x128xi32, #tpu.memory_space<vmem>> -> memref<2x128xi32, #tpu.memory_space<vmem>>
    %dma_start3A_19 = arith.constant 0 : i32
    %dma_start3A_20 = arith.constant 0 : i32
    %dma_start3A_21 = tpu.memref_slice %arg3[%add3A_10, %dma_start3A_19, %dma_start3A_20] : memref<6272x2x128xi32, #tpu.memory_space<hbm>> -> memref<1x2x128xi32, #tpu.memory_space<hbm>>
    %dma_start3A_22 = tpu.memref_squeeze %dma_start3A_21 : memref<1x2x128xi32, #tpu.memory_space<hbm>> -> memref<2x128xi32, #tpu.memory_space<hbm>>
    %dma_start3A_23 = tpu.memref_slice %arg11[%rem3A_15] : memref<4x!tpu.dma_semaphore, #tpu.memory_space<semaphore_mem>> -> memref<1x!tpu.dma_semaphore, #tpu.memory_space<semaphore_mem>>
    %dma_start3A_24 = tpu.memref_squeeze %dma_start3A_23 : memref<1x!tpu.dma_semaphore, #tpu.memory_space<semaphore_mem>> -> memref<!tpu.dma_semaphore, #tpu.memory_space<semaphore_mem>>
    %dma_start3A_25 = arith.constant 0 : i32
    %dma_start3A_26 = arith.constant 0 : i32
    %dma_start3A_27 = tpu.memref_slice %arg6[%rem3A_12, %dma_start3A_25, %dma_start3A_26] : memref<4x2x128xi32, #tpu.memory_space<vmem>> -> memref<1x2x128xi32, #tpu.memory_space<vmem>>
    %dma_start3A_28 = tpu.memref_squeeze %dma_start3A_27 : memref<1x2x128xi32, #tpu.memory_space<vmem>> -> memref<2x128xi32, #tpu.memory_space<vmem>>
    %dma_start3A_29 = arith.constant 0 : i32
    %dma_start3A_30 = arith.constant 0 : i32
    %dma_start3A_31 = tpu.memref_slice %arg3[%add3A_10, %dma_start3A_29, %dma_start3A_30] : memref<6272x2x128xi32, #tpu.memory_space<hbm>> -> memref<1x2x128xi32, #tpu.memory_space<hbm>>
    %dma_start3A_32 = tpu.memref_squeeze %dma_start3A_31 : memref<1x2x128xi32, #tpu.memory_space<hbm>> -> memref<2x128xi32, #tpu.memory_space<hbm>>
    tpu.enqueue_dma source(%dma_start3A_32 : memref<2x128xi32, #tpu.memory_space<hbm>>) target(%dma_start3A_28 : memref<2x128xi32, #tpu.memory_space<vmem>>) target_semaphore(%dma_start3A_24 : memref<!tpu.dma_semaphore, #tpu.memory_space<semaphore_mem>>)
    %add3A_33 = arith.constant 1 : i32
    %add3A_34 = arith.addi %mul3A_8, %add3A_33 : i32
    %rem3A_35 = arith.constant 1 : i32
    %rem3A_36 = arith.constant 4 : i32
    %rem3A_37 = arith.remsi %rem3A_35, %rem3A_36 : i32
    %rem3A_38 = arith.constant 1 : i32
    %rem3A_39 = arith.constant 4 : i32
    %rem3A_40 = arith.remsi %rem3A_38, %rem3A_39 : i32
    %dma_start3A_41 = arith.constant 0 : i32
    %dma_start3A_42 = arith.constant 0 : i32
    %dma_start3A_43 = tpu.memref_slice %arg6[%rem3A_37, %dma_start3A_41, %dma_start3A_42] : memref<4x2x128xi32, #tpu.memory_space<vmem>> -> memref<1x2x128xi32, #tpu.memory_space<vmem>>
    %dma_start3A_44 = tpu.memref_squeeze %dma_start3A_43 : memref<1x2x128xi32, #tpu.memory_space<vmem>> -> memref<2x128xi32, #tpu.memory_space<vmem>>
    %dma_start3A_45 = arith.constant 0 : i32
    %dma_start3A_46 = arith.constant 0 : i32
    %dma_start3A_47 = tpu.memref_slice %arg3[%add3A_34, %dma_start3A_45, %dma_start3A_46] : memref<6272x2x128xi32, #tpu.memory_space<hbm>> -> memref<1x2x128xi32, #tpu.memory_space<hbm>>
    %dma_start3A_48 = tpu.memref_squeeze %dma_start3A_47 : memref<1x2x128xi32, #tpu.memory_space<hbm>> -> memref<2x128xi32, #tpu.memory_space<hbm>>
    %dma_start3A_49 = tpu.memref_slice %arg11[%rem3A_40] : memref<4x!tpu.dma_semaphore, #tpu.memory_space<semaphore_mem>> -> memref<1x!tpu.dma_semaphore, #tpu.memory_space<semaphore_mem>>
    %dma_start3A_50 = tpu.memref_squeeze %dma_start3A_49 : memref<1x!tpu.dma_semaphore, #tpu.memory_space<semaphore_mem>> -> memref<!tpu.dma_semaphore, #tpu.memory_space<semaphore_mem>>
    %dma_start3A_51 = arith.constant 0 : i32
    %dma_start3A_52 = arith.constant 0 : i32
    %dma_start3A_53 = tpu.memref_slice %arg6[%rem3A_37, %dma_start3A_51, %dma_start3A_52] : memref<4x2x128xi32, #tpu.memory_space<vmem>> -> memref<1x2x128xi32, #tpu.memory_space<vmem>>
    %dma_start3A_54 = tpu.memref_squeeze %dma_start3A_53 : memref<1x2x128xi32, #tpu.memory_space<vmem>> -> memref<2x128xi32, #tpu.memory_space<vmem>>
    %dma_start3A_55 = arith.constant 0 : i32
    %dma_start3A_56 = arith.constant 0 : i32
    %dma_start3A_57 = tpu.memref_slice %arg3[%add3A_34, %dma_start3A_55, %dma_start3A_56] : memref<6272x2x128xi32, #tpu.memory_space<hbm>> -> memref<1x2x128xi32, #tpu.memory_space<hbm>>
    %dma_start3A_58 = tpu.memref_squeeze %dma_start3A_57 : memref<1x2x128xi32, #tpu.memory_space<hbm>> -> memref<2x128xi32, #tpu.memory_space<hbm>>
    tpu.enqueue_dma source(%dma_start3A_58 : memref<2x128xi32, #tpu.memory_space<hbm>>) target(%dma_start3A_54 : memref<2x128xi32, #tpu.memory_space<vmem>>) target_semaphore(%dma_start3A_50 : memref<!tpu.dma_semaphore, #tpu.memory_space<semaphore_mem>>)
    %add3A_59 = arith.constant 2 : i32
    %add3A_60 = arith.addi %mul3A_8, %add3A_59 : i32
    %rem3A_61 = arith.constant 2 : i32
    %rem3A_62 = arith.constant 4 : i32
    %rem3A_63 = arith.remsi %rem3A_61, %rem3A_62 : i32
    %rem3A_64 = arith.constant 2 : i32
    %rem3A_65 = arith.constant 4 : i32
    %rem3A_66 = arith.remsi %rem3A_64, %rem3A_65 : i32
    %dma_start3A_67 = arith.constant 0 : i32
    %dma_start3A_68 = arith.constant 0 : i32
    %dma_start3A_69 = tpu.memref_slice %arg6[%rem3A_63, %dma_start3A_67, %dma_start3A_68] : memref<4x2x128xi32, #tpu.memory_space<vmem>> -> memref<1x2x128xi32, #tpu.memory_space<vmem>>
    %dma_start3A_70 = tpu.memref_squeeze %dma_start3A_69 : memref<1x2x128xi32, #tpu.memory_space<vmem>> -> memref<2x128xi32, #tpu.memory_space<vmem>>
    %dma_start3A_71 = arith.constant 0 : i32
    %dma_start3A_72 = arith.constant 0 : i32
    %dma_start3A_73 = tpu.memref_slice %arg3[%add3A_60, %dma_start3A_71, %dma_start3A_72] : memref<6272x2x128xi32, #tpu.memory_space<hbm>> -> memref<1x2x128xi32, #tpu.memory_space<hbm>>
    %dma_start3A_74 = tpu.memref_squeeze %dma_start3A_73 : memref<1x2x128xi32, #tpu.memory_space<hbm>> -> memref<2x128xi32, #tpu.memory_space<hbm>>
    %dma_start3A_75 = tpu.memref_slice %arg11[%rem3A_66] : memref<4x!tpu.dma_semaphore, #tpu.memory_space<semaphore_mem>> -> memref<1x!tpu.dma_semaphore, #tpu.memory_space<semaphore_mem>>
    %dma_start3A_76 = tpu.memref_squeeze %dma_start3A_75 : memref<1x!tpu.dma_semaphore, #tpu.memory_space<semaphore_mem>> -> memref<!tpu.dma_semaphore, #tpu.memory_space<semaphore_mem>>
    %dma_start3A_77 = arith.constant 0 : i32
    %dma_start3A_78 = arith.constant 0 : i32
    %dma_start3A_79 = tpu.memref_slice %arg6[%rem3A_63, %dma_start3A_77, %dma_start3A_78] : memref<4x2x128xi32, #tpu.memory_space<vmem>> -> memref<1x2x128xi32, #tpu.memory_space<vmem>>
    %dma_start3A_80 = tpu.memref_squeeze %dma_start3A_79 : memref<1x2x128xi32, #tpu.memory_space<vmem>> -> memref<2x128xi32, #tpu.memory_space<vmem>>
    %dma_start3A_81 = arith.constant 0 : i32
    %dma_start3A_82 = arith.constant 0 : i32
    %dma_start3A_83 = tpu.memref_slice %arg3[%add3A_60, %dma_start3A_81, %dma_start3A_82] : memref<6272x2x128xi32, #tpu.memory_space<hbm>> -> memref<1x2x128xi32, #tpu.memory_space<hbm>>
    %dma_start3A_84 = tpu.memref_squeeze %dma_start3A_83 : memref<1x2x128xi32, #tpu.memory_space<hbm>> -> memref<2x128xi32, #tpu.memory_space<hbm>>
    tpu.enqueue_dma source(%dma_start3A_84 : memref<2x128xi32, #tpu.memory_space<hbm>>) target(%dma_start3A_80 : memref<2x128xi32, #tpu.memory_space<vmem>>) target_semaphore(%dma_start3A_76 : memref<!tpu.dma_semaphore, #tpu.memory_space<semaphore_mem>>)
    %rem3A_85 = arith.constant 0 : i32
    %rem3A_86 = arith.constant 4 : i32
    %rem3A_87 = arith.remsi %rem3A_85, %rem3A_86 : i32
    %add3A_88 = arith.constant 0 : i32
    %add3A_89 = arith.addi %mul3A_8, %add3A_88 : i32
    %dma_wait3A = arith.constant 0 : i32
    %dma_wait3A_90 = arith.constant 0 : i32
    %dma_wait3A_91 = tpu.memref_slice %arg6[%rem3A_87, %dma_wait3A, %dma_wait3A_90] : memref<4x2x128xi32, #tpu.memory_space<vmem>> -> memref<1x2x128xi32, #tpu.memory_space<vmem>>
    %dma_wait3A_92 = tpu.memref_squeeze %dma_wait3A_91 : memref<1x2x128xi32, #tpu.memory_space<vmem>> -> memref<2x128xi32, #tpu.memory_space<vmem>>
    %dma_wait3A_93 = arith.constant 0 : i32
    %dma_wait3A_94 = arith.constant 0 : i32
    %dma_wait3A_95 = tpu.memref_slice %arg3[%add3A_89, %dma_wait3A_93, %dma_wait3A_94] : memref<6272x2x128xi32, #tpu.memory_space<hbm>> -> memref<1x2x128xi32, #tpu.memory_space<hbm>>
    %dma_wait3A_96 = tpu.memref_squeeze %dma_wait3A_95 : memref<1x2x128xi32, #tpu.memory_space<hbm>> -> memref<2x128xi32, #tpu.memory_space<hbm>>
    %dma_wait3A_97 = tpu.memref_slice %arg11[%rem3A_87] : memref<4x!tpu.dma_semaphore, #tpu.memory_space<semaphore_mem>> -> memref<1x!tpu.dma_semaphore, #tpu.memory_space<semaphore_mem>>
    %dma_wait3A_98 = tpu.memref_squeeze %dma_wait3A_97 : memref<1x!tpu.dma_semaphore, #tpu.memory_space<semaphore_mem>> -> memref<!tpu.dma_semaphore, #tpu.memory_space<semaphore_mem>>
    %dma_wait3A_99 = arith.constant 0 : i32
    %dma_wait3A_100 = arith.constant 0 : i32
    %dma_wait3A_101 = tpu.memref_slice %arg6[%rem3A_87, %dma_wait3A_99, %dma_wait3A_100] : memref<4x2x128xi32, #tpu.memory_space<vmem>> -> memref<1x2x128xi32, #tpu.memory_space<vmem>>
    %dma_wait3A_102 = tpu.memref_squeeze %dma_wait3A_101 : memref<1x2x128xi32, #tpu.memory_space<vmem>> -> memref<2x128xi32, #tpu.memory_space<vmem>>
    %dma_wait3A_103 = arith.constant 0 : i32
    %dma_wait3A_104 = arith.constant 0 : i32
    %dma_wait3A_105 = tpu.memref_slice %arg3[%add3A_89, %dma_wait3A_103, %dma_wait3A_104] : memref<6272x2x128xi32, #tpu.memory_space<hbm>> -> memref<1x2x128xi32, #tpu.memory_space<hbm>>
    %dma_wait3A_106 = tpu.memref_squeeze %dma_wait3A_105 : memref<1x2x128xi32, #tpu.memory_space<hbm>> -> memref<2x128xi32, #tpu.memory_space<hbm>>
    tpu.wait_dma2 semaphore(%dma_wait3A_98 : memref<!tpu.dma_semaphore, #tpu.memory_space<semaphore_mem>>) src(%dma_wait3A_106 : memref<2x128xi32, #tpu.memory_space<hbm>>) dst(%dma_wait3A_102 : memref<2x128xi32, #tpu.memory_space<vmem>>)
    %dma_start3A_107 = arith.constant 0 : i32
    %dma_start3A_108 = arith.constant 0 : i32
    %dma_start3A_109 = arith.constant 0 : i32
    %dma_start3A_110 = tpu.memref_slice %arg7[%rem3A_87, %dma_start3A_108, %dma_start3A_109] : memref<4x128x16xf32, #tpu.memory_space<vmem>> -> memref<1x128x16xf32, #tpu.memory_space<vmem>>
    %dma_start3A_111 = tpu.memref_squeeze %dma_start3A_110 : memref<1x128x16xf32, #tpu.memory_space<vmem>> -> memref<128x16xf32, #tpu.memory_space<vmem>>
    %dma_start3A_112 = arith.constant 0 : i32
    %dma_start3A_113 = tpu.memref_slice %arg6[%rem3A_87, %dma_start3A_107, %dma_start3A_112] : memref<4x2x128xi32, #tpu.memory_space<vmem>> -> memref<1x1x128xi32, #tpu.memory_space<vmem>>
    %dma_start3A_114 = tpu.memref_squeeze %dma_start3A_113 : memref<1x1x128xi32, #tpu.memory_space<vmem>> -> memref<128xi32, #tpu.memory_space<vmem>>
    %dma_start3A_115 = arith.constant 0 : i32
    %dma_start3A_116 = arith.constant 0 : i32
    %dma_start3A_117 = tpu.memref_slice %arg2[%dma_start3A_115, %dma_start3A_116] : memref<50000x16xf32, #tpu.memory_space<hbm>> -> memref<50000x16xf32, #tpu.memory_space<hbm>>
    %dma_start3A_118 = tpu.memref_slice %arg12[%rem3A_87] : memref<4x!tpu.dma_semaphore, #tpu.memory_space<semaphore_mem>> -> memref<1x!tpu.dma_semaphore, #tpu.memory_space<semaphore_mem>>
    %dma_start3A_119 = tpu.memref_squeeze %dma_start3A_118 : memref<1x!tpu.dma_semaphore, #tpu.memory_space<semaphore_mem>> -> memref<!tpu.dma_semaphore, #tpu.memory_space<semaphore_mem>>
    tpu.enqueue_indirect_dma source(%dma_start3A_117 : memref<50000x16xf32, #tpu.memory_space<hbm>>) target(%dma_start3A_111 : memref<128x16xf32, #tpu.memory_space<vmem>>) offsets(%dma_start3A_114 : memref<128xi32, #tpu.memory_space<vmem>>) semaphore(%dma_start3A_119 : memref<!tpu.dma_semaphore, #tpu.memory_space<semaphore_mem>>)
    %rem3A_120 = arith.constant 1 : i32
    %rem3A_121 = arith.constant 4 : i32
    %rem3A_122 = arith.remsi %rem3A_120, %rem3A_121 : i32
    %add3A_123 = arith.constant 1 : i32
    %add3A_124 = arith.addi %mul3A_8, %add3A_123 : i32
    %dma_wait3A_125 = arith.constant 0 : i32
    %dma_wait3A_126 = arith.constant 0 : i32
    %dma_wait3A_127 = tpu.memref_slice %arg6[%rem3A_122, %dma_wait3A_125, %dma_wait3A_126] : memref<4x2x128xi32, #tpu.memory_space<vmem>> -> memref<1x2x128xi32, #tpu.memory_space<vmem>>
    %dma_wait3A_128 = tpu.memref_squeeze %dma_wait3A_127 : memref<1x2x128xi32, #tpu.memory_space<vmem>> -> memref<2x128xi32, #tpu.memory_space<vmem>>
    %dma_wait3A_129 = arith.constant 0 : i32
    %dma_wait3A_130 = arith.constant 0 : i32
    %dma_wait3A_131 = tpu.memref_slice %arg3[%add3A_124, %dma_wait3A_129, %dma_wait3A_130] : memref<6272x2x128xi32, #tpu.memory_space<hbm>> -> memref<1x2x128xi32, #tpu.memory_space<hbm>>
    %dma_wait3A_132 = tpu.memref_squeeze %dma_wait3A_131 : memref<1x2x128xi32, #tpu.memory_space<hbm>> -> memref<2x128xi32, #tpu.memory_space<hbm>>
    %dma_wait3A_133 = tpu.memref_slice %arg11[%rem3A_122] : memref<4x!tpu.dma_semaphore, #tpu.memory_space<semaphore_mem>> -> memref<1x!tpu.dma_semaphore, #tpu.memory_space<semaphore_mem>>
    %dma_wait3A_134 = tpu.memref_squeeze %dma_wait3A_133 : memref<1x!tpu.dma_semaphore, #tpu.memory_space<semaphore_mem>> -> memref<!tpu.dma_semaphore, #tpu.memory_space<semaphore_mem>>
    %dma_wait3A_135 = arith.constant 0 : i32
    %dma_wait3A_136 = arith.constant 0 : i32
    %dma_wait3A_137 = tpu.memref_slice %arg6[%rem3A_122, %dma_wait3A_135, %dma_wait3A_136] : memref<4x2x128xi32, #tpu.memory_space<vmem>> -> memref<1x2x128xi32, #tpu.memory_space<vmem>>
    %dma_wait3A_138 = tpu.memref_squeeze %dma_wait3A_137 : memref<1x2x128xi32, #tpu.memory_space<vmem>> -> memref<2x128xi32, #tpu.memory_space<vmem>>
    %dma_wait3A_139 = arith.constant 0 : i32
    %dma_wait3A_140 = arith.constant 0 : i32
    %dma_wait3A_141 = tpu.memref_slice %arg3[%add3A_124, %dma_wait3A_139, %dma_wait3A_140] : memref<6272x2x128xi32, #tpu.memory_space<hbm>> -> memref<1x2x128xi32, #tpu.memory_space<hbm>>
    %dma_wait3A_142 = tpu.memref_squeeze %dma_wait3A_141 : memref<1x2x128xi32, #tpu.memory_space<hbm>> -> memref<2x128xi32, #tpu.memory_space<hbm>>
    tpu.wait_dma2 semaphore(%dma_wait3A_134 : memref<!tpu.dma_semaphore, #tpu.memory_space<semaphore_mem>>) src(%dma_wait3A_142 : memref<2x128xi32, #tpu.memory_space<hbm>>) dst(%dma_wait3A_138 : memref<2x128xi32, #tpu.memory_space<vmem>>)
    %dma_start3A_143 = arith.constant 0 : i32
    %dma_start3A_144 = arith.constant 0 : i32
    %dma_start3A_145 = arith.constant 0 : i32
    %dma_start3A_146 = tpu.memref_slice %arg7[%rem3A_122, %dma_start3A_144, %dma_start3A_145] : memref<4x128x16xf32, #tpu.memory_space<vmem>> -> memref<1x128x16xf32, #tpu.memory_space<vmem>>
    %dma_start3A_147 = tpu.memref_squeeze %dma_start3A_146 : memref<1x128x16xf32, #tpu.memory_space<vmem>> -> memref<128x16xf32, #tpu.memory_space<vmem>>
    %dma_start3A_148 = arith.constant 0 : i32
    %dma_start3A_149 = tpu.memref_slice %arg6[%rem3A_122, %dma_start3A_143, %dma_start3A_148] : memref<4x2x128xi32, #tpu.memory_space<vmem>> -> memref<1x1x128xi32, #tpu.memory_space<vmem>>
    %dma_start3A_150 = tpu.memref_squeeze %dma_start3A_149 : memref<1x1x128xi32, #tpu.memory_space<vmem>> -> memref<128xi32, #tpu.memory_space<vmem>>
    %dma_start3A_151 = arith.constant 0 : i32
    %dma_start3A_152 = arith.constant 0 : i32
    %dma_start3A_153 = tpu.memref_slice %arg2[%dma_start3A_151, %dma_start3A_152] : memref<50000x16xf32, #tpu.memory_space<hbm>> -> memref<50000x16xf32, #tpu.memory_space<hbm>>
    %dma_start3A_154 = tpu.memref_slice %arg12[%rem3A_122] : memref<4x!tpu.dma_semaphore, #tpu.memory_space<semaphore_mem>> -> memref<1x!tpu.dma_semaphore, #tpu.memory_space<semaphore_mem>>
    %dma_start3A_155 = tpu.memref_squeeze %dma_start3A_154 : memref<1x!tpu.dma_semaphore, #tpu.memory_space<semaphore_mem>> -> memref<!tpu.dma_semaphore, #tpu.memory_space<semaphore_mem>>
    tpu.enqueue_indirect_dma source(%dma_start3A_153 : memref<50000x16xf32, #tpu.memory_space<hbm>>) target(%dma_start3A_147 : memref<128x16xf32, #tpu.memory_space<vmem>>) offsets(%dma_start3A_150 : memref<128xi32, #tpu.memory_space<vmem>>) semaphore(%dma_start3A_155 : memref<!tpu.dma_semaphore, #tpu.memory_space<semaphore_mem>>)
    %scan3A_156 = arith.constant 0 : i32
    %scan3A_157 = arith.constant 0 : i32
    %scan3A_158 = arith.constant 196 : i32
    %scan3A_159 = arith.addi %scan3A_157, %scan3A_158 : i32
    %scan3A_160 = arith.constant 1 : i32
    %scan3A_161 = scf.for %scan3A_188 = %scan3A_157 to %scan3A_159 step %scan3A_160 iter_args(%scan3A_189 = %scan3A_156) -> (i32)  : i32 {
      %ge3A = arith.constant 1 : i32
      %ge3A_190 = arith.cmpi sge, %scan3A_188, %ge3A : i32
      %convert_element_type3A_191 = arith.extui %ge3A_190 : i1 to i32
      %cond3A_192 = arith.constant 0 : i32
      %cond3A_193 = arith.cmpi ne, %convert_element_type3A_191, %cond3A_192 : i32
      scf.if %cond3A_193 {
        %sub3A = arith.constant 1 : i32
        %sub3A_236 = arith.subi %scan3A_188, %sub3A : i32
        %rem3A_237 = arith.constant 4 : i32
        %rem3A_238 = arith.remsi %sub3A_236, %rem3A_237 : i32
        %dma_wait3A_239 = arith.constant 1 : i32
        %dma_wait3A_240 = arith.constant 0 : i32
        %dma_wait3A_241 = arith.constant 0 : i32
        %dma_wait3A_242 = tpu.memref_slice %arg7[%rem3A_238, %dma_wait3A_240, %dma_wait3A_241] : memref<4x128x16xf32, #tpu.memory_space<vmem>> -> memref<1x128x16xf32, #tpu.memory_space<vmem>>
        %dma_wait3A_243 = tpu.memref_squeeze %dma_wait3A_242 : memref<1x128x16xf32, #tpu.memory_space<vmem>> -> memref<128x16xf32, #tpu.memory_space<vmem>>
        %dma_wait3A_244 = arith.constant 0 : i32
        %dma_wait3A_245 = tpu.memref_slice %arg6[%rem3A_238, %dma_wait3A_239, %dma_wait3A_244] : memref<4x2x128xi32, #tpu.memory_space<vmem>> -> memref<1x1x128xi32, #tpu.memory_space<vmem>>
        %dma_wait3A_246 = tpu.memref_squeeze %dma_wait3A_245 : memref<1x1x128xi32, #tpu.memory_space<vmem>> -> memref<128xi32, #tpu.memory_space<vmem>>
        %dma_wait3A_247 = arith.constant 0 : i32
        %dma_wait3A_248 = arith.constant 0 : i32
        %dma_wait3A_249 = tpu.memref_slice %arg10[%dma_wait3A_247, %dma_wait3A_248] : memref<50008x16xf32, #tpu.memory_space<vmem_shared>> -> memref<50008x16xf32, #tpu.memory_space<vmem_shared>>
        %dma_wait3A_250 = tpu.memref_slice %arg13[%rem3A_238] : memref<4x!tpu.dma_semaphore, #tpu.memory_space<semaphore_mem>> -> memref<1x!tpu.dma_semaphore, #tpu.memory_space<semaphore_mem>>
        %dma_wait3A_251 = tpu.memref_squeeze %dma_wait3A_250 : memref<1x!tpu.dma_semaphore, #tpu.memory_space<semaphore_mem>> -> memref<!tpu.dma_semaphore, #tpu.memory_space<semaphore_mem>>
        tpu.wait_indirect_dma semaphore(%dma_wait3A_251 : memref<!tpu.dma_semaphore, #tpu.memory_space<semaphore_mem>>) src(%dma_wait3A_243 : memref<128x16xf32, #tpu.memory_space<vmem>>) dst(%dma_wait3A_249 : memref<50008x16xf32, #tpu.memory_space<vmem_shared>>)
      } else {
      }
      %add3A_194 = arith.constant 3 : i32
      %add3A_195 = arith.addi %scan3A_188, %add3A_194 : i32
      %lt3A = arith.constant 196 : i32
      %lt3A_196 = arith.cmpi slt, %add3A_195, %lt3A : i32
      %convert_element_type3A_197 = arith.extui %lt3A_196 : i1 to i32
      %cond3A_198 = arith.constant 0 : i32
      %cond3A_199 = arith.cmpi ne, %convert_element_type3A_197, %cond3A_198 : i32
      scf.if %cond3A_199 {
        %add3A_236 = arith.constant 3 : i32
        %add3A_237 = arith.addi %scan3A_188, %add3A_236 : i32
        %add3A_238 = arith.addi %mul3A_8, %add3A_237 : i32
        %rem3A_239 = arith.constant 4 : i32
        %rem3A_240 = arith.remsi %add3A_237, %rem3A_239 : i32
        %rem3A_241 = arith.constant 4 : i32
        %rem3A_242 = arith.remsi %add3A_237, %rem3A_241 : i32
        %dma_start3A_243 = arith.constant 0 : i32
        %dma_start3A_244 = arith.constant 0 : i32
        %dma_start3A_245 = tpu.memref_slice %arg6[%rem3A_240, %dma_start3A_243, %dma_start3A_244] : memref<4x2x128xi32, #tpu.memory_space<vmem>> -> memref<1x2x128xi32, #tpu.memory_space<vmem>>
        %dma_start3A_246 = tpu.memref_squeeze %dma_start3A_245 : memref<1x2x128xi32, #tpu.memory_space<vmem>> -> memref<2x128xi32, #tpu.memory_space<vmem>>
        %dma_start3A_247 = arith.constant 0 : i32
        %dma_start3A_248 = arith.constant 0 : i32
        %dma_start3A_249 = tpu.memref_slice %arg3[%add3A_238, %dma_start3A_247, %dma_start3A_248] : memref<6272x2x128xi32, #tpu.memory_space<hbm>> -> memref<1x2x128xi32, #tpu.memory_space<hbm>>
        %dma_start3A_250 = tpu.memref_squeeze %dma_start3A_249 : memref<1x2x128xi32, #tpu.memory_space<hbm>> -> memref<2x128xi32, #tpu.memory_space<hbm>>
        %dma_start3A_251 = tpu.memref_slice %arg11[%rem3A_242] : memref<4x!tpu.dma_semaphore, #tpu.memory_space<semaphore_mem>> -> memref<1x!tpu.dma_semaphore, #tpu.memory_space<semaphore_mem>>
        %dma_start3A_252 = tpu.memref_squeeze %dma_start3A_251 : memref<1x!tpu.dma_semaphore, #tpu.memory_space<semaphore_mem>> -> memref<!tpu.dma_semaphore, #tpu.memory_space<semaphore_mem>>
        %dma_start3A_253 = arith.constant 0 : i32
        %dma_start3A_254 = arith.constant 0 : i32
        %dma_start3A_255 = tpu.memref_slice %arg6[%rem3A_240, %dma_start3A_253, %dma_start3A_254] : memref<4x2x128xi32, #tpu.memory_space<vmem>> -> memref<1x2x128xi32, #tpu.memory_space<vmem>>
        %dma_start3A_256 = tpu.memref_squeeze %dma_start3A_255 : memref<1x2x128xi32, #tpu.memory_space<vmem>> -> memref<2x128xi32, #tpu.memory_space<vmem>>
        %dma_start3A_257 = arith.constant 0 : i32
        %dma_start3A_258 = arith.constant 0 : i32
        %dma_start3A_259 = tpu.memref_slice %arg3[%add3A_238, %dma_start3A_257, %dma_start3A_258] : memref<6272x2x128xi32, #tpu.memory_space<hbm>> -> memref<1x2x128xi32, #tpu.memory_space<hbm>>
        %dma_start3A_260 = tpu.memref_squeeze %dma_start3A_259 : memref<1x2x128xi32, #tpu.memory_space<hbm>> -> memref<2x128xi32, #tpu.memory_space<hbm>>
        tpu.enqueue_dma source(%dma_start3A_260 : memref<2x128xi32, #tpu.memory_space<hbm>>) target(%dma_start3A_256 : memref<2x128xi32, #tpu.memory_space<vmem>>) target_semaphore(%dma_start3A_252 : memref<!tpu.dma_semaphore, #tpu.memory_space<semaphore_mem>>)
      } else {
      }
      %add3A_200 = arith.constant 2 : i32
      %add3A_201 = arith.addi %scan3A_188, %add3A_200 : i32
      %lt3A_202 = arith.constant 196 : i32
      %lt3A_203 = arith.cmpi slt, %add3A_201, %lt3A_202 : i32
      %convert_element_type3A_204 = arith.extui %lt3A_203 : i1 to i32
      %cond3A_205 = arith.constant 0 : i32
      %cond3A_206 = arith.cmpi ne, %convert_element_type3A_204, %cond3A_205 : i32
      scf.if %cond3A_206 {
        %add3A_236 = arith.constant 2 : i32
        %add3A_237 = arith.addi %scan3A_188, %add3A_236 : i32
        %rem3A_238 = arith.constant 4 : i32
        %rem3A_239 = arith.remsi %add3A_237, %rem3A_238 : i32
        %add3A_240 = arith.addi %mul3A_8, %add3A_237 : i32
        %dma_wait3A_241 = arith.constant 0 : i32
        %dma_wait3A_242 = arith.constant 0 : i32
        %dma_wait3A_243 = tpu.memref_slice %arg6[%rem3A_239, %dma_wait3A_241, %dma_wait3A_242] : memref<4x2x128xi32, #tpu.memory_space<vmem>> -> memref<1x2x128xi32, #tpu.memory_space<vmem>>
        %dma_wait3A_244 = tpu.memref_squeeze %dma_wait3A_243 : memref<1x2x128xi32, #tpu.memory_space<vmem>> -> memref<2x128xi32, #tpu.memory_space<vmem>>
        %dma_wait3A_245 = arith.constant 0 : i32
        %dma_wait3A_246 = arith.constant 0 : i32
        %dma_wait3A_247 = tpu.memref_slice %arg3[%add3A_240, %dma_wait3A_245, %dma_wait3A_246] : memref<6272x2x128xi32, #tpu.memory_space<hbm>> -> memref<1x2x128xi32, #tpu.memory_space<hbm>>
        %dma_wait3A_248 = tpu.memref_squeeze %dma_wait3A_247 : memref<1x2x128xi32, #tpu.memory_space<hbm>> -> memref<2x128xi32, #tpu.memory_space<hbm>>
        %dma_wait3A_249 = tpu.memref_slice %arg11[%rem3A_239] : memref<4x!tpu.dma_semaphore, #tpu.memory_space<semaphore_mem>> -> memref<1x!tpu.dma_semaphore, #tpu.memory_space<semaphore_mem>>
        %dma_wait3A_250 = tpu.memref_squeeze %dma_wait3A_249 : memref<1x!tpu.dma_semaphore, #tpu.memory_space<semaphore_mem>> -> memref<!tpu.dma_semaphore, #tpu.memory_space<semaphore_mem>>
        %dma_wait3A_251 = arith.constant 0 : i32
        %dma_wait3A_252 = arith.constant 0 : i32
        %dma_wait3A_253 = tpu.memref_slice %arg6[%rem3A_239, %dma_wait3A_251, %dma_wait3A_252] : memref<4x2x128xi32, #tpu.memory_space<vmem>> -> memref<1x2x128xi32, #tpu.memory_space<vmem>>
        %dma_wait3A_254 = tpu.memref_squeeze %dma_wait3A_253 : memref<1x2x128xi32, #tpu.memory_space<vmem>> -> memref<2x128xi32, #tpu.memory_space<vmem>>
        %dma_wait3A_255 = arith.constant 0 : i32
        %dma_wait3A_256 = arith.constant 0 : i32
        %dma_wait3A_257 = tpu.memref_slice %arg3[%add3A_240, %dma_wait3A_255, %dma_wait3A_256] : memref<6272x2x128xi32, #tpu.memory_space<hbm>> -> memref<1x2x128xi32, #tpu.memory_space<hbm>>
        %dma_wait3A_258 = tpu.memref_squeeze %dma_wait3A_257 : memref<1x2x128xi32, #tpu.memory_space<hbm>> -> memref<2x128xi32, #tpu.memory_space<hbm>>
        tpu.wait_dma2 semaphore(%dma_wait3A_250 : memref<!tpu.dma_semaphore, #tpu.memory_space<semaphore_mem>>) src(%dma_wait3A_258 : memref<2x128xi32, #tpu.memory_space<hbm>>) dst(%dma_wait3A_254 : memref<2x128xi32, #tpu.memory_space<vmem>>)
        %dma_start3A_259 = arith.constant 0 : i32
        %dma_start3A_260 = arith.constant 0 : i32
        %dma_start3A_261 = arith.constant 0 : i32
        %dma_start3A_262 = tpu.memref_slice %arg7[%rem3A_239, %dma_start3A_260, %dma_start3A_261] : memref<4x128x16xf32, #tpu.memory_space<vmem>> -> memref<1x128x16xf32, #tpu.memory_space<vmem>>
        %dma_start3A_263 = tpu.memref_squeeze %dma_start3A_262 : memref<1x128x16xf32, #tpu.memory_space<vmem>> -> memref<128x16xf32, #tpu.memory_space<vmem>>
        %dma_start3A_264 = arith.constant 0 : i32
        %dma_start3A_265 = tpu.memref_slice %arg6[%rem3A_239, %dma_start3A_259, %dma_start3A_264] : memref<4x2x128xi32, #tpu.memory_space<vmem>> -> memref<1x1x128xi32, #tpu.memory_space<vmem>>
        %dma_start3A_266 = tpu.memref_squeeze %dma_start3A_265 : memref<1x1x128xi32, #tpu.memory_space<vmem>> -> memref<128xi32, #tpu.memory_space<vmem>>
        %dma_start3A_267 = arith.constant 0 : i32
        %dma_start3A_268 = arith.constant 0 : i32
        %dma_start3A_269 = tpu.memref_slice %arg2[%dma_start3A_267, %dma_start3A_268] : memref<50000x16xf32, #tpu.memory_space<hbm>> -> memref<50000x16xf32, #tpu.memory_space<hbm>>
        %dma_start3A_270 = tpu.memref_slice %arg12[%rem3A_239] : memref<4x!tpu.dma_semaphore, #tpu.memory_space<semaphore_mem>> -> memref<1x!tpu.dma_semaphore, #tpu.memory_space<semaphore_mem>>
        %dma_start3A_271 = tpu.memref_squeeze %dma_start3A_270 : memref<1x!tpu.dma_semaphore, #tpu.memory_space<semaphore_mem>> -> memref<!tpu.dma_semaphore, #tpu.memory_space<semaphore_mem>>
        tpu.enqueue_indirect_dma source(%dma_start3A_269 : memref<50000x16xf32, #tpu.memory_space<hbm>>) target(%dma_start3A_263 : memref<128x16xf32, #tpu.memory_space<vmem>>) offsets(%dma_start3A_266 : memref<128xi32, #tpu.memory_space<vmem>>) semaphore(%dma_start3A_271 : memref<!tpu.dma_semaphore, #tpu.memory_space<semaphore_mem>>)
      } else {
      }
      %rem3A_207 = arith.constant 4 : i32
      %rem3A_208 = arith.remsi %scan3A_188, %rem3A_207 : i32
      %dma_wait3A_209 = arith.constant 0 : i32
      %dma_wait3A_210 = arith.constant 0 : i32
      %dma_wait3A_211 = arith.constant 0 : i32
      %dma_wait3A_212 = tpu.memref_slice %arg7[%rem3A_208, %dma_wait3A_210, %dma_wait3A_211] : memref<4x128x16xf32, #tpu.memory_space<vmem>> -> memref<1x128x16xf32, #tpu.memory_space<vmem>>
      %dma_wait3A_213 = tpu.memref_squeeze %dma_wait3A_212 : memref<1x128x16xf32, #tpu.memory_space<vmem>> -> memref<128x16xf32, #tpu.memory_space<vmem>>
      %dma_wait3A_214 = arith.constant 0 : i32
      %dma_wait3A_215 = tpu.memref_slice %arg6[%rem3A_208, %dma_wait3A_209, %dma_wait3A_214] : memref<4x2x128xi32, #tpu.memory_space<vmem>> -> memref<1x1x128xi32, #tpu.memory_space<vmem>>
      %dma_wait3A_216 = tpu.memref_squeeze %dma_wait3A_215 : memref<1x1x128xi32, #tpu.memory_space<vmem>> -> memref<128xi32, #tpu.memory_space<vmem>>
      %dma_wait3A_217 = arith.constant 0 : i32
      %dma_wait3A_218 = arith.constant 0 : i32
      %dma_wait3A_219 = tpu.memref_slice %arg2[%dma_wait3A_217, %dma_wait3A_218] : memref<50000x16xf32, #tpu.memory_space<hbm>> -> memref<50000x16xf32, #tpu.memory_space<hbm>>
      %dma_wait3A_220 = tpu.memref_slice %arg12[%rem3A_208] : memref<4x!tpu.dma_semaphore, #tpu.memory_space<semaphore_mem>> -> memref<1x!tpu.dma_semaphore, #tpu.memory_space<semaphore_mem>>
      %dma_wait3A_221 = tpu.memref_squeeze %dma_wait3A_220 : memref<1x!tpu.dma_semaphore, #tpu.memory_space<semaphore_mem>> -> memref<!tpu.dma_semaphore, #tpu.memory_space<semaphore_mem>>
      tpu.wait_indirect_dma semaphore(%dma_wait3A_221 : memref<!tpu.dma_semaphore, #tpu.memory_space<semaphore_mem>>) src(%dma_wait3A_219 : memref<50000x16xf32, #tpu.memory_space<hbm>>) dst(%dma_wait3A_213 : memref<128x16xf32, #tpu.memory_space<vmem>>)
      %dma_start3A_222 = arith.constant 1 : i32
      %dma_start3A_223 = arith.constant 0 : i32
      %dma_start3A_224 = arith.constant 0 : i32
      %dma_start3A_225 = tpu.memref_slice %arg7[%rem3A_208, %dma_start3A_223, %dma_start3A_224] : memref<4x128x16xf32, #tpu.memory_space<vmem>> -> memref<1x128x16xf32, #tpu.memory_space<vmem>>
      %dma_start3A_226 = tpu.memref_squeeze %dma_start3A_225 : memref<1x128x16xf32, #tpu.memory_space<vmem>> -> memref<128x16xf32, #tpu.memory_space<vmem>>
      %dma_start3A_227 = arith.constant 0 : i32
      %dma_start3A_228 = tpu.memref_slice %arg6[%rem3A_208, %dma_start3A_222, %dma_start3A_227] : memref<4x2x128xi32, #tpu.memory_space<vmem>> -> memref<1x1x128xi32, #tpu.memory_space<vmem>>
      %dma_start3A_229 = tpu.memref_squeeze %dma_start3A_228 : memref<1x1x128xi32, #tpu.memory_space<vmem>> -> memref<128xi32, #tpu.memory_space<vmem>>
      %dma_start3A_230 = arith.constant 0 : i32
      %dma_start3A_231 = arith.constant 0 : i32
      %dma_start3A_232 = tpu.memref_slice %arg10[%dma_start3A_230, %dma_start3A_231] : memref<50008x16xf32, #tpu.memory_space<vmem_shared>> -> memref<50008x16xf32, #tpu.memory_space<vmem_shared>>
      %dma_start3A_233 = tpu.memref_slice %arg13[%rem3A_208] : memref<4x!tpu.dma_semaphore, #tpu.memory_space<semaphore_mem>> -> memref<1x!tpu.dma_semaphore, #tpu.memory_space<semaphore_mem>>
      %dma_start3A_234 = tpu.memref_squeeze %dma_start3A_233 : memref<1x!tpu.dma_semaphore, #tpu.memory_space<semaphore_mem>> -> memref<!tpu.dma_semaphore, #tpu.memory_space<semaphore_mem>>
      tpu.enqueue_indirect_dma source(%dma_start3A_226 : memref<128x16xf32, #tpu.memory_space<vmem>>) target(%dma_start3A_232 : memref<50008x16xf32, #tpu.memory_space<vmem_shared>>) offsets(%dma_start3A_229 : memref<128xi32, #tpu.memory_space<vmem>>) semaphore(%dma_start3A_234 : memref<!tpu.dma_semaphore, #tpu.memory_space<semaphore_mem>>) {add = true}
      %scan3A_235 = arith.constant 0 : i32
      scf.yield %scan3A_235 : i32
    }
    %scan3A_162 = arith.constant 196 : i32
    %rem3A_163 = arith.constant 195 : i32
    %rem3A_164 = arith.constant 4 : i32
    %rem3A_165 = arith.remsi %rem3A_163, %rem3A_164 : i32
    %dma_wait3A_166 = arith.constant 1 : i32
    %dma_wait3A_167 = arith.constant 0 : i32
    %dma_wait3A_168 = arith.constant 0 : i32
    %dma_wait3A_169 = tpu.memref_slice %arg7[%rem3A_165, %dma_wait3A_167, %dma_wait3A_168] : memref<4x128x16xf32, #tpu.memory_space<vmem>> -> memref<1x128x16xf32, #tpu.memory_space<vmem>>
    %dma_wait3A_170 = tpu.memref_squeeze %dma_wait3A_169 : memref<1x128x16xf32, #tpu.memory_space<vmem>> -> memref<128x16xf32, #tpu.memory_space<vmem>>
    %dma_wait3A_171 = arith.constant 0 : i32
    %dma_wait3A_172 = tpu.memref_slice %arg6[%rem3A_165, %dma_wait3A_166, %dma_wait3A_171] : memref<4x2x128xi32, #tpu.memory_space<vmem>> -> memref<1x1x128xi32, #tpu.memory_space<vmem>>
    %dma_wait3A_173 = tpu.memref_squeeze %dma_wait3A_172 : memref<1x1x128xi32, #tpu.memory_space<vmem>> -> memref<128xi32, #tpu.memory_space<vmem>>
    %dma_wait3A_174 = arith.constant 0 : i32
    %dma_wait3A_175 = arith.constant 0 : i32
    %dma_wait3A_176 = tpu.memref_slice %arg10[%dma_wait3A_174, %dma_wait3A_175] : memref<50008x16xf32, #tpu.memory_space<vmem_shared>> -> memref<50008x16xf32, #tpu.memory_space<vmem_shared>>
    %dma_wait3A_177 = tpu.memref_slice %arg13[%rem3A_165] : memref<4x!tpu.dma_semaphore, #tpu.memory_space<semaphore_mem>> -> memref<1x!tpu.dma_semaphore, #tpu.memory_space<semaphore_mem>>
    %dma_wait3A_178 = tpu.memref_squeeze %dma_wait3A_177 : memref<1x!tpu.dma_semaphore, #tpu.memory_space<semaphore_mem>> -> memref<!tpu.dma_semaphore, #tpu.memory_space<semaphore_mem>>
    tpu.wait_indirect_dma semaphore(%dma_wait3A_178 : memref<!tpu.dma_semaphore, #tpu.memory_space<semaphore_mem>>) src(%dma_wait3A_170 : memref<128x16xf32, #tpu.memory_space<vmem>>) dst(%dma_wait3A_176 : memref<50008x16xf32, #tpu.memory_space<vmem_shared>>)
    %barrier3A_179 = arith.constant 0 : index
    tpu.barrier barrier_id(%barrier3A_179)
    %eq3A = arith.constant 0 : i32
    %eq3A_180 = arith.cmpi eq, %arg0, %eq3A : i32
    %convert_element_type3A = arith.extui %eq3A_180 : i1 to i32
    %cond3A = arith.constant 0 : i32
    %cond3A_181 = arith.cmpi ne, %convert_element_type3A, %cond3A : i32
    scf.if %cond3A_181 {
      %scan3A_188 = arith.constant 0 : i32
      %scan3A_189 = arith.constant 0 : i32
      %scan3A_190 = arith.constant 0 : i32
      %scan3A_191 = arith.constant 25 : i32
      %scan3A_192 = arith.addi %scan3A_190, %scan3A_191 : i32
      %scan3A_193 = arith.constant 1 : i32
      %scan3A_194 = scf.for %scan3A_196 = %scan3A_190 to %scan3A_192 step %scan3A_193 iter_args(%scan3A_197 = %scan3A_189) -> (i32)  : i32 {
        %mul3A_198 = arith.constant 16 : i32
        %mul3A_199 = arith.muli %scan3A_196, %mul3A_198 : i32
        %add3A_200 = arith.addi %arg1, %mul3A_199 : i32
        %lt3A = arith.constant 390 : i32
        %lt3A_201 = arith.cmpi slt, %add3A_200, %lt3A : i32
        %convert_element_type3A_202 = arith.extui %lt3A_201 : i1 to i32
        %cond3A_203 = arith.constant 0 : i32
        %cond3A_204 = arith.cmpi ne, %convert_element_type3A_202, %cond3A_203 : i32
        scf.if %cond3A_204 {
          %mul3A_211 = arith.constant 128 : i32
          %mul3A_212 = arith.muli %add3A_200, %mul3A_211 : i32
          "tpu.region"() ({
            %run_scoped3A = tpu.sem_alloc : memref<!tpu.dma_semaphore, #tpu.memory_space<semaphore_mem>>
            %dma_start3A_213 = arith.constant 0 : i32
            %dma_start3A_214 = tpu.memref_slice %arg10[%mul3A_212, %dma_start3A_213] : memref<50008x16xf32, #tpu.memory_space<vmem_shared>> -> memref<128x16xf32, #tpu.memory_space<vmem_shared>>
            %dma_start3A_215 = arith.constant 0 : i32
            %dma_start3A_216 = tpu.memref_slice %arg10[%mul3A_212, %dma_start3A_215] : memref<50008x16xf32, #tpu.memory_space<vmem_shared>> -> memref<128x16xf32, #tpu.memory_space<vmem_shared>>
            tpu.enqueue_dma source(%dma_start3A_216 : memref<128x16xf32, #tpu.memory_space<vmem_shared>>) target(%arg8 : memref<128x16xf32, #tpu.memory_space<vmem>>) target_semaphore(%run_scoped3A : memref<!tpu.dma_semaphore, #tpu.memory_space<semaphore_mem>>)
            %dma_wait3A_217 = arith.constant 0 : i32
            %dma_wait3A_218 = tpu.memref_slice %arg10[%mul3A_212, %dma_wait3A_217] : memref<50008x16xf32, #tpu.memory_space<vmem_shared>> -> memref<128x16xf32, #tpu.memory_space<vmem_shared>>
            %dma_wait3A_219 = arith.constant 0 : i32
            %dma_wait3A_220 = tpu.memref_slice %arg10[%mul3A_212, %dma_wait3A_219] : memref<50008x16xf32, #tpu.memory_space<vmem_shared>> -> memref<128x16xf32, #tpu.memory_space<vmem_shared>>
            tpu.wait_dma2 semaphore(%run_scoped3A : memref<!tpu.dma_semaphore, #tpu.memory_space<semaphore_mem>>) src(%dma_wait3A_220 : memref<128x16xf32, #tpu.memory_space<vmem_shared>>) dst(%arg8 : memref<128x16xf32, #tpu.memory_space<vmem>>)
            tpu.yield
          }) : () -> ()
          "tpu.region"() ({
            %run_scoped3A = tpu.sem_alloc : memref<!tpu.dma_semaphore, #tpu.memory_space<semaphore_mem>>
            %dma_start3A_213 = arith.constant 0 : i32
            %dma_start3A_214 = arith.constant 0 : i32
            %dma_start3A_215 = tpu.memref_slice %arg5[%scan3A_188, %dma_start3A_213, %dma_start3A_214] : memref<2x50000x16xf32, #tpu.memory_space<hbm>> -> memref<1x50000x16xf32, #tpu.memory_space<hbm>>
            %dma_start3A_216 = tpu.memref_squeeze %dma_start3A_215 : memref<1x50000x16xf32, #tpu.memory_space<hbm>> -> memref<50000x16xf32, #tpu.memory_space<hbm>>
            %dma_start3A_217 = arith.constant 0 : i32
            %dma_start3A_218 = tpu.memref_slice %dma_start3A_216[%mul3A_212, %dma_start3A_217] : memref<50000x16xf32, #tpu.memory_space<hbm>> -> memref<128x16xf32, #tpu.memory_space<hbm>>
            %dma_start3A_219 = arith.constant 0 : i32
            %dma_start3A_220 = arith.constant 0 : i32
            %dma_start3A_221 = tpu.memref_slice %arg5[%scan3A_188, %dma_start3A_219, %dma_start3A_220] : memref<2x50000x16xf32, #tpu.memory_space<hbm>> -> memref<1x50000x16xf32, #tpu.memory_space<hbm>>
            %dma_start3A_222 = tpu.memref_squeeze %dma_start3A_221 : memref<1x50000x16xf32, #tpu.memory_space<hbm>> -> memref<50000x16xf32, #tpu.memory_space<hbm>>
            %dma_start3A_223 = arith.constant 0 : i32
            %dma_start3A_224 = tpu.memref_slice %dma_start3A_222[%mul3A_212, %dma_start3A_223] : memref<50000x16xf32, #tpu.memory_space<hbm>> -> memref<128x16xf32, #tpu.memory_space<hbm>>
            tpu.enqueue_dma source(%arg8 : memref<128x16xf32, #tpu.memory_space<vmem>>) target(%dma_start3A_224 : memref<128x16xf32, #tpu.memory_space<hbm>>) target_semaphore(%run_scoped3A : memref<!tpu.dma_semaphore, #tpu.memory_space<semaphore_mem>>)
            %dma_wait3A_225 = arith.constant 0 : i32
            %dma_wait3A_226 = arith.constant 0 : i32
            %dma_wait3A_227 = tpu.memref_slice %arg5[%scan3A_188, %dma_wait3A_225, %dma_wait3A_226] : memref<2x50000x16xf32, #tpu.memory_space<hbm>> -> memref<1x50000x16xf32, #tpu.memory_space<hbm>>
            %dma_wait3A_228 = tpu.memref_squeeze %dma_wait3A_227 : memref<1x50000x16xf32, #tpu.memory_space<hbm>> -> memref<50000x16xf32, #tpu.memory_space<hbm>>
            %dma_wait3A_229 = arith.constant 0 : i32
            %dma_wait3A_230 = tpu.memref_slice %dma_wait3A_228[%mul3A_212, %dma_wait3A_229] : memref<50000x16xf32, #tpu.memory_space<hbm>> -> memref<128x16xf32, #tpu.memory_space<hbm>>
            %dma_wait3A_231 = arith.constant 0 : i32
            %dma_wait3A_232 = arith.constant 0 : i32
            %dma_wait3A_233 = tpu.memref_slice %arg5[%scan3A_188, %dma_wait3A_231, %dma_wait3A_232] : memref<2x50000x16xf32, #tpu.memory_space<hbm>> -> memref<1x50000x16xf32, #tpu.memory_space<hbm>>
            %dma_wait3A_234 = tpu.memref_squeeze %dma_wait3A_233 : memref<1x50000x16xf32, #tpu.memory_space<hbm>> -> memref<50000x16xf32, #tpu.memory_space<hbm>>
            %dma_wait3A_235 = arith.constant 0 : i32
            %dma_wait3A_236 = tpu.memref_slice %dma_wait3A_234[%mul3A_212, %dma_wait3A_235] : memref<50000x16xf32, #tpu.memory_space<hbm>> -> memref<128x16xf32, #tpu.memory_space<hbm>>
            tpu.wait_dma2 semaphore(%run_scoped3A : memref<!tpu.dma_semaphore, #tpu.memory_space<semaphore_mem>>) src(%arg8 : memref<128x16xf32, #tpu.memory_space<vmem>>) dst(%dma_wait3A_236 : memref<128x16xf32, #tpu.memory_space<hbm>>)
            tpu.yield
          }) : () -> ()
        } else {
        }
        %eq3A_205 = arith.constant 390 : i32
        %eq3A_206 = arith.cmpi eq, %add3A_200, %eq3A_205 : i32
        %convert_element_type3A_207 = arith.extui %eq3A_206 : i1 to i32
        %cond3A_208 = arith.constant 0 : i32
        %cond3A_209 = arith.cmpi ne, %convert_element_type3A_207, %cond3A_208 : i32
        scf.if %cond3A_209 {
          "tpu.region"() ({
            %run_scoped3A = tpu.sem_alloc : memref<!tpu.dma_semaphore, #tpu.memory_space<semaphore_mem>>
            %dma_start3A_211 = arith.constant 0 : i32
            %dma_start3A_212 = arith.constant 0 : i32
            %dma_start3A_213 = tpu.memref_slice %arg8[%dma_start3A_211, %dma_start3A_212] : memref<128x16xf32, #tpu.memory_space<vmem>> -> memref<80x16xf32, #tpu.memory_space<vmem>>
            %dma_start3A_214 = arith.constant 49920 : i32
            %dma_start3A_215 = arith.constant 0 : i32
            %dma_start3A_216 = tpu.memref_slice %arg10[%dma_start3A_214, %dma_start3A_215] : memref<50008x16xf32, #tpu.memory_space<vmem_shared>> -> memref<80x16xf32, #tpu.memory_space<vmem_shared>>
            %dma_start3A_217 = arith.constant 0 : i32
            %dma_start3A_218 = arith.constant 0 : i32
            %dma_start3A_219 = tpu.memref_slice %arg8[%dma_start3A_217, %dma_start3A_218] : memref<128x16xf32, #tpu.memory_space<vmem>> -> memref<80x16xf32, #tpu.memory_space<vmem>>
            %dma_start3A_220 = arith.constant 49920 : i32
            %dma_start3A_221 = arith.constant 0 : i32
            %dma_start3A_222 = tpu.memref_slice %arg10[%dma_start3A_220, %dma_start3A_221] : memref<50008x16xf32, #tpu.memory_space<vmem_shared>> -> memref<80x16xf32, #tpu.memory_space<vmem_shared>>
            tpu.enqueue_dma source(%dma_start3A_222 : memref<80x16xf32, #tpu.memory_space<vmem_shared>>) target(%dma_start3A_219 : memref<80x16xf32, #tpu.memory_space<vmem>>) target_semaphore(%run_scoped3A : memref<!tpu.dma_semaphore, #tpu.memory_space<semaphore_mem>>)
            %dma_wait3A_223 = arith.constant 0 : i32
            %dma_wait3A_224 = arith.constant 0 : i32
            %dma_wait3A_225 = tpu.memref_slice %arg8[%dma_wait3A_223, %dma_wait3A_224] : memref<128x16xf32, #tpu.memory_space<vmem>> -> memref<80x16xf32, #tpu.memory_space<vmem>>
            %dma_wait3A_226 = arith.constant 49920 : i32
            %dma_wait3A_227 = arith.constant 0 : i32
            %dma_wait3A_228 = tpu.memref_slice %arg10[%dma_wait3A_226, %dma_wait3A_227] : memref<50008x16xf32, #tpu.memory_space<vmem_shared>> -> memref<80x16xf32, #tpu.memory_space<vmem_shared>>
            %dma_wait3A_229 = arith.constant 0 : i32
            %dma_wait3A_230 = arith.constant 0 : i32
            %dma_wait3A_231 = tpu.memref_slice %arg8[%dma_wait3A_229, %dma_wait3A_230] : memref<128x16xf32, #tpu.memory_space<vmem>> -> memref<80x16xf32, #tpu.memory_space<vmem>>
            %dma_wait3A_232 = arith.constant 49920 : i32
            %dma_wait3A_233 = arith.constant 0 : i32
            %dma_wait3A_234 = tpu.memref_slice %arg10[%dma_wait3A_232, %dma_wait3A_233] : memref<50008x16xf32, #tpu.memory_space<vmem_shared>> -> memref<80x16xf32, #tpu.memory_space<vmem_shared>>
            tpu.wait_dma2 semaphore(%run_scoped3A : memref<!tpu.dma_semaphore, #tpu.memory_space<semaphore_mem>>) src(%dma_wait3A_234 : memref<80x16xf32, #tpu.memory_space<vmem_shared>>) dst(%dma_wait3A_231 : memref<80x16xf32, #tpu.memory_space<vmem>>)
            tpu.yield
          }) : () -> ()
          "tpu.region"() ({
            %run_scoped3A = tpu.sem_alloc : memref<!tpu.dma_semaphore, #tpu.memory_space<semaphore_mem>>
            %dma_start3A_211 = arith.constant 0 : i32
            %dma_start3A_212 = arith.constant 0 : i32
            %dma_start3A_213 = tpu.memref_slice %arg8[%dma_start3A_211, %dma_start3A_212] : memref<128x16xf32, #tpu.memory_space<vmem>> -> memref<80x16xf32, #tpu.memory_space<vmem>>
            %dma_start3A_214 = arith.constant 0 : i32
            %dma_start3A_215 = arith.constant 0 : i32
            %dma_start3A_216 = tpu.memref_slice %arg5[%scan3A_188, %dma_start3A_214, %dma_start3A_215] : memref<2x50000x16xf32, #tpu.memory_space<hbm>> -> memref<1x50000x16xf32, #tpu.memory_space<hbm>>
            %dma_start3A_217 = tpu.memref_squeeze %dma_start3A_216 : memref<1x50000x16xf32, #tpu.memory_space<hbm>> -> memref<50000x16xf32, #tpu.memory_space<hbm>>
            %dma_start3A_218 = arith.constant 49920 : i32
            %dma_start3A_219 = arith.constant 0 : i32
            %dma_start3A_220 = tpu.memref_slice %dma_start3A_217[%dma_start3A_218, %dma_start3A_219] : memref<50000x16xf32, #tpu.memory_space<hbm>> -> memref<80x16xf32, #tpu.memory_space<hbm>>
            %dma_start3A_221 = arith.constant 0 : i32
            %dma_start3A_222 = arith.constant 0 : i32
            %dma_start3A_223 = tpu.memref_slice %arg5[%scan3A_188, %dma_start3A_221, %dma_start3A_222] : memref<2x50000x16xf32, #tpu.memory_space<hbm>> -> memref<1x50000x16xf32, #tpu.memory_space<hbm>>
            %dma_start3A_224 = tpu.memref_squeeze %dma_start3A_223 : memref<1x50000x16xf32, #tpu.memory_space<hbm>> -> memref<50000x16xf32, #tpu.memory_space<hbm>>
            %dma_start3A_225 = arith.constant 49920 : i32
            %dma_start3A_226 = arith.constant 0 : i32
            %dma_start3A_227 = tpu.memref_slice %dma_start3A_224[%dma_start3A_225, %dma_start3A_226] : memref<50000x16xf32, #tpu.memory_space<hbm>> -> memref<80x16xf32, #tpu.memory_space<hbm>>
            %dma_start3A_228 = arith.constant 0 : i32
            %dma_start3A_229 = arith.constant 0 : i32
            %dma_start3A_230 = tpu.memref_slice %arg8[%dma_start3A_228, %dma_start3A_229] : memref<128x16xf32, #tpu.memory_space<vmem>> -> memref<80x16xf32, #tpu.memory_space<vmem>>
            tpu.enqueue_dma source(%dma_start3A_230 : memref<80x16xf32, #tpu.memory_space<vmem>>) target(%dma_start3A_227 : memref<80x16xf32, #tpu.memory_space<hbm>>) target_semaphore(%run_scoped3A : memref<!tpu.dma_semaphore, #tpu.memory_space<semaphore_mem>>)
            %dma_wait3A_231 = arith.constant 0 : i32
            %dma_wait3A_232 = arith.constant 0 : i32
            %dma_wait3A_233 = tpu.memref_slice %arg8[%dma_wait3A_231, %dma_wait3A_232] : memref<128x16xf32, #tpu.memory_space<vmem>> -> memref<80x16xf32, #tpu.memory_space<vmem>>
            %dma_wait3A_234 = arith.constant 0 : i32
            %dma_wait3A_235 = arith.constant 0 : i32
            %dma_wait3A_236 = tpu.memref_slice %arg5[%scan3A_188, %dma_wait3A_234, %dma_wait3A_235] : memref<2x50000x16xf32, #tpu.memory_space<hbm>> -> memref<1x50000x16xf32, #tpu.memory_space<hbm>>
            %dma_wait3A_237 = tpu.memref_squeeze %dma_wait3A_236 : memref<1x50000x16xf32, #tpu.memory_space<hbm>> -> memref<50000x16xf32, #tpu.memory_space<hbm>>
            %dma_wait3A_238 = arith.constant 49920 : i32
            %dma_wait3A_239 = arith.constant 0 : i32
            %dma_wait3A_240 = tpu.memref_slice %dma_wait3A_237[%dma_wait3A_238, %dma_wait3A_239] : memref<50000x16xf32, #tpu.memory_space<hbm>> -> memref<80x16xf32, #tpu.memory_space<hbm>>
            %dma_wait3A_241 = arith.constant 0 : i32
            %dma_wait3A_242 = arith.constant 0 : i32
            %dma_wait3A_243 = tpu.memref_slice %arg5[%scan3A_188, %dma_wait3A_241, %dma_wait3A_242] : memref<2x50000x16xf32, #tpu.memory_space<hbm>> -> memref<1x50000x16xf32, #tpu.memory_space<hbm>>
            %dma_wait3A_244 = tpu.memref_squeeze %dma_wait3A_243 : memref<1x50000x16xf32, #tpu.memory_space<hbm>> -> memref<50000x16xf32, #tpu.memory_space<hbm>>
            %dma_wait3A_245 = arith.constant 49920 : i32
            %dma_wait3A_246 = arith.constant 0 : i32
            %dma_wait3A_247 = tpu.memref_slice %dma_wait3A_244[%dma_wait3A_245, %dma_wait3A_246] : memref<50000x16xf32, #tpu.memory_space<hbm>> -> memref<80x16xf32, #tpu.memory_space<hbm>>
            %dma_wait3A_248 = arith.constant 0 : i32
            %dma_wait3A_249 = arith.constant 0 : i32
            %dma_wait3A_250 = tpu.memref_slice %arg8[%dma_wait3A_248, %dma_wait3A_249] : memref<128x16xf32, #tpu.memory_space<vmem>> -> memref<80x16xf32, #tpu.memory_space<vmem>>
            tpu.wait_dma2 semaphore(%run_scoped3A : memref<!tpu.dma_semaphore, #tpu.memory_space<semaphore_mem>>) src(%dma_wait3A_250 : memref<80x16xf32, #tpu.memory_space<vmem>>) dst(%dma_wait3A_247 : memref<80x16xf32, #tpu.memory_space<hbm>>)
            tpu.yield
          }) : () -> ()
        } else {
        }
        %scan3A_210 = arith.constant 0 : i32
        scf.yield %scan3A_210 : i32
      }
      %scan3A_195 = arith.constant 25 : i32
    } else {
    }
    %eq3A_182 = arith.constant 1 : i32
    %eq3A_183 = arith.cmpi eq, %arg0, %eq3A_182 : i32
    %convert_element_type3A_184 = arith.extui %eq3A_183 : i1 to i32
    %cond3A_185 = arith.constant 0 : i32
    %cond3A_186 = arith.cmpi ne, %convert_element_type3A_184, %cond3A_185 : i32
    scf.if %cond3A_186 {
      %scan3A_188 = arith.constant 1 : i32
      %scan3A_189 = arith.constant 0 : i32
      %scan3A_190 = arith.constant 0 : i32
      %scan3A_191 = arith.constant 25 : i32
      %scan3A_192 = arith.addi %scan3A_190, %scan3A_191 : i32
      %scan3A_193 = arith.constant 1 : i32
      %scan3A_194 = scf.for %scan3A_196 = %scan3A_190 to %scan3A_192 step %scan3A_193 iter_args(%scan3A_197 = %scan3A_189) -> (i32)  : i32 {
        %mul3A_198 = arith.constant 16 : i32
        %mul3A_199 = arith.muli %scan3A_196, %mul3A_198 : i32
        %add3A_200 = arith.addi %arg1, %mul3A_199 : i32
        %lt3A = arith.constant 390 : i32
        %lt3A_201 = arith.cmpi slt, %add3A_200, %lt3A : i32
        %convert_element_type3A_202 = arith.extui %lt3A_201 : i1 to i32
        %cond3A_203 = arith.constant 0 : i32
        %cond3A_204 = arith.cmpi ne, %convert_element_type3A_202, %cond3A_203 : i32
        scf.if %cond3A_204 {
          %mul3A_211 = arith.constant 128 : i32
          %mul3A_212 = arith.muli %add3A_200, %mul3A_211 : i32
          "tpu.region"() ({
            %run_scoped3A = tpu.sem_alloc : memref<!tpu.dma_semaphore, #tpu.memory_space<semaphore_mem>>
            %dma_start3A_213 = arith.constant 0 : i32
            %dma_start3A_214 = tpu.memref_slice %arg10[%mul3A_212, %dma_start3A_213] : memref<50008x16xf32, #tpu.memory_space<vmem_shared>> -> memref<128x16xf32, #tpu.memory_space<vmem_shared>>
            %dma_start3A_215 = arith.constant 0 : i32
            %dma_start3A_216 = tpu.memref_slice %arg10[%mul3A_212, %dma_start3A_215] : memref<50008x16xf32, #tpu.memory_space<vmem_shared>> -> memref<128x16xf32, #tpu.memory_space<vmem_shared>>
            tpu.enqueue_dma source(%dma_start3A_216 : memref<128x16xf32, #tpu.memory_space<vmem_shared>>) target(%arg8 : memref<128x16xf32, #tpu.memory_space<vmem>>) target_semaphore(%run_scoped3A : memref<!tpu.dma_semaphore, #tpu.memory_space<semaphore_mem>>)
            %dma_wait3A_217 = arith.constant 0 : i32
            %dma_wait3A_218 = tpu.memref_slice %arg10[%mul3A_212, %dma_wait3A_217] : memref<50008x16xf32, #tpu.memory_space<vmem_shared>> -> memref<128x16xf32, #tpu.memory_space<vmem_shared>>
            %dma_wait3A_219 = arith.constant 0 : i32
            %dma_wait3A_220 = tpu.memref_slice %arg10[%mul3A_212, %dma_wait3A_219] : memref<50008x16xf32, #tpu.memory_space<vmem_shared>> -> memref<128x16xf32, #tpu.memory_space<vmem_shared>>
            tpu.wait_dma2 semaphore(%run_scoped3A : memref<!tpu.dma_semaphore, #tpu.memory_space<semaphore_mem>>) src(%dma_wait3A_220 : memref<128x16xf32, #tpu.memory_space<vmem_shared>>) dst(%arg8 : memref<128x16xf32, #tpu.memory_space<vmem>>)
            tpu.yield
          }) : () -> ()
          "tpu.region"() ({
            %run_scoped3A = tpu.sem_alloc : memref<!tpu.dma_semaphore, #tpu.memory_space<semaphore_mem>>
            %dma_start3A_213 = arith.constant 0 : i32
            %dma_start3A_214 = arith.constant 0 : i32
            %dma_start3A_215 = tpu.memref_slice %arg5[%scan3A_188, %dma_start3A_213, %dma_start3A_214] : memref<2x50000x16xf32, #tpu.memory_space<hbm>> -> memref<1x50000x16xf32, #tpu.memory_space<hbm>>
            %dma_start3A_216 = tpu.memref_squeeze %dma_start3A_215 : memref<1x50000x16xf32, #tpu.memory_space<hbm>> -> memref<50000x16xf32, #tpu.memory_space<hbm>>
            %dma_start3A_217 = arith.constant 0 : i32
            %dma_start3A_218 = tpu.memref_slice %dma_start3A_216[%mul3A_212, %dma_start3A_217] : memref<50000x16xf32, #tpu.memory_space<hbm>> -> memref<128x16xf32, #tpu.memory_space<hbm>>
            %dma_start3A_219 = arith.constant 0 : i32
            %dma_start3A_220 = arith.constant 0 : i32
            %dma_start3A_221 = tpu.memref_slice %arg5[%scan3A_188, %dma_start3A_219, %dma_start3A_220] : memref<2x50000x16xf32, #tpu.memory_space<hbm>> -> memref<1x50000x16xf32, #tpu.memory_space<hbm>>
            %dma_start3A_222 = tpu.memref_squeeze %dma_start3A_221 : memref<1x50000x16xf32, #tpu.memory_space<hbm>> -> memref<50000x16xf32, #tpu.memory_space<hbm>>
            %dma_start3A_223 = arith.constant 0 : i32
            %dma_start3A_224 = tpu.memref_slice %dma_start3A_222[%mul3A_212, %dma_start3A_223] : memref<50000x16xf32, #tpu.memory_space<hbm>> -> memref<128x16xf32, #tpu.memory_space<hbm>>
            tpu.enqueue_dma source(%arg8 : memref<128x16xf32, #tpu.memory_space<vmem>>) target(%dma_start3A_224 : memref<128x16xf32, #tpu.memory_space<hbm>>) target_semaphore(%run_scoped3A : memref<!tpu.dma_semaphore, #tpu.memory_space<semaphore_mem>>)
            %dma_wait3A_225 = arith.constant 0 : i32
            %dma_wait3A_226 = arith.constant 0 : i32
            %dma_wait3A_227 = tpu.memref_slice %arg5[%scan3A_188, %dma_wait3A_225, %dma_wait3A_226] : memref<2x50000x16xf32, #tpu.memory_space<hbm>> -> memref<1x50000x16xf32, #tpu.memory_space<hbm>>
            %dma_wait3A_228 = tpu.memref_squeeze %dma_wait3A_227 : memref<1x50000x16xf32, #tpu.memory_space<hbm>> -> memref<50000x16xf32, #tpu.memory_space<hbm>>
            %dma_wait3A_229 = arith.constant 0 : i32
            %dma_wait3A_230 = tpu.memref_slice %dma_wait3A_228[%mul3A_212, %dma_wait3A_229] : memref<50000x16xf32, #tpu.memory_space<hbm>> -> memref<128x16xf32, #tpu.memory_space<hbm>>
            %dma_wait3A_231 = arith.constant 0 : i32
            %dma_wait3A_232 = arith.constant 0 : i32
            %dma_wait3A_233 = tpu.memref_slice %arg5[%scan3A_188, %dma_wait3A_231, %dma_wait3A_232] : memref<2x50000x16xf32, #tpu.memory_space<hbm>> -> memref<1x50000x16xf32, #tpu.memory_space<hbm>>
            %dma_wait3A_234 = tpu.memref_squeeze %dma_wait3A_233 : memref<1x50000x16xf32, #tpu.memory_space<hbm>> -> memref<50000x16xf32, #tpu.memory_space<hbm>>
            %dma_wait3A_235 = arith.constant 0 : i32
            %dma_wait3A_236 = tpu.memref_slice %dma_wait3A_234[%mul3A_212, %dma_wait3A_235] : memref<50000x16xf32, #tpu.memory_space<hbm>> -> memref<128x16xf32, #tpu.memory_space<hbm>>
            tpu.wait_dma2 semaphore(%run_scoped3A : memref<!tpu.dma_semaphore, #tpu.memory_space<semaphore_mem>>) src(%arg8 : memref<128x16xf32, #tpu.memory_space<vmem>>) dst(%dma_wait3A_236 : memref<128x16xf32, #tpu.memory_space<hbm>>)
            tpu.yield
          }) : () -> ()
        } else {
        }
        %eq3A_205 = arith.constant 390 : i32
        %eq3A_206 = arith.cmpi eq, %add3A_200, %eq3A_205 : i32
        %convert_element_type3A_207 = arith.extui %eq3A_206 : i1 to i32
        %cond3A_208 = arith.constant 0 : i32
        %cond3A_209 = arith.cmpi ne, %convert_element_type3A_207, %cond3A_208 : i32
        scf.if %cond3A_209 {
          "tpu.region"() ({
            %run_scoped3A = tpu.sem_alloc : memref<!tpu.dma_semaphore, #tpu.memory_space<semaphore_mem>>
            %dma_start3A_211 = arith.constant 0 : i32
            %dma_start3A_212 = arith.constant 0 : i32
            %dma_start3A_213 = tpu.memref_slice %arg8[%dma_start3A_211, %dma_start3A_212] : memref<128x16xf32, #tpu.memory_space<vmem>> -> memref<80x16xf32, #tpu.memory_space<vmem>>
            %dma_start3A_214 = arith.constant 49920 : i32
            %dma_start3A_215 = arith.constant 0 : i32
            %dma_start3A_216 = tpu.memref_slice %arg10[%dma_start3A_214, %dma_start3A_215] : memref<50008x16xf32, #tpu.memory_space<vmem_shared>> -> memref<80x16xf32, #tpu.memory_space<vmem_shared>>
            %dma_start3A_217 = arith.constant 0 : i32
            %dma_start3A_218 = arith.constant 0 : i32
            %dma_start3A_219 = tpu.memref_slice %arg8[%dma_start3A_217, %dma_start3A_218] : memref<128x16xf32, #tpu.memory_space<vmem>> -> memref<80x16xf32, #tpu.memory_space<vmem>>
            %dma_start3A_220 = arith.constant 49920 : i32
            %dma_start3A_221 = arith.constant 0 : i32
            %dma_start3A_222 = tpu.memref_slice %arg10[%dma_start3A_220, %dma_start3A_221] : memref<50008x16xf32, #tpu.memory_space<vmem_shared>> -> memref<80x16xf32, #tpu.memory_space<vmem_shared>>
            tpu.enqueue_dma source(%dma_start3A_222 : memref<80x16xf32, #tpu.memory_space<vmem_shared>>) target(%dma_start3A_219 : memref<80x16xf32, #tpu.memory_space<vmem>>) target_semaphore(%run_scoped3A : memref<!tpu.dma_semaphore, #tpu.memory_space<semaphore_mem>>)
            %dma_wait3A_223 = arith.constant 0 : i32
            %dma_wait3A_224 = arith.constant 0 : i32
            %dma_wait3A_225 = tpu.memref_slice %arg8[%dma_wait3A_223, %dma_wait3A_224] : memref<128x16xf32, #tpu.memory_space<vmem>> -> memref<80x16xf32, #tpu.memory_space<vmem>>
            %dma_wait3A_226 = arith.constant 49920 : i32
            %dma_wait3A_227 = arith.constant 0 : i32
            %dma_wait3A_228 = tpu.memref_slice %arg10[%dma_wait3A_226, %dma_wait3A_227] : memref<50008x16xf32, #tpu.memory_space<vmem_shared>> -> memref<80x16xf32, #tpu.memory_space<vmem_shared>>
            %dma_wait3A_229 = arith.constant 0 : i32
            %dma_wait3A_230 = arith.constant 0 : i32
            %dma_wait3A_231 = tpu.memref_slice %arg8[%dma_wait3A_229, %dma_wait3A_230] : memref<128x16xf32, #tpu.memory_space<vmem>> -> memref<80x16xf32, #tpu.memory_space<vmem>>
            %dma_wait3A_232 = arith.constant 49920 : i32
            %dma_wait3A_233 = arith.constant 0 : i32
            %dma_wait3A_234 = tpu.memref_slice %arg10[%dma_wait3A_232, %dma_wait3A_233] : memref<50008x16xf32, #tpu.memory_space<vmem_shared>> -> memref<80x16xf32, #tpu.memory_space<vmem_shared>>
            tpu.wait_dma2 semaphore(%run_scoped3A : memref<!tpu.dma_semaphore, #tpu.memory_space<semaphore_mem>>) src(%dma_wait3A_234 : memref<80x16xf32, #tpu.memory_space<vmem_shared>>) dst(%dma_wait3A_231 : memref<80x16xf32, #tpu.memory_space<vmem>>)
            tpu.yield
          }) : () -> ()
          "tpu.region"() ({
            %run_scoped3A = tpu.sem_alloc : memref<!tpu.dma_semaphore, #tpu.memory_space<semaphore_mem>>
            %dma_start3A_211 = arith.constant 0 : i32
            %dma_start3A_212 = arith.constant 0 : i32
            %dma_start3A_213 = tpu.memref_slice %arg8[%dma_start3A_211, %dma_start3A_212] : memref<128x16xf32, #tpu.memory_space<vmem>> -> memref<80x16xf32, #tpu.memory_space<vmem>>
            %dma_start3A_214 = arith.constant 0 : i32
            %dma_start3A_215 = arith.constant 0 : i32
            %dma_start3A_216 = tpu.memref_slice %arg5[%scan3A_188, %dma_start3A_214, %dma_start3A_215] : memref<2x50000x16xf32, #tpu.memory_space<hbm>> -> memref<1x50000x16xf32, #tpu.memory_space<hbm>>
            %dma_start3A_217 = tpu.memref_squeeze %dma_start3A_216 : memref<1x50000x16xf32, #tpu.memory_space<hbm>> -> memref<50000x16xf32, #tpu.memory_space<hbm>>
            %dma_start3A_218 = arith.constant 49920 : i32
            %dma_start3A_219 = arith.constant 0 : i32
            %dma_start3A_220 = tpu.memref_slice %dma_start3A_217[%dma_start3A_218, %dma_start3A_219] : memref<50000x16xf32, #tpu.memory_space<hbm>> -> memref<80x16xf32, #tpu.memory_space<hbm>>
            %dma_start3A_221 = arith.constant 0 : i32
            %dma_start3A_222 = arith.constant 0 : i32
            %dma_start3A_223 = tpu.memref_slice %arg5[%scan3A_188, %dma_start3A_221, %dma_start3A_222] : memref<2x50000x16xf32, #tpu.memory_space<hbm>> -> memref<1x50000x16xf32, #tpu.memory_space<hbm>>
            %dma_start3A_224 = tpu.memref_squeeze %dma_start3A_223 : memref<1x50000x16xf32, #tpu.memory_space<hbm>> -> memref<50000x16xf32, #tpu.memory_space<hbm>>
            %dma_start3A_225 = arith.constant 49920 : i32
            %dma_start3A_226 = arith.constant 0 : i32
            %dma_start3A_227 = tpu.memref_slice %dma_start3A_224[%dma_start3A_225, %dma_start3A_226] : memref<50000x16xf32, #tpu.memory_space<hbm>> -> memref<80x16xf32, #tpu.memory_space<hbm>>
            %dma_start3A_228 = arith.constant 0 : i32
            %dma_start3A_229 = arith.constant 0 : i32
            %dma_start3A_230 = tpu.memref_slice %arg8[%dma_start3A_228, %dma_start3A_229] : memref<128x16xf32, #tpu.memory_space<vmem>> -> memref<80x16xf32, #tpu.memory_space<vmem>>
            tpu.enqueue_dma source(%dma_start3A_230 : memref<80x16xf32, #tpu.memory_space<vmem>>) target(%dma_start3A_227 : memref<80x16xf32, #tpu.memory_space<hbm>>) target_semaphore(%run_scoped3A : memref<!tpu.dma_semaphore, #tpu.memory_space<semaphore_mem>>)
            %dma_wait3A_231 = arith.constant 0 : i32
            %dma_wait3A_232 = arith.constant 0 : i32
            %dma_wait3A_233 = tpu.memref_slice %arg8[%dma_wait3A_231, %dma_wait3A_232] : memref<128x16xf32, #tpu.memory_space<vmem>> -> memref<80x16xf32, #tpu.memory_space<vmem>>
            %dma_wait3A_234 = arith.constant 0 : i32
            %dma_wait3A_235 = arith.constant 0 : i32
            %dma_wait3A_236 = tpu.memref_slice %arg5[%scan3A_188, %dma_wait3A_234, %dma_wait3A_235] : memref<2x50000x16xf32, #tpu.memory_space<hbm>> -> memref<1x50000x16xf32, #tpu.memory_space<hbm>>
            %dma_wait3A_237 = tpu.memref_squeeze %dma_wait3A_236 : memref<1x50000x16xf32, #tpu.memory_space<hbm>> -> memref<50000x16xf32, #tpu.memory_space<hbm>>
            %dma_wait3A_238 = arith.constant 49920 : i32
            %dma_wait3A_239 = arith.constant 0 : i32
            %dma_wait3A_240 = tpu.memref_slice %dma_wait3A_237[%dma_wait3A_238, %dma_wait3A_239] : memref<50000x16xf32, #tpu.memory_space<hbm>> -> memref<80x16xf32, #tpu.memory_space<hbm>>
            %dma_wait3A_241 = arith.constant 0 : i32
            %dma_wait3A_242 = arith.constant 0 : i32
            %dma_wait3A_243 = tpu.memref_slice %arg5[%scan3A_188, %dma_wait3A_241, %dma_wait3A_242] : memref<2x50000x16xf32, #tpu.memory_space<hbm>> -> memref<1x50000x16xf32, #tpu.memory_space<hbm>>
            %dma_wait3A_244 = tpu.memref_squeeze %dma_wait3A_243 : memref<1x50000x16xf32, #tpu.memory_space<hbm>> -> memref<50000x16xf32, #tpu.memory_space<hbm>>
            %dma_wait3A_245 = arith.constant 49920 : i32
            %dma_wait3A_246 = arith.constant 0 : i32
            %dma_wait3A_247 = tpu.memref_slice %dma_wait3A_244[%dma_wait3A_245, %dma_wait3A_246] : memref<50000x16xf32, #tpu.memory_space<hbm>> -> memref<80x16xf32, #tpu.memory_space<hbm>>
            %dma_wait3A_248 = arith.constant 0 : i32
            %dma_wait3A_249 = arith.constant 0 : i32
            %dma_wait3A_250 = tpu.memref_slice %arg8[%dma_wait3A_248, %dma_wait3A_249] : memref<128x16xf32, #tpu.memory_space<vmem>> -> memref<80x16xf32, #tpu.memory_space<vmem>>
            tpu.wait_dma2 semaphore(%run_scoped3A : memref<!tpu.dma_semaphore, #tpu.memory_space<semaphore_mem>>) src(%dma_wait3A_250 : memref<80x16xf32, #tpu.memory_space<vmem>>) dst(%dma_wait3A_247 : memref<80x16xf32, #tpu.memory_space<hbm>>)
            tpu.yield
          }) : () -> ()
        } else {
        }
        %scan3A_210 = arith.constant 0 : i32
        scf.yield %scan3A_210 : i32
      }
      %scan3A_195 = arith.constant 25 : i32
    } else {
    }
    %barrier3A_187 = arith.constant 0 : index
    tpu.barrier barrier_id(%barrier3A_187)
    return
  }
}

#map = affine_map<(d0, d1) -> (0, 0)>
#map1 = affine_map<(d0, d1) -> (0, 0, 0)>
module attributes {stable_mosaic.version = 14 : i64} {
  func.func @pool2(%arg0: i32, %arg1: i32, %arg2: memref<50048x32xf32, #tpu.memory_space<hbm>>, %arg3: memref<50048x32xf32, #tpu.memory_space<hbm>>, %arg4: memref<50048x32xf32, #tpu.memory_space<hbm>>, %arg5: memref<50048x32xf32, #tpu.memory_space<hbm>>, %arg6: memref<50048x32xf32, #tpu.memory_space<hbm>>, %arg7: memref<50048x32xf32, #tpu.memory_space<hbm>>, %arg8: memref<6272x2x128xi32, #tpu.memory_space<hbm>>, %arg9: memref<128x32xf32, #tpu.memory_space<hbm>>, %arg10: memref<50048x32xf32, #tpu.memory_space<hbm>>, %arg11: memref<50048x32xf32, #tpu.memory_space<hbm>>, %arg12: memref<50048x32xf32, #tpu.memory_space<hbm>>, %arg13: memref<50048x32xf32, #tpu.memory_space<hbm>>, %arg14: memref<50048x32xf32, #tpu.memory_space<hbm>>, %arg15: memref<50048x32xf32, #tpu.memory_space<hbm>>, %arg16: memref<4x2x128xi32, #tpu.memory_space<vmem>>, %arg17: memref<4x128x32xf32, #tpu.memory_space<vmem>>, %arg18: memref<128x32xf32, #tpu.memory_space<vmem>>, %arg19: memref<128x32xf32, #tpu.memory_space<vmem>>, %arg20: memref<50048x32xf32, #tpu.memory_space<vmem_shared>>, %arg21: memref<4x!tpu.dma_semaphore, #tpu.memory_space<semaphore_mem>>, %arg22: memref<4x!tpu.dma_semaphore, #tpu.memory_space<semaphore_mem>>, %arg23: memref<4x!tpu.dma_semaphore, #tpu.memory_space<semaphore_mem>>) attributes {dimension_semantics = [#tpu.dimension_semantics<core_parallel>, #tpu.dimension_semantics<subcore_parallel>], iteration_bounds = array<i64: 2, 16>, scalar_prefetch = 0 : i64, scratch_operands = 8 : i64, tpu.core_type = #tpu.core_type<sc_vector_subcore>, window_params = [{transform_indices = #map}, {transform_indices = #map}, {transform_indices = #map}, {transform_indices = #map}, {transform_indices = #map}, {transform_indices = #map}, {transform_indices = #map1}, {transform_indices = #map}, {transform_indices = #map}, {transform_indices = #map}, {transform_indices = #map}, {transform_indices = #map}, {transform_indices = #map}, {transform_indices = #map}]} {
    "tpu.region"() ({
      %run_scoped3A = tpu.sem_alloc : memref<!tpu.dma_semaphore, #tpu.memory_space<semaphore_mem>>
      tpu.enqueue_dma source(%arg9 : memref<128x32xf32, #tpu.memory_space<hbm>>) target(%arg19 : memref<128x32xf32, #tpu.memory_space<vmem>>) target_semaphore(%run_scoped3A : memref<!tpu.dma_semaphore, #tpu.memory_space<semaphore_mem>>)
      tpu.wait_dma2 semaphore(%run_scoped3A : memref<!tpu.dma_semaphore, #tpu.memory_space<semaphore_mem>>) src(%arg9 : memref<128x32xf32, #tpu.memory_space<hbm>>) dst(%arg19 : memref<128x32xf32, #tpu.memory_space<vmem>>)
      tpu.yield
    }) : () -> ()
    %eq3A = arith.constant 0 : i32
    %eq3A_0 = arith.cmpi eq, %arg0, %eq3A : i32
    %convert_element_type3A = arith.extui %eq3A_0 : i1 to i32
    %cond3A = arith.constant 0 : i32
    %cond3A_1 = arith.cmpi ne, %convert_element_type3A, %cond3A : i32
    scf.if %cond3A_1 {
      %scan3A = arith.constant 0 : i32
      %scan3A_7 = arith.constant 0 : i32
      %scan3A_8 = arith.constant 25 : i32
      %scan3A_9 = arith.addi %scan3A_7, %scan3A_8 : i32
      %scan3A_10 = arith.constant 1 : i32
      %scan3A_11 = scf.for %scan3A_576 = %scan3A_7 to %scan3A_9 step %scan3A_10 iter_args(%scan3A_577 = %scan3A) -> (i32)  : i32 {
        %mul3A_578 = arith.constant 16 : i32
        %mul3A_579 = arith.muli %scan3A_576, %mul3A_578 : i32
        %add3A_580 = arith.addi %arg1, %mul3A_579 : i32
        %lt3A = arith.constant 391 : i32
        %lt3A_581 = arith.cmpi slt, %add3A_580, %lt3A : i32
        %convert_element_type3A_582 = arith.extui %lt3A_581 : i1 to i32
        %cond3A_583 = arith.constant 0 : i32
        %cond3A_584 = arith.cmpi ne, %convert_element_type3A_582, %cond3A_583 : i32
        scf.if %cond3A_584 {
          %mul3A_586 = arith.constant 128 : i32
          %mul3A_587 = arith.muli %add3A_580, %mul3A_586 : i32
          "tpu.region"() ({
            %run_scoped3A = tpu.sem_alloc : memref<!tpu.dma_semaphore, #tpu.memory_space<semaphore_mem>>
            %dma_start3A_588 = arith.constant 0 : i32
            %dma_start3A_589 = tpu.memref_slice %arg20[%mul3A_587, %dma_start3A_588] : memref<50048x32xf32, #tpu.memory_space<vmem_shared>> -> memref<128x32xf32, #tpu.memory_space<vmem_shared>>
            %dma_start3A_590 = arith.constant 0 : i32
            %dma_start3A_591 = tpu.memref_slice %arg20[%mul3A_587, %dma_start3A_590] : memref<50048x32xf32, #tpu.memory_space<vmem_shared>> -> memref<128x32xf32, #tpu.memory_space<vmem_shared>>
            tpu.enqueue_dma source(%arg19 : memref<128x32xf32, #tpu.memory_space<vmem>>) target(%dma_start3A_591 : memref<128x32xf32, #tpu.memory_space<vmem_shared>>) target_semaphore(%run_scoped3A : memref<!tpu.dma_semaphore, #tpu.memory_space<semaphore_mem>>)
            %dma_wait3A_592 = arith.constant 0 : i32
            %dma_wait3A_593 = tpu.memref_slice %arg20[%mul3A_587, %dma_wait3A_592] : memref<50048x32xf32, #tpu.memory_space<vmem_shared>> -> memref<128x32xf32, #tpu.memory_space<vmem_shared>>
            %dma_wait3A_594 = arith.constant 0 : i32
            %dma_wait3A_595 = tpu.memref_slice %arg20[%mul3A_587, %dma_wait3A_594] : memref<50048x32xf32, #tpu.memory_space<vmem_shared>> -> memref<128x32xf32, #tpu.memory_space<vmem_shared>>
            tpu.wait_dma2 semaphore(%run_scoped3A : memref<!tpu.dma_semaphore, #tpu.memory_space<semaphore_mem>>) src(%arg19 : memref<128x32xf32, #tpu.memory_space<vmem>>) dst(%dma_wait3A_595 : memref<128x32xf32, #tpu.memory_space<vmem_shared>>)
            tpu.yield
          }) : () -> ()
        } else {
        }
        %scan3A_585 = arith.constant 0 : i32
        scf.yield %scan3A_585 : i32
      }
      %scan3A_12 = arith.constant 25 : i32
      %barrier3A = arith.constant 0 : index
      tpu.barrier barrier_id(%barrier3A)
      %mul3A = arith.constant 391 : i32
      %mul3A_13 = arith.muli %arg1, %mul3A : i32
      %add3A = arith.constant 0 : i32
      %add3A_14 = arith.addi %mul3A_13, %add3A : i32
      %rem3A = arith.constant 0 : i32
      %rem3A_15 = arith.constant 4 : i32
      %rem3A_16 = arith.remsi %rem3A, %rem3A_15 : i32
      %rem3A_17 = arith.constant 0 : i32
      %rem3A_18 = arith.constant 4 : i32
      %rem3A_19 = arith.remsi %rem3A_17, %rem3A_18 : i32
      %dma_start3A = arith.constant 0 : i32
      %dma_start3A_20 = arith.constant 0 : i32
      %dma_start3A_21 = tpu.memref_slice %arg16[%rem3A_16, %dma_start3A, %dma_start3A_20] : memref<4x2x128xi32, #tpu.memory_space<vmem>> -> memref<1x2x128xi32, #tpu.memory_space<vmem>>
      %dma_start3A_22 = tpu.memref_squeeze %dma_start3A_21 : memref<1x2x128xi32, #tpu.memory_space<vmem>> -> memref<2x128xi32, #tpu.memory_space<vmem>>
      %dma_start3A_23 = arith.constant 0 : i32
      %dma_start3A_24 = arith.constant 0 : i32
      %dma_start3A_25 = tpu.memref_slice %arg8[%add3A_14, %dma_start3A_23, %dma_start3A_24] : memref<6272x2x128xi32, #tpu.memory_space<hbm>> -> memref<1x2x128xi32, #tpu.memory_space<hbm>>
      %dma_start3A_26 = tpu.memref_squeeze %dma_start3A_25 : memref<1x2x128xi32, #tpu.memory_space<hbm>> -> memref<2x128xi32, #tpu.memory_space<hbm>>
      %dma_start3A_27 = tpu.memref_slice %arg21[%rem3A_19] : memref<4x!tpu.dma_semaphore, #tpu.memory_space<semaphore_mem>> -> memref<1x!tpu.dma_semaphore, #tpu.memory_space<semaphore_mem>>
      %dma_start3A_28 = tpu.memref_squeeze %dma_start3A_27 : memref<1x!tpu.dma_semaphore, #tpu.memory_space<semaphore_mem>> -> memref<!tpu.dma_semaphore, #tpu.memory_space<semaphore_mem>>
      %dma_start3A_29 = arith.constant 0 : i32
      %dma_start3A_30 = arith.constant 0 : i32
      %dma_start3A_31 = tpu.memref_slice %arg16[%rem3A_16, %dma_start3A_29, %dma_start3A_30] : memref<4x2x128xi32, #tpu.memory_space<vmem>> -> memref<1x2x128xi32, #tpu.memory_space<vmem>>
      %dma_start3A_32 = tpu.memref_squeeze %dma_start3A_31 : memref<1x2x128xi32, #tpu.memory_space<vmem>> -> memref<2x128xi32, #tpu.memory_space<vmem>>
      %dma_start3A_33 = arith.constant 0 : i32
      %dma_start3A_34 = arith.constant 0 : i32
      %dma_start3A_35 = tpu.memref_slice %arg8[%add3A_14, %dma_start3A_33, %dma_start3A_34] : memref<6272x2x128xi32, #tpu.memory_space<hbm>> -> memref<1x2x128xi32, #tpu.memory_space<hbm>>
      %dma_start3A_36 = tpu.memref_squeeze %dma_start3A_35 : memref<1x2x128xi32, #tpu.memory_space<hbm>> -> memref<2x128xi32, #tpu.memory_space<hbm>>
      tpu.enqueue_dma source(%dma_start3A_36 : memref<2x128xi32, #tpu.memory_space<hbm>>) target(%dma_start3A_32 : memref<2x128xi32, #tpu.memory_space<vmem>>) target_semaphore(%dma_start3A_28 : memref<!tpu.dma_semaphore, #tpu.memory_space<semaphore_mem>>)
      %add3A_37 = arith.constant 1 : i32
      %add3A_38 = arith.addi %mul3A_13, %add3A_37 : i32
      %rem3A_39 = arith.constant 1 : i32
      %rem3A_40 = arith.constant 4 : i32
      %rem3A_41 = arith.remsi %rem3A_39, %rem3A_40 : i32
      %rem3A_42 = arith.constant 1 : i32
      %rem3A_43 = arith.constant 4 : i32
      %rem3A_44 = arith.remsi %rem3A_42, %rem3A_43 : i32
      %dma_start3A_45 = arith.constant 0 : i32
      %dma_start3A_46 = arith.constant 0 : i32
      %dma_start3A_47 = tpu.memref_slice %arg16[%rem3A_41, %dma_start3A_45, %dma_start3A_46] : memref<4x2x128xi32, #tpu.memory_space<vmem>> -> memref<1x2x128xi32, #tpu.memory_space<vmem>>
      %dma_start3A_48 = tpu.memref_squeeze %dma_start3A_47 : memref<1x2x128xi32, #tpu.memory_space<vmem>> -> memref<2x128xi32, #tpu.memory_space<vmem>>
      %dma_start3A_49 = arith.constant 0 : i32
      %dma_start3A_50 = arith.constant 0 : i32
      %dma_start3A_51 = tpu.memref_slice %arg8[%add3A_38, %dma_start3A_49, %dma_start3A_50] : memref<6272x2x128xi32, #tpu.memory_space<hbm>> -> memref<1x2x128xi32, #tpu.memory_space<hbm>>
      %dma_start3A_52 = tpu.memref_squeeze %dma_start3A_51 : memref<1x2x128xi32, #tpu.memory_space<hbm>> -> memref<2x128xi32, #tpu.memory_space<hbm>>
      %dma_start3A_53 = tpu.memref_slice %arg21[%rem3A_44] : memref<4x!tpu.dma_semaphore, #tpu.memory_space<semaphore_mem>> -> memref<1x!tpu.dma_semaphore, #tpu.memory_space<semaphore_mem>>
      %dma_start3A_54 = tpu.memref_squeeze %dma_start3A_53 : memref<1x!tpu.dma_semaphore, #tpu.memory_space<semaphore_mem>> -> memref<!tpu.dma_semaphore, #tpu.memory_space<semaphore_mem>>
      %dma_start3A_55 = arith.constant 0 : i32
      %dma_start3A_56 = arith.constant 0 : i32
      %dma_start3A_57 = tpu.memref_slice %arg16[%rem3A_41, %dma_start3A_55, %dma_start3A_56] : memref<4x2x128xi32, #tpu.memory_space<vmem>> -> memref<1x2x128xi32, #tpu.memory_space<vmem>>
      %dma_start3A_58 = tpu.memref_squeeze %dma_start3A_57 : memref<1x2x128xi32, #tpu.memory_space<vmem>> -> memref<2x128xi32, #tpu.memory_space<vmem>>
      %dma_start3A_59 = arith.constant 0 : i32
      %dma_start3A_60 = arith.constant 0 : i32
      %dma_start3A_61 = tpu.memref_slice %arg8[%add3A_38, %dma_start3A_59, %dma_start3A_60] : memref<6272x2x128xi32, #tpu.memory_space<hbm>> -> memref<1x2x128xi32, #tpu.memory_space<hbm>>
      %dma_start3A_62 = tpu.memref_squeeze %dma_start3A_61 : memref<1x2x128xi32, #tpu.memory_space<hbm>> -> memref<2x128xi32, #tpu.memory_space<hbm>>
      tpu.enqueue_dma source(%dma_start3A_62 : memref<2x128xi32, #tpu.memory_space<hbm>>) target(%dma_start3A_58 : memref<2x128xi32, #tpu.memory_space<vmem>>) target_semaphore(%dma_start3A_54 : memref<!tpu.dma_semaphore, #tpu.memory_space<semaphore_mem>>)
      %add3A_63 = arith.constant 2 : i32
      %add3A_64 = arith.addi %mul3A_13, %add3A_63 : i32
      %rem3A_65 = arith.constant 2 : i32
      %rem3A_66 = arith.constant 4 : i32
      %rem3A_67 = arith.remsi %rem3A_65, %rem3A_66 : i32
      %rem3A_68 = arith.constant 2 : i32
      %rem3A_69 = arith.constant 4 : i32
      %rem3A_70 = arith.remsi %rem3A_68, %rem3A_69 : i32
      %dma_start3A_71 = arith.constant 0 : i32
      %dma_start3A_72 = arith.constant 0 : i32
      %dma_start3A_73 = tpu.memref_slice %arg16[%rem3A_67, %dma_start3A_71, %dma_start3A_72] : memref<4x2x128xi32, #tpu.memory_space<vmem>> -> memref<1x2x128xi32, #tpu.memory_space<vmem>>
      %dma_start3A_74 = tpu.memref_squeeze %dma_start3A_73 : memref<1x2x128xi32, #tpu.memory_space<vmem>> -> memref<2x128xi32, #tpu.memory_space<vmem>>
      %dma_start3A_75 = arith.constant 0 : i32
      %dma_start3A_76 = arith.constant 0 : i32
      %dma_start3A_77 = tpu.memref_slice %arg8[%add3A_64, %dma_start3A_75, %dma_start3A_76] : memref<6272x2x128xi32, #tpu.memory_space<hbm>> -> memref<1x2x128xi32, #tpu.memory_space<hbm>>
      %dma_start3A_78 = tpu.memref_squeeze %dma_start3A_77 : memref<1x2x128xi32, #tpu.memory_space<hbm>> -> memref<2x128xi32, #tpu.memory_space<hbm>>
      %dma_start3A_79 = tpu.memref_slice %arg21[%rem3A_70] : memref<4x!tpu.dma_semaphore, #tpu.memory_space<semaphore_mem>> -> memref<1x!tpu.dma_semaphore, #tpu.memory_space<semaphore_mem>>
      %dma_start3A_80 = tpu.memref_squeeze %dma_start3A_79 : memref<1x!tpu.dma_semaphore, #tpu.memory_space<semaphore_mem>> -> memref<!tpu.dma_semaphore, #tpu.memory_space<semaphore_mem>>
      %dma_start3A_81 = arith.constant 0 : i32
      %dma_start3A_82 = arith.constant 0 : i32
      %dma_start3A_83 = tpu.memref_slice %arg16[%rem3A_67, %dma_start3A_81, %dma_start3A_82] : memref<4x2x128xi32, #tpu.memory_space<vmem>> -> memref<1x2x128xi32, #tpu.memory_space<vmem>>
      %dma_start3A_84 = tpu.memref_squeeze %dma_start3A_83 : memref<1x2x128xi32, #tpu.memory_space<vmem>> -> memref<2x128xi32, #tpu.memory_space<vmem>>
      %dma_start3A_85 = arith.constant 0 : i32
      %dma_start3A_86 = arith.constant 0 : i32
      %dma_start3A_87 = tpu.memref_slice %arg8[%add3A_64, %dma_start3A_85, %dma_start3A_86] : memref<6272x2x128xi32, #tpu.memory_space<hbm>> -> memref<1x2x128xi32, #tpu.memory_space<hbm>>
      %dma_start3A_88 = tpu.memref_squeeze %dma_start3A_87 : memref<1x2x128xi32, #tpu.memory_space<hbm>> -> memref<2x128xi32, #tpu.memory_space<hbm>>
      tpu.enqueue_dma source(%dma_start3A_88 : memref<2x128xi32, #tpu.memory_space<hbm>>) target(%dma_start3A_84 : memref<2x128xi32, #tpu.memory_space<vmem>>) target_semaphore(%dma_start3A_80 : memref<!tpu.dma_semaphore, #tpu.memory_space<semaphore_mem>>)
      %rem3A_89 = arith.constant 0 : i32
      %rem3A_90 = arith.constant 4 : i32
      %rem3A_91 = arith.remsi %rem3A_89, %rem3A_90 : i32
      %add3A_92 = arith.constant 0 : i32
      %add3A_93 = arith.addi %mul3A_13, %add3A_92 : i32
      %dma_wait3A = arith.constant 0 : i32
      %dma_wait3A_94 = arith.constant 0 : i32
      %dma_wait3A_95 = tpu.memref_slice %arg16[%rem3A_91, %dma_wait3A, %dma_wait3A_94] : memref<4x2x128xi32, #tpu.memory_space<vmem>> -> memref<1x2x128xi32, #tpu.memory_space<vmem>>
      %dma_wait3A_96 = tpu.memref_squeeze %dma_wait3A_95 : memref<1x2x128xi32, #tpu.memory_space<vmem>> -> memref<2x128xi32, #tpu.memory_space<vmem>>
      %dma_wait3A_97 = arith.constant 0 : i32
      %dma_wait3A_98 = arith.constant 0 : i32
      %dma_wait3A_99 = tpu.memref_slice %arg8[%add3A_93, %dma_wait3A_97, %dma_wait3A_98] : memref<6272x2x128xi32, #tpu.memory_space<hbm>> -> memref<1x2x128xi32, #tpu.memory_space<hbm>>
      %dma_wait3A_100 = tpu.memref_squeeze %dma_wait3A_99 : memref<1x2x128xi32, #tpu.memory_space<hbm>> -> memref<2x128xi32, #tpu.memory_space<hbm>>
      %dma_wait3A_101 = tpu.memref_slice %arg21[%rem3A_91] : memref<4x!tpu.dma_semaphore, #tpu.memory_space<semaphore_mem>> -> memref<1x!tpu.dma_semaphore, #tpu.memory_space<semaphore_mem>>
      %dma_wait3A_102 = tpu.memref_squeeze %dma_wait3A_101 : memref<1x!tpu.dma_semaphore, #tpu.memory_space<semaphore_mem>> -> memref<!tpu.dma_semaphore, #tpu.memory_space<semaphore_mem>>
      %dma_wait3A_103 = arith.constant 0 : i32
      %dma_wait3A_104 = arith.constant 0 : i32
      %dma_wait3A_105 = tpu.memref_slice %arg16[%rem3A_91, %dma_wait3A_103, %dma_wait3A_104] : memref<4x2x128xi32, #tpu.memory_space<vmem>> -> memref<1x2x128xi32, #tpu.memory_space<vmem>>
      %dma_wait3A_106 = tpu.memref_squeeze %dma_wait3A_105 : memref<1x2x128xi32, #tpu.memory_space<vmem>> -> memref<2x128xi32, #tpu.memory_space<vmem>>
      %dma_wait3A_107 = arith.constant 0 : i32
      %dma_wait3A_108 = arith.constant 0 : i32
      %dma_wait3A_109 = tpu.memref_slice %arg8[%add3A_93, %dma_wait3A_107, %dma_wait3A_108] : memref<6272x2x128xi32, #tpu.memory_space<hbm>> -> memref<1x2x128xi32, #tpu.memory_space<hbm>>
      %dma_wait3A_110 = tpu.memref_squeeze %dma_wait3A_109 : memref<1x2x128xi32, #tpu.memory_space<hbm>> -> memref<2x128xi32, #tpu.memory_space<hbm>>
      tpu.wait_dma2 semaphore(%dma_wait3A_102 : memref<!tpu.dma_semaphore, #tpu.memory_space<semaphore_mem>>) src(%dma_wait3A_110 : memref<2x128xi32, #tpu.memory_space<hbm>>) dst(%dma_wait3A_106 : memref<2x128xi32, #tpu.memory_space<vmem>>)
      %dma_start3A_111 = arith.constant 0 : i32
      %dma_start3A_112 = arith.constant 0 : i32
      %dma_start3A_113 = arith.constant 0 : i32
      %dma_start3A_114 = tpu.memref_slice %arg17[%rem3A_91, %dma_start3A_112, %dma_start3A_113] : memref<4x128x32xf32, #tpu.memory_space<vmem>> -> memref<1x128x32xf32, #tpu.memory_space<vmem>>
      %dma_start3A_115 = tpu.memref_squeeze %dma_start3A_114 : memref<1x128x32xf32, #tpu.memory_space<vmem>> -> memref<128x32xf32, #tpu.memory_space<vmem>>
      %dma_start3A_116 = arith.constant 0 : i32
      %dma_start3A_117 = tpu.memref_slice %arg16[%rem3A_91, %dma_start3A_111, %dma_start3A_116] : memref<4x2x128xi32, #tpu.memory_space<vmem>> -> memref<1x1x128xi32, #tpu.memory_space<vmem>>
      %dma_start3A_118 = tpu.memref_squeeze %dma_start3A_117 : memref<1x1x128xi32, #tpu.memory_space<vmem>> -> memref<128xi32, #tpu.memory_space<vmem>>
      %dma_start3A_119 = arith.constant 0 : i32
      %dma_start3A_120 = arith.constant 0 : i32
      %dma_start3A_121 = tpu.memref_slice %arg2[%dma_start3A_119, %dma_start3A_120] : memref<50048x32xf32, #tpu.memory_space<hbm>> -> memref<50048x32xf32, #tpu.memory_space<hbm>>
      %dma_start3A_122 = tpu.memref_slice %arg22[%rem3A_91] : memref<4x!tpu.dma_semaphore, #tpu.memory_space<semaphore_mem>> -> memref<1x!tpu.dma_semaphore, #tpu.memory_space<semaphore_mem>>
      %dma_start3A_123 = tpu.memref_squeeze %dma_start3A_122 : memref<1x!tpu.dma_semaphore, #tpu.memory_space<semaphore_mem>> -> memref<!tpu.dma_semaphore, #tpu.memory_space<semaphore_mem>>
      tpu.enqueue_indirect_dma source(%dma_start3A_121 : memref<50048x32xf32, #tpu.memory_space<hbm>>) target(%dma_start3A_115 : memref<128x32xf32, #tpu.memory_space<vmem>>) offsets(%dma_start3A_118 : memref<128xi32, #tpu.memory_space<vmem>>) semaphore(%dma_start3A_123 : memref<!tpu.dma_semaphore, #tpu.memory_space<semaphore_mem>>)
      %rem3A_124 = arith.constant 1 : i32
      %rem3A_125 = arith.constant 4 : i32
      %rem3A_126 = arith.remsi %rem3A_124, %rem3A_125 : i32
      %add3A_127 = arith.constant 1 : i32
      %add3A_128 = arith.addi %mul3A_13, %add3A_127 : i32
      %dma_wait3A_129 = arith.constant 0 : i32
      %dma_wait3A_130 = arith.constant 0 : i32
      %dma_wait3A_131 = tpu.memref_slice %arg16[%rem3A_126, %dma_wait3A_129, %dma_wait3A_130] : memref<4x2x128xi32, #tpu.memory_space<vmem>> -> memref<1x2x128xi32, #tpu.memory_space<vmem>>
      %dma_wait3A_132 = tpu.memref_squeeze %dma_wait3A_131 : memref<1x2x128xi32, #tpu.memory_space<vmem>> -> memref<2x128xi32, #tpu.memory_space<vmem>>
      %dma_wait3A_133 = arith.constant 0 : i32
      %dma_wait3A_134 = arith.constant 0 : i32
      %dma_wait3A_135 = tpu.memref_slice %arg8[%add3A_128, %dma_wait3A_133, %dma_wait3A_134] : memref<6272x2x128xi32, #tpu.memory_space<hbm>> -> memref<1x2x128xi32, #tpu.memory_space<hbm>>
      %dma_wait3A_136 = tpu.memref_squeeze %dma_wait3A_135 : memref<1x2x128xi32, #tpu.memory_space<hbm>> -> memref<2x128xi32, #tpu.memory_space<hbm>>
      %dma_wait3A_137 = tpu.memref_slice %arg21[%rem3A_126] : memref<4x!tpu.dma_semaphore, #tpu.memory_space<semaphore_mem>> -> memref<1x!tpu.dma_semaphore, #tpu.memory_space<semaphore_mem>>
      %dma_wait3A_138 = tpu.memref_squeeze %dma_wait3A_137 : memref<1x!tpu.dma_semaphore, #tpu.memory_space<semaphore_mem>> -> memref<!tpu.dma_semaphore, #tpu.memory_space<semaphore_mem>>
      %dma_wait3A_139 = arith.constant 0 : i32
      %dma_wait3A_140 = arith.constant 0 : i32
      %dma_wait3A_141 = tpu.memref_slice %arg16[%rem3A_126, %dma_wait3A_139, %dma_wait3A_140] : memref<4x2x128xi32, #tpu.memory_space<vmem>> -> memref<1x2x128xi32, #tpu.memory_space<vmem>>
      %dma_wait3A_142 = tpu.memref_squeeze %dma_wait3A_141 : memref<1x2x128xi32, #tpu.memory_space<vmem>> -> memref<2x128xi32, #tpu.memory_space<vmem>>
      %dma_wait3A_143 = arith.constant 0 : i32
      %dma_wait3A_144 = arith.constant 0 : i32
      %dma_wait3A_145 = tpu.memref_slice %arg8[%add3A_128, %dma_wait3A_143, %dma_wait3A_144] : memref<6272x2x128xi32, #tpu.memory_space<hbm>> -> memref<1x2x128xi32, #tpu.memory_space<hbm>>
      %dma_wait3A_146 = tpu.memref_squeeze %dma_wait3A_145 : memref<1x2x128xi32, #tpu.memory_space<hbm>> -> memref<2x128xi32, #tpu.memory_space<hbm>>
      tpu.wait_dma2 semaphore(%dma_wait3A_138 : memref<!tpu.dma_semaphore, #tpu.memory_space<semaphore_mem>>) src(%dma_wait3A_146 : memref<2x128xi32, #tpu.memory_space<hbm>>) dst(%dma_wait3A_142 : memref<2x128xi32, #tpu.memory_space<vmem>>)
      %dma_start3A_147 = arith.constant 0 : i32
      %dma_start3A_148 = arith.constant 0 : i32
      %dma_start3A_149 = arith.constant 0 : i32
      %dma_start3A_150 = tpu.memref_slice %arg17[%rem3A_126, %dma_start3A_148, %dma_start3A_149] : memref<4x128x32xf32, #tpu.memory_space<vmem>> -> memref<1x128x32xf32, #tpu.memory_space<vmem>>
      %dma_start3A_151 = tpu.memref_squeeze %dma_start3A_150 : memref<1x128x32xf32, #tpu.memory_space<vmem>> -> memref<128x32xf32, #tpu.memory_space<vmem>>
      %dma_start3A_152 = arith.constant 0 : i32
      %dma_start3A_153 = tpu.memref_slice %arg16[%rem3A_126, %dma_start3A_147, %dma_start3A_152] : memref<4x2x128xi32, #tpu.memory_space<vmem>> -> memref<1x1x128xi32, #tpu.memory_space<vmem>>
      %dma_start3A_154 = tpu.memref_squeeze %dma_start3A_153 : memref<1x1x128xi32, #tpu.memory_space<vmem>> -> memref<128xi32, #tpu.memory_space<vmem>>
      %dma_start3A_155 = arith.constant 0 : i32
      %dma_start3A_156 = arith.constant 0 : i32
      %dma_start3A_157 = tpu.memref_slice %arg2[%dma_start3A_155, %dma_start3A_156] : memref<50048x32xf32, #tpu.memory_space<hbm>> -> memref<50048x32xf32, #tpu.memory_space<hbm>>
      %dma_start3A_158 = tpu.memref_slice %arg22[%rem3A_126] : memref<4x!tpu.dma_semaphore, #tpu.memory_space<semaphore_mem>> -> memref<1x!tpu.dma_semaphore, #tpu.memory_space<semaphore_mem>>
      %dma_start3A_159 = tpu.memref_squeeze %dma_start3A_158 : memref<1x!tpu.dma_semaphore, #tpu.memory_space<semaphore_mem>> -> memref<!tpu.dma_semaphore, #tpu.memory_space<semaphore_mem>>
      tpu.enqueue_indirect_dma source(%dma_start3A_157 : memref<50048x32xf32, #tpu.memory_space<hbm>>) target(%dma_start3A_151 : memref<128x32xf32, #tpu.memory_space<vmem>>) offsets(%dma_start3A_154 : memref<128xi32, #tpu.memory_space<vmem>>) semaphore(%dma_start3A_159 : memref<!tpu.dma_semaphore, #tpu.memory_space<semaphore_mem>>)
      %scan3A_160 = arith.constant 0 : i32
      %scan3A_161 = arith.constant 0 : i32
      %scan3A_162 = arith.constant 391 : i32
      %scan3A_163 = arith.addi %scan3A_161, %scan3A_162 : i32
      %scan3A_164 = arith.constant 1 : i32
      %scan3A_165 = scf.for %scan3A_576 = %scan3A_161 to %scan3A_163 step %scan3A_164 iter_args(%scan3A_577 = %scan3A_160) -> (i32)  : i32 {
        %ge3A = arith.constant 1 : i32
        %ge3A_578 = arith.cmpi sge, %scan3A_576, %ge3A : i32
        %convert_element_type3A_579 = arith.extui %ge3A_578 : i1 to i32
        %cond3A_580 = arith.constant 0 : i32
        %cond3A_581 = arith.cmpi ne, %convert_element_type3A_579, %cond3A_580 : i32
        scf.if %cond3A_581 {
          %sub3A = arith.constant 1 : i32
          %sub3A_624 = arith.subi %scan3A_576, %sub3A : i32
          %rem3A_625 = arith.constant 4 : i32
          %rem3A_626 = arith.remsi %sub3A_624, %rem3A_625 : i32
          %dma_wait3A_627 = arith.constant 1 : i32
          %dma_wait3A_628 = arith.constant 0 : i32
          %dma_wait3A_629 = arith.constant 0 : i32
          %dma_wait3A_630 = tpu.memref_slice %arg17[%rem3A_626, %dma_wait3A_628, %dma_wait3A_629] : memref<4x128x32xf32, #tpu.memory_space<vmem>> -> memref<1x128x32xf32, #tpu.memory_space<vmem>>
          %dma_wait3A_631 = tpu.memref_squeeze %dma_wait3A_630 : memref<1x128x32xf32, #tpu.memory_space<vmem>> -> memref<128x32xf32, #tpu.memory_space<vmem>>
          %dma_wait3A_632 = arith.constant 0 : i32
          %dma_wait3A_633 = tpu.memref_slice %arg16[%rem3A_626, %dma_wait3A_627, %dma_wait3A_632] : memref<4x2x128xi32, #tpu.memory_space<vmem>> -> memref<1x1x128xi32, #tpu.memory_space<vmem>>
          %dma_wait3A_634 = tpu.memref_squeeze %dma_wait3A_633 : memref<1x1x128xi32, #tpu.memory_space<vmem>> -> memref<128xi32, #tpu.memory_space<vmem>>
          %dma_wait3A_635 = arith.constant 0 : i32
          %dma_wait3A_636 = arith.constant 0 : i32
          %dma_wait3A_637 = tpu.memref_slice %arg20[%dma_wait3A_635, %dma_wait3A_636] : memref<50048x32xf32, #tpu.memory_space<vmem_shared>> -> memref<50048x32xf32, #tpu.memory_space<vmem_shared>>
          %dma_wait3A_638 = tpu.memref_slice %arg23[%rem3A_626] : memref<4x!tpu.dma_semaphore, #tpu.memory_space<semaphore_mem>> -> memref<1x!tpu.dma_semaphore, #tpu.memory_space<semaphore_mem>>
          %dma_wait3A_639 = tpu.memref_squeeze %dma_wait3A_638 : memref<1x!tpu.dma_semaphore, #tpu.memory_space<semaphore_mem>> -> memref<!tpu.dma_semaphore, #tpu.memory_space<semaphore_mem>>
          tpu.wait_indirect_dma semaphore(%dma_wait3A_639 : memref<!tpu.dma_semaphore, #tpu.memory_space<semaphore_mem>>) src(%dma_wait3A_631 : memref<128x32xf32, #tpu.memory_space<vmem>>) dst(%dma_wait3A_637 : memref<50048x32xf32, #tpu.memory_space<vmem_shared>>)
        } else {
        }
        %add3A_582 = arith.constant 3 : i32
        %add3A_583 = arith.addi %scan3A_576, %add3A_582 : i32
        %lt3A = arith.constant 391 : i32
        %lt3A_584 = arith.cmpi slt, %add3A_583, %lt3A : i32
        %convert_element_type3A_585 = arith.extui %lt3A_584 : i1 to i32
        %cond3A_586 = arith.constant 0 : i32
        %cond3A_587 = arith.cmpi ne, %convert_element_type3A_585, %cond3A_586 : i32
        scf.if %cond3A_587 {
          %add3A_624 = arith.constant 3 : i32
          %add3A_625 = arith.addi %scan3A_576, %add3A_624 : i32
          %add3A_626 = arith.addi %mul3A_13, %add3A_625 : i32
          %rem3A_627 = arith.constant 4 : i32
          %rem3A_628 = arith.remsi %add3A_625, %rem3A_627 : i32
          %rem3A_629 = arith.constant 4 : i32
          %rem3A_630 = arith.remsi %add3A_625, %rem3A_629 : i32
          %dma_start3A_631 = arith.constant 0 : i32
          %dma_start3A_632 = arith.constant 0 : i32
          %dma_start3A_633 = tpu.memref_slice %arg16[%rem3A_628, %dma_start3A_631, %dma_start3A_632] : memref<4x2x128xi32, #tpu.memory_space<vmem>> -> memref<1x2x128xi32, #tpu.memory_space<vmem>>
          %dma_start3A_634 = tpu.memref_squeeze %dma_start3A_633 : memref<1x2x128xi32, #tpu.memory_space<vmem>> -> memref<2x128xi32, #tpu.memory_space<vmem>>
          %dma_start3A_635 = arith.constant 0 : i32
          %dma_start3A_636 = arith.constant 0 : i32
          %dma_start3A_637 = tpu.memref_slice %arg8[%add3A_626, %dma_start3A_635, %dma_start3A_636] : memref<6272x2x128xi32, #tpu.memory_space<hbm>> -> memref<1x2x128xi32, #tpu.memory_space<hbm>>
          %dma_start3A_638 = tpu.memref_squeeze %dma_start3A_637 : memref<1x2x128xi32, #tpu.memory_space<hbm>> -> memref<2x128xi32, #tpu.memory_space<hbm>>
          %dma_start3A_639 = tpu.memref_slice %arg21[%rem3A_630] : memref<4x!tpu.dma_semaphore, #tpu.memory_space<semaphore_mem>> -> memref<1x!tpu.dma_semaphore, #tpu.memory_space<semaphore_mem>>
          %dma_start3A_640 = tpu.memref_squeeze %dma_start3A_639 : memref<1x!tpu.dma_semaphore, #tpu.memory_space<semaphore_mem>> -> memref<!tpu.dma_semaphore, #tpu.memory_space<semaphore_mem>>
          %dma_start3A_641 = arith.constant 0 : i32
          %dma_start3A_642 = arith.constant 0 : i32
          %dma_start3A_643 = tpu.memref_slice %arg16[%rem3A_628, %dma_start3A_641, %dma_start3A_642] : memref<4x2x128xi32, #tpu.memory_space<vmem>> -> memref<1x2x128xi32, #tpu.memory_space<vmem>>
          %dma_start3A_644 = tpu.memref_squeeze %dma_start3A_643 : memref<1x2x128xi32, #tpu.memory_space<vmem>> -> memref<2x128xi32, #tpu.memory_space<vmem>>
          %dma_start3A_645 = arith.constant 0 : i32
          %dma_start3A_646 = arith.constant 0 : i32
          %dma_start3A_647 = tpu.memref_slice %arg8[%add3A_626, %dma_start3A_645, %dma_start3A_646] : memref<6272x2x128xi32, #tpu.memory_space<hbm>> -> memref<1x2x128xi32, #tpu.memory_space<hbm>>
          %dma_start3A_648 = tpu.memref_squeeze %dma_start3A_647 : memref<1x2x128xi32, #tpu.memory_space<hbm>> -> memref<2x128xi32, #tpu.memory_space<hbm>>
          tpu.enqueue_dma source(%dma_start3A_648 : memref<2x128xi32, #tpu.memory_space<hbm>>) target(%dma_start3A_644 : memref<2x128xi32, #tpu.memory_space<vmem>>) target_semaphore(%dma_start3A_640 : memref<!tpu.dma_semaphore, #tpu.memory_space<semaphore_mem>>)
        } else {
        }
        %add3A_588 = arith.constant 2 : i32
        %add3A_589 = arith.addi %scan3A_576, %add3A_588 : i32
        %lt3A_590 = arith.constant 391 : i32
        %lt3A_591 = arith.cmpi slt, %add3A_589, %lt3A_590 : i32
        %convert_element_type3A_592 = arith.extui %lt3A_591 : i1 to i32
        %cond3A_593 = arith.constant 0 : i32
        %cond3A_594 = arith.cmpi ne, %convert_element_type3A_592, %cond3A_593 : i32
        scf.if %cond3A_594 {
          %add3A_624 = arith.constant 2 : i32
          %add3A_625 = arith.addi %scan3A_576, %add3A_624 : i32
          %rem3A_626 = arith.constant 4 : i32
          %rem3A_627 = arith.remsi %add3A_625, %rem3A_626 : i32
          %add3A_628 = arith.addi %mul3A_13, %add3A_625 : i32
          %dma_wait3A_629 = arith.constant 0 : i32
          %dma_wait3A_630 = arith.constant 0 : i32
          %dma_wait3A_631 = tpu.memref_slice %arg16[%rem3A_627, %dma_wait3A_629, %dma_wait3A_630] : memref<4x2x128xi32, #tpu.memory_space<vmem>> -> memref<1x2x128xi32, #tpu.memory_space<vmem>>
          %dma_wait3A_632 = tpu.memref_squeeze %dma_wait3A_631 : memref<1x2x128xi32, #tpu.memory_space<vmem>> -> memref<2x128xi32, #tpu.memory_space<vmem>>
          %dma_wait3A_633 = arith.constant 0 : i32
          %dma_wait3A_634 = arith.constant 0 : i32
          %dma_wait3A_635 = tpu.memref_slice %arg8[%add3A_628, %dma_wait3A_633, %dma_wait3A_634] : memref<6272x2x128xi32, #tpu.memory_space<hbm>> -> memref<1x2x128xi32, #tpu.memory_space<hbm>>
          %dma_wait3A_636 = tpu.memref_squeeze %dma_wait3A_635 : memref<1x2x128xi32, #tpu.memory_space<hbm>> -> memref<2x128xi32, #tpu.memory_space<hbm>>
          %dma_wait3A_637 = tpu.memref_slice %arg21[%rem3A_627] : memref<4x!tpu.dma_semaphore, #tpu.memory_space<semaphore_mem>> -> memref<1x!tpu.dma_semaphore, #tpu.memory_space<semaphore_mem>>
          %dma_wait3A_638 = tpu.memref_squeeze %dma_wait3A_637 : memref<1x!tpu.dma_semaphore, #tpu.memory_space<semaphore_mem>> -> memref<!tpu.dma_semaphore, #tpu.memory_space<semaphore_mem>>
          %dma_wait3A_639 = arith.constant 0 : i32
          %dma_wait3A_640 = arith.constant 0 : i32
          %dma_wait3A_641 = tpu.memref_slice %arg16[%rem3A_627, %dma_wait3A_639, %dma_wait3A_640] : memref<4x2x128xi32, #tpu.memory_space<vmem>> -> memref<1x2x128xi32, #tpu.memory_space<vmem>>
          %dma_wait3A_642 = tpu.memref_squeeze %dma_wait3A_641 : memref<1x2x128xi32, #tpu.memory_space<vmem>> -> memref<2x128xi32, #tpu.memory_space<vmem>>
          %dma_wait3A_643 = arith.constant 0 : i32
          %dma_wait3A_644 = arith.constant 0 : i32
          %dma_wait3A_645 = tpu.memref_slice %arg8[%add3A_628, %dma_wait3A_643, %dma_wait3A_644] : memref<6272x2x128xi32, #tpu.memory_space<hbm>> -> memref<1x2x128xi32, #tpu.memory_space<hbm>>
          %dma_wait3A_646 = tpu.memref_squeeze %dma_wait3A_645 : memref<1x2x128xi32, #tpu.memory_space<hbm>> -> memref<2x128xi32, #tpu.memory_space<hbm>>
          tpu.wait_dma2 semaphore(%dma_wait3A_638 : memref<!tpu.dma_semaphore, #tpu.memory_space<semaphore_mem>>) src(%dma_wait3A_646 : memref<2x128xi32, #tpu.memory_space<hbm>>) dst(%dma_wait3A_642 : memref<2x128xi32, #tpu.memory_space<vmem>>)
          %dma_start3A_647 = arith.constant 0 : i32
          %dma_start3A_648 = arith.constant 0 : i32
          %dma_start3A_649 = arith.constant 0 : i32
          %dma_start3A_650 = tpu.memref_slice %arg17[%rem3A_627, %dma_start3A_648, %dma_start3A_649] : memref<4x128x32xf32, #tpu.memory_space<vmem>> -> memref<1x128x32xf32, #tpu.memory_space<vmem>>
          %dma_start3A_651 = tpu.memref_squeeze %dma_start3A_650 : memref<1x128x32xf32, #tpu.memory_space<vmem>> -> memref<128x32xf32, #tpu.memory_space<vmem>>
          %dma_start3A_652 = arith.constant 0 : i32
          %dma_start3A_653 = tpu.memref_slice %arg16[%rem3A_627, %dma_start3A_647, %dma_start3A_652] : memref<4x2x128xi32, #tpu.memory_space<vmem>> -> memref<1x1x128xi32, #tpu.memory_space<vmem>>
          %dma_start3A_654 = tpu.memref_squeeze %dma_start3A_653 : memref<1x1x128xi32, #tpu.memory_space<vmem>> -> memref<128xi32, #tpu.memory_space<vmem>>
          %dma_start3A_655 = arith.constant 0 : i32
          %dma_start3A_656 = arith.constant 0 : i32
          %dma_start3A_657 = tpu.memref_slice %arg2[%dma_start3A_655, %dma_start3A_656] : memref<50048x32xf32, #tpu.memory_space<hbm>> -> memref<50048x32xf32, #tpu.memory_space<hbm>>
          %dma_start3A_658 = tpu.memref_slice %arg22[%rem3A_627] : memref<4x!tpu.dma_semaphore, #tpu.memory_space<semaphore_mem>> -> memref<1x!tpu.dma_semaphore, #tpu.memory_space<semaphore_mem>>
          %dma_start3A_659 = tpu.memref_squeeze %dma_start3A_658 : memref<1x!tpu.dma_semaphore, #tpu.memory_space<semaphore_mem>> -> memref<!tpu.dma_semaphore, #tpu.memory_space<semaphore_mem>>
          tpu.enqueue_indirect_dma source(%dma_start3A_657 : memref<50048x32xf32, #tpu.memory_space<hbm>>) target(%dma_start3A_651 : memref<128x32xf32, #tpu.memory_space<vmem>>) offsets(%dma_start3A_654 : memref<128xi32, #tpu.memory_space<vmem>>) semaphore(%dma_start3A_659 : memref<!tpu.dma_semaphore, #tpu.memory_space<semaphore_mem>>)
        } else {
        }
        %rem3A_595 = arith.constant 4 : i32
        %rem3A_596 = arith.remsi %scan3A_576, %rem3A_595 : i32
        %dma_wait3A_597 = arith.constant 0 : i32
        %dma_wait3A_598 = arith.constant 0 : i32
        %dma_wait3A_599 = arith.constant 0 : i32
        %dma_wait3A_600 = tpu.memref_slice %arg17[%rem3A_596, %dma_wait3A_598, %dma_wait3A_599] : memref<4x128x32xf32, #tpu.memory_space<vmem>> -> memref<1x128x32xf32, #tpu.memory_space<vmem>>
        %dma_wait3A_601 = tpu.memref_squeeze %dma_wait3A_600 : memref<1x128x32xf32, #tpu.memory_space<vmem>> -> memref<128x32xf32, #tpu.memory_space<vmem>>
        %dma_wait3A_602 = arith.constant 0 : i32
        %dma_wait3A_603 = tpu.memref_slice %arg16[%rem3A_596, %dma_wait3A_597, %dma_wait3A_602] : memref<4x2x128xi32, #tpu.memory_space<vmem>> -> memref<1x1x128xi32, #tpu.memory_space<vmem>>
        %dma_wait3A_604 = tpu.memref_squeeze %dma_wait3A_603 : memref<1x1x128xi32, #tpu.memory_space<vmem>> -> memref<128xi32, #tpu.memory_space<vmem>>
        %dma_wait3A_605 = arith.constant 0 : i32
        %dma_wait3A_606 = arith.constant 0 : i32
        %dma_wait3A_607 = tpu.memref_slice %arg2[%dma_wait3A_605, %dma_wait3A_606] : memref<50048x32xf32, #tpu.memory_space<hbm>> -> memref<50048x32xf32, #tpu.memory_space<hbm>>
        %dma_wait3A_608 = tpu.memref_slice %arg22[%rem3A_596] : memref<4x!tpu.dma_semaphore, #tpu.memory_space<semaphore_mem>> -> memref<1x!tpu.dma_semaphore, #tpu.memory_space<semaphore_mem>>
        %dma_wait3A_609 = tpu.memref_squeeze %dma_wait3A_608 : memref<1x!tpu.dma_semaphore, #tpu.memory_space<semaphore_mem>> -> memref<!tpu.dma_semaphore, #tpu.memory_space<semaphore_mem>>
        tpu.wait_indirect_dma semaphore(%dma_wait3A_609 : memref<!tpu.dma_semaphore, #tpu.memory_space<semaphore_mem>>) src(%dma_wait3A_607 : memref<50048x32xf32, #tpu.memory_space<hbm>>) dst(%dma_wait3A_601 : memref<128x32xf32, #tpu.memory_space<vmem>>)
        %dma_start3A_610 = arith.constant 1 : i32
        %dma_start3A_611 = arith.constant 0 : i32
        %dma_start3A_612 = arith.constant 0 : i32
        %dma_start3A_613 = tpu.memref_slice %arg17[%rem3A_596, %dma_start3A_611, %dma_start3A_612] : memref<4x128x32xf32, #tpu.memory_space<vmem>> -> memref<1x128x32xf32, #tpu.memory_space<vmem>>
        %dma_start3A_614 = tpu.memref_squeeze %dma_start3A_613 : memref<1x128x32xf32, #tpu.memory_space<vmem>> -> memref<128x32xf32, #tpu.memory_space<vmem>>
        %dma_start3A_615 = arith.constant 0 : i32
        %dma_start3A_616 = tpu.memref_slice %arg16[%rem3A_596, %dma_start3A_610, %dma_start3A_615] : memref<4x2x128xi32, #tpu.memory_space<vmem>> -> memref<1x1x128xi32, #tpu.memory_space<vmem>>
        %dma_start3A_617 = tpu.memref_squeeze %dma_start3A_616 : memref<1x1x128xi32, #tpu.memory_space<vmem>> -> memref<128xi32, #tpu.memory_space<vmem>>
        %dma_start3A_618 = arith.constant 0 : i32
        %dma_start3A_619 = arith.constant 0 : i32
        %dma_start3A_620 = tpu.memref_slice %arg20[%dma_start3A_618, %dma_start3A_619] : memref<50048x32xf32, #tpu.memory_space<vmem_shared>> -> memref<50048x32xf32, #tpu.memory_space<vmem_shared>>
        %dma_start3A_621 = tpu.memref_slice %arg23[%rem3A_596] : memref<4x!tpu.dma_semaphore, #tpu.memory_space<semaphore_mem>> -> memref<1x!tpu.dma_semaphore, #tpu.memory_space<semaphore_mem>>
        %dma_start3A_622 = tpu.memref_squeeze %dma_start3A_621 : memref<1x!tpu.dma_semaphore, #tpu.memory_space<semaphore_mem>> -> memref<!tpu.dma_semaphore, #tpu.memory_space<semaphore_mem>>
        tpu.enqueue_indirect_dma source(%dma_start3A_614 : memref<128x32xf32, #tpu.memory_space<vmem>>) target(%dma_start3A_620 : memref<50048x32xf32, #tpu.memory_space<vmem_shared>>) offsets(%dma_start3A_617 : memref<128xi32, #tpu.memory_space<vmem>>) semaphore(%dma_start3A_622 : memref<!tpu.dma_semaphore, #tpu.memory_space<semaphore_mem>>) {add = true}
        %scan3A_623 = arith.constant 0 : i32
        scf.yield %scan3A_623 : i32
      }
      %scan3A_166 = arith.constant 391 : i32
      %rem3A_167 = arith.constant 390 : i32
      %rem3A_168 = arith.constant 4 : i32
      %rem3A_169 = arith.remsi %rem3A_167, %rem3A_168 : i32
      %dma_wait3A_170 = arith.constant 1 : i32
      %dma_wait3A_171 = arith.constant 0 : i32
      %dma_wait3A_172 = arith.constant 0 : i32
      %dma_wait3A_173 = tpu.memref_slice %arg17[%rem3A_169, %dma_wait3A_171, %dma_wait3A_172] : memref<4x128x32xf32, #tpu.memory_space<vmem>> -> memref<1x128x32xf32, #tpu.memory_space<vmem>>
      %dma_wait3A_174 = tpu.memref_squeeze %dma_wait3A_173 : memref<1x128x32xf32, #tpu.memory_space<vmem>> -> memref<128x32xf32, #tpu.memory_space<vmem>>
      %dma_wait3A_175 = arith.constant 0 : i32
      %dma_wait3A_176 = tpu.memref_slice %arg16[%rem3A_169, %dma_wait3A_170, %dma_wait3A_175] : memref<4x2x128xi32, #tpu.memory_space<vmem>> -> memref<1x1x128xi32, #tpu.memory_space<vmem>>
      %dma_wait3A_177 = tpu.memref_squeeze %dma_wait3A_176 : memref<1x1x128xi32, #tpu.memory_space<vmem>> -> memref<128xi32, #tpu.memory_space<vmem>>
      %dma_wait3A_178 = arith.constant 0 : i32
      %dma_wait3A_179 = arith.constant 0 : i32
      %dma_wait3A_180 = tpu.memref_slice %arg20[%dma_wait3A_178, %dma_wait3A_179] : memref<50048x32xf32, #tpu.memory_space<vmem_shared>> -> memref<50048x32xf32, #tpu.memory_space<vmem_shared>>
      %dma_wait3A_181 = tpu.memref_slice %arg23[%rem3A_169] : memref<4x!tpu.dma_semaphore, #tpu.memory_space<semaphore_mem>> -> memref<1x!tpu.dma_semaphore, #tpu.memory_space<semaphore_mem>>
      %dma_wait3A_182 = tpu.memref_squeeze %dma_wait3A_181 : memref<1x!tpu.dma_semaphore, #tpu.memory_space<semaphore_mem>> -> memref<!tpu.dma_semaphore, #tpu.memory_space<semaphore_mem>>
      tpu.wait_indirect_dma semaphore(%dma_wait3A_182 : memref<!tpu.dma_semaphore, #tpu.memory_space<semaphore_mem>>) src(%dma_wait3A_174 : memref<128x32xf32, #tpu.memory_space<vmem>>) dst(%dma_wait3A_180 : memref<50048x32xf32, #tpu.memory_space<vmem_shared>>)
      %barrier3A_183 = arith.constant 0 : index
      tpu.barrier barrier_id(%barrier3A_183)
      %scan3A_184 = arith.constant 0 : i32
      %scan3A_185 = arith.constant 0 : i32
      %scan3A_186 = arith.constant 25 : i32
      %scan3A_187 = arith.addi %scan3A_185, %scan3A_186 : i32
      %scan3A_188 = arith.constant 1 : i32
      %scan3A_189 = scf.for %scan3A_576 = %scan3A_185 to %scan3A_187 step %scan3A_188 iter_args(%scan3A_577 = %scan3A_184) -> (i32)  : i32 {
        %mul3A_578 = arith.constant 16 : i32
        %mul3A_579 = arith.muli %scan3A_576, %mul3A_578 : i32
        %add3A_580 = arith.addi %arg1, %mul3A_579 : i32
        %lt3A = arith.constant 391 : i32
        %lt3A_581 = arith.cmpi slt, %add3A_580, %lt3A : i32
        %convert_element_type3A_582 = arith.extui %lt3A_581 : i1 to i32
        %cond3A_583 = arith.constant 0 : i32
        %cond3A_584 = arith.cmpi ne, %convert_element_type3A_582, %cond3A_583 : i32
        scf.if %cond3A_584 {
          %mul3A_586 = arith.constant 128 : i32
          %mul3A_587 = arith.muli %add3A_580, %mul3A_586 : i32
          "tpu.region"() ({
            %run_scoped3A = tpu.sem_alloc : memref<!tpu.dma_semaphore, #tpu.memory_space<semaphore_mem>>
            %dma_start3A_588 = arith.constant 0 : i32
            %dma_start3A_589 = tpu.memref_slice %arg20[%mul3A_587, %dma_start3A_588] : memref<50048x32xf32, #tpu.memory_space<vmem_shared>> -> memref<128x32xf32, #tpu.memory_space<vmem_shared>>
            %dma_start3A_590 = arith.constant 0 : i32
            %dma_start3A_591 = tpu.memref_slice %arg20[%mul3A_587, %dma_start3A_590] : memref<50048x32xf32, #tpu.memory_space<vmem_shared>> -> memref<128x32xf32, #tpu.memory_space<vmem_shared>>
            tpu.enqueue_dma source(%dma_start3A_591 : memref<128x32xf32, #tpu.memory_space<vmem_shared>>) target(%arg18 : memref<128x32xf32, #tpu.memory_space<vmem>>) target_semaphore(%run_scoped3A : memref<!tpu.dma_semaphore, #tpu.memory_space<semaphore_mem>>)
            %dma_wait3A_592 = arith.constant 0 : i32
            %dma_wait3A_593 = tpu.memref_slice %arg20[%mul3A_587, %dma_wait3A_592] : memref<50048x32xf32, #tpu.memory_space<vmem_shared>> -> memref<128x32xf32, #tpu.memory_space<vmem_shared>>
            %dma_wait3A_594 = arith.constant 0 : i32
            %dma_wait3A_595 = tpu.memref_slice %arg20[%mul3A_587, %dma_wait3A_594] : memref<50048x32xf32, #tpu.memory_space<vmem_shared>> -> memref<128x32xf32, #tpu.memory_space<vmem_shared>>
            tpu.wait_dma2 semaphore(%run_scoped3A : memref<!tpu.dma_semaphore, #tpu.memory_space<semaphore_mem>>) src(%dma_wait3A_595 : memref<128x32xf32, #tpu.memory_space<vmem_shared>>) dst(%arg18 : memref<128x32xf32, #tpu.memory_space<vmem>>)
            tpu.yield
          }) : () -> ()
          "tpu.region"() ({
            %run_scoped3A = tpu.sem_alloc : memref<!tpu.dma_semaphore, #tpu.memory_space<semaphore_mem>>
            %dma_start3A_588 = arith.constant 0 : i32
            %dma_start3A_589 = tpu.memref_slice %arg10[%mul3A_587, %dma_start3A_588] : memref<50048x32xf32, #tpu.memory_space<hbm>> -> memref<128x32xf32, #tpu.memory_space<hbm>>
            %dma_start3A_590 = arith.constant 0 : i32
            %dma_start3A_591 = tpu.memref_slice %arg10[%mul3A_587, %dma_start3A_590] : memref<50048x32xf32, #tpu.memory_space<hbm>> -> memref<128x32xf32, #tpu.memory_space<hbm>>
            tpu.enqueue_dma source(%arg18 : memref<128x32xf32, #tpu.memory_space<vmem>>) target(%dma_start3A_591 : memref<128x32xf32, #tpu.memory_space<hbm>>) target_semaphore(%run_scoped3A : memref<!tpu.dma_semaphore, #tpu.memory_space<semaphore_mem>>)
            %dma_wait3A_592 = arith.constant 0 : i32
            %dma_wait3A_593 = tpu.memref_slice %arg10[%mul3A_587, %dma_wait3A_592] : memref<50048x32xf32, #tpu.memory_space<hbm>> -> memref<128x32xf32, #tpu.memory_space<hbm>>
            %dma_wait3A_594 = arith.constant 0 : i32
            %dma_wait3A_595 = tpu.memref_slice %arg10[%mul3A_587, %dma_wait3A_594] : memref<50048x32xf32, #tpu.memory_space<hbm>> -> memref<128x32xf32, #tpu.memory_space<hbm>>
            tpu.wait_dma2 semaphore(%run_scoped3A : memref<!tpu.dma_semaphore, #tpu.memory_space<semaphore_mem>>) src(%arg18 : memref<128x32xf32, #tpu.memory_space<vmem>>) dst(%dma_wait3A_595 : memref<128x32xf32, #tpu.memory_space<hbm>>)
            tpu.yield
          }) : () -> ()
        } else {
        }
        %scan3A_585 = arith.constant 0 : i32
        scf.yield %scan3A_585 : i32
      }
      %scan3A_190 = arith.constant 25 : i32
      %barrier3A_191 = arith.constant 0 : index
      tpu.barrier barrier_id(%barrier3A_191)
      %scan3A_192 = arith.constant 0 : i32
      %scan3A_193 = arith.constant 0 : i32
      %scan3A_194 = arith.constant 25 : i32
      %scan3A_195 = arith.addi %scan3A_193, %scan3A_194 : i32
      %scan3A_196 = arith.constant 1 : i32
      %scan3A_197 = scf.for %scan3A_576 = %scan3A_193 to %scan3A_195 step %scan3A_196 iter_args(%scan3A_577 = %scan3A_192) -> (i32)  : i32 {
        %mul3A_578 = arith.constant 16 : i32
        %mul3A_579 = arith.muli %scan3A_576, %mul3A_578 : i32
        %add3A_580 = arith.addi %arg1, %mul3A_579 : i32
        %lt3A = arith.constant 391 : i32
        %lt3A_581 = arith.cmpi slt, %add3A_580, %lt3A : i32
        %convert_element_type3A_582 = arith.extui %lt3A_581 : i1 to i32
        %cond3A_583 = arith.constant 0 : i32
        %cond3A_584 = arith.cmpi ne, %convert_element_type3A_582, %cond3A_583 : i32
        scf.if %cond3A_584 {
          %mul3A_586 = arith.constant 128 : i32
          %mul3A_587 = arith.muli %add3A_580, %mul3A_586 : i32
          "tpu.region"() ({
            %run_scoped3A = tpu.sem_alloc : memref<!tpu.dma_semaphore, #tpu.memory_space<semaphore_mem>>
            %dma_start3A_588 = arith.constant 0 : i32
            %dma_start3A_589 = tpu.memref_slice %arg20[%mul3A_587, %dma_start3A_588] : memref<50048x32xf32, #tpu.memory_space<vmem_shared>> -> memref<128x32xf32, #tpu.memory_space<vmem_shared>>
            %dma_start3A_590 = arith.constant 0 : i32
            %dma_start3A_591 = tpu.memref_slice %arg20[%mul3A_587, %dma_start3A_590] : memref<50048x32xf32, #tpu.memory_space<vmem_shared>> -> memref<128x32xf32, #tpu.memory_space<vmem_shared>>
            tpu.enqueue_dma source(%arg19 : memref<128x32xf32, #tpu.memory_space<vmem>>) target(%dma_start3A_591 : memref<128x32xf32, #tpu.memory_space<vmem_shared>>) target_semaphore(%run_scoped3A : memref<!tpu.dma_semaphore, #tpu.memory_space<semaphore_mem>>)
            %dma_wait3A_592 = arith.constant 0 : i32
            %dma_wait3A_593 = tpu.memref_slice %arg20[%mul3A_587, %dma_wait3A_592] : memref<50048x32xf32, #tpu.memory_space<vmem_shared>> -> memref<128x32xf32, #tpu.memory_space<vmem_shared>>
            %dma_wait3A_594 = arith.constant 0 : i32
            %dma_wait3A_595 = tpu.memref_slice %arg20[%mul3A_587, %dma_wait3A_594] : memref<50048x32xf32, #tpu.memory_space<vmem_shared>> -> memref<128x32xf32, #tpu.memory_space<vmem_shared>>
            tpu.wait_dma2 semaphore(%run_scoped3A : memref<!tpu.dma_semaphore, #tpu.memory_space<semaphore_mem>>) src(%arg19 : memref<128x32xf32, #tpu.memory_space<vmem>>) dst(%dma_wait3A_595 : memref<128x32xf32, #tpu.memory_space<vmem_shared>>)
            tpu.yield
          }) : () -> ()
        } else {
        }
        %scan3A_585 = arith.constant 0 : i32
        scf.yield %scan3A_585 : i32
      }
      %scan3A_198 = arith.constant 25 : i32
      %barrier3A_199 = arith.constant 0 : index
      tpu.barrier barrier_id(%barrier3A_199)
      %mul3A_200 = arith.constant 391 : i32
      %mul3A_201 = arith.muli %arg1, %mul3A_200 : i32
      %add3A_202 = arith.constant 0 : i32
      %add3A_203 = arith.addi %mul3A_201, %add3A_202 : i32
      %rem3A_204 = arith.constant 0 : i32
      %rem3A_205 = arith.constant 4 : i32
      %rem3A_206 = arith.remsi %rem3A_204, %rem3A_205 : i32
      %rem3A_207 = arith.constant 0 : i32
      %rem3A_208 = arith.constant 4 : i32
      %rem3A_209 = arith.remsi %rem3A_207, %rem3A_208 : i32
      %dma_start3A_210 = arith.constant 0 : i32
      %dma_start3A_211 = arith.constant 0 : i32
      %dma_start3A_212 = tpu.memref_slice %arg16[%rem3A_206, %dma_start3A_210, %dma_start3A_211] : memref<4x2x128xi32, #tpu.memory_space<vmem>> -> memref<1x2x128xi32, #tpu.memory_space<vmem>>
      %dma_start3A_213 = tpu.memref_squeeze %dma_start3A_212 : memref<1x2x128xi32, #tpu.memory_space<vmem>> -> memref<2x128xi32, #tpu.memory_space<vmem>>
      %dma_start3A_214 = arith.constant 0 : i32
      %dma_start3A_215 = arith.constant 0 : i32
      %dma_start3A_216 = tpu.memref_slice %arg8[%add3A_203, %dma_start3A_214, %dma_start3A_215] : memref<6272x2x128xi32, #tpu.memory_space<hbm>> -> memref<1x2x128xi32, #tpu.memory_space<hbm>>
      %dma_start3A_217 = tpu.memref_squeeze %dma_start3A_216 : memref<1x2x128xi32, #tpu.memory_space<hbm>> -> memref<2x128xi32, #tpu.memory_space<hbm>>
      %dma_start3A_218 = tpu.memref_slice %arg21[%rem3A_209] : memref<4x!tpu.dma_semaphore, #tpu.memory_space<semaphore_mem>> -> memref<1x!tpu.dma_semaphore, #tpu.memory_space<semaphore_mem>>
      %dma_start3A_219 = tpu.memref_squeeze %dma_start3A_218 : memref<1x!tpu.dma_semaphore, #tpu.memory_space<semaphore_mem>> -> memref<!tpu.dma_semaphore, #tpu.memory_space<semaphore_mem>>
      %dma_start3A_220 = arith.constant 0 : i32
      %dma_start3A_221 = arith.constant 0 : i32
      %dma_start3A_222 = tpu.memref_slice %arg16[%rem3A_206, %dma_start3A_220, %dma_start3A_221] : memref<4x2x128xi32, #tpu.memory_space<vmem>> -> memref<1x2x128xi32, #tpu.memory_space<vmem>>
      %dma_start3A_223 = tpu.memref_squeeze %dma_start3A_222 : memref<1x2x128xi32, #tpu.memory_space<vmem>> -> memref<2x128xi32, #tpu.memory_space<vmem>>
      %dma_start3A_224 = arith.constant 0 : i32
      %dma_start3A_225 = arith.constant 0 : i32
      %dma_start3A_226 = tpu.memref_slice %arg8[%add3A_203, %dma_start3A_224, %dma_start3A_225] : memref<6272x2x128xi32, #tpu.memory_space<hbm>> -> memref<1x2x128xi32, #tpu.memory_space<hbm>>
      %dma_start3A_227 = tpu.memref_squeeze %dma_start3A_226 : memref<1x2x128xi32, #tpu.memory_space<hbm>> -> memref<2x128xi32, #tpu.memory_space<hbm>>
      tpu.enqueue_dma source(%dma_start3A_227 : memref<2x128xi32, #tpu.memory_space<hbm>>) target(%dma_start3A_223 : memref<2x128xi32, #tpu.memory_space<vmem>>) target_semaphore(%dma_start3A_219 : memref<!tpu.dma_semaphore, #tpu.memory_space<semaphore_mem>>)
      %add3A_228 = arith.constant 1 : i32
      %add3A_229 = arith.addi %mul3A_201, %add3A_228 : i32
      %rem3A_230 = arith.constant 1 : i32
      %rem3A_231 = arith.constant 4 : i32
      %rem3A_232 = arith.remsi %rem3A_230, %rem3A_231 : i32
      %rem3A_233 = arith.constant 1 : i32
      %rem3A_234 = arith.constant 4 : i32
      %rem3A_235 = arith.remsi %rem3A_233, %rem3A_234 : i32
      %dma_start3A_236 = arith.constant 0 : i32
      %dma_start3A_237 = arith.constant 0 : i32
      %dma_start3A_238 = tpu.memref_slice %arg16[%rem3A_232, %dma_start3A_236, %dma_start3A_237] : memref<4x2x128xi32, #tpu.memory_space<vmem>> -> memref<1x2x128xi32, #tpu.memory_space<vmem>>
      %dma_start3A_239 = tpu.memref_squeeze %dma_start3A_238 : memref<1x2x128xi32, #tpu.memory_space<vmem>> -> memref<2x128xi32, #tpu.memory_space<vmem>>
      %dma_start3A_240 = arith.constant 0 : i32
      %dma_start3A_241 = arith.constant 0 : i32
      %dma_start3A_242 = tpu.memref_slice %arg8[%add3A_229, %dma_start3A_240, %dma_start3A_241] : memref<6272x2x128xi32, #tpu.memory_space<hbm>> -> memref<1x2x128xi32, #tpu.memory_space<hbm>>
      %dma_start3A_243 = tpu.memref_squeeze %dma_start3A_242 : memref<1x2x128xi32, #tpu.memory_space<hbm>> -> memref<2x128xi32, #tpu.memory_space<hbm>>
      %dma_start3A_244 = tpu.memref_slice %arg21[%rem3A_235] : memref<4x!tpu.dma_semaphore, #tpu.memory_space<semaphore_mem>> -> memref<1x!tpu.dma_semaphore, #tpu.memory_space<semaphore_mem>>
      %dma_start3A_245 = tpu.memref_squeeze %dma_start3A_244 : memref<1x!tpu.dma_semaphore, #tpu.memory_space<semaphore_mem>> -> memref<!tpu.dma_semaphore, #tpu.memory_space<semaphore_mem>>
      %dma_start3A_246 = arith.constant 0 : i32
      %dma_start3A_247 = arith.constant 0 : i32
      %dma_start3A_248 = tpu.memref_slice %arg16[%rem3A_232, %dma_start3A_246, %dma_start3A_247] : memref<4x2x128xi32, #tpu.memory_space<vmem>> -> memref<1x2x128xi32, #tpu.memory_space<vmem>>
      %dma_start3A_249 = tpu.memref_squeeze %dma_start3A_248 : memref<1x2x128xi32, #tpu.memory_space<vmem>> -> memref<2x128xi32, #tpu.memory_space<vmem>>
      %dma_start3A_250 = arith.constant 0 : i32
      %dma_start3A_251 = arith.constant 0 : i32
      %dma_start3A_252 = tpu.memref_slice %arg8[%add3A_229, %dma_start3A_250, %dma_start3A_251] : memref<6272x2x128xi32, #tpu.memory_space<hbm>> -> memref<1x2x128xi32, #tpu.memory_space<hbm>>
      %dma_start3A_253 = tpu.memref_squeeze %dma_start3A_252 : memref<1x2x128xi32, #tpu.memory_space<hbm>> -> memref<2x128xi32, #tpu.memory_space<hbm>>
      tpu.enqueue_dma source(%dma_start3A_253 : memref<2x128xi32, #tpu.memory_space<hbm>>) target(%dma_start3A_249 : memref<2x128xi32, #tpu.memory_space<vmem>>) target_semaphore(%dma_start3A_245 : memref<!tpu.dma_semaphore, #tpu.memory_space<semaphore_mem>>)
      %add3A_254 = arith.constant 2 : i32
      %add3A_255 = arith.addi %mul3A_201, %add3A_254 : i32
      %rem3A_256 = arith.constant 2 : i32
      %rem3A_257 = arith.constant 4 : i32
      %rem3A_258 = arith.remsi %rem3A_256, %rem3A_257 : i32
      %rem3A_259 = arith.constant 2 : i32
      %rem3A_260 = arith.constant 4 : i32
      %rem3A_261 = arith.remsi %rem3A_259, %rem3A_260 : i32
      %dma_start3A_262 = arith.constant 0 : i32
      %dma_start3A_263 = arith.constant 0 : i32
      %dma_start3A_264 = tpu.memref_slice %arg16[%rem3A_258, %dma_start3A_262, %dma_start3A_263] : memref<4x2x128xi32, #tpu.memory_space<vmem>> -> memref<1x2x128xi32, #tpu.memory_space<vmem>>
      %dma_start3A_265 = tpu.memref_squeeze %dma_start3A_264 : memref<1x2x128xi32, #tpu.memory_space<vmem>> -> memref<2x128xi32, #tpu.memory_space<vmem>>
      %dma_start3A_266 = arith.constant 0 : i32
      %dma_start3A_267 = arith.constant 0 : i32
      %dma_start3A_268 = tpu.memref_slice %arg8[%add3A_255, %dma_start3A_266, %dma_start3A_267] : memref<6272x2x128xi32, #tpu.memory_space<hbm>> -> memref<1x2x128xi32, #tpu.memory_space<hbm>>
      %dma_start3A_269 = tpu.memref_squeeze %dma_start3A_268 : memref<1x2x128xi32, #tpu.memory_space<hbm>> -> memref<2x128xi32, #tpu.memory_space<hbm>>
      %dma_start3A_270 = tpu.memref_slice %arg21[%rem3A_261] : memref<4x!tpu.dma_semaphore, #tpu.memory_space<semaphore_mem>> -> memref<1x!tpu.dma_semaphore, #tpu.memory_space<semaphore_mem>>
      %dma_start3A_271 = tpu.memref_squeeze %dma_start3A_270 : memref<1x!tpu.dma_semaphore, #tpu.memory_space<semaphore_mem>> -> memref<!tpu.dma_semaphore, #tpu.memory_space<semaphore_mem>>
      %dma_start3A_272 = arith.constant 0 : i32
      %dma_start3A_273 = arith.constant 0 : i32
      %dma_start3A_274 = tpu.memref_slice %arg16[%rem3A_258, %dma_start3A_272, %dma_start3A_273] : memref<4x2x128xi32, #tpu.memory_space<vmem>> -> memref<1x2x128xi32, #tpu.memory_space<vmem>>
      %dma_start3A_275 = tpu.memref_squeeze %dma_start3A_274 : memref<1x2x128xi32, #tpu.memory_space<vmem>> -> memref<2x128xi32, #tpu.memory_space<vmem>>
      %dma_start3A_276 = arith.constant 0 : i32
      %dma_start3A_277 = arith.constant 0 : i32
      %dma_start3A_278 = tpu.memref_slice %arg8[%add3A_255, %dma_start3A_276, %dma_start3A_277] : memref<6272x2x128xi32, #tpu.memory_space<hbm>> -> memref<1x2x128xi32, #tpu.memory_space<hbm>>
      %dma_start3A_279 = tpu.memref_squeeze %dma_start3A_278 : memref<1x2x128xi32, #tpu.memory_space<hbm>> -> memref<2x128xi32, #tpu.memory_space<hbm>>
      tpu.enqueue_dma source(%dma_start3A_279 : memref<2x128xi32, #tpu.memory_space<hbm>>) target(%dma_start3A_275 : memref<2x128xi32, #tpu.memory_space<vmem>>) target_semaphore(%dma_start3A_271 : memref<!tpu.dma_semaphore, #tpu.memory_space<semaphore_mem>>)
      %rem3A_280 = arith.constant 0 : i32
      %rem3A_281 = arith.constant 4 : i32
      %rem3A_282 = arith.remsi %rem3A_280, %rem3A_281 : i32
      %add3A_283 = arith.constant 0 : i32
      %add3A_284 = arith.addi %mul3A_201, %add3A_283 : i32
      %dma_wait3A_285 = arith.constant 0 : i32
      %dma_wait3A_286 = arith.constant 0 : i32
      %dma_wait3A_287 = tpu.memref_slice %arg16[%rem3A_282, %dma_wait3A_285, %dma_wait3A_286] : memref<4x2x128xi32, #tpu.memory_space<vmem>> -> memref<1x2x128xi32, #tpu.memory_space<vmem>>
      %dma_wait3A_288 = tpu.memref_squeeze %dma_wait3A_287 : memref<1x2x128xi32, #tpu.memory_space<vmem>> -> memref<2x128xi32, #tpu.memory_space<vmem>>
      %dma_wait3A_289 = arith.constant 0 : i32
      %dma_wait3A_290 = arith.constant 0 : i32
      %dma_wait3A_291 = tpu.memref_slice %arg8[%add3A_284, %dma_wait3A_289, %dma_wait3A_290] : memref<6272x2x128xi32, #tpu.memory_space<hbm>> -> memref<1x2x128xi32, #tpu.memory_space<hbm>>
      %dma_wait3A_292 = tpu.memref_squeeze %dma_wait3A_291 : memref<1x2x128xi32, #tpu.memory_space<hbm>> -> memref<2x128xi32, #tpu.memory_space<hbm>>
      %dma_wait3A_293 = tpu.memref_slice %arg21[%rem3A_282] : memref<4x!tpu.dma_semaphore, #tpu.memory_space<semaphore_mem>> -> memref<1x!tpu.dma_semaphore, #tpu.memory_space<semaphore_mem>>
      %dma_wait3A_294 = tpu.memref_squeeze %dma_wait3A_293 : memref<1x!tpu.dma_semaphore, #tpu.memory_space<semaphore_mem>> -> memref<!tpu.dma_semaphore, #tpu.memory_space<semaphore_mem>>
      %dma_wait3A_295 = arith.constant 0 : i32
      %dma_wait3A_296 = arith.constant 0 : i32
      %dma_wait3A_297 = tpu.memref_slice %arg16[%rem3A_282, %dma_wait3A_295, %dma_wait3A_296] : memref<4x2x128xi32, #tpu.memory_space<vmem>> -> memref<1x2x128xi32, #tpu.memory_space<vmem>>
      %dma_wait3A_298 = tpu.memref_squeeze %dma_wait3A_297 : memref<1x2x128xi32, #tpu.memory_space<vmem>> -> memref<2x128xi32, #tpu.memory_space<vmem>>
      %dma_wait3A_299 = arith.constant 0 : i32
      %dma_wait3A_300 = arith.constant 0 : i32
      %dma_wait3A_301 = tpu.memref_slice %arg8[%add3A_284, %dma_wait3A_299, %dma_wait3A_300] : memref<6272x2x128xi32, #tpu.memory_space<hbm>> -> memref<1x2x128xi32, #tpu.memory_space<hbm>>
      %dma_wait3A_302 = tpu.memref_squeeze %dma_wait3A_301 : memref<1x2x128xi32, #tpu.memory_space<hbm>> -> memref<2x128xi32, #tpu.memory_space<hbm>>
      tpu.wait_dma2 semaphore(%dma_wait3A_294 : memref<!tpu.dma_semaphore, #tpu.memory_space<semaphore_mem>>) src(%dma_wait3A_302 : memref<2x128xi32, #tpu.memory_space<hbm>>) dst(%dma_wait3A_298 : memref<2x128xi32, #tpu.memory_space<vmem>>)
      %dma_start3A_303 = arith.constant 0 : i32
      %dma_start3A_304 = arith.constant 0 : i32
      %dma_start3A_305 = arith.constant 0 : i32
      %dma_start3A_306 = tpu.memref_slice %arg17[%rem3A_282, %dma_start3A_304, %dma_start3A_305] : memref<4x128x32xf32, #tpu.memory_space<vmem>> -> memref<1x128x32xf32, #tpu.memory_space<vmem>>
      %dma_start3A_307 = tpu.memref_squeeze %dma_start3A_306 : memref<1x128x32xf32, #tpu.memory_space<vmem>> -> memref<128x32xf32, #tpu.memory_space<vmem>>
      %dma_start3A_308 = arith.constant 0 : i32
      %dma_start3A_309 = tpu.memref_slice %arg16[%rem3A_282, %dma_start3A_303, %dma_start3A_308] : memref<4x2x128xi32, #tpu.memory_space<vmem>> -> memref<1x1x128xi32, #tpu.memory_space<vmem>>
      %dma_start3A_310 = tpu.memref_squeeze %dma_start3A_309 : memref<1x1x128xi32, #tpu.memory_space<vmem>> -> memref<128xi32, #tpu.memory_space<vmem>>
      %dma_start3A_311 = arith.constant 0 : i32
      %dma_start3A_312 = arith.constant 0 : i32
      %dma_start3A_313 = tpu.memref_slice %arg3[%dma_start3A_311, %dma_start3A_312] : memref<50048x32xf32, #tpu.memory_space<hbm>> -> memref<50048x32xf32, #tpu.memory_space<hbm>>
      %dma_start3A_314 = tpu.memref_slice %arg22[%rem3A_282] : memref<4x!tpu.dma_semaphore, #tpu.memory_space<semaphore_mem>> -> memref<1x!tpu.dma_semaphore, #tpu.memory_space<semaphore_mem>>
      %dma_start3A_315 = tpu.memref_squeeze %dma_start3A_314 : memref<1x!tpu.dma_semaphore, #tpu.memory_space<semaphore_mem>> -> memref<!tpu.dma_semaphore, #tpu.memory_space<semaphore_mem>>
      tpu.enqueue_indirect_dma source(%dma_start3A_313 : memref<50048x32xf32, #tpu.memory_space<hbm>>) target(%dma_start3A_307 : memref<128x32xf32, #tpu.memory_space<vmem>>) offsets(%dma_start3A_310 : memref<128xi32, #tpu.memory_space<vmem>>) semaphore(%dma_start3A_315 : memref<!tpu.dma_semaphore, #tpu.memory_space<semaphore_mem>>)
      %rem3A_316 = arith.constant 1 : i32
      %rem3A_317 = arith.constant 4 : i32
      %rem3A_318 = arith.remsi %rem3A_316, %rem3A_317 : i32
      %add3A_319 = arith.constant 1 : i32
      %add3A_320 = arith.addi %mul3A_201, %add3A_319 : i32
      %dma_wait3A_321 = arith.constant 0 : i32
      %dma_wait3A_322 = arith.constant 0 : i32
      %dma_wait3A_323 = tpu.memref_slice %arg16[%rem3A_318, %dma_wait3A_321, %dma_wait3A_322] : memref<4x2x128xi32, #tpu.memory_space<vmem>> -> memref<1x2x128xi32, #tpu.memory_space<vmem>>
      %dma_wait3A_324 = tpu.memref_squeeze %dma_wait3A_323 : memref<1x2x128xi32, #tpu.memory_space<vmem>> -> memref<2x128xi32, #tpu.memory_space<vmem>>
      %dma_wait3A_325 = arith.constant 0 : i32
      %dma_wait3A_326 = arith.constant 0 : i32
      %dma_wait3A_327 = tpu.memref_slice %arg8[%add3A_320, %dma_wait3A_325, %dma_wait3A_326] : memref<6272x2x128xi32, #tpu.memory_space<hbm>> -> memref<1x2x128xi32, #tpu.memory_space<hbm>>
      %dma_wait3A_328 = tpu.memref_squeeze %dma_wait3A_327 : memref<1x2x128xi32, #tpu.memory_space<hbm>> -> memref<2x128xi32, #tpu.memory_space<hbm>>
      %dma_wait3A_329 = tpu.memref_slice %arg21[%rem3A_318] : memref<4x!tpu.dma_semaphore, #tpu.memory_space<semaphore_mem>> -> memref<1x!tpu.dma_semaphore, #tpu.memory_space<semaphore_mem>>
      %dma_wait3A_330 = tpu.memref_squeeze %dma_wait3A_329 : memref<1x!tpu.dma_semaphore, #tpu.memory_space<semaphore_mem>> -> memref<!tpu.dma_semaphore, #tpu.memory_space<semaphore_mem>>
      %dma_wait3A_331 = arith.constant 0 : i32
      %dma_wait3A_332 = arith.constant 0 : i32
      %dma_wait3A_333 = tpu.memref_slice %arg16[%rem3A_318, %dma_wait3A_331, %dma_wait3A_332] : memref<4x2x128xi32, #tpu.memory_space<vmem>> -> memref<1x2x128xi32, #tpu.memory_space<vmem>>
      %dma_wait3A_334 = tpu.memref_squeeze %dma_wait3A_333 : memref<1x2x128xi32, #tpu.memory_space<vmem>> -> memref<2x128xi32, #tpu.memory_space<vmem>>
      %dma_wait3A_335 = arith.constant 0 : i32
      %dma_wait3A_336 = arith.constant 0 : i32
      %dma_wait3A_337 = tpu.memref_slice %arg8[%add3A_320, %dma_wait3A_335, %dma_wait3A_336] : memref<6272x2x128xi32, #tpu.memory_space<hbm>> -> memref<1x2x128xi32, #tpu.memory_space<hbm>>
      %dma_wait3A_338 = tpu.memref_squeeze %dma_wait3A_337 : memref<1x2x128xi32, #tpu.memory_space<hbm>> -> memref<2x128xi32, #tpu.memory_space<hbm>>
      tpu.wait_dma2 semaphore(%dma_wait3A_330 : memref<!tpu.dma_semaphore, #tpu.memory_space<semaphore_mem>>) src(%dma_wait3A_338 : memref<2x128xi32, #tpu.memory_space<hbm>>) dst(%dma_wait3A_334 : memref<2x128xi32, #tpu.memory_space<vmem>>)
      %dma_start3A_339 = arith.constant 0 : i32
      %dma_start3A_340 = arith.constant 0 : i32
      %dma_start3A_341 = arith.constant 0 : i32
      %dma_start3A_342 = tpu.memref_slice %arg17[%rem3A_318, %dma_start3A_340, %dma_start3A_341] : memref<4x128x32xf32, #tpu.memory_space<vmem>> -> memref<1x128x32xf32, #tpu.memory_space<vmem>>
      %dma_start3A_343 = tpu.memref_squeeze %dma_start3A_342 : memref<1x128x32xf32, #tpu.memory_space<vmem>> -> memref<128x32xf32, #tpu.memory_space<vmem>>
      %dma_start3A_344 = arith.constant 0 : i32
      %dma_start3A_345 = tpu.memref_slice %arg16[%rem3A_318, %dma_start3A_339, %dma_start3A_344] : memref<4x2x128xi32, #tpu.memory_space<vmem>> -> memref<1x1x128xi32, #tpu.memory_space<vmem>>
      %dma_start3A_346 = tpu.memref_squeeze %dma_start3A_345 : memref<1x1x128xi32, #tpu.memory_space<vmem>> -> memref<128xi32, #tpu.memory_space<vmem>>
      %dma_start3A_347 = arith.constant 0 : i32
      %dma_start3A_348 = arith.constant 0 : i32
      %dma_start3A_349 = tpu.memref_slice %arg3[%dma_start3A_347, %dma_start3A_348] : memref<50048x32xf32, #tpu.memory_space<hbm>> -> memref<50048x32xf32, #tpu.memory_space<hbm>>
      %dma_start3A_350 = tpu.memref_slice %arg22[%rem3A_318] : memref<4x!tpu.dma_semaphore, #tpu.memory_space<semaphore_mem>> -> memref<1x!tpu.dma_semaphore, #tpu.memory_space<semaphore_mem>>
      %dma_start3A_351 = tpu.memref_squeeze %dma_start3A_350 : memref<1x!tpu.dma_semaphore, #tpu.memory_space<semaphore_mem>> -> memref<!tpu.dma_semaphore, #tpu.memory_space<semaphore_mem>>
      tpu.enqueue_indirect_dma source(%dma_start3A_349 : memref<50048x32xf32, #tpu.memory_space<hbm>>) target(%dma_start3A_343 : memref<128x32xf32, #tpu.memory_space<vmem>>) offsets(%dma_start3A_346 : memref<128xi32, #tpu.memory_space<vmem>>) semaphore(%dma_start3A_351 : memref<!tpu.dma_semaphore, #tpu.memory_space<semaphore_mem>>)
      %scan3A_352 = arith.constant 0 : i32
      %scan3A_353 = arith.constant 0 : i32
      %scan3A_354 = arith.constant 391 : i32
      %scan3A_355 = arith.addi %scan3A_353, %scan3A_354 : i32
      %scan3A_356 = arith.constant 1 : i32
      %scan3A_357 = scf.for %scan3A_576 = %scan3A_353 to %scan3A_355 step %scan3A_356 iter_args(%scan3A_577 = %scan3A_352) -> (i32)  : i32 {
        %ge3A = arith.constant 1 : i32
        %ge3A_578 = arith.cmpi sge, %scan3A_576, %ge3A : i32
        %convert_element_type3A_579 = arith.extui %ge3A_578 : i1 to i32
        %cond3A_580 = arith.constant 0 : i32
        %cond3A_581 = arith.cmpi ne, %convert_element_type3A_579, %cond3A_580 : i32
        scf.if %cond3A_581 {
          %sub3A = arith.constant 1 : i32
          %sub3A_624 = arith.subi %scan3A_576, %sub3A : i32
          %rem3A_625 = arith.constant 4 : i32
          %rem3A_626 = arith.remsi %sub3A_624, %rem3A_625 : i32
          %dma_wait3A_627 = arith.constant 1 : i32
          %dma_wait3A_628 = arith.constant 0 : i32
          %dma_wait3A_629 = arith.constant 0 : i32
          %dma_wait3A_630 = tpu.memref_slice %arg17[%rem3A_626, %dma_wait3A_628, %dma_wait3A_629] : memref<4x128x32xf32, #tpu.memory_space<vmem>> -> memref<1x128x32xf32, #tpu.memory_space<vmem>>
          %dma_wait3A_631 = tpu.memref_squeeze %dma_wait3A_630 : memref<1x128x32xf32, #tpu.memory_space<vmem>> -> memref<128x32xf32, #tpu.memory_space<vmem>>
          %dma_wait3A_632 = arith.constant 0 : i32
          %dma_wait3A_633 = tpu.memref_slice %arg16[%rem3A_626, %dma_wait3A_627, %dma_wait3A_632] : memref<4x2x128xi32, #tpu.memory_space<vmem>> -> memref<1x1x128xi32, #tpu.memory_space<vmem>>
          %dma_wait3A_634 = tpu.memref_squeeze %dma_wait3A_633 : memref<1x1x128xi32, #tpu.memory_space<vmem>> -> memref<128xi32, #tpu.memory_space<vmem>>
          %dma_wait3A_635 = arith.constant 0 : i32
          %dma_wait3A_636 = arith.constant 0 : i32
          %dma_wait3A_637 = tpu.memref_slice %arg20[%dma_wait3A_635, %dma_wait3A_636] : memref<50048x32xf32, #tpu.memory_space<vmem_shared>> -> memref<50048x32xf32, #tpu.memory_space<vmem_shared>>
          %dma_wait3A_638 = tpu.memref_slice %arg23[%rem3A_626] : memref<4x!tpu.dma_semaphore, #tpu.memory_space<semaphore_mem>> -> memref<1x!tpu.dma_semaphore, #tpu.memory_space<semaphore_mem>>
          %dma_wait3A_639 = tpu.memref_squeeze %dma_wait3A_638 : memref<1x!tpu.dma_semaphore, #tpu.memory_space<semaphore_mem>> -> memref<!tpu.dma_semaphore, #tpu.memory_space<semaphore_mem>>
          tpu.wait_indirect_dma semaphore(%dma_wait3A_639 : memref<!tpu.dma_semaphore, #tpu.memory_space<semaphore_mem>>) src(%dma_wait3A_631 : memref<128x32xf32, #tpu.memory_space<vmem>>) dst(%dma_wait3A_637 : memref<50048x32xf32, #tpu.memory_space<vmem_shared>>)
        } else {
        }
        %add3A_582 = arith.constant 3 : i32
        %add3A_583 = arith.addi %scan3A_576, %add3A_582 : i32
        %lt3A = arith.constant 391 : i32
        %lt3A_584 = arith.cmpi slt, %add3A_583, %lt3A : i32
        %convert_element_type3A_585 = arith.extui %lt3A_584 : i1 to i32
        %cond3A_586 = arith.constant 0 : i32
        %cond3A_587 = arith.cmpi ne, %convert_element_type3A_585, %cond3A_586 : i32
        scf.if %cond3A_587 {
          %add3A_624 = arith.constant 3 : i32
          %add3A_625 = arith.addi %scan3A_576, %add3A_624 : i32
          %add3A_626 = arith.addi %mul3A_201, %add3A_625 : i32
          %rem3A_627 = arith.constant 4 : i32
          %rem3A_628 = arith.remsi %add3A_625, %rem3A_627 : i32
          %rem3A_629 = arith.constant 4 : i32
          %rem3A_630 = arith.remsi %add3A_625, %rem3A_629 : i32
          %dma_start3A_631 = arith.constant 0 : i32
          %dma_start3A_632 = arith.constant 0 : i32
          %dma_start3A_633 = tpu.memref_slice %arg16[%rem3A_628, %dma_start3A_631, %dma_start3A_632] : memref<4x2x128xi32, #tpu.memory_space<vmem>> -> memref<1x2x128xi32, #tpu.memory_space<vmem>>
          %dma_start3A_634 = tpu.memref_squeeze %dma_start3A_633 : memref<1x2x128xi32, #tpu.memory_space<vmem>> -> memref<2x128xi32, #tpu.memory_space<vmem>>
          %dma_start3A_635 = arith.constant 0 : i32
          %dma_start3A_636 = arith.constant 0 : i32
          %dma_start3A_637 = tpu.memref_slice %arg8[%add3A_626, %dma_start3A_635, %dma_start3A_636] : memref<6272x2x128xi32, #tpu.memory_space<hbm>> -> memref<1x2x128xi32, #tpu.memory_space<hbm>>
          %dma_start3A_638 = tpu.memref_squeeze %dma_start3A_637 : memref<1x2x128xi32, #tpu.memory_space<hbm>> -> memref<2x128xi32, #tpu.memory_space<hbm>>
          %dma_start3A_639 = tpu.memref_slice %arg21[%rem3A_630] : memref<4x!tpu.dma_semaphore, #tpu.memory_space<semaphore_mem>> -> memref<1x!tpu.dma_semaphore, #tpu.memory_space<semaphore_mem>>
          %dma_start3A_640 = tpu.memref_squeeze %dma_start3A_639 : memref<1x!tpu.dma_semaphore, #tpu.memory_space<semaphore_mem>> -> memref<!tpu.dma_semaphore, #tpu.memory_space<semaphore_mem>>
          %dma_start3A_641 = arith.constant 0 : i32
          %dma_start3A_642 = arith.constant 0 : i32
          %dma_start3A_643 = tpu.memref_slice %arg16[%rem3A_628, %dma_start3A_641, %dma_start3A_642] : memref<4x2x128xi32, #tpu.memory_space<vmem>> -> memref<1x2x128xi32, #tpu.memory_space<vmem>>
          %dma_start3A_644 = tpu.memref_squeeze %dma_start3A_643 : memref<1x2x128xi32, #tpu.memory_space<vmem>> -> memref<2x128xi32, #tpu.memory_space<vmem>>
          %dma_start3A_645 = arith.constant 0 : i32
          %dma_start3A_646 = arith.constant 0 : i32
          %dma_start3A_647 = tpu.memref_slice %arg8[%add3A_626, %dma_start3A_645, %dma_start3A_646] : memref<6272x2x128xi32, #tpu.memory_space<hbm>> -> memref<1x2x128xi32, #tpu.memory_space<hbm>>
          %dma_start3A_648 = tpu.memref_squeeze %dma_start3A_647 : memref<1x2x128xi32, #tpu.memory_space<hbm>> -> memref<2x128xi32, #tpu.memory_space<hbm>>
          tpu.enqueue_dma source(%dma_start3A_648 : memref<2x128xi32, #tpu.memory_space<hbm>>) target(%dma_start3A_644 : memref<2x128xi32, #tpu.memory_space<vmem>>) target_semaphore(%dma_start3A_640 : memref<!tpu.dma_semaphore, #tpu.memory_space<semaphore_mem>>)
        } else {
        }
        %add3A_588 = arith.constant 2 : i32
        %add3A_589 = arith.addi %scan3A_576, %add3A_588 : i32
        %lt3A_590 = arith.constant 391 : i32
        %lt3A_591 = arith.cmpi slt, %add3A_589, %lt3A_590 : i32
        %convert_element_type3A_592 = arith.extui %lt3A_591 : i1 to i32
        %cond3A_593 = arith.constant 0 : i32
        %cond3A_594 = arith.cmpi ne, %convert_element_type3A_592, %cond3A_593 : i32
        scf.if %cond3A_594 {
          %add3A_624 = arith.constant 2 : i32
          %add3A_625 = arith.addi %scan3A_576, %add3A_624 : i32
          %rem3A_626 = arith.constant 4 : i32
          %rem3A_627 = arith.remsi %add3A_625, %rem3A_626 : i32
          %add3A_628 = arith.addi %mul3A_201, %add3A_625 : i32
          %dma_wait3A_629 = arith.constant 0 : i32
          %dma_wait3A_630 = arith.constant 0 : i32
          %dma_wait3A_631 = tpu.memref_slice %arg16[%rem3A_627, %dma_wait3A_629, %dma_wait3A_630] : memref<4x2x128xi32, #tpu.memory_space<vmem>> -> memref<1x2x128xi32, #tpu.memory_space<vmem>>
          %dma_wait3A_632 = tpu.memref_squeeze %dma_wait3A_631 : memref<1x2x128xi32, #tpu.memory_space<vmem>> -> memref<2x128xi32, #tpu.memory_space<vmem>>
          %dma_wait3A_633 = arith.constant 0 : i32
          %dma_wait3A_634 = arith.constant 0 : i32
          %dma_wait3A_635 = tpu.memref_slice %arg8[%add3A_628, %dma_wait3A_633, %dma_wait3A_634] : memref<6272x2x128xi32, #tpu.memory_space<hbm>> -> memref<1x2x128xi32, #tpu.memory_space<hbm>>
          %dma_wait3A_636 = tpu.memref_squeeze %dma_wait3A_635 : memref<1x2x128xi32, #tpu.memory_space<hbm>> -> memref<2x128xi32, #tpu.memory_space<hbm>>
          %dma_wait3A_637 = tpu.memref_slice %arg21[%rem3A_627] : memref<4x!tpu.dma_semaphore, #tpu.memory_space<semaphore_mem>> -> memref<1x!tpu.dma_semaphore, #tpu.memory_space<semaphore_mem>>
          %dma_wait3A_638 = tpu.memref_squeeze %dma_wait3A_637 : memref<1x!tpu.dma_semaphore, #tpu.memory_space<semaphore_mem>> -> memref<!tpu.dma_semaphore, #tpu.memory_space<semaphore_mem>>
          %dma_wait3A_639 = arith.constant 0 : i32
          %dma_wait3A_640 = arith.constant 0 : i32
          %dma_wait3A_641 = tpu.memref_slice %arg16[%rem3A_627, %dma_wait3A_639, %dma_wait3A_640] : memref<4x2x128xi32, #tpu.memory_space<vmem>> -> memref<1x2x128xi32, #tpu.memory_space<vmem>>
          %dma_wait3A_642 = tpu.memref_squeeze %dma_wait3A_641 : memref<1x2x128xi32, #tpu.memory_space<vmem>> -> memref<2x128xi32, #tpu.memory_space<vmem>>
          %dma_wait3A_643 = arith.constant 0 : i32
          %dma_wait3A_644 = arith.constant 0 : i32
          %dma_wait3A_645 = tpu.memref_slice %arg8[%add3A_628, %dma_wait3A_643, %dma_wait3A_644] : memref<6272x2x128xi32, #tpu.memory_space<hbm>> -> memref<1x2x128xi32, #tpu.memory_space<hbm>>
          %dma_wait3A_646 = tpu.memref_squeeze %dma_wait3A_645 : memref<1x2x128xi32, #tpu.memory_space<hbm>> -> memref<2x128xi32, #tpu.memory_space<hbm>>
          tpu.wait_dma2 semaphore(%dma_wait3A_638 : memref<!tpu.dma_semaphore, #tpu.memory_space<semaphore_mem>>) src(%dma_wait3A_646 : memref<2x128xi32, #tpu.memory_space<hbm>>) dst(%dma_wait3A_642 : memref<2x128xi32, #tpu.memory_space<vmem>>)
          %dma_start3A_647 = arith.constant 0 : i32
          %dma_start3A_648 = arith.constant 0 : i32
          %dma_start3A_649 = arith.constant 0 : i32
          %dma_start3A_650 = tpu.memref_slice %arg17[%rem3A_627, %dma_start3A_648, %dma_start3A_649] : memref<4x128x32xf32, #tpu.memory_space<vmem>> -> memref<1x128x32xf32, #tpu.memory_space<vmem>>
          %dma_start3A_651 = tpu.memref_squeeze %dma_start3A_650 : memref<1x128x32xf32, #tpu.memory_space<vmem>> -> memref<128x32xf32, #tpu.memory_space<vmem>>
          %dma_start3A_652 = arith.constant 0 : i32
          %dma_start3A_653 = tpu.memref_slice %arg16[%rem3A_627, %dma_start3A_647, %dma_start3A_652] : memref<4x2x128xi32, #tpu.memory_space<vmem>> -> memref<1x1x128xi32, #tpu.memory_space<vmem>>
          %dma_start3A_654 = tpu.memref_squeeze %dma_start3A_653 : memref<1x1x128xi32, #tpu.memory_space<vmem>> -> memref<128xi32, #tpu.memory_space<vmem>>
          %dma_start3A_655 = arith.constant 0 : i32
          %dma_start3A_656 = arith.constant 0 : i32
          %dma_start3A_657 = tpu.memref_slice %arg3[%dma_start3A_655, %dma_start3A_656] : memref<50048x32xf32, #tpu.memory_space<hbm>> -> memref<50048x32xf32, #tpu.memory_space<hbm>>
          %dma_start3A_658 = tpu.memref_slice %arg22[%rem3A_627] : memref<4x!tpu.dma_semaphore, #tpu.memory_space<semaphore_mem>> -> memref<1x!tpu.dma_semaphore, #tpu.memory_space<semaphore_mem>>
          %dma_start3A_659 = tpu.memref_squeeze %dma_start3A_658 : memref<1x!tpu.dma_semaphore, #tpu.memory_space<semaphore_mem>> -> memref<!tpu.dma_semaphore, #tpu.memory_space<semaphore_mem>>
          tpu.enqueue_indirect_dma source(%dma_start3A_657 : memref<50048x32xf32, #tpu.memory_space<hbm>>) target(%dma_start3A_651 : memref<128x32xf32, #tpu.memory_space<vmem>>) offsets(%dma_start3A_654 : memref<128xi32, #tpu.memory_space<vmem>>) semaphore(%dma_start3A_659 : memref<!tpu.dma_semaphore, #tpu.memory_space<semaphore_mem>>)
        } else {
        }
        %rem3A_595 = arith.constant 4 : i32
        %rem3A_596 = arith.remsi %scan3A_576, %rem3A_595 : i32
        %dma_wait3A_597 = arith.constant 0 : i32
        %dma_wait3A_598 = arith.constant 0 : i32
        %dma_wait3A_599 = arith.constant 0 : i32
        %dma_wait3A_600 = tpu.memref_slice %arg17[%rem3A_596, %dma_wait3A_598, %dma_wait3A_599] : memref<4x128x32xf32, #tpu.memory_space<vmem>> -> memref<1x128x32xf32, #tpu.memory_space<vmem>>
        %dma_wait3A_601 = tpu.memref_squeeze %dma_wait3A_600 : memref<1x128x32xf32, #tpu.memory_space<vmem>> -> memref<128x32xf32, #tpu.memory_space<vmem>>
        %dma_wait3A_602 = arith.constant 0 : i32
        %dma_wait3A_603 = tpu.memref_slice %arg16[%rem3A_596, %dma_wait3A_597, %dma_wait3A_602] : memref<4x2x128xi32, #tpu.memory_space<vmem>> -> memref<1x1x128xi32, #tpu.memory_space<vmem>>
        %dma_wait3A_604 = tpu.memref_squeeze %dma_wait3A_603 : memref<1x1x128xi32, #tpu.memory_space<vmem>> -> memref<128xi32, #tpu.memory_space<vmem>>
        %dma_wait3A_605 = arith.constant 0 : i32
        %dma_wait3A_606 = arith.constant 0 : i32
        %dma_wait3A_607 = tpu.memref_slice %arg3[%dma_wait3A_605, %dma_wait3A_606] : memref<50048x32xf32, #tpu.memory_space<hbm>> -> memref<50048x32xf32, #tpu.memory_space<hbm>>
        %dma_wait3A_608 = tpu.memref_slice %arg22[%rem3A_596] : memref<4x!tpu.dma_semaphore, #tpu.memory_space<semaphore_mem>> -> memref<1x!tpu.dma_semaphore, #tpu.memory_space<semaphore_mem>>
        %dma_wait3A_609 = tpu.memref_squeeze %dma_wait3A_608 : memref<1x!tpu.dma_semaphore, #tpu.memory_space<semaphore_mem>> -> memref<!tpu.dma_semaphore, #tpu.memory_space<semaphore_mem>>
        tpu.wait_indirect_dma semaphore(%dma_wait3A_609 : memref<!tpu.dma_semaphore, #tpu.memory_space<semaphore_mem>>) src(%dma_wait3A_607 : memref<50048x32xf32, #tpu.memory_space<hbm>>) dst(%dma_wait3A_601 : memref<128x32xf32, #tpu.memory_space<vmem>>)
        %dma_start3A_610 = arith.constant 1 : i32
        %dma_start3A_611 = arith.constant 0 : i32
        %dma_start3A_612 = arith.constant 0 : i32
        %dma_start3A_613 = tpu.memref_slice %arg17[%rem3A_596, %dma_start3A_611, %dma_start3A_612] : memref<4x128x32xf32, #tpu.memory_space<vmem>> -> memref<1x128x32xf32, #tpu.memory_space<vmem>>
        %dma_start3A_614 = tpu.memref_squeeze %dma_start3A_613 : memref<1x128x32xf32, #tpu.memory_space<vmem>> -> memref<128x32xf32, #tpu.memory_space<vmem>>
        %dma_start3A_615 = arith.constant 0 : i32
        %dma_start3A_616 = tpu.memref_slice %arg16[%rem3A_596, %dma_start3A_610, %dma_start3A_615] : memref<4x2x128xi32, #tpu.memory_space<vmem>> -> memref<1x1x128xi32, #tpu.memory_space<vmem>>
        %dma_start3A_617 = tpu.memref_squeeze %dma_start3A_616 : memref<1x1x128xi32, #tpu.memory_space<vmem>> -> memref<128xi32, #tpu.memory_space<vmem>>
        %dma_start3A_618 = arith.constant 0 : i32
        %dma_start3A_619 = arith.constant 0 : i32
        %dma_start3A_620 = tpu.memref_slice %arg20[%dma_start3A_618, %dma_start3A_619] : memref<50048x32xf32, #tpu.memory_space<vmem_shared>> -> memref<50048x32xf32, #tpu.memory_space<vmem_shared>>
        %dma_start3A_621 = tpu.memref_slice %arg23[%rem3A_596] : memref<4x!tpu.dma_semaphore, #tpu.memory_space<semaphore_mem>> -> memref<1x!tpu.dma_semaphore, #tpu.memory_space<semaphore_mem>>
        %dma_start3A_622 = tpu.memref_squeeze %dma_start3A_621 : memref<1x!tpu.dma_semaphore, #tpu.memory_space<semaphore_mem>> -> memref<!tpu.dma_semaphore, #tpu.memory_space<semaphore_mem>>
        tpu.enqueue_indirect_dma source(%dma_start3A_614 : memref<128x32xf32, #tpu.memory_space<vmem>>) target(%dma_start3A_620 : memref<50048x32xf32, #tpu.memory_space<vmem_shared>>) offsets(%dma_start3A_617 : memref<128xi32, #tpu.memory_space<vmem>>) semaphore(%dma_start3A_622 : memref<!tpu.dma_semaphore, #tpu.memory_space<semaphore_mem>>) {add = true}
        %scan3A_623 = arith.constant 0 : i32
        scf.yield %scan3A_623 : i32
      }
      %scan3A_358 = arith.constant 391 : i32
      %rem3A_359 = arith.constant 390 : i32
      %rem3A_360 = arith.constant 4 : i32
      %rem3A_361 = arith.remsi %rem3A_359, %rem3A_360 : i32
      %dma_wait3A_362 = arith.constant 1 : i32
      %dma_wait3A_363 = arith.constant 0 : i32
      %dma_wait3A_364 = arith.constant 0 : i32
      %dma_wait3A_365 = tpu.memref_slice %arg17[%rem3A_361, %dma_wait3A_363, %dma_wait3A_364] : memref<4x128x32xf32, #tpu.memory_space<vmem>> -> memref<1x128x32xf32, #tpu.memory_space<vmem>>
      %dma_wait3A_366 = tpu.memref_squeeze %dma_wait3A_365 : memref<1x128x32xf32, #tpu.memory_space<vmem>> -> memref<128x32xf32, #tpu.memory_space<vmem>>
      %dma_wait3A_367 = arith.constant 0 : i32
      %dma_wait3A_368 = tpu.memref_slice %arg16[%rem3A_361, %dma_wait3A_362, %dma_wait3A_367] : memref<4x2x128xi32, #tpu.memory_space<vmem>> -> memref<1x1x128xi32, #tpu.memory_space<vmem>>
      %dma_wait3A_369 = tpu.memref_squeeze %dma_wait3A_368 : memref<1x1x128xi32, #tpu.memory_space<vmem>> -> memref<128xi32, #tpu.memory_space<vmem>>
      %dma_wait3A_370 = arith.constant 0 : i32
      %dma_wait3A_371 = arith.constant 0 : i32
      %dma_wait3A_372 = tpu.memref_slice %arg20[%dma_wait3A_370, %dma_wait3A_371] : memref<50048x32xf32, #tpu.memory_space<vmem_shared>> -> memref<50048x32xf32, #tpu.memory_space<vmem_shared>>
      %dma_wait3A_373 = tpu.memref_slice %arg23[%rem3A_361] : memref<4x!tpu.dma_semaphore, #tpu.memory_space<semaphore_mem>> -> memref<1x!tpu.dma_semaphore, #tpu.memory_space<semaphore_mem>>
      %dma_wait3A_374 = tpu.memref_squeeze %dma_wait3A_373 : memref<1x!tpu.dma_semaphore, #tpu.memory_space<semaphore_mem>> -> memref<!tpu.dma_semaphore, #tpu.memory_space<semaphore_mem>>
      tpu.wait_indirect_dma semaphore(%dma_wait3A_374 : memref<!tpu.dma_semaphore, #tpu.memory_space<semaphore_mem>>) src(%dma_wait3A_366 : memref<128x32xf32, #tpu.memory_space<vmem>>) dst(%dma_wait3A_372 : memref<50048x32xf32, #tpu.memory_space<vmem_shared>>)
      %barrier3A_375 = arith.constant 0 : index
      tpu.barrier barrier_id(%barrier3A_375)
      %scan3A_376 = arith.constant 0 : i32
      %scan3A_377 = arith.constant 0 : i32
      %scan3A_378 = arith.constant 25 : i32
      %scan3A_379 = arith.addi %scan3A_377, %scan3A_378 : i32
      %scan3A_380 = arith.constant 1 : i32
      %scan3A_381 = scf.for %scan3A_576 = %scan3A_377 to %scan3A_379 step %scan3A_380 iter_args(%scan3A_577 = %scan3A_376) -> (i32)  : i32 {
        %mul3A_578 = arith.constant 16 : i32
        %mul3A_579 = arith.muli %scan3A_576, %mul3A_578 : i32
        %add3A_580 = arith.addi %arg1, %mul3A_579 : i32
        %lt3A = arith.constant 391 : i32
        %lt3A_581 = arith.cmpi slt, %add3A_580, %lt3A : i32
        %convert_element_type3A_582 = arith.extui %lt3A_581 : i1 to i32
        %cond3A_583 = arith.constant 0 : i32
        %cond3A_584 = arith.cmpi ne, %convert_element_type3A_582, %cond3A_583 : i32
        scf.if %cond3A_584 {
          %mul3A_586 = arith.constant 128 : i32
          %mul3A_587 = arith.muli %add3A_580, %mul3A_586 : i32
          "tpu.region"() ({
            %run_scoped3A = tpu.sem_alloc : memref<!tpu.dma_semaphore, #tpu.memory_space<semaphore_mem>>
            %dma_start3A_588 = arith.constant 0 : i32
            %dma_start3A_589 = tpu.memref_slice %arg20[%mul3A_587, %dma_start3A_588] : memref<50048x32xf32, #tpu.memory_space<vmem_shared>> -> memref<128x32xf32, #tpu.memory_space<vmem_shared>>
            %dma_start3A_590 = arith.constant 0 : i32
            %dma_start3A_591 = tpu.memref_slice %arg20[%mul3A_587, %dma_start3A_590] : memref<50048x32xf32, #tpu.memory_space<vmem_shared>> -> memref<128x32xf32, #tpu.memory_space<vmem_shared>>
            tpu.enqueue_dma source(%dma_start3A_591 : memref<128x32xf32, #tpu.memory_space<vmem_shared>>) target(%arg18 : memref<128x32xf32, #tpu.memory_space<vmem>>) target_semaphore(%run_scoped3A : memref<!tpu.dma_semaphore, #tpu.memory_space<semaphore_mem>>)
            %dma_wait3A_592 = arith.constant 0 : i32
            %dma_wait3A_593 = tpu.memref_slice %arg20[%mul3A_587, %dma_wait3A_592] : memref<50048x32xf32, #tpu.memory_space<vmem_shared>> -> memref<128x32xf32, #tpu.memory_space<vmem_shared>>
            %dma_wait3A_594 = arith.constant 0 : i32
            %dma_wait3A_595 = tpu.memref_slice %arg20[%mul3A_587, %dma_wait3A_594] : memref<50048x32xf32, #tpu.memory_space<vmem_shared>> -> memref<128x32xf32, #tpu.memory_space<vmem_shared>>
            tpu.wait_dma2 semaphore(%run_scoped3A : memref<!tpu.dma_semaphore, #tpu.memory_space<semaphore_mem>>) src(%dma_wait3A_595 : memref<128x32xf32, #tpu.memory_space<vmem_shared>>) dst(%arg18 : memref<128x32xf32, #tpu.memory_space<vmem>>)
            tpu.yield
          }) : () -> ()
          "tpu.region"() ({
            %run_scoped3A = tpu.sem_alloc : memref<!tpu.dma_semaphore, #tpu.memory_space<semaphore_mem>>
            %dma_start3A_588 = arith.constant 0 : i32
            %dma_start3A_589 = tpu.memref_slice %arg11[%mul3A_587, %dma_start3A_588] : memref<50048x32xf32, #tpu.memory_space<hbm>> -> memref<128x32xf32, #tpu.memory_space<hbm>>
            %dma_start3A_590 = arith.constant 0 : i32
            %dma_start3A_591 = tpu.memref_slice %arg11[%mul3A_587, %dma_start3A_590] : memref<50048x32xf32, #tpu.memory_space<hbm>> -> memref<128x32xf32, #tpu.memory_space<hbm>>
            tpu.enqueue_dma source(%arg18 : memref<128x32xf32, #tpu.memory_space<vmem>>) target(%dma_start3A_591 : memref<128x32xf32, #tpu.memory_space<hbm>>) target_semaphore(%run_scoped3A : memref<!tpu.dma_semaphore, #tpu.memory_space<semaphore_mem>>)
            %dma_wait3A_592 = arith.constant 0 : i32
            %dma_wait3A_593 = tpu.memref_slice %arg11[%mul3A_587, %dma_wait3A_592] : memref<50048x32xf32, #tpu.memory_space<hbm>> -> memref<128x32xf32, #tpu.memory_space<hbm>>
            %dma_wait3A_594 = arith.constant 0 : i32
            %dma_wait3A_595 = tpu.memref_slice %arg11[%mul3A_587, %dma_wait3A_594] : memref<50048x32xf32, #tpu.memory_space<hbm>> -> memref<128x32xf32, #tpu.memory_space<hbm>>
            tpu.wait_dma2 semaphore(%run_scoped3A : memref<!tpu.dma_semaphore, #tpu.memory_space<semaphore_mem>>) src(%arg18 : memref<128x32xf32, #tpu.memory_space<vmem>>) dst(%dma_wait3A_595 : memref<128x32xf32, #tpu.memory_space<hbm>>)
            tpu.yield
          }) : () -> ()
        } else {
        }
        %scan3A_585 = arith.constant 0 : i32
        scf.yield %scan3A_585 : i32
      }
      %scan3A_382 = arith.constant 25 : i32
      %barrier3A_383 = arith.constant 0 : index
      tpu.barrier barrier_id(%barrier3A_383)
      %scan3A_384 = arith.constant 0 : i32
      %scan3A_385 = arith.constant 0 : i32
      %scan3A_386 = arith.constant 25 : i32
      %scan3A_387 = arith.addi %scan3A_385, %scan3A_386 : i32
      %scan3A_388 = arith.constant 1 : i32
      %scan3A_389 = scf.for %scan3A_576 = %scan3A_385 to %scan3A_387 step %scan3A_388 iter_args(%scan3A_577 = %scan3A_384) -> (i32)  : i32 {
        %mul3A_578 = arith.constant 16 : i32
        %mul3A_579 = arith.muli %scan3A_576, %mul3A_578 : i32
        %add3A_580 = arith.addi %arg1, %mul3A_579 : i32
        %lt3A = arith.constant 391 : i32
        %lt3A_581 = arith.cmpi slt, %add3A_580, %lt3A : i32
        %convert_element_type3A_582 = arith.extui %lt3A_581 : i1 to i32
        %cond3A_583 = arith.constant 0 : i32
        %cond3A_584 = arith.cmpi ne, %convert_element_type3A_582, %cond3A_583 : i32
        scf.if %cond3A_584 {
          %mul3A_586 = arith.constant 128 : i32
          %mul3A_587 = arith.muli %add3A_580, %mul3A_586 : i32
          "tpu.region"() ({
            %run_scoped3A = tpu.sem_alloc : memref<!tpu.dma_semaphore, #tpu.memory_space<semaphore_mem>>
            %dma_start3A_588 = arith.constant 0 : i32
            %dma_start3A_589 = tpu.memref_slice %arg20[%mul3A_587, %dma_start3A_588] : memref<50048x32xf32, #tpu.memory_space<vmem_shared>> -> memref<128x32xf32, #tpu.memory_space<vmem_shared>>
            %dma_start3A_590 = arith.constant 0 : i32
            %dma_start3A_591 = tpu.memref_slice %arg20[%mul3A_587, %dma_start3A_590] : memref<50048x32xf32, #tpu.memory_space<vmem_shared>> -> memref<128x32xf32, #tpu.memory_space<vmem_shared>>
            tpu.enqueue_dma source(%arg19 : memref<128x32xf32, #tpu.memory_space<vmem>>) target(%dma_start3A_591 : memref<128x32xf32, #tpu.memory_space<vmem_shared>>) target_semaphore(%run_scoped3A : memref<!tpu.dma_semaphore, #tpu.memory_space<semaphore_mem>>)
            %dma_wait3A_592 = arith.constant 0 : i32
            %dma_wait3A_593 = tpu.memref_slice %arg20[%mul3A_587, %dma_wait3A_592] : memref<50048x32xf32, #tpu.memory_space<vmem_shared>> -> memref<128x32xf32, #tpu.memory_space<vmem_shared>>
            %dma_wait3A_594 = arith.constant 0 : i32
            %dma_wait3A_595 = tpu.memref_slice %arg20[%mul3A_587, %dma_wait3A_594] : memref<50048x32xf32, #tpu.memory_space<vmem_shared>> -> memref<128x32xf32, #tpu.memory_space<vmem_shared>>
            tpu.wait_dma2 semaphore(%run_scoped3A : memref<!tpu.dma_semaphore, #tpu.memory_space<semaphore_mem>>) src(%arg19 : memref<128x32xf32, #tpu.memory_space<vmem>>) dst(%dma_wait3A_595 : memref<128x32xf32, #tpu.memory_space<vmem_shared>>)
            tpu.yield
          }) : () -> ()
        } else {
        }
        %scan3A_585 = arith.constant 0 : i32
        scf.yield %scan3A_585 : i32
      }
      %scan3A_390 = arith.constant 25 : i32
      %barrier3A_391 = arith.constant 0 : index
      tpu.barrier barrier_id(%barrier3A_391)
      %mul3A_392 = arith.constant 391 : i32
      %mul3A_393 = arith.muli %arg1, %mul3A_392 : i32
      %add3A_394 = arith.constant 0 : i32
      %add3A_395 = arith.addi %mul3A_393, %add3A_394 : i32
      %rem3A_396 = arith.constant 0 : i32
      %rem3A_397 = arith.constant 4 : i32
      %rem3A_398 = arith.remsi %rem3A_396, %rem3A_397 : i32
      %rem3A_399 = arith.constant 0 : i32
      %rem3A_400 = arith.constant 4 : i32
      %rem3A_401 = arith.remsi %rem3A_399, %rem3A_400 : i32
      %dma_start3A_402 = arith.constant 0 : i32
      %dma_start3A_403 = arith.constant 0 : i32
      %dma_start3A_404 = tpu.memref_slice %arg16[%rem3A_398, %dma_start3A_402, %dma_start3A_403] : memref<4x2x128xi32, #tpu.memory_space<vmem>> -> memref<1x2x128xi32, #tpu.memory_space<vmem>>
      %dma_start3A_405 = tpu.memref_squeeze %dma_start3A_404 : memref<1x2x128xi32, #tpu.memory_space<vmem>> -> memref<2x128xi32, #tpu.memory_space<vmem>>
      %dma_start3A_406 = arith.constant 0 : i32
      %dma_start3A_407 = arith.constant 0 : i32
      %dma_start3A_408 = tpu.memref_slice %arg8[%add3A_395, %dma_start3A_406, %dma_start3A_407] : memref<6272x2x128xi32, #tpu.memory_space<hbm>> -> memref<1x2x128xi32, #tpu.memory_space<hbm>>
      %dma_start3A_409 = tpu.memref_squeeze %dma_start3A_408 : memref<1x2x128xi32, #tpu.memory_space<hbm>> -> memref<2x128xi32, #tpu.memory_space<hbm>>
      %dma_start3A_410 = tpu.memref_slice %arg21[%rem3A_401] : memref<4x!tpu.dma_semaphore, #tpu.memory_space<semaphore_mem>> -> memref<1x!tpu.dma_semaphore, #tpu.memory_space<semaphore_mem>>
      %dma_start3A_411 = tpu.memref_squeeze %dma_start3A_410 : memref<1x!tpu.dma_semaphore, #tpu.memory_space<semaphore_mem>> -> memref<!tpu.dma_semaphore, #tpu.memory_space<semaphore_mem>>
      %dma_start3A_412 = arith.constant 0 : i32
      %dma_start3A_413 = arith.constant 0 : i32
      %dma_start3A_414 = tpu.memref_slice %arg16[%rem3A_398, %dma_start3A_412, %dma_start3A_413] : memref<4x2x128xi32, #tpu.memory_space<vmem>> -> memref<1x2x128xi32, #tpu.memory_space<vmem>>
      %dma_start3A_415 = tpu.memref_squeeze %dma_start3A_414 : memref<1x2x128xi32, #tpu.memory_space<vmem>> -> memref<2x128xi32, #tpu.memory_space<vmem>>
      %dma_start3A_416 = arith.constant 0 : i32
      %dma_start3A_417 = arith.constant 0 : i32
      %dma_start3A_418 = tpu.memref_slice %arg8[%add3A_395, %dma_start3A_416, %dma_start3A_417] : memref<6272x2x128xi32, #tpu.memory_space<hbm>> -> memref<1x2x128xi32, #tpu.memory_space<hbm>>
      %dma_start3A_419 = tpu.memref_squeeze %dma_start3A_418 : memref<1x2x128xi32, #tpu.memory_space<hbm>> -> memref<2x128xi32, #tpu.memory_space<hbm>>
      tpu.enqueue_dma source(%dma_start3A_419 : memref<2x128xi32, #tpu.memory_space<hbm>>) target(%dma_start3A_415 : memref<2x128xi32, #tpu.memory_space<vmem>>) target_semaphore(%dma_start3A_411 : memref<!tpu.dma_semaphore, #tpu.memory_space<semaphore_mem>>)
      %add3A_420 = arith.constant 1 : i32
      %add3A_421 = arith.addi %mul3A_393, %add3A_420 : i32
      %rem3A_422 = arith.constant 1 : i32
      %rem3A_423 = arith.constant 4 : i32
      %rem3A_424 = arith.remsi %rem3A_422, %rem3A_423 : i32
      %rem3A_425 = arith.constant 1 : i32
      %rem3A_426 = arith.constant 4 : i32
      %rem3A_427 = arith.remsi %rem3A_425, %rem3A_426 : i32
      %dma_start3A_428 = arith.constant 0 : i32
      %dma_start3A_429 = arith.constant 0 : i32
      %dma_start3A_430 = tpu.memref_slice %arg16[%rem3A_424, %dma_start3A_428, %dma_start3A_429] : memref<4x2x128xi32, #tpu.memory_space<vmem>> -> memref<1x2x128xi32, #tpu.memory_space<vmem>>
      %dma_start3A_431 = tpu.memref_squeeze %dma_start3A_430 : memref<1x2x128xi32, #tpu.memory_space<vmem>> -> memref<2x128xi32, #tpu.memory_space<vmem>>
      %dma_start3A_432 = arith.constant 0 : i32
      %dma_start3A_433 = arith.constant 0 : i32
      %dma_start3A_434 = tpu.memref_slice %arg8[%add3A_421, %dma_start3A_432, %dma_start3A_433] : memref<6272x2x128xi32, #tpu.memory_space<hbm>> -> memref<1x2x128xi32, #tpu.memory_space<hbm>>
      %dma_start3A_435 = tpu.memref_squeeze %dma_start3A_434 : memref<1x2x128xi32, #tpu.memory_space<hbm>> -> memref<2x128xi32, #tpu.memory_space<hbm>>
      %dma_start3A_436 = tpu.memref_slice %arg21[%rem3A_427] : memref<4x!tpu.dma_semaphore, #tpu.memory_space<semaphore_mem>> -> memref<1x!tpu.dma_semaphore, #tpu.memory_space<semaphore_mem>>
      %dma_start3A_437 = tpu.memref_squeeze %dma_start3A_436 : memref<1x!tpu.dma_semaphore, #tpu.memory_space<semaphore_mem>> -> memref<!tpu.dma_semaphore, #tpu.memory_space<semaphore_mem>>
      %dma_start3A_438 = arith.constant 0 : i32
      %dma_start3A_439 = arith.constant 0 : i32
      %dma_start3A_440 = tpu.memref_slice %arg16[%rem3A_424, %dma_start3A_438, %dma_start3A_439] : memref<4x2x128xi32, #tpu.memory_space<vmem>> -> memref<1x2x128xi32, #tpu.memory_space<vmem>>
      %dma_start3A_441 = tpu.memref_squeeze %dma_start3A_440 : memref<1x2x128xi32, #tpu.memory_space<vmem>> -> memref<2x128xi32, #tpu.memory_space<vmem>>
      %dma_start3A_442 = arith.constant 0 : i32
      %dma_start3A_443 = arith.constant 0 : i32
      %dma_start3A_444 = tpu.memref_slice %arg8[%add3A_421, %dma_start3A_442, %dma_start3A_443] : memref<6272x2x128xi32, #tpu.memory_space<hbm>> -> memref<1x2x128xi32, #tpu.memory_space<hbm>>
      %dma_start3A_445 = tpu.memref_squeeze %dma_start3A_444 : memref<1x2x128xi32, #tpu.memory_space<hbm>> -> memref<2x128xi32, #tpu.memory_space<hbm>>
      tpu.enqueue_dma source(%dma_start3A_445 : memref<2x128xi32, #tpu.memory_space<hbm>>) target(%dma_start3A_441 : memref<2x128xi32, #tpu.memory_space<vmem>>) target_semaphore(%dma_start3A_437 : memref<!tpu.dma_semaphore, #tpu.memory_space<semaphore_mem>>)
      %add3A_446 = arith.constant 2 : i32
      %add3A_447 = arith.addi %mul3A_393, %add3A_446 : i32
      %rem3A_448 = arith.constant 2 : i32
      %rem3A_449 = arith.constant 4 : i32
      %rem3A_450 = arith.remsi %rem3A_448, %rem3A_449 : i32
      %rem3A_451 = arith.constant 2 : i32
      %rem3A_452 = arith.constant 4 : i32
      %rem3A_453 = arith.remsi %rem3A_451, %rem3A_452 : i32
      %dma_start3A_454 = arith.constant 0 : i32
      %dma_start3A_455 = arith.constant 0 : i32
      %dma_start3A_456 = tpu.memref_slice %arg16[%rem3A_450, %dma_start3A_454, %dma_start3A_455] : memref<4x2x128xi32, #tpu.memory_space<vmem>> -> memref<1x2x128xi32, #tpu.memory_space<vmem>>
      %dma_start3A_457 = tpu.memref_squeeze %dma_start3A_456 : memref<1x2x128xi32, #tpu.memory_space<vmem>> -> memref<2x128xi32, #tpu.memory_space<vmem>>
      %dma_start3A_458 = arith.constant 0 : i32
      %dma_start3A_459 = arith.constant 0 : i32
      %dma_start3A_460 = tpu.memref_slice %arg8[%add3A_447, %dma_start3A_458, %dma_start3A_459] : memref<6272x2x128xi32, #tpu.memory_space<hbm>> -> memref<1x2x128xi32, #tpu.memory_space<hbm>>
      %dma_start3A_461 = tpu.memref_squeeze %dma_start3A_460 : memref<1x2x128xi32, #tpu.memory_space<hbm>> -> memref<2x128xi32, #tpu.memory_space<hbm>>
      %dma_start3A_462 = tpu.memref_slice %arg21[%rem3A_453] : memref<4x!tpu.dma_semaphore, #tpu.memory_space<semaphore_mem>> -> memref<1x!tpu.dma_semaphore, #tpu.memory_space<semaphore_mem>>
      %dma_start3A_463 = tpu.memref_squeeze %dma_start3A_462 : memref<1x!tpu.dma_semaphore, #tpu.memory_space<semaphore_mem>> -> memref<!tpu.dma_semaphore, #tpu.memory_space<semaphore_mem>>
      %dma_start3A_464 = arith.constant 0 : i32
      %dma_start3A_465 = arith.constant 0 : i32
      %dma_start3A_466 = tpu.memref_slice %arg16[%rem3A_450, %dma_start3A_464, %dma_start3A_465] : memref<4x2x128xi32, #tpu.memory_space<vmem>> -> memref<1x2x128xi32, #tpu.memory_space<vmem>>
      %dma_start3A_467 = tpu.memref_squeeze %dma_start3A_466 : memref<1x2x128xi32, #tpu.memory_space<vmem>> -> memref<2x128xi32, #tpu.memory_space<vmem>>
      %dma_start3A_468 = arith.constant 0 : i32
      %dma_start3A_469 = arith.constant 0 : i32
      %dma_start3A_470 = tpu.memref_slice %arg8[%add3A_447, %dma_start3A_468, %dma_start3A_469] : memref<6272x2x128xi32, #tpu.memory_space<hbm>> -> memref<1x2x128xi32, #tpu.memory_space<hbm>>
      %dma_start3A_471 = tpu.memref_squeeze %dma_start3A_470 : memref<1x2x128xi32, #tpu.memory_space<hbm>> -> memref<2x128xi32, #tpu.memory_space<hbm>>
      tpu.enqueue_dma source(%dma_start3A_471 : memref<2x128xi32, #tpu.memory_space<hbm>>) target(%dma_start3A_467 : memref<2x128xi32, #tpu.memory_space<vmem>>) target_semaphore(%dma_start3A_463 : memref<!tpu.dma_semaphore, #tpu.memory_space<semaphore_mem>>)
      %rem3A_472 = arith.constant 0 : i32
      %rem3A_473 = arith.constant 4 : i32
      %rem3A_474 = arith.remsi %rem3A_472, %rem3A_473 : i32
      %add3A_475 = arith.constant 0 : i32
      %add3A_476 = arith.addi %mul3A_393, %add3A_475 : i32
      %dma_wait3A_477 = arith.constant 0 : i32
      %dma_wait3A_478 = arith.constant 0 : i32
      %dma_wait3A_479 = tpu.memref_slice %arg16[%rem3A_474, %dma_wait3A_477, %dma_wait3A_478] : memref<4x2x128xi32, #tpu.memory_space<vmem>> -> memref<1x2x128xi32, #tpu.memory_space<vmem>>
      %dma_wait3A_480 = tpu.memref_squeeze %dma_wait3A_479 : memref<1x2x128xi32, #tpu.memory_space<vmem>> -> memref<2x128xi32, #tpu.memory_space<vmem>>
      %dma_wait3A_481 = arith.constant 0 : i32
      %dma_wait3A_482 = arith.constant 0 : i32
      %dma_wait3A_483 = tpu.memref_slice %arg8[%add3A_476, %dma_wait3A_481, %dma_wait3A_482] : memref<6272x2x128xi32, #tpu.memory_space<hbm>> -> memref<1x2x128xi32, #tpu.memory_space<hbm>>
      %dma_wait3A_484 = tpu.memref_squeeze %dma_wait3A_483 : memref<1x2x128xi32, #tpu.memory_space<hbm>> -> memref<2x128xi32, #tpu.memory_space<hbm>>
      %dma_wait3A_485 = tpu.memref_slice %arg21[%rem3A_474] : memref<4x!tpu.dma_semaphore, #tpu.memory_space<semaphore_mem>> -> memref<1x!tpu.dma_semaphore, #tpu.memory_space<semaphore_mem>>
      %dma_wait3A_486 = tpu.memref_squeeze %dma_wait3A_485 : memref<1x!tpu.dma_semaphore, #tpu.memory_space<semaphore_mem>> -> memref<!tpu.dma_semaphore, #tpu.memory_space<semaphore_mem>>
      %dma_wait3A_487 = arith.constant 0 : i32
      %dma_wait3A_488 = arith.constant 0 : i32
      %dma_wait3A_489 = tpu.memref_slice %arg16[%rem3A_474, %dma_wait3A_487, %dma_wait3A_488] : memref<4x2x128xi32, #tpu.memory_space<vmem>> -> memref<1x2x128xi32, #tpu.memory_space<vmem>>
      %dma_wait3A_490 = tpu.memref_squeeze %dma_wait3A_489 : memref<1x2x128xi32, #tpu.memory_space<vmem>> -> memref<2x128xi32, #tpu.memory_space<vmem>>
      %dma_wait3A_491 = arith.constant 0 : i32
      %dma_wait3A_492 = arith.constant 0 : i32
      %dma_wait3A_493 = tpu.memref_slice %arg8[%add3A_476, %dma_wait3A_491, %dma_wait3A_492] : memref<6272x2x128xi32, #tpu.memory_space<hbm>> -> memref<1x2x128xi32, #tpu.memory_space<hbm>>
      %dma_wait3A_494 = tpu.memref_squeeze %dma_wait3A_493 : memref<1x2x128xi32, #tpu.memory_space<hbm>> -> memref<2x128xi32, #tpu.memory_space<hbm>>
      tpu.wait_dma2 semaphore(%dma_wait3A_486 : memref<!tpu.dma_semaphore, #tpu.memory_space<semaphore_mem>>) src(%dma_wait3A_494 : memref<2x128xi32, #tpu.memory_space<hbm>>) dst(%dma_wait3A_490 : memref<2x128xi32, #tpu.memory_space<vmem>>)
      %dma_start3A_495 = arith.constant 0 : i32
      %dma_start3A_496 = arith.constant 0 : i32
      %dma_start3A_497 = arith.constant 0 : i32
      %dma_start3A_498 = tpu.memref_slice %arg17[%rem3A_474, %dma_start3A_496, %dma_start3A_497] : memref<4x128x32xf32, #tpu.memory_space<vmem>> -> memref<1x128x32xf32, #tpu.memory_space<vmem>>
      %dma_start3A_499 = tpu.memref_squeeze %dma_start3A_498 : memref<1x128x32xf32, #tpu.memory_space<vmem>> -> memref<128x32xf32, #tpu.memory_space<vmem>>
      %dma_start3A_500 = arith.constant 0 : i32
      %dma_start3A_501 = tpu.memref_slice %arg16[%rem3A_474, %dma_start3A_495, %dma_start3A_500] : memref<4x2x128xi32, #tpu.memory_space<vmem>> -> memref<1x1x128xi32, #tpu.memory_space<vmem>>
      %dma_start3A_502 = tpu.memref_squeeze %dma_start3A_501 : memref<1x1x128xi32, #tpu.memory_space<vmem>> -> memref<128xi32, #tpu.memory_space<vmem>>
      %dma_start3A_503 = arith.constant 0 : i32
      %dma_start3A_504 = arith.constant 0 : i32
      %dma_start3A_505 = tpu.memref_slice %arg4[%dma_start3A_503, %dma_start3A_504] : memref<50048x32xf32, #tpu.memory_space<hbm>> -> memref<50048x32xf32, #tpu.memory_space<hbm>>
      %dma_start3A_506 = tpu.memref_slice %arg22[%rem3A_474] : memref<4x!tpu.dma_semaphore, #tpu.memory_space<semaphore_mem>> -> memref<1x!tpu.dma_semaphore, #tpu.memory_space<semaphore_mem>>
      %dma_start3A_507 = tpu.memref_squeeze %dma_start3A_506 : memref<1x!tpu.dma_semaphore, #tpu.memory_space<semaphore_mem>> -> memref<!tpu.dma_semaphore, #tpu.memory_space<semaphore_mem>>
      tpu.enqueue_indirect_dma source(%dma_start3A_505 : memref<50048x32xf32, #tpu.memory_space<hbm>>) target(%dma_start3A_499 : memref<128x32xf32, #tpu.memory_space<vmem>>) offsets(%dma_start3A_502 : memref<128xi32, #tpu.memory_space<vmem>>) semaphore(%dma_start3A_507 : memref<!tpu.dma_semaphore, #tpu.memory_space<semaphore_mem>>)
      %rem3A_508 = arith.constant 1 : i32
      %rem3A_509 = arith.constant 4 : i32
      %rem3A_510 = arith.remsi %rem3A_508, %rem3A_509 : i32
      %add3A_511 = arith.constant 1 : i32
      %add3A_512 = arith.addi %mul3A_393, %add3A_511 : i32
      %dma_wait3A_513 = arith.constant 0 : i32
      %dma_wait3A_514 = arith.constant 0 : i32
      %dma_wait3A_515 = tpu.memref_slice %arg16[%rem3A_510, %dma_wait3A_513, %dma_wait3A_514] : memref<4x2x128xi32, #tpu.memory_space<vmem>> -> memref<1x2x128xi32, #tpu.memory_space<vmem>>
      %dma_wait3A_516 = tpu.memref_squeeze %dma_wait3A_515 : memref<1x2x128xi32, #tpu.memory_space<vmem>> -> memref<2x128xi32, #tpu.memory_space<vmem>>
      %dma_wait3A_517 = arith.constant 0 : i32
      %dma_wait3A_518 = arith.constant 0 : i32
      %dma_wait3A_519 = tpu.memref_slice %arg8[%add3A_512, %dma_wait3A_517, %dma_wait3A_518] : memref<6272x2x128xi32, #tpu.memory_space<hbm>> -> memref<1x2x128xi32, #tpu.memory_space<hbm>>
      %dma_wait3A_520 = tpu.memref_squeeze %dma_wait3A_519 : memref<1x2x128xi32, #tpu.memory_space<hbm>> -> memref<2x128xi32, #tpu.memory_space<hbm>>
      %dma_wait3A_521 = tpu.memref_slice %arg21[%rem3A_510] : memref<4x!tpu.dma_semaphore, #tpu.memory_space<semaphore_mem>> -> memref<1x!tpu.dma_semaphore, #tpu.memory_space<semaphore_mem>>
      %dma_wait3A_522 = tpu.memref_squeeze %dma_wait3A_521 : memref<1x!tpu.dma_semaphore, #tpu.memory_space<semaphore_mem>> -> memref<!tpu.dma_semaphore, #tpu.memory_space<semaphore_mem>>
      %dma_wait3A_523 = arith.constant 0 : i32
      %dma_wait3A_524 = arith.constant 0 : i32
      %dma_wait3A_525 = tpu.memref_slice %arg16[%rem3A_510, %dma_wait3A_523, %dma_wait3A_524] : memref<4x2x128xi32, #tpu.memory_space<vmem>> -> memref<1x2x128xi32, #tpu.memory_space<vmem>>
      %dma_wait3A_526 = tpu.memref_squeeze %dma_wait3A_525 : memref<1x2x128xi32, #tpu.memory_space<vmem>> -> memref<2x128xi32, #tpu.memory_space<vmem>>
      %dma_wait3A_527 = arith.constant 0 : i32
      %dma_wait3A_528 = arith.constant 0 : i32
      %dma_wait3A_529 = tpu.memref_slice %arg8[%add3A_512, %dma_wait3A_527, %dma_wait3A_528] : memref<6272x2x128xi32, #tpu.memory_space<hbm>> -> memref<1x2x128xi32, #tpu.memory_space<hbm>>
      %dma_wait3A_530 = tpu.memref_squeeze %dma_wait3A_529 : memref<1x2x128xi32, #tpu.memory_space<hbm>> -> memref<2x128xi32, #tpu.memory_space<hbm>>
      tpu.wait_dma2 semaphore(%dma_wait3A_522 : memref<!tpu.dma_semaphore, #tpu.memory_space<semaphore_mem>>) src(%dma_wait3A_530 : memref<2x128xi32, #tpu.memory_space<hbm>>) dst(%dma_wait3A_526 : memref<2x128xi32, #tpu.memory_space<vmem>>)
      %dma_start3A_531 = arith.constant 0 : i32
      %dma_start3A_532 = arith.constant 0 : i32
      %dma_start3A_533 = arith.constant 0 : i32
      %dma_start3A_534 = tpu.memref_slice %arg17[%rem3A_510, %dma_start3A_532, %dma_start3A_533] : memref<4x128x32xf32, #tpu.memory_space<vmem>> -> memref<1x128x32xf32, #tpu.memory_space<vmem>>
      %dma_start3A_535 = tpu.memref_squeeze %dma_start3A_534 : memref<1x128x32xf32, #tpu.memory_space<vmem>> -> memref<128x32xf32, #tpu.memory_space<vmem>>
      %dma_start3A_536 = arith.constant 0 : i32
      %dma_start3A_537 = tpu.memref_slice %arg16[%rem3A_510, %dma_start3A_531, %dma_start3A_536] : memref<4x2x128xi32, #tpu.memory_space<vmem>> -> memref<1x1x128xi32, #tpu.memory_space<vmem>>
      %dma_start3A_538 = tpu.memref_squeeze %dma_start3A_537 : memref<1x1x128xi32, #tpu.memory_space<vmem>> -> memref<128xi32, #tpu.memory_space<vmem>>
      %dma_start3A_539 = arith.constant 0 : i32
      %dma_start3A_540 = arith.constant 0 : i32
      %dma_start3A_541 = tpu.memref_slice %arg4[%dma_start3A_539, %dma_start3A_540] : memref<50048x32xf32, #tpu.memory_space<hbm>> -> memref<50048x32xf32, #tpu.memory_space<hbm>>
      %dma_start3A_542 = tpu.memref_slice %arg22[%rem3A_510] : memref<4x!tpu.dma_semaphore, #tpu.memory_space<semaphore_mem>> -> memref<1x!tpu.dma_semaphore, #tpu.memory_space<semaphore_mem>>
      %dma_start3A_543 = tpu.memref_squeeze %dma_start3A_542 : memref<1x!tpu.dma_semaphore, #tpu.memory_space<semaphore_mem>> -> memref<!tpu.dma_semaphore, #tpu.memory_space<semaphore_mem>>
      tpu.enqueue_indirect_dma source(%dma_start3A_541 : memref<50048x32xf32, #tpu.memory_space<hbm>>) target(%dma_start3A_535 : memref<128x32xf32, #tpu.memory_space<vmem>>) offsets(%dma_start3A_538 : memref<128xi32, #tpu.memory_space<vmem>>) semaphore(%dma_start3A_543 : memref<!tpu.dma_semaphore, #tpu.memory_space<semaphore_mem>>)
      %scan3A_544 = arith.constant 0 : i32
      %scan3A_545 = arith.constant 0 : i32
      %scan3A_546 = arith.constant 391 : i32
      %scan3A_547 = arith.addi %scan3A_545, %scan3A_546 : i32
      %scan3A_548 = arith.constant 1 : i32
      %scan3A_549 = scf.for %scan3A_576 = %scan3A_545 to %scan3A_547 step %scan3A_548 iter_args(%scan3A_577 = %scan3A_544) -> (i32)  : i32 {
        %ge3A = arith.constant 1 : i32
        %ge3A_578 = arith.cmpi sge, %scan3A_576, %ge3A : i32
        %convert_element_type3A_579 = arith.extui %ge3A_578 : i1 to i32
        %cond3A_580 = arith.constant 0 : i32
        %cond3A_581 = arith.cmpi ne, %convert_element_type3A_579, %cond3A_580 : i32
        scf.if %cond3A_581 {
          %sub3A = arith.constant 1 : i32
          %sub3A_624 = arith.subi %scan3A_576, %sub3A : i32
          %rem3A_625 = arith.constant 4 : i32
          %rem3A_626 = arith.remsi %sub3A_624, %rem3A_625 : i32
          %dma_wait3A_627 = arith.constant 1 : i32
          %dma_wait3A_628 = arith.constant 0 : i32
          %dma_wait3A_629 = arith.constant 0 : i32
          %dma_wait3A_630 = tpu.memref_slice %arg17[%rem3A_626, %dma_wait3A_628, %dma_wait3A_629] : memref<4x128x32xf32, #tpu.memory_space<vmem>> -> memref<1x128x32xf32, #tpu.memory_space<vmem>>
          %dma_wait3A_631 = tpu.memref_squeeze %dma_wait3A_630 : memref<1x128x32xf32, #tpu.memory_space<vmem>> -> memref<128x32xf32, #tpu.memory_space<vmem>>
          %dma_wait3A_632 = arith.constant 0 : i32
          %dma_wait3A_633 = tpu.memref_slice %arg16[%rem3A_626, %dma_wait3A_627, %dma_wait3A_632] : memref<4x2x128xi32, #tpu.memory_space<vmem>> -> memref<1x1x128xi32, #tpu.memory_space<vmem>>
          %dma_wait3A_634 = tpu.memref_squeeze %dma_wait3A_633 : memref<1x1x128xi32, #tpu.memory_space<vmem>> -> memref<128xi32, #tpu.memory_space<vmem>>
          %dma_wait3A_635 = arith.constant 0 : i32
          %dma_wait3A_636 = arith.constant 0 : i32
          %dma_wait3A_637 = tpu.memref_slice %arg20[%dma_wait3A_635, %dma_wait3A_636] : memref<50048x32xf32, #tpu.memory_space<vmem_shared>> -> memref<50048x32xf32, #tpu.memory_space<vmem_shared>>
          %dma_wait3A_638 = tpu.memref_slice %arg23[%rem3A_626] : memref<4x!tpu.dma_semaphore, #tpu.memory_space<semaphore_mem>> -> memref<1x!tpu.dma_semaphore, #tpu.memory_space<semaphore_mem>>
          %dma_wait3A_639 = tpu.memref_squeeze %dma_wait3A_638 : memref<1x!tpu.dma_semaphore, #tpu.memory_space<semaphore_mem>> -> memref<!tpu.dma_semaphore, #tpu.memory_space<semaphore_mem>>
          tpu.wait_indirect_dma semaphore(%dma_wait3A_639 : memref<!tpu.dma_semaphore, #tpu.memory_space<semaphore_mem>>) src(%dma_wait3A_631 : memref<128x32xf32, #tpu.memory_space<vmem>>) dst(%dma_wait3A_637 : memref<50048x32xf32, #tpu.memory_space<vmem_shared>>)
        } else {
        }
        %add3A_582 = arith.constant 3 : i32
        %add3A_583 = arith.addi %scan3A_576, %add3A_582 : i32
        %lt3A = arith.constant 391 : i32
        %lt3A_584 = arith.cmpi slt, %add3A_583, %lt3A : i32
        %convert_element_type3A_585 = arith.extui %lt3A_584 : i1 to i32
        %cond3A_586 = arith.constant 0 : i32
        %cond3A_587 = arith.cmpi ne, %convert_element_type3A_585, %cond3A_586 : i32
        scf.if %cond3A_587 {
          %add3A_624 = arith.constant 3 : i32
          %add3A_625 = arith.addi %scan3A_576, %add3A_624 : i32
          %add3A_626 = arith.addi %mul3A_393, %add3A_625 : i32
          %rem3A_627 = arith.constant 4 : i32
          %rem3A_628 = arith.remsi %add3A_625, %rem3A_627 : i32
          %rem3A_629 = arith.constant 4 : i32
          %rem3A_630 = arith.remsi %add3A_625, %rem3A_629 : i32
          %dma_start3A_631 = arith.constant 0 : i32
          %dma_start3A_632 = arith.constant 0 : i32
          %dma_start3A_633 = tpu.memref_slice %arg16[%rem3A_628, %dma_start3A_631, %dma_start3A_632] : memref<4x2x128xi32, #tpu.memory_space<vmem>> -> memref<1x2x128xi32, #tpu.memory_space<vmem>>
          %dma_start3A_634 = tpu.memref_squeeze %dma_start3A_633 : memref<1x2x128xi32, #tpu.memory_space<vmem>> -> memref<2x128xi32, #tpu.memory_space<vmem>>
          %dma_start3A_635 = arith.constant 0 : i32
          %dma_start3A_636 = arith.constant 0 : i32
          %dma_start3A_637 = tpu.memref_slice %arg8[%add3A_626, %dma_start3A_635, %dma_start3A_636] : memref<6272x2x128xi32, #tpu.memory_space<hbm>> -> memref<1x2x128xi32, #tpu.memory_space<hbm>>
          %dma_start3A_638 = tpu.memref_squeeze %dma_start3A_637 : memref<1x2x128xi32, #tpu.memory_space<hbm>> -> memref<2x128xi32, #tpu.memory_space<hbm>>
          %dma_start3A_639 = tpu.memref_slice %arg21[%rem3A_630] : memref<4x!tpu.dma_semaphore, #tpu.memory_space<semaphore_mem>> -> memref<1x!tpu.dma_semaphore, #tpu.memory_space<semaphore_mem>>
          %dma_start3A_640 = tpu.memref_squeeze %dma_start3A_639 : memref<1x!tpu.dma_semaphore, #tpu.memory_space<semaphore_mem>> -> memref<!tpu.dma_semaphore, #tpu.memory_space<semaphore_mem>>
          %dma_start3A_641 = arith.constant 0 : i32
          %dma_start3A_642 = arith.constant 0 : i32
          %dma_start3A_643 = tpu.memref_slice %arg16[%rem3A_628, %dma_start3A_641, %dma_start3A_642] : memref<4x2x128xi32, #tpu.memory_space<vmem>> -> memref<1x2x128xi32, #tpu.memory_space<vmem>>
          %dma_start3A_644 = tpu.memref_squeeze %dma_start3A_643 : memref<1x2x128xi32, #tpu.memory_space<vmem>> -> memref<2x128xi32, #tpu.memory_space<vmem>>
          %dma_start3A_645 = arith.constant 0 : i32
          %dma_start3A_646 = arith.constant 0 : i32
          %dma_start3A_647 = tpu.memref_slice %arg8[%add3A_626, %dma_start3A_645, %dma_start3A_646] : memref<6272x2x128xi32, #tpu.memory_space<hbm>> -> memref<1x2x128xi32, #tpu.memory_space<hbm>>
          %dma_start3A_648 = tpu.memref_squeeze %dma_start3A_647 : memref<1x2x128xi32, #tpu.memory_space<hbm>> -> memref<2x128xi32, #tpu.memory_space<hbm>>
          tpu.enqueue_dma source(%dma_start3A_648 : memref<2x128xi32, #tpu.memory_space<hbm>>) target(%dma_start3A_644 : memref<2x128xi32, #tpu.memory_space<vmem>>) target_semaphore(%dma_start3A_640 : memref<!tpu.dma_semaphore, #tpu.memory_space<semaphore_mem>>)
        } else {
        }
        %add3A_588 = arith.constant 2 : i32
        %add3A_589 = arith.addi %scan3A_576, %add3A_588 : i32
        %lt3A_590 = arith.constant 391 : i32
        %lt3A_591 = arith.cmpi slt, %add3A_589, %lt3A_590 : i32
        %convert_element_type3A_592 = arith.extui %lt3A_591 : i1 to i32
        %cond3A_593 = arith.constant 0 : i32
        %cond3A_594 = arith.cmpi ne, %convert_element_type3A_592, %cond3A_593 : i32
        scf.if %cond3A_594 {
          %add3A_624 = arith.constant 2 : i32
          %add3A_625 = arith.addi %scan3A_576, %add3A_624 : i32
          %rem3A_626 = arith.constant 4 : i32
          %rem3A_627 = arith.remsi %add3A_625, %rem3A_626 : i32
          %add3A_628 = arith.addi %mul3A_393, %add3A_625 : i32
          %dma_wait3A_629 = arith.constant 0 : i32
          %dma_wait3A_630 = arith.constant 0 : i32
          %dma_wait3A_631 = tpu.memref_slice %arg16[%rem3A_627, %dma_wait3A_629, %dma_wait3A_630] : memref<4x2x128xi32, #tpu.memory_space<vmem>> -> memref<1x2x128xi32, #tpu.memory_space<vmem>>
          %dma_wait3A_632 = tpu.memref_squeeze %dma_wait3A_631 : memref<1x2x128xi32, #tpu.memory_space<vmem>> -> memref<2x128xi32, #tpu.memory_space<vmem>>
          %dma_wait3A_633 = arith.constant 0 : i32
          %dma_wait3A_634 = arith.constant 0 : i32
          %dma_wait3A_635 = tpu.memref_slice %arg8[%add3A_628, %dma_wait3A_633, %dma_wait3A_634] : memref<6272x2x128xi32, #tpu.memory_space<hbm>> -> memref<1x2x128xi32, #tpu.memory_space<hbm>>
          %dma_wait3A_636 = tpu.memref_squeeze %dma_wait3A_635 : memref<1x2x128xi32, #tpu.memory_space<hbm>> -> memref<2x128xi32, #tpu.memory_space<hbm>>
          %dma_wait3A_637 = tpu.memref_slice %arg21[%rem3A_627] : memref<4x!tpu.dma_semaphore, #tpu.memory_space<semaphore_mem>> -> memref<1x!tpu.dma_semaphore, #tpu.memory_space<semaphore_mem>>
          %dma_wait3A_638 = tpu.memref_squeeze %dma_wait3A_637 : memref<1x!tpu.dma_semaphore, #tpu.memory_space<semaphore_mem>> -> memref<!tpu.dma_semaphore, #tpu.memory_space<semaphore_mem>>
          %dma_wait3A_639 = arith.constant 0 : i32
          %dma_wait3A_640 = arith.constant 0 : i32
          %dma_wait3A_641 = tpu.memref_slice %arg16[%rem3A_627, %dma_wait3A_639, %dma_wait3A_640] : memref<4x2x128xi32, #tpu.memory_space<vmem>> -> memref<1x2x128xi32, #tpu.memory_space<vmem>>
          %dma_wait3A_642 = tpu.memref_squeeze %dma_wait3A_641 : memref<1x2x128xi32, #tpu.memory_space<vmem>> -> memref<2x128xi32, #tpu.memory_space<vmem>>
          %dma_wait3A_643 = arith.constant 0 : i32
          %dma_wait3A_644 = arith.constant 0 : i32
          %dma_wait3A_645 = tpu.memref_slice %arg8[%add3A_628, %dma_wait3A_643, %dma_wait3A_644] : memref<6272x2x128xi32, #tpu.memory_space<hbm>> -> memref<1x2x128xi32, #tpu.memory_space<hbm>>
          %dma_wait3A_646 = tpu.memref_squeeze %dma_wait3A_645 : memref<1x2x128xi32, #tpu.memory_space<hbm>> -> memref<2x128xi32, #tpu.memory_space<hbm>>
          tpu.wait_dma2 semaphore(%dma_wait3A_638 : memref<!tpu.dma_semaphore, #tpu.memory_space<semaphore_mem>>) src(%dma_wait3A_646 : memref<2x128xi32, #tpu.memory_space<hbm>>) dst(%dma_wait3A_642 : memref<2x128xi32, #tpu.memory_space<vmem>>)
          %dma_start3A_647 = arith.constant 0 : i32
          %dma_start3A_648 = arith.constant 0 : i32
          %dma_start3A_649 = arith.constant 0 : i32
          %dma_start3A_650 = tpu.memref_slice %arg17[%rem3A_627, %dma_start3A_648, %dma_start3A_649] : memref<4x128x32xf32, #tpu.memory_space<vmem>> -> memref<1x128x32xf32, #tpu.memory_space<vmem>>
          %dma_start3A_651 = tpu.memref_squeeze %dma_start3A_650 : memref<1x128x32xf32, #tpu.memory_space<vmem>> -> memref<128x32xf32, #tpu.memory_space<vmem>>
          %dma_start3A_652 = arith.constant 0 : i32
          %dma_start3A_653 = tpu.memref_slice %arg16[%rem3A_627, %dma_start3A_647, %dma_start3A_652] : memref<4x2x128xi32, #tpu.memory_space<vmem>> -> memref<1x1x128xi32, #tpu.memory_space<vmem>>
          %dma_start3A_654 = tpu.memref_squeeze %dma_start3A_653 : memref<1x1x128xi32, #tpu.memory_space<vmem>> -> memref<128xi32, #tpu.memory_space<vmem>>
          %dma_start3A_655 = arith.constant 0 : i32
          %dma_start3A_656 = arith.constant 0 : i32
          %dma_start3A_657 = tpu.memref_slice %arg4[%dma_start3A_655, %dma_start3A_656] : memref<50048x32xf32, #tpu.memory_space<hbm>> -> memref<50048x32xf32, #tpu.memory_space<hbm>>
          %dma_start3A_658 = tpu.memref_slice %arg22[%rem3A_627] : memref<4x!tpu.dma_semaphore, #tpu.memory_space<semaphore_mem>> -> memref<1x!tpu.dma_semaphore, #tpu.memory_space<semaphore_mem>>
          %dma_start3A_659 = tpu.memref_squeeze %dma_start3A_658 : memref<1x!tpu.dma_semaphore, #tpu.memory_space<semaphore_mem>> -> memref<!tpu.dma_semaphore, #tpu.memory_space<semaphore_mem>>
          tpu.enqueue_indirect_dma source(%dma_start3A_657 : memref<50048x32xf32, #tpu.memory_space<hbm>>) target(%dma_start3A_651 : memref<128x32xf32, #tpu.memory_space<vmem>>) offsets(%dma_start3A_654 : memref<128xi32, #tpu.memory_space<vmem>>) semaphore(%dma_start3A_659 : memref<!tpu.dma_semaphore, #tpu.memory_space<semaphore_mem>>)
        } else {
        }
        %rem3A_595 = arith.constant 4 : i32
        %rem3A_596 = arith.remsi %scan3A_576, %rem3A_595 : i32
        %dma_wait3A_597 = arith.constant 0 : i32
        %dma_wait3A_598 = arith.constant 0 : i32
        %dma_wait3A_599 = arith.constant 0 : i32
        %dma_wait3A_600 = tpu.memref_slice %arg17[%rem3A_596, %dma_wait3A_598, %dma_wait3A_599] : memref<4x128x32xf32, #tpu.memory_space<vmem>> -> memref<1x128x32xf32, #tpu.memory_space<vmem>>
        %dma_wait3A_601 = tpu.memref_squeeze %dma_wait3A_600 : memref<1x128x32xf32, #tpu.memory_space<vmem>> -> memref<128x32xf32, #tpu.memory_space<vmem>>
        %dma_wait3A_602 = arith.constant 0 : i32
        %dma_wait3A_603 = tpu.memref_slice %arg16[%rem3A_596, %dma_wait3A_597, %dma_wait3A_602] : memref<4x2x128xi32, #tpu.memory_space<vmem>> -> memref<1x1x128xi32, #tpu.memory_space<vmem>>
        %dma_wait3A_604 = tpu.memref_squeeze %dma_wait3A_603 : memref<1x1x128xi32, #tpu.memory_space<vmem>> -> memref<128xi32, #tpu.memory_space<vmem>>
        %dma_wait3A_605 = arith.constant 0 : i32
        %dma_wait3A_606 = arith.constant 0 : i32
        %dma_wait3A_607 = tpu.memref_slice %arg4[%dma_wait3A_605, %dma_wait3A_606] : memref<50048x32xf32, #tpu.memory_space<hbm>> -> memref<50048x32xf32, #tpu.memory_space<hbm>>
        %dma_wait3A_608 = tpu.memref_slice %arg22[%rem3A_596] : memref<4x!tpu.dma_semaphore, #tpu.memory_space<semaphore_mem>> -> memref<1x!tpu.dma_semaphore, #tpu.memory_space<semaphore_mem>>
        %dma_wait3A_609 = tpu.memref_squeeze %dma_wait3A_608 : memref<1x!tpu.dma_semaphore, #tpu.memory_space<semaphore_mem>> -> memref<!tpu.dma_semaphore, #tpu.memory_space<semaphore_mem>>
        tpu.wait_indirect_dma semaphore(%dma_wait3A_609 : memref<!tpu.dma_semaphore, #tpu.memory_space<semaphore_mem>>) src(%dma_wait3A_607 : memref<50048x32xf32, #tpu.memory_space<hbm>>) dst(%dma_wait3A_601 : memref<128x32xf32, #tpu.memory_space<vmem>>)
        %dma_start3A_610 = arith.constant 1 : i32
        %dma_start3A_611 = arith.constant 0 : i32
        %dma_start3A_612 = arith.constant 0 : i32
        %dma_start3A_613 = tpu.memref_slice %arg17[%rem3A_596, %dma_start3A_611, %dma_start3A_612] : memref<4x128x32xf32, #tpu.memory_space<vmem>> -> memref<1x128x32xf32, #tpu.memory_space<vmem>>
        %dma_start3A_614 = tpu.memref_squeeze %dma_start3A_613 : memref<1x128x32xf32, #tpu.memory_space<vmem>> -> memref<128x32xf32, #tpu.memory_space<vmem>>
        %dma_start3A_615 = arith.constant 0 : i32
        %dma_start3A_616 = tpu.memref_slice %arg16[%rem3A_596, %dma_start3A_610, %dma_start3A_615] : memref<4x2x128xi32, #tpu.memory_space<vmem>> -> memref<1x1x128xi32, #tpu.memory_space<vmem>>
        %dma_start3A_617 = tpu.memref_squeeze %dma_start3A_616 : memref<1x1x128xi32, #tpu.memory_space<vmem>> -> memref<128xi32, #tpu.memory_space<vmem>>
        %dma_start3A_618 = arith.constant 0 : i32
        %dma_start3A_619 = arith.constant 0 : i32
        %dma_start3A_620 = tpu.memref_slice %arg20[%dma_start3A_618, %dma_start3A_619] : memref<50048x32xf32, #tpu.memory_space<vmem_shared>> -> memref<50048x32xf32, #tpu.memory_space<vmem_shared>>
        %dma_start3A_621 = tpu.memref_slice %arg23[%rem3A_596] : memref<4x!tpu.dma_semaphore, #tpu.memory_space<semaphore_mem>> -> memref<1x!tpu.dma_semaphore, #tpu.memory_space<semaphore_mem>>
        %dma_start3A_622 = tpu.memref_squeeze %dma_start3A_621 : memref<1x!tpu.dma_semaphore, #tpu.memory_space<semaphore_mem>> -> memref<!tpu.dma_semaphore, #tpu.memory_space<semaphore_mem>>
        tpu.enqueue_indirect_dma source(%dma_start3A_614 : memref<128x32xf32, #tpu.memory_space<vmem>>) target(%dma_start3A_620 : memref<50048x32xf32, #tpu.memory_space<vmem_shared>>) offsets(%dma_start3A_617 : memref<128xi32, #tpu.memory_space<vmem>>) semaphore(%dma_start3A_622 : memref<!tpu.dma_semaphore, #tpu.memory_space<semaphore_mem>>) {add = true}
        %scan3A_623 = arith.constant 0 : i32
        scf.yield %scan3A_623 : i32
      }
      %scan3A_550 = arith.constant 391 : i32
      %rem3A_551 = arith.constant 390 : i32
      %rem3A_552 = arith.constant 4 : i32
      %rem3A_553 = arith.remsi %rem3A_551, %rem3A_552 : i32
      %dma_wait3A_554 = arith.constant 1 : i32
      %dma_wait3A_555 = arith.constant 0 : i32
      %dma_wait3A_556 = arith.constant 0 : i32
      %dma_wait3A_557 = tpu.memref_slice %arg17[%rem3A_553, %dma_wait3A_555, %dma_wait3A_556] : memref<4x128x32xf32, #tpu.memory_space<vmem>> -> memref<1x128x32xf32, #tpu.memory_space<vmem>>
      %dma_wait3A_558 = tpu.memref_squeeze %dma_wait3A_557 : memref<1x128x32xf32, #tpu.memory_space<vmem>> -> memref<128x32xf32, #tpu.memory_space<vmem>>
      %dma_wait3A_559 = arith.constant 0 : i32
      %dma_wait3A_560 = tpu.memref_slice %arg16[%rem3A_553, %dma_wait3A_554, %dma_wait3A_559] : memref<4x2x128xi32, #tpu.memory_space<vmem>> -> memref<1x1x128xi32, #tpu.memory_space<vmem>>
      %dma_wait3A_561 = tpu.memref_squeeze %dma_wait3A_560 : memref<1x1x128xi32, #tpu.memory_space<vmem>> -> memref<128xi32, #tpu.memory_space<vmem>>
      %dma_wait3A_562 = arith.constant 0 : i32
      %dma_wait3A_563 = arith.constant 0 : i32
      %dma_wait3A_564 = tpu.memref_slice %arg20[%dma_wait3A_562, %dma_wait3A_563] : memref<50048x32xf32, #tpu.memory_space<vmem_shared>> -> memref<50048x32xf32, #tpu.memory_space<vmem_shared>>
      %dma_wait3A_565 = tpu.memref_slice %arg23[%rem3A_553] : memref<4x!tpu.dma_semaphore, #tpu.memory_space<semaphore_mem>> -> memref<1x!tpu.dma_semaphore, #tpu.memory_space<semaphore_mem>>
      %dma_wait3A_566 = tpu.memref_squeeze %dma_wait3A_565 : memref<1x!tpu.dma_semaphore, #tpu.memory_space<semaphore_mem>> -> memref<!tpu.dma_semaphore, #tpu.memory_space<semaphore_mem>>
      tpu.wait_indirect_dma semaphore(%dma_wait3A_566 : memref<!tpu.dma_semaphore, #tpu.memory_space<semaphore_mem>>) src(%dma_wait3A_558 : memref<128x32xf32, #tpu.memory_space<vmem>>) dst(%dma_wait3A_564 : memref<50048x32xf32, #tpu.memory_space<vmem_shared>>)
      %barrier3A_567 = arith.constant 0 : index
      tpu.barrier barrier_id(%barrier3A_567)
      %scan3A_568 = arith.constant 0 : i32
      %scan3A_569 = arith.constant 0 : i32
      %scan3A_570 = arith.constant 25 : i32
      %scan3A_571 = arith.addi %scan3A_569, %scan3A_570 : i32
      %scan3A_572 = arith.constant 1 : i32
      %scan3A_573 = scf.for %scan3A_576 = %scan3A_569 to %scan3A_571 step %scan3A_572 iter_args(%scan3A_577 = %scan3A_568) -> (i32)  : i32 {
        %mul3A_578 = arith.constant 16 : i32
        %mul3A_579 = arith.muli %scan3A_576, %mul3A_578 : i32
        %add3A_580 = arith.addi %arg1, %mul3A_579 : i32
        %lt3A = arith.constant 391 : i32
        %lt3A_581 = arith.cmpi slt, %add3A_580, %lt3A : i32
        %convert_element_type3A_582 = arith.extui %lt3A_581 : i1 to i32
        %cond3A_583 = arith.constant 0 : i32
        %cond3A_584 = arith.cmpi ne, %convert_element_type3A_582, %cond3A_583 : i32
        scf.if %cond3A_584 {
          %mul3A_586 = arith.constant 128 : i32
          %mul3A_587 = arith.muli %add3A_580, %mul3A_586 : i32
          "tpu.region"() ({
            %run_scoped3A = tpu.sem_alloc : memref<!tpu.dma_semaphore, #tpu.memory_space<semaphore_mem>>
            %dma_start3A_588 = arith.constant 0 : i32
            %dma_start3A_589 = tpu.memref_slice %arg20[%mul3A_587, %dma_start3A_588] : memref<50048x32xf32, #tpu.memory_space<vmem_shared>> -> memref<128x32xf32, #tpu.memory_space<vmem_shared>>
            %dma_start3A_590 = arith.constant 0 : i32
            %dma_start3A_591 = tpu.memref_slice %arg20[%mul3A_587, %dma_start3A_590] : memref<50048x32xf32, #tpu.memory_space<vmem_shared>> -> memref<128x32xf32, #tpu.memory_space<vmem_shared>>
            tpu.enqueue_dma source(%dma_start3A_591 : memref<128x32xf32, #tpu.memory_space<vmem_shared>>) target(%arg18 : memref<128x32xf32, #tpu.memory_space<vmem>>) target_semaphore(%run_scoped3A : memref<!tpu.dma_semaphore, #tpu.memory_space<semaphore_mem>>)
            %dma_wait3A_592 = arith.constant 0 : i32
            %dma_wait3A_593 = tpu.memref_slice %arg20[%mul3A_587, %dma_wait3A_592] : memref<50048x32xf32, #tpu.memory_space<vmem_shared>> -> memref<128x32xf32, #tpu.memory_space<vmem_shared>>
            %dma_wait3A_594 = arith.constant 0 : i32
            %dma_wait3A_595 = tpu.memref_slice %arg20[%mul3A_587, %dma_wait3A_594] : memref<50048x32xf32, #tpu.memory_space<vmem_shared>> -> memref<128x32xf32, #tpu.memory_space<vmem_shared>>
            tpu.wait_dma2 semaphore(%run_scoped3A : memref<!tpu.dma_semaphore, #tpu.memory_space<semaphore_mem>>) src(%dma_wait3A_595 : memref<128x32xf32, #tpu.memory_space<vmem_shared>>) dst(%arg18 : memref<128x32xf32, #tpu.memory_space<vmem>>)
            tpu.yield
          }) : () -> ()
          "tpu.region"() ({
            %run_scoped3A = tpu.sem_alloc : memref<!tpu.dma_semaphore, #tpu.memory_space<semaphore_mem>>
            %dma_start3A_588 = arith.constant 0 : i32
            %dma_start3A_589 = tpu.memref_slice %arg12[%mul3A_587, %dma_start3A_588] : memref<50048x32xf32, #tpu.memory_space<hbm>> -> memref<128x32xf32, #tpu.memory_space<hbm>>
            %dma_start3A_590 = arith.constant 0 : i32
            %dma_start3A_591 = tpu.memref_slice %arg12[%mul3A_587, %dma_start3A_590] : memref<50048x32xf32, #tpu.memory_space<hbm>> -> memref<128x32xf32, #tpu.memory_space<hbm>>
            tpu.enqueue_dma source(%arg18 : memref<128x32xf32, #tpu.memory_space<vmem>>) target(%dma_start3A_591 : memref<128x32xf32, #tpu.memory_space<hbm>>) target_semaphore(%run_scoped3A : memref<!tpu.dma_semaphore, #tpu.memory_space<semaphore_mem>>)
            %dma_wait3A_592 = arith.constant 0 : i32
            %dma_wait3A_593 = tpu.memref_slice %arg12[%mul3A_587, %dma_wait3A_592] : memref<50048x32xf32, #tpu.memory_space<hbm>> -> memref<128x32xf32, #tpu.memory_space<hbm>>
            %dma_wait3A_594 = arith.constant 0 : i32
            %dma_wait3A_595 = tpu.memref_slice %arg12[%mul3A_587, %dma_wait3A_594] : memref<50048x32xf32, #tpu.memory_space<hbm>> -> memref<128x32xf32, #tpu.memory_space<hbm>>
            tpu.wait_dma2 semaphore(%run_scoped3A : memref<!tpu.dma_semaphore, #tpu.memory_space<semaphore_mem>>) src(%arg18 : memref<128x32xf32, #tpu.memory_space<vmem>>) dst(%dma_wait3A_595 : memref<128x32xf32, #tpu.memory_space<hbm>>)
            tpu.yield
          }) : () -> ()
        } else {
        }
        %scan3A_585 = arith.constant 0 : i32
        scf.yield %scan3A_585 : i32
      }
      %scan3A_574 = arith.constant 25 : i32
      %barrier3A_575 = arith.constant 0 : index
      tpu.barrier barrier_id(%barrier3A_575)
    } else {
    }
    %eq3A_2 = arith.constant 1 : i32
    %eq3A_3 = arith.cmpi eq, %arg0, %eq3A_2 : i32
    %convert_element_type3A_4 = arith.extui %eq3A_3 : i1 to i32
    %cond3A_5 = arith.constant 0 : i32
    %cond3A_6 = arith.cmpi ne, %convert_element_type3A_4, %cond3A_5 : i32
    scf.if %cond3A_6 {
      %scan3A = arith.constant 0 : i32
      %scan3A_7 = arith.constant 0 : i32
      %scan3A_8 = arith.constant 25 : i32
      %scan3A_9 = arith.addi %scan3A_7, %scan3A_8 : i32
      %scan3A_10 = arith.constant 1 : i32
      %scan3A_11 = scf.for %scan3A_576 = %scan3A_7 to %scan3A_9 step %scan3A_10 iter_args(%scan3A_577 = %scan3A) -> (i32)  : i32 {
        %mul3A_578 = arith.constant 16 : i32
        %mul3A_579 = arith.muli %scan3A_576, %mul3A_578 : i32
        %add3A_580 = arith.addi %arg1, %mul3A_579 : i32
        %lt3A = arith.constant 391 : i32
        %lt3A_581 = arith.cmpi slt, %add3A_580, %lt3A : i32
        %convert_element_type3A_582 = arith.extui %lt3A_581 : i1 to i32
        %cond3A_583 = arith.constant 0 : i32
        %cond3A_584 = arith.cmpi ne, %convert_element_type3A_582, %cond3A_583 : i32
        scf.if %cond3A_584 {
          %mul3A_586 = arith.constant 128 : i32
          %mul3A_587 = arith.muli %add3A_580, %mul3A_586 : i32
          "tpu.region"() ({
            %run_scoped3A = tpu.sem_alloc : memref<!tpu.dma_semaphore, #tpu.memory_space<semaphore_mem>>
            %dma_start3A_588 = arith.constant 0 : i32
            %dma_start3A_589 = tpu.memref_slice %arg20[%mul3A_587, %dma_start3A_588] : memref<50048x32xf32, #tpu.memory_space<vmem_shared>> -> memref<128x32xf32, #tpu.memory_space<vmem_shared>>
            %dma_start3A_590 = arith.constant 0 : i32
            %dma_start3A_591 = tpu.memref_slice %arg20[%mul3A_587, %dma_start3A_590] : memref<50048x32xf32, #tpu.memory_space<vmem_shared>> -> memref<128x32xf32, #tpu.memory_space<vmem_shared>>
            tpu.enqueue_dma source(%arg19 : memref<128x32xf32, #tpu.memory_space<vmem>>) target(%dma_start3A_591 : memref<128x32xf32, #tpu.memory_space<vmem_shared>>) target_semaphore(%run_scoped3A : memref<!tpu.dma_semaphore, #tpu.memory_space<semaphore_mem>>)
            %dma_wait3A_592 = arith.constant 0 : i32
            %dma_wait3A_593 = tpu.memref_slice %arg20[%mul3A_587, %dma_wait3A_592] : memref<50048x32xf32, #tpu.memory_space<vmem_shared>> -> memref<128x32xf32, #tpu.memory_space<vmem_shared>>
            %dma_wait3A_594 = arith.constant 0 : i32
            %dma_wait3A_595 = tpu.memref_slice %arg20[%mul3A_587, %dma_wait3A_594] : memref<50048x32xf32, #tpu.memory_space<vmem_shared>> -> memref<128x32xf32, #tpu.memory_space<vmem_shared>>
            tpu.wait_dma2 semaphore(%run_scoped3A : memref<!tpu.dma_semaphore, #tpu.memory_space<semaphore_mem>>) src(%arg19 : memref<128x32xf32, #tpu.memory_space<vmem>>) dst(%dma_wait3A_595 : memref<128x32xf32, #tpu.memory_space<vmem_shared>>)
            tpu.yield
          }) : () -> ()
        } else {
        }
        %scan3A_585 = arith.constant 0 : i32
        scf.yield %scan3A_585 : i32
      }
      %scan3A_12 = arith.constant 25 : i32
      %barrier3A = arith.constant 0 : index
      tpu.barrier barrier_id(%barrier3A)
      %mul3A = arith.constant 391 : i32
      %mul3A_13 = arith.muli %arg1, %mul3A : i32
      %add3A = arith.constant 0 : i32
      %add3A_14 = arith.addi %mul3A_13, %add3A : i32
      %rem3A = arith.constant 0 : i32
      %rem3A_15 = arith.constant 4 : i32
      %rem3A_16 = arith.remsi %rem3A, %rem3A_15 : i32
      %rem3A_17 = arith.constant 0 : i32
      %rem3A_18 = arith.constant 4 : i32
      %rem3A_19 = arith.remsi %rem3A_17, %rem3A_18 : i32
      %dma_start3A = arith.constant 0 : i32
      %dma_start3A_20 = arith.constant 0 : i32
      %dma_start3A_21 = tpu.memref_slice %arg16[%rem3A_16, %dma_start3A, %dma_start3A_20] : memref<4x2x128xi32, #tpu.memory_space<vmem>> -> memref<1x2x128xi32, #tpu.memory_space<vmem>>
      %dma_start3A_22 = tpu.memref_squeeze %dma_start3A_21 : memref<1x2x128xi32, #tpu.memory_space<vmem>> -> memref<2x128xi32, #tpu.memory_space<vmem>>
      %dma_start3A_23 = arith.constant 0 : i32
      %dma_start3A_24 = arith.constant 0 : i32
      %dma_start3A_25 = tpu.memref_slice %arg8[%add3A_14, %dma_start3A_23, %dma_start3A_24] : memref<6272x2x128xi32, #tpu.memory_space<hbm>> -> memref<1x2x128xi32, #tpu.memory_space<hbm>>
      %dma_start3A_26 = tpu.memref_squeeze %dma_start3A_25 : memref<1x2x128xi32, #tpu.memory_space<hbm>> -> memref<2x128xi32, #tpu.memory_space<hbm>>
      %dma_start3A_27 = tpu.memref_slice %arg21[%rem3A_19] : memref<4x!tpu.dma_semaphore, #tpu.memory_space<semaphore_mem>> -> memref<1x!tpu.dma_semaphore, #tpu.memory_space<semaphore_mem>>
      %dma_start3A_28 = tpu.memref_squeeze %dma_start3A_27 : memref<1x!tpu.dma_semaphore, #tpu.memory_space<semaphore_mem>> -> memref<!tpu.dma_semaphore, #tpu.memory_space<semaphore_mem>>
      %dma_start3A_29 = arith.constant 0 : i32
      %dma_start3A_30 = arith.constant 0 : i32
      %dma_start3A_31 = tpu.memref_slice %arg16[%rem3A_16, %dma_start3A_29, %dma_start3A_30] : memref<4x2x128xi32, #tpu.memory_space<vmem>> -> memref<1x2x128xi32, #tpu.memory_space<vmem>>
      %dma_start3A_32 = tpu.memref_squeeze %dma_start3A_31 : memref<1x2x128xi32, #tpu.memory_space<vmem>> -> memref<2x128xi32, #tpu.memory_space<vmem>>
      %dma_start3A_33 = arith.constant 0 : i32
      %dma_start3A_34 = arith.constant 0 : i32
      %dma_start3A_35 = tpu.memref_slice %arg8[%add3A_14, %dma_start3A_33, %dma_start3A_34] : memref<6272x2x128xi32, #tpu.memory_space<hbm>> -> memref<1x2x128xi32, #tpu.memory_space<hbm>>
      %dma_start3A_36 = tpu.memref_squeeze %dma_start3A_35 : memref<1x2x128xi32, #tpu.memory_space<hbm>> -> memref<2x128xi32, #tpu.memory_space<hbm>>
      tpu.enqueue_dma source(%dma_start3A_36 : memref<2x128xi32, #tpu.memory_space<hbm>>) target(%dma_start3A_32 : memref<2x128xi32, #tpu.memory_space<vmem>>) target_semaphore(%dma_start3A_28 : memref<!tpu.dma_semaphore, #tpu.memory_space<semaphore_mem>>)
      %add3A_37 = arith.constant 1 : i32
      %add3A_38 = arith.addi %mul3A_13, %add3A_37 : i32
      %rem3A_39 = arith.constant 1 : i32
      %rem3A_40 = arith.constant 4 : i32
      %rem3A_41 = arith.remsi %rem3A_39, %rem3A_40 : i32
      %rem3A_42 = arith.constant 1 : i32
      %rem3A_43 = arith.constant 4 : i32
      %rem3A_44 = arith.remsi %rem3A_42, %rem3A_43 : i32
      %dma_start3A_45 = arith.constant 0 : i32
      %dma_start3A_46 = arith.constant 0 : i32
      %dma_start3A_47 = tpu.memref_slice %arg16[%rem3A_41, %dma_start3A_45, %dma_start3A_46] : memref<4x2x128xi32, #tpu.memory_space<vmem>> -> memref<1x2x128xi32, #tpu.memory_space<vmem>>
      %dma_start3A_48 = tpu.memref_squeeze %dma_start3A_47 : memref<1x2x128xi32, #tpu.memory_space<vmem>> -> memref<2x128xi32, #tpu.memory_space<vmem>>
      %dma_start3A_49 = arith.constant 0 : i32
      %dma_start3A_50 = arith.constant 0 : i32
      %dma_start3A_51 = tpu.memref_slice %arg8[%add3A_38, %dma_start3A_49, %dma_start3A_50] : memref<6272x2x128xi32, #tpu.memory_space<hbm>> -> memref<1x2x128xi32, #tpu.memory_space<hbm>>
      %dma_start3A_52 = tpu.memref_squeeze %dma_start3A_51 : memref<1x2x128xi32, #tpu.memory_space<hbm>> -> memref<2x128xi32, #tpu.memory_space<hbm>>
      %dma_start3A_53 = tpu.memref_slice %arg21[%rem3A_44] : memref<4x!tpu.dma_semaphore, #tpu.memory_space<semaphore_mem>> -> memref<1x!tpu.dma_semaphore, #tpu.memory_space<semaphore_mem>>
      %dma_start3A_54 = tpu.memref_squeeze %dma_start3A_53 : memref<1x!tpu.dma_semaphore, #tpu.memory_space<semaphore_mem>> -> memref<!tpu.dma_semaphore, #tpu.memory_space<semaphore_mem>>
      %dma_start3A_55 = arith.constant 0 : i32
      %dma_start3A_56 = arith.constant 0 : i32
      %dma_start3A_57 = tpu.memref_slice %arg16[%rem3A_41, %dma_start3A_55, %dma_start3A_56] : memref<4x2x128xi32, #tpu.memory_space<vmem>> -> memref<1x2x128xi32, #tpu.memory_space<vmem>>
      %dma_start3A_58 = tpu.memref_squeeze %dma_start3A_57 : memref<1x2x128xi32, #tpu.memory_space<vmem>> -> memref<2x128xi32, #tpu.memory_space<vmem>>
      %dma_start3A_59 = arith.constant 0 : i32
      %dma_start3A_60 = arith.constant 0 : i32
      %dma_start3A_61 = tpu.memref_slice %arg8[%add3A_38, %dma_start3A_59, %dma_start3A_60] : memref<6272x2x128xi32, #tpu.memory_space<hbm>> -> memref<1x2x128xi32, #tpu.memory_space<hbm>>
      %dma_start3A_62 = tpu.memref_squeeze %dma_start3A_61 : memref<1x2x128xi32, #tpu.memory_space<hbm>> -> memref<2x128xi32, #tpu.memory_space<hbm>>
      tpu.enqueue_dma source(%dma_start3A_62 : memref<2x128xi32, #tpu.memory_space<hbm>>) target(%dma_start3A_58 : memref<2x128xi32, #tpu.memory_space<vmem>>) target_semaphore(%dma_start3A_54 : memref<!tpu.dma_semaphore, #tpu.memory_space<semaphore_mem>>)
      %add3A_63 = arith.constant 2 : i32
      %add3A_64 = arith.addi %mul3A_13, %add3A_63 : i32
      %rem3A_65 = arith.constant 2 : i32
      %rem3A_66 = arith.constant 4 : i32
      %rem3A_67 = arith.remsi %rem3A_65, %rem3A_66 : i32
      %rem3A_68 = arith.constant 2 : i32
      %rem3A_69 = arith.constant 4 : i32
      %rem3A_70 = arith.remsi %rem3A_68, %rem3A_69 : i32
      %dma_start3A_71 = arith.constant 0 : i32
      %dma_start3A_72 = arith.constant 0 : i32
      %dma_start3A_73 = tpu.memref_slice %arg16[%rem3A_67, %dma_start3A_71, %dma_start3A_72] : memref<4x2x128xi32, #tpu.memory_space<vmem>> -> memref<1x2x128xi32, #tpu.memory_space<vmem>>
      %dma_start3A_74 = tpu.memref_squeeze %dma_start3A_73 : memref<1x2x128xi32, #tpu.memory_space<vmem>> -> memref<2x128xi32, #tpu.memory_space<vmem>>
      %dma_start3A_75 = arith.constant 0 : i32
      %dma_start3A_76 = arith.constant 0 : i32
      %dma_start3A_77 = tpu.memref_slice %arg8[%add3A_64, %dma_start3A_75, %dma_start3A_76] : memref<6272x2x128xi32, #tpu.memory_space<hbm>> -> memref<1x2x128xi32, #tpu.memory_space<hbm>>
      %dma_start3A_78 = tpu.memref_squeeze %dma_start3A_77 : memref<1x2x128xi32, #tpu.memory_space<hbm>> -> memref<2x128xi32, #tpu.memory_space<hbm>>
      %dma_start3A_79 = tpu.memref_slice %arg21[%rem3A_70] : memref<4x!tpu.dma_semaphore, #tpu.memory_space<semaphore_mem>> -> memref<1x!tpu.dma_semaphore, #tpu.memory_space<semaphore_mem>>
      %dma_start3A_80 = tpu.memref_squeeze %dma_start3A_79 : memref<1x!tpu.dma_semaphore, #tpu.memory_space<semaphore_mem>> -> memref<!tpu.dma_semaphore, #tpu.memory_space<semaphore_mem>>
      %dma_start3A_81 = arith.constant 0 : i32
      %dma_start3A_82 = arith.constant 0 : i32
      %dma_start3A_83 = tpu.memref_slice %arg16[%rem3A_67, %dma_start3A_81, %dma_start3A_82] : memref<4x2x128xi32, #tpu.memory_space<vmem>> -> memref<1x2x128xi32, #tpu.memory_space<vmem>>
      %dma_start3A_84 = tpu.memref_squeeze %dma_start3A_83 : memref<1x2x128xi32, #tpu.memory_space<vmem>> -> memref<2x128xi32, #tpu.memory_space<vmem>>
      %dma_start3A_85 = arith.constant 0 : i32
      %dma_start3A_86 = arith.constant 0 : i32
      %dma_start3A_87 = tpu.memref_slice %arg8[%add3A_64, %dma_start3A_85, %dma_start3A_86] : memref<6272x2x128xi32, #tpu.memory_space<hbm>> -> memref<1x2x128xi32, #tpu.memory_space<hbm>>
      %dma_start3A_88 = tpu.memref_squeeze %dma_start3A_87 : memref<1x2x128xi32, #tpu.memory_space<hbm>> -> memref<2x128xi32, #tpu.memory_space<hbm>>
      tpu.enqueue_dma source(%dma_start3A_88 : memref<2x128xi32, #tpu.memory_space<hbm>>) target(%dma_start3A_84 : memref<2x128xi32, #tpu.memory_space<vmem>>) target_semaphore(%dma_start3A_80 : memref<!tpu.dma_semaphore, #tpu.memory_space<semaphore_mem>>)
      %rem3A_89 = arith.constant 0 : i32
      %rem3A_90 = arith.constant 4 : i32
      %rem3A_91 = arith.remsi %rem3A_89, %rem3A_90 : i32
      %add3A_92 = arith.constant 0 : i32
      %add3A_93 = arith.addi %mul3A_13, %add3A_92 : i32
      %dma_wait3A = arith.constant 0 : i32
      %dma_wait3A_94 = arith.constant 0 : i32
      %dma_wait3A_95 = tpu.memref_slice %arg16[%rem3A_91, %dma_wait3A, %dma_wait3A_94] : memref<4x2x128xi32, #tpu.memory_space<vmem>> -> memref<1x2x128xi32, #tpu.memory_space<vmem>>
      %dma_wait3A_96 = tpu.memref_squeeze %dma_wait3A_95 : memref<1x2x128xi32, #tpu.memory_space<vmem>> -> memref<2x128xi32, #tpu.memory_space<vmem>>
      %dma_wait3A_97 = arith.constant 0 : i32
      %dma_wait3A_98 = arith.constant 0 : i32
      %dma_wait3A_99 = tpu.memref_slice %arg8[%add3A_93, %dma_wait3A_97, %dma_wait3A_98] : memref<6272x2x128xi32, #tpu.memory_space<hbm>> -> memref<1x2x128xi32, #tpu.memory_space<hbm>>
      %dma_wait3A_100 = tpu.memref_squeeze %dma_wait3A_99 : memref<1x2x128xi32, #tpu.memory_space<hbm>> -> memref<2x128xi32, #tpu.memory_space<hbm>>
      %dma_wait3A_101 = tpu.memref_slice %arg21[%rem3A_91] : memref<4x!tpu.dma_semaphore, #tpu.memory_space<semaphore_mem>> -> memref<1x!tpu.dma_semaphore, #tpu.memory_space<semaphore_mem>>
      %dma_wait3A_102 = tpu.memref_squeeze %dma_wait3A_101 : memref<1x!tpu.dma_semaphore, #tpu.memory_space<semaphore_mem>> -> memref<!tpu.dma_semaphore, #tpu.memory_space<semaphore_mem>>
      %dma_wait3A_103 = arith.constant 0 : i32
      %dma_wait3A_104 = arith.constant 0 : i32
      %dma_wait3A_105 = tpu.memref_slice %arg16[%rem3A_91, %dma_wait3A_103, %dma_wait3A_104] : memref<4x2x128xi32, #tpu.memory_space<vmem>> -> memref<1x2x128xi32, #tpu.memory_space<vmem>>
      %dma_wait3A_106 = tpu.memref_squeeze %dma_wait3A_105 : memref<1x2x128xi32, #tpu.memory_space<vmem>> -> memref<2x128xi32, #tpu.memory_space<vmem>>
      %dma_wait3A_107 = arith.constant 0 : i32
      %dma_wait3A_108 = arith.constant 0 : i32
      %dma_wait3A_109 = tpu.memref_slice %arg8[%add3A_93, %dma_wait3A_107, %dma_wait3A_108] : memref<6272x2x128xi32, #tpu.memory_space<hbm>> -> memref<1x2x128xi32, #tpu.memory_space<hbm>>
      %dma_wait3A_110 = tpu.memref_squeeze %dma_wait3A_109 : memref<1x2x128xi32, #tpu.memory_space<hbm>> -> memref<2x128xi32, #tpu.memory_space<hbm>>
      tpu.wait_dma2 semaphore(%dma_wait3A_102 : memref<!tpu.dma_semaphore, #tpu.memory_space<semaphore_mem>>) src(%dma_wait3A_110 : memref<2x128xi32, #tpu.memory_space<hbm>>) dst(%dma_wait3A_106 : memref<2x128xi32, #tpu.memory_space<vmem>>)
      %dma_start3A_111 = arith.constant 0 : i32
      %dma_start3A_112 = arith.constant 0 : i32
      %dma_start3A_113 = arith.constant 0 : i32
      %dma_start3A_114 = tpu.memref_slice %arg17[%rem3A_91, %dma_start3A_112, %dma_start3A_113] : memref<4x128x32xf32, #tpu.memory_space<vmem>> -> memref<1x128x32xf32, #tpu.memory_space<vmem>>
      %dma_start3A_115 = tpu.memref_squeeze %dma_start3A_114 : memref<1x128x32xf32, #tpu.memory_space<vmem>> -> memref<128x32xf32, #tpu.memory_space<vmem>>
      %dma_start3A_116 = arith.constant 0 : i32
      %dma_start3A_117 = tpu.memref_slice %arg16[%rem3A_91, %dma_start3A_111, %dma_start3A_116] : memref<4x2x128xi32, #tpu.memory_space<vmem>> -> memref<1x1x128xi32, #tpu.memory_space<vmem>>
      %dma_start3A_118 = tpu.memref_squeeze %dma_start3A_117 : memref<1x1x128xi32, #tpu.memory_space<vmem>> -> memref<128xi32, #tpu.memory_space<vmem>>
      %dma_start3A_119 = arith.constant 0 : i32
      %dma_start3A_120 = arith.constant 0 : i32
      %dma_start3A_121 = tpu.memref_slice %arg5[%dma_start3A_119, %dma_start3A_120] : memref<50048x32xf32, #tpu.memory_space<hbm>> -> memref<50048x32xf32, #tpu.memory_space<hbm>>
      %dma_start3A_122 = tpu.memref_slice %arg22[%rem3A_91] : memref<4x!tpu.dma_semaphore, #tpu.memory_space<semaphore_mem>> -> memref<1x!tpu.dma_semaphore, #tpu.memory_space<semaphore_mem>>
      %dma_start3A_123 = tpu.memref_squeeze %dma_start3A_122 : memref<1x!tpu.dma_semaphore, #tpu.memory_space<semaphore_mem>> -> memref<!tpu.dma_semaphore, #tpu.memory_space<semaphore_mem>>
      tpu.enqueue_indirect_dma source(%dma_start3A_121 : memref<50048x32xf32, #tpu.memory_space<hbm>>) target(%dma_start3A_115 : memref<128x32xf32, #tpu.memory_space<vmem>>) offsets(%dma_start3A_118 : memref<128xi32, #tpu.memory_space<vmem>>) semaphore(%dma_start3A_123 : memref<!tpu.dma_semaphore, #tpu.memory_space<semaphore_mem>>)
      %rem3A_124 = arith.constant 1 : i32
      %rem3A_125 = arith.constant 4 : i32
      %rem3A_126 = arith.remsi %rem3A_124, %rem3A_125 : i32
      %add3A_127 = arith.constant 1 : i32
      %add3A_128 = arith.addi %mul3A_13, %add3A_127 : i32
      %dma_wait3A_129 = arith.constant 0 : i32
      %dma_wait3A_130 = arith.constant 0 : i32
      %dma_wait3A_131 = tpu.memref_slice %arg16[%rem3A_126, %dma_wait3A_129, %dma_wait3A_130] : memref<4x2x128xi32, #tpu.memory_space<vmem>> -> memref<1x2x128xi32, #tpu.memory_space<vmem>>
      %dma_wait3A_132 = tpu.memref_squeeze %dma_wait3A_131 : memref<1x2x128xi32, #tpu.memory_space<vmem>> -> memref<2x128xi32, #tpu.memory_space<vmem>>
      %dma_wait3A_133 = arith.constant 0 : i32
      %dma_wait3A_134 = arith.constant 0 : i32
      %dma_wait3A_135 = tpu.memref_slice %arg8[%add3A_128, %dma_wait3A_133, %dma_wait3A_134] : memref<6272x2x128xi32, #tpu.memory_space<hbm>> -> memref<1x2x128xi32, #tpu.memory_space<hbm>>
      %dma_wait3A_136 = tpu.memref_squeeze %dma_wait3A_135 : memref<1x2x128xi32, #tpu.memory_space<hbm>> -> memref<2x128xi32, #tpu.memory_space<hbm>>
      %dma_wait3A_137 = tpu.memref_slice %arg21[%rem3A_126] : memref<4x!tpu.dma_semaphore, #tpu.memory_space<semaphore_mem>> -> memref<1x!tpu.dma_semaphore, #tpu.memory_space<semaphore_mem>>
      %dma_wait3A_138 = tpu.memref_squeeze %dma_wait3A_137 : memref<1x!tpu.dma_semaphore, #tpu.memory_space<semaphore_mem>> -> memref<!tpu.dma_semaphore, #tpu.memory_space<semaphore_mem>>
      %dma_wait3A_139 = arith.constant 0 : i32
      %dma_wait3A_140 = arith.constant 0 : i32
      %dma_wait3A_141 = tpu.memref_slice %arg16[%rem3A_126, %dma_wait3A_139, %dma_wait3A_140] : memref<4x2x128xi32, #tpu.memory_space<vmem>> -> memref<1x2x128xi32, #tpu.memory_space<vmem>>
      %dma_wait3A_142 = tpu.memref_squeeze %dma_wait3A_141 : memref<1x2x128xi32, #tpu.memory_space<vmem>> -> memref<2x128xi32, #tpu.memory_space<vmem>>
      %dma_wait3A_143 = arith.constant 0 : i32
      %dma_wait3A_144 = arith.constant 0 : i32
      %dma_wait3A_145 = tpu.memref_slice %arg8[%add3A_128, %dma_wait3A_143, %dma_wait3A_144] : memref<6272x2x128xi32, #tpu.memory_space<hbm>> -> memref<1x2x128xi32, #tpu.memory_space<hbm>>
      %dma_wait3A_146 = tpu.memref_squeeze %dma_wait3A_145 : memref<1x2x128xi32, #tpu.memory_space<hbm>> -> memref<2x128xi32, #tpu.memory_space<hbm>>
      tpu.wait_dma2 semaphore(%dma_wait3A_138 : memref<!tpu.dma_semaphore, #tpu.memory_space<semaphore_mem>>) src(%dma_wait3A_146 : memref<2x128xi32, #tpu.memory_space<hbm>>) dst(%dma_wait3A_142 : memref<2x128xi32, #tpu.memory_space<vmem>>)
      %dma_start3A_147 = arith.constant 0 : i32
      %dma_start3A_148 = arith.constant 0 : i32
      %dma_start3A_149 = arith.constant 0 : i32
      %dma_start3A_150 = tpu.memref_slice %arg17[%rem3A_126, %dma_start3A_148, %dma_start3A_149] : memref<4x128x32xf32, #tpu.memory_space<vmem>> -> memref<1x128x32xf32, #tpu.memory_space<vmem>>
      %dma_start3A_151 = tpu.memref_squeeze %dma_start3A_150 : memref<1x128x32xf32, #tpu.memory_space<vmem>> -> memref<128x32xf32, #tpu.memory_space<vmem>>
      %dma_start3A_152 = arith.constant 0 : i32
      %dma_start3A_153 = tpu.memref_slice %arg16[%rem3A_126, %dma_start3A_147, %dma_start3A_152] : memref<4x2x128xi32, #tpu.memory_space<vmem>> -> memref<1x1x128xi32, #tpu.memory_space<vmem>>
      %dma_start3A_154 = tpu.memref_squeeze %dma_start3A_153 : memref<1x1x128xi32, #tpu.memory_space<vmem>> -> memref<128xi32, #tpu.memory_space<vmem>>
      %dma_start3A_155 = arith.constant 0 : i32
      %dma_start3A_156 = arith.constant 0 : i32
      %dma_start3A_157 = tpu.memref_slice %arg5[%dma_start3A_155, %dma_start3A_156] : memref<50048x32xf32, #tpu.memory_space<hbm>> -> memref<50048x32xf32, #tpu.memory_space<hbm>>
      %dma_start3A_158 = tpu.memref_slice %arg22[%rem3A_126] : memref<4x!tpu.dma_semaphore, #tpu.memory_space<semaphore_mem>> -> memref<1x!tpu.dma_semaphore, #tpu.memory_space<semaphore_mem>>
      %dma_start3A_159 = tpu.memref_squeeze %dma_start3A_158 : memref<1x!tpu.dma_semaphore, #tpu.memory_space<semaphore_mem>> -> memref<!tpu.dma_semaphore, #tpu.memory_space<semaphore_mem>>
      tpu.enqueue_indirect_dma source(%dma_start3A_157 : memref<50048x32xf32, #tpu.memory_space<hbm>>) target(%dma_start3A_151 : memref<128x32xf32, #tpu.memory_space<vmem>>) offsets(%dma_start3A_154 : memref<128xi32, #tpu.memory_space<vmem>>) semaphore(%dma_start3A_159 : memref<!tpu.dma_semaphore, #tpu.memory_space<semaphore_mem>>)
      %scan3A_160 = arith.constant 0 : i32
      %scan3A_161 = arith.constant 0 : i32
      %scan3A_162 = arith.constant 391 : i32
      %scan3A_163 = arith.addi %scan3A_161, %scan3A_162 : i32
      %scan3A_164 = arith.constant 1 : i32
      %scan3A_165 = scf.for %scan3A_576 = %scan3A_161 to %scan3A_163 step %scan3A_164 iter_args(%scan3A_577 = %scan3A_160) -> (i32)  : i32 {
        %ge3A = arith.constant 1 : i32
        %ge3A_578 = arith.cmpi sge, %scan3A_576, %ge3A : i32
        %convert_element_type3A_579 = arith.extui %ge3A_578 : i1 to i32
        %cond3A_580 = arith.constant 0 : i32
        %cond3A_581 = arith.cmpi ne, %convert_element_type3A_579, %cond3A_580 : i32
        scf.if %cond3A_581 {
          %sub3A = arith.constant 1 : i32
          %sub3A_624 = arith.subi %scan3A_576, %sub3A : i32
          %rem3A_625 = arith.constant 4 : i32
          %rem3A_626 = arith.remsi %sub3A_624, %rem3A_625 : i32
          %dma_wait3A_627 = arith.constant 1 : i32
          %dma_wait3A_628 = arith.constant 0 : i32
          %dma_wait3A_629 = arith.constant 0 : i32
          %dma_wait3A_630 = tpu.memref_slice %arg17[%rem3A_626, %dma_wait3A_628, %dma_wait3A_629] : memref<4x128x32xf32, #tpu.memory_space<vmem>> -> memref<1x128x32xf32, #tpu.memory_space<vmem>>
          %dma_wait3A_631 = tpu.memref_squeeze %dma_wait3A_630 : memref<1x128x32xf32, #tpu.memory_space<vmem>> -> memref<128x32xf32, #tpu.memory_space<vmem>>
          %dma_wait3A_632 = arith.constant 0 : i32
          %dma_wait3A_633 = tpu.memref_slice %arg16[%rem3A_626, %dma_wait3A_627, %dma_wait3A_632] : memref<4x2x128xi32, #tpu.memory_space<vmem>> -> memref<1x1x128xi32, #tpu.memory_space<vmem>>
          %dma_wait3A_634 = tpu.memref_squeeze %dma_wait3A_633 : memref<1x1x128xi32, #tpu.memory_space<vmem>> -> memref<128xi32, #tpu.memory_space<vmem>>
          %dma_wait3A_635 = arith.constant 0 : i32
          %dma_wait3A_636 = arith.constant 0 : i32
          %dma_wait3A_637 = tpu.memref_slice %arg20[%dma_wait3A_635, %dma_wait3A_636] : memref<50048x32xf32, #tpu.memory_space<vmem_shared>> -> memref<50048x32xf32, #tpu.memory_space<vmem_shared>>
          %dma_wait3A_638 = tpu.memref_slice %arg23[%rem3A_626] : memref<4x!tpu.dma_semaphore, #tpu.memory_space<semaphore_mem>> -> memref<1x!tpu.dma_semaphore, #tpu.memory_space<semaphore_mem>>
          %dma_wait3A_639 = tpu.memref_squeeze %dma_wait3A_638 : memref<1x!tpu.dma_semaphore, #tpu.memory_space<semaphore_mem>> -> memref<!tpu.dma_semaphore, #tpu.memory_space<semaphore_mem>>
          tpu.wait_indirect_dma semaphore(%dma_wait3A_639 : memref<!tpu.dma_semaphore, #tpu.memory_space<semaphore_mem>>) src(%dma_wait3A_631 : memref<128x32xf32, #tpu.memory_space<vmem>>) dst(%dma_wait3A_637 : memref<50048x32xf32, #tpu.memory_space<vmem_shared>>)
        } else {
        }
        %add3A_582 = arith.constant 3 : i32
        %add3A_583 = arith.addi %scan3A_576, %add3A_582 : i32
        %lt3A = arith.constant 391 : i32
        %lt3A_584 = arith.cmpi slt, %add3A_583, %lt3A : i32
        %convert_element_type3A_585 = arith.extui %lt3A_584 : i1 to i32
        %cond3A_586 = arith.constant 0 : i32
        %cond3A_587 = arith.cmpi ne, %convert_element_type3A_585, %cond3A_586 : i32
        scf.if %cond3A_587 {
          %add3A_624 = arith.constant 3 : i32
          %add3A_625 = arith.addi %scan3A_576, %add3A_624 : i32
          %add3A_626 = arith.addi %mul3A_13, %add3A_625 : i32
          %rem3A_627 = arith.constant 4 : i32
          %rem3A_628 = arith.remsi %add3A_625, %rem3A_627 : i32
          %rem3A_629 = arith.constant 4 : i32
          %rem3A_630 = arith.remsi %add3A_625, %rem3A_629 : i32
          %dma_start3A_631 = arith.constant 0 : i32
          %dma_start3A_632 = arith.constant 0 : i32
          %dma_start3A_633 = tpu.memref_slice %arg16[%rem3A_628, %dma_start3A_631, %dma_start3A_632] : memref<4x2x128xi32, #tpu.memory_space<vmem>> -> memref<1x2x128xi32, #tpu.memory_space<vmem>>
          %dma_start3A_634 = tpu.memref_squeeze %dma_start3A_633 : memref<1x2x128xi32, #tpu.memory_space<vmem>> -> memref<2x128xi32, #tpu.memory_space<vmem>>
          %dma_start3A_635 = arith.constant 0 : i32
          %dma_start3A_636 = arith.constant 0 : i32
          %dma_start3A_637 = tpu.memref_slice %arg8[%add3A_626, %dma_start3A_635, %dma_start3A_636] : memref<6272x2x128xi32, #tpu.memory_space<hbm>> -> memref<1x2x128xi32, #tpu.memory_space<hbm>>
          %dma_start3A_638 = tpu.memref_squeeze %dma_start3A_637 : memref<1x2x128xi32, #tpu.memory_space<hbm>> -> memref<2x128xi32, #tpu.memory_space<hbm>>
          %dma_start3A_639 = tpu.memref_slice %arg21[%rem3A_630] : memref<4x!tpu.dma_semaphore, #tpu.memory_space<semaphore_mem>> -> memref<1x!tpu.dma_semaphore, #tpu.memory_space<semaphore_mem>>
          %dma_start3A_640 = tpu.memref_squeeze %dma_start3A_639 : memref<1x!tpu.dma_semaphore, #tpu.memory_space<semaphore_mem>> -> memref<!tpu.dma_semaphore, #tpu.memory_space<semaphore_mem>>
          %dma_start3A_641 = arith.constant 0 : i32
          %dma_start3A_642 = arith.constant 0 : i32
          %dma_start3A_643 = tpu.memref_slice %arg16[%rem3A_628, %dma_start3A_641, %dma_start3A_642] : memref<4x2x128xi32, #tpu.memory_space<vmem>> -> memref<1x2x128xi32, #tpu.memory_space<vmem>>
          %dma_start3A_644 = tpu.memref_squeeze %dma_start3A_643 : memref<1x2x128xi32, #tpu.memory_space<vmem>> -> memref<2x128xi32, #tpu.memory_space<vmem>>
          %dma_start3A_645 = arith.constant 0 : i32
          %dma_start3A_646 = arith.constant 0 : i32
          %dma_start3A_647 = tpu.memref_slice %arg8[%add3A_626, %dma_start3A_645, %dma_start3A_646] : memref<6272x2x128xi32, #tpu.memory_space<hbm>> -> memref<1x2x128xi32, #tpu.memory_space<hbm>>
          %dma_start3A_648 = tpu.memref_squeeze %dma_start3A_647 : memref<1x2x128xi32, #tpu.memory_space<hbm>> -> memref<2x128xi32, #tpu.memory_space<hbm>>
          tpu.enqueue_dma source(%dma_start3A_648 : memref<2x128xi32, #tpu.memory_space<hbm>>) target(%dma_start3A_644 : memref<2x128xi32, #tpu.memory_space<vmem>>) target_semaphore(%dma_start3A_640 : memref<!tpu.dma_semaphore, #tpu.memory_space<semaphore_mem>>)
        } else {
        }
        %add3A_588 = arith.constant 2 : i32
        %add3A_589 = arith.addi %scan3A_576, %add3A_588 : i32
        %lt3A_590 = arith.constant 391 : i32
        %lt3A_591 = arith.cmpi slt, %add3A_589, %lt3A_590 : i32
        %convert_element_type3A_592 = arith.extui %lt3A_591 : i1 to i32
        %cond3A_593 = arith.constant 0 : i32
        %cond3A_594 = arith.cmpi ne, %convert_element_type3A_592, %cond3A_593 : i32
        scf.if %cond3A_594 {
          %add3A_624 = arith.constant 2 : i32
          %add3A_625 = arith.addi %scan3A_576, %add3A_624 : i32
          %rem3A_626 = arith.constant 4 : i32
          %rem3A_627 = arith.remsi %add3A_625, %rem3A_626 : i32
          %add3A_628 = arith.addi %mul3A_13, %add3A_625 : i32
          %dma_wait3A_629 = arith.constant 0 : i32
          %dma_wait3A_630 = arith.constant 0 : i32
          %dma_wait3A_631 = tpu.memref_slice %arg16[%rem3A_627, %dma_wait3A_629, %dma_wait3A_630] : memref<4x2x128xi32, #tpu.memory_space<vmem>> -> memref<1x2x128xi32, #tpu.memory_space<vmem>>
          %dma_wait3A_632 = tpu.memref_squeeze %dma_wait3A_631 : memref<1x2x128xi32, #tpu.memory_space<vmem>> -> memref<2x128xi32, #tpu.memory_space<vmem>>
          %dma_wait3A_633 = arith.constant 0 : i32
          %dma_wait3A_634 = arith.constant 0 : i32
          %dma_wait3A_635 = tpu.memref_slice %arg8[%add3A_628, %dma_wait3A_633, %dma_wait3A_634] : memref<6272x2x128xi32, #tpu.memory_space<hbm>> -> memref<1x2x128xi32, #tpu.memory_space<hbm>>
          %dma_wait3A_636 = tpu.memref_squeeze %dma_wait3A_635 : memref<1x2x128xi32, #tpu.memory_space<hbm>> -> memref<2x128xi32, #tpu.memory_space<hbm>>
          %dma_wait3A_637 = tpu.memref_slice %arg21[%rem3A_627] : memref<4x!tpu.dma_semaphore, #tpu.memory_space<semaphore_mem>> -> memref<1x!tpu.dma_semaphore, #tpu.memory_space<semaphore_mem>>
          %dma_wait3A_638 = tpu.memref_squeeze %dma_wait3A_637 : memref<1x!tpu.dma_semaphore, #tpu.memory_space<semaphore_mem>> -> memref<!tpu.dma_semaphore, #tpu.memory_space<semaphore_mem>>
          %dma_wait3A_639 = arith.constant 0 : i32
          %dma_wait3A_640 = arith.constant 0 : i32
          %dma_wait3A_641 = tpu.memref_slice %arg16[%rem3A_627, %dma_wait3A_639, %dma_wait3A_640] : memref<4x2x128xi32, #tpu.memory_space<vmem>> -> memref<1x2x128xi32, #tpu.memory_space<vmem>>
          %dma_wait3A_642 = tpu.memref_squeeze %dma_wait3A_641 : memref<1x2x128xi32, #tpu.memory_space<vmem>> -> memref<2x128xi32, #tpu.memory_space<vmem>>
          %dma_wait3A_643 = arith.constant 0 : i32
          %dma_wait3A_644 = arith.constant 0 : i32
          %dma_wait3A_645 = tpu.memref_slice %arg8[%add3A_628, %dma_wait3A_643, %dma_wait3A_644] : memref<6272x2x128xi32, #tpu.memory_space<hbm>> -> memref<1x2x128xi32, #tpu.memory_space<hbm>>
          %dma_wait3A_646 = tpu.memref_squeeze %dma_wait3A_645 : memref<1x2x128xi32, #tpu.memory_space<hbm>> -> memref<2x128xi32, #tpu.memory_space<hbm>>
          tpu.wait_dma2 semaphore(%dma_wait3A_638 : memref<!tpu.dma_semaphore, #tpu.memory_space<semaphore_mem>>) src(%dma_wait3A_646 : memref<2x128xi32, #tpu.memory_space<hbm>>) dst(%dma_wait3A_642 : memref<2x128xi32, #tpu.memory_space<vmem>>)
          %dma_start3A_647 = arith.constant 0 : i32
          %dma_start3A_648 = arith.constant 0 : i32
          %dma_start3A_649 = arith.constant 0 : i32
          %dma_start3A_650 = tpu.memref_slice %arg17[%rem3A_627, %dma_start3A_648, %dma_start3A_649] : memref<4x128x32xf32, #tpu.memory_space<vmem>> -> memref<1x128x32xf32, #tpu.memory_space<vmem>>
          %dma_start3A_651 = tpu.memref_squeeze %dma_start3A_650 : memref<1x128x32xf32, #tpu.memory_space<vmem>> -> memref<128x32xf32, #tpu.memory_space<vmem>>
          %dma_start3A_652 = arith.constant 0 : i32
          %dma_start3A_653 = tpu.memref_slice %arg16[%rem3A_627, %dma_start3A_647, %dma_start3A_652] : memref<4x2x128xi32, #tpu.memory_space<vmem>> -> memref<1x1x128xi32, #tpu.memory_space<vmem>>
          %dma_start3A_654 = tpu.memref_squeeze %dma_start3A_653 : memref<1x1x128xi32, #tpu.memory_space<vmem>> -> memref<128xi32, #tpu.memory_space<vmem>>
          %dma_start3A_655 = arith.constant 0 : i32
          %dma_start3A_656 = arith.constant 0 : i32
          %dma_start3A_657 = tpu.memref_slice %arg5[%dma_start3A_655, %dma_start3A_656] : memref<50048x32xf32, #tpu.memory_space<hbm>> -> memref<50048x32xf32, #tpu.memory_space<hbm>>
          %dma_start3A_658 = tpu.memref_slice %arg22[%rem3A_627] : memref<4x!tpu.dma_semaphore, #tpu.memory_space<semaphore_mem>> -> memref<1x!tpu.dma_semaphore, #tpu.memory_space<semaphore_mem>>
          %dma_start3A_659 = tpu.memref_squeeze %dma_start3A_658 : memref<1x!tpu.dma_semaphore, #tpu.memory_space<semaphore_mem>> -> memref<!tpu.dma_semaphore, #tpu.memory_space<semaphore_mem>>
          tpu.enqueue_indirect_dma source(%dma_start3A_657 : memref<50048x32xf32, #tpu.memory_space<hbm>>) target(%dma_start3A_651 : memref<128x32xf32, #tpu.memory_space<vmem>>) offsets(%dma_start3A_654 : memref<128xi32, #tpu.memory_space<vmem>>) semaphore(%dma_start3A_659 : memref<!tpu.dma_semaphore, #tpu.memory_space<semaphore_mem>>)
        } else {
        }
        %rem3A_595 = arith.constant 4 : i32
        %rem3A_596 = arith.remsi %scan3A_576, %rem3A_595 : i32
        %dma_wait3A_597 = arith.constant 0 : i32
        %dma_wait3A_598 = arith.constant 0 : i32
        %dma_wait3A_599 = arith.constant 0 : i32
        %dma_wait3A_600 = tpu.memref_slice %arg17[%rem3A_596, %dma_wait3A_598, %dma_wait3A_599] : memref<4x128x32xf32, #tpu.memory_space<vmem>> -> memref<1x128x32xf32, #tpu.memory_space<vmem>>
        %dma_wait3A_601 = tpu.memref_squeeze %dma_wait3A_600 : memref<1x128x32xf32, #tpu.memory_space<vmem>> -> memref<128x32xf32, #tpu.memory_space<vmem>>
        %dma_wait3A_602 = arith.constant 0 : i32
        %dma_wait3A_603 = tpu.memref_slice %arg16[%rem3A_596, %dma_wait3A_597, %dma_wait3A_602] : memref<4x2x128xi32, #tpu.memory_space<vmem>> -> memref<1x1x128xi32, #tpu.memory_space<vmem>>
        %dma_wait3A_604 = tpu.memref_squeeze %dma_wait3A_603 : memref<1x1x128xi32, #tpu.memory_space<vmem>> -> memref<128xi32, #tpu.memory_space<vmem>>
        %dma_wait3A_605 = arith.constant 0 : i32
        %dma_wait3A_606 = arith.constant 0 : i32
        %dma_wait3A_607 = tpu.memref_slice %arg5[%dma_wait3A_605, %dma_wait3A_606] : memref<50048x32xf32, #tpu.memory_space<hbm>> -> memref<50048x32xf32, #tpu.memory_space<hbm>>
        %dma_wait3A_608 = tpu.memref_slice %arg22[%rem3A_596] : memref<4x!tpu.dma_semaphore, #tpu.memory_space<semaphore_mem>> -> memref<1x!tpu.dma_semaphore, #tpu.memory_space<semaphore_mem>>
        %dma_wait3A_609 = tpu.memref_squeeze %dma_wait3A_608 : memref<1x!tpu.dma_semaphore, #tpu.memory_space<semaphore_mem>> -> memref<!tpu.dma_semaphore, #tpu.memory_space<semaphore_mem>>
        tpu.wait_indirect_dma semaphore(%dma_wait3A_609 : memref<!tpu.dma_semaphore, #tpu.memory_space<semaphore_mem>>) src(%dma_wait3A_607 : memref<50048x32xf32, #tpu.memory_space<hbm>>) dst(%dma_wait3A_601 : memref<128x32xf32, #tpu.memory_space<vmem>>)
        %dma_start3A_610 = arith.constant 1 : i32
        %dma_start3A_611 = arith.constant 0 : i32
        %dma_start3A_612 = arith.constant 0 : i32
        %dma_start3A_613 = tpu.memref_slice %arg17[%rem3A_596, %dma_start3A_611, %dma_start3A_612] : memref<4x128x32xf32, #tpu.memory_space<vmem>> -> memref<1x128x32xf32, #tpu.memory_space<vmem>>
        %dma_start3A_614 = tpu.memref_squeeze %dma_start3A_613 : memref<1x128x32xf32, #tpu.memory_space<vmem>> -> memref<128x32xf32, #tpu.memory_space<vmem>>
        %dma_start3A_615 = arith.constant 0 : i32
        %dma_start3A_616 = tpu.memref_slice %arg16[%rem3A_596, %dma_start3A_610, %dma_start3A_615] : memref<4x2x128xi32, #tpu.memory_space<vmem>> -> memref<1x1x128xi32, #tpu.memory_space<vmem>>
        %dma_start3A_617 = tpu.memref_squeeze %dma_start3A_616 : memref<1x1x128xi32, #tpu.memory_space<vmem>> -> memref<128xi32, #tpu.memory_space<vmem>>
        %dma_start3A_618 = arith.constant 0 : i32
        %dma_start3A_619 = arith.constant 0 : i32
        %dma_start3A_620 = tpu.memref_slice %arg20[%dma_start3A_618, %dma_start3A_619] : memref<50048x32xf32, #tpu.memory_space<vmem_shared>> -> memref<50048x32xf32, #tpu.memory_space<vmem_shared>>
        %dma_start3A_621 = tpu.memref_slice %arg23[%rem3A_596] : memref<4x!tpu.dma_semaphore, #tpu.memory_space<semaphore_mem>> -> memref<1x!tpu.dma_semaphore, #tpu.memory_space<semaphore_mem>>
        %dma_start3A_622 = tpu.memref_squeeze %dma_start3A_621 : memref<1x!tpu.dma_semaphore, #tpu.memory_space<semaphore_mem>> -> memref<!tpu.dma_semaphore, #tpu.memory_space<semaphore_mem>>
        tpu.enqueue_indirect_dma source(%dma_start3A_614 : memref<128x32xf32, #tpu.memory_space<vmem>>) target(%dma_start3A_620 : memref<50048x32xf32, #tpu.memory_space<vmem_shared>>) offsets(%dma_start3A_617 : memref<128xi32, #tpu.memory_space<vmem>>) semaphore(%dma_start3A_622 : memref<!tpu.dma_semaphore, #tpu.memory_space<semaphore_mem>>) {add = true}
        %scan3A_623 = arith.constant 0 : i32
        scf.yield %scan3A_623 : i32
      }
      %scan3A_166 = arith.constant 391 : i32
      %rem3A_167 = arith.constant 390 : i32
      %rem3A_168 = arith.constant 4 : i32
      %rem3A_169 = arith.remsi %rem3A_167, %rem3A_168 : i32
      %dma_wait3A_170 = arith.constant 1 : i32
      %dma_wait3A_171 = arith.constant 0 : i32
      %dma_wait3A_172 = arith.constant 0 : i32
      %dma_wait3A_173 = tpu.memref_slice %arg17[%rem3A_169, %dma_wait3A_171, %dma_wait3A_172] : memref<4x128x32xf32, #tpu.memory_space<vmem>> -> memref<1x128x32xf32, #tpu.memory_space<vmem>>
      %dma_wait3A_174 = tpu.memref_squeeze %dma_wait3A_173 : memref<1x128x32xf32, #tpu.memory_space<vmem>> -> memref<128x32xf32, #tpu.memory_space<vmem>>
      %dma_wait3A_175 = arith.constant 0 : i32
      %dma_wait3A_176 = tpu.memref_slice %arg16[%rem3A_169, %dma_wait3A_170, %dma_wait3A_175] : memref<4x2x128xi32, #tpu.memory_space<vmem>> -> memref<1x1x128xi32, #tpu.memory_space<vmem>>
      %dma_wait3A_177 = tpu.memref_squeeze %dma_wait3A_176 : memref<1x1x128xi32, #tpu.memory_space<vmem>> -> memref<128xi32, #tpu.memory_space<vmem>>
      %dma_wait3A_178 = arith.constant 0 : i32
      %dma_wait3A_179 = arith.constant 0 : i32
      %dma_wait3A_180 = tpu.memref_slice %arg20[%dma_wait3A_178, %dma_wait3A_179] : memref<50048x32xf32, #tpu.memory_space<vmem_shared>> -> memref<50048x32xf32, #tpu.memory_space<vmem_shared>>
      %dma_wait3A_181 = tpu.memref_slice %arg23[%rem3A_169] : memref<4x!tpu.dma_semaphore, #tpu.memory_space<semaphore_mem>> -> memref<1x!tpu.dma_semaphore, #tpu.memory_space<semaphore_mem>>
      %dma_wait3A_182 = tpu.memref_squeeze %dma_wait3A_181 : memref<1x!tpu.dma_semaphore, #tpu.memory_space<semaphore_mem>> -> memref<!tpu.dma_semaphore, #tpu.memory_space<semaphore_mem>>
      tpu.wait_indirect_dma semaphore(%dma_wait3A_182 : memref<!tpu.dma_semaphore, #tpu.memory_space<semaphore_mem>>) src(%dma_wait3A_174 : memref<128x32xf32, #tpu.memory_space<vmem>>) dst(%dma_wait3A_180 : memref<50048x32xf32, #tpu.memory_space<vmem_shared>>)
      %barrier3A_183 = arith.constant 0 : index
      tpu.barrier barrier_id(%barrier3A_183)
      %scan3A_184 = arith.constant 0 : i32
      %scan3A_185 = arith.constant 0 : i32
      %scan3A_186 = arith.constant 25 : i32
      %scan3A_187 = arith.addi %scan3A_185, %scan3A_186 : i32
      %scan3A_188 = arith.constant 1 : i32
      %scan3A_189 = scf.for %scan3A_576 = %scan3A_185 to %scan3A_187 step %scan3A_188 iter_args(%scan3A_577 = %scan3A_184) -> (i32)  : i32 {
        %mul3A_578 = arith.constant 16 : i32
        %mul3A_579 = arith.muli %scan3A_576, %mul3A_578 : i32
        %add3A_580 = arith.addi %arg1, %mul3A_579 : i32
        %lt3A = arith.constant 391 : i32
        %lt3A_581 = arith.cmpi slt, %add3A_580, %lt3A : i32
        %convert_element_type3A_582 = arith.extui %lt3A_581 : i1 to i32
        %cond3A_583 = arith.constant 0 : i32
        %cond3A_584 = arith.cmpi ne, %convert_element_type3A_582, %cond3A_583 : i32
        scf.if %cond3A_584 {
          %mul3A_586 = arith.constant 128 : i32
          %mul3A_587 = arith.muli %add3A_580, %mul3A_586 : i32
          "tpu.region"() ({
            %run_scoped3A = tpu.sem_alloc : memref<!tpu.dma_semaphore, #tpu.memory_space<semaphore_mem>>
            %dma_start3A_588 = arith.constant 0 : i32
            %dma_start3A_589 = tpu.memref_slice %arg20[%mul3A_587, %dma_start3A_588] : memref<50048x32xf32, #tpu.memory_space<vmem_shared>> -> memref<128x32xf32, #tpu.memory_space<vmem_shared>>
            %dma_start3A_590 = arith.constant 0 : i32
            %dma_start3A_591 = tpu.memref_slice %arg20[%mul3A_587, %dma_start3A_590] : memref<50048x32xf32, #tpu.memory_space<vmem_shared>> -> memref<128x32xf32, #tpu.memory_space<vmem_shared>>
            tpu.enqueue_dma source(%dma_start3A_591 : memref<128x32xf32, #tpu.memory_space<vmem_shared>>) target(%arg18 : memref<128x32xf32, #tpu.memory_space<vmem>>) target_semaphore(%run_scoped3A : memref<!tpu.dma_semaphore, #tpu.memory_space<semaphore_mem>>)
            %dma_wait3A_592 = arith.constant 0 : i32
            %dma_wait3A_593 = tpu.memref_slice %arg20[%mul3A_587, %dma_wait3A_592] : memref<50048x32xf32, #tpu.memory_space<vmem_shared>> -> memref<128x32xf32, #tpu.memory_space<vmem_shared>>
            %dma_wait3A_594 = arith.constant 0 : i32
            %dma_wait3A_595 = tpu.memref_slice %arg20[%mul3A_587, %dma_wait3A_594] : memref<50048x32xf32, #tpu.memory_space<vmem_shared>> -> memref<128x32xf32, #tpu.memory_space<vmem_shared>>
            tpu.wait_dma2 semaphore(%run_scoped3A : memref<!tpu.dma_semaphore, #tpu.memory_space<semaphore_mem>>) src(%dma_wait3A_595 : memref<128x32xf32, #tpu.memory_space<vmem_shared>>) dst(%arg18 : memref<128x32xf32, #tpu.memory_space<vmem>>)
            tpu.yield
          }) : () -> ()
          "tpu.region"() ({
            %run_scoped3A = tpu.sem_alloc : memref<!tpu.dma_semaphore, #tpu.memory_space<semaphore_mem>>
            %dma_start3A_588 = arith.constant 0 : i32
            %dma_start3A_589 = tpu.memref_slice %arg13[%mul3A_587, %dma_start3A_588] : memref<50048x32xf32, #tpu.memory_space<hbm>> -> memref<128x32xf32, #tpu.memory_space<hbm>>
            %dma_start3A_590 = arith.constant 0 : i32
            %dma_start3A_591 = tpu.memref_slice %arg13[%mul3A_587, %dma_start3A_590] : memref<50048x32xf32, #tpu.memory_space<hbm>> -> memref<128x32xf32, #tpu.memory_space<hbm>>
            tpu.enqueue_dma source(%arg18 : memref<128x32xf32, #tpu.memory_space<vmem>>) target(%dma_start3A_591 : memref<128x32xf32, #tpu.memory_space<hbm>>) target_semaphore(%run_scoped3A : memref<!tpu.dma_semaphore, #tpu.memory_space<semaphore_mem>>)
            %dma_wait3A_592 = arith.constant 0 : i32
            %dma_wait3A_593 = tpu.memref_slice %arg13[%mul3A_587, %dma_wait3A_592] : memref<50048x32xf32, #tpu.memory_space<hbm>> -> memref<128x32xf32, #tpu.memory_space<hbm>>
            %dma_wait3A_594 = arith.constant 0 : i32
            %dma_wait3A_595 = tpu.memref_slice %arg13[%mul3A_587, %dma_wait3A_594] : memref<50048x32xf32, #tpu.memory_space<hbm>> -> memref<128x32xf32, #tpu.memory_space<hbm>>
            tpu.wait_dma2 semaphore(%run_scoped3A : memref<!tpu.dma_semaphore, #tpu.memory_space<semaphore_mem>>) src(%arg18 : memref<128x32xf32, #tpu.memory_space<vmem>>) dst(%dma_wait3A_595 : memref<128x32xf32, #tpu.memory_space<hbm>>)
            tpu.yield
          }) : () -> ()
        } else {
        }
        %scan3A_585 = arith.constant 0 : i32
        scf.yield %scan3A_585 : i32
      }
      %scan3A_190 = arith.constant 25 : i32
      %barrier3A_191 = arith.constant 0 : index
      tpu.barrier barrier_id(%barrier3A_191)
      %scan3A_192 = arith.constant 0 : i32
      %scan3A_193 = arith.constant 0 : i32
      %scan3A_194 = arith.constant 25 : i32
      %scan3A_195 = arith.addi %scan3A_193, %scan3A_194 : i32
      %scan3A_196 = arith.constant 1 : i32
      %scan3A_197 = scf.for %scan3A_576 = %scan3A_193 to %scan3A_195 step %scan3A_196 iter_args(%scan3A_577 = %scan3A_192) -> (i32)  : i32 {
        %mul3A_578 = arith.constant 16 : i32
        %mul3A_579 = arith.muli %scan3A_576, %mul3A_578 : i32
        %add3A_580 = arith.addi %arg1, %mul3A_579 : i32
        %lt3A = arith.constant 391 : i32
        %lt3A_581 = arith.cmpi slt, %add3A_580, %lt3A : i32
        %convert_element_type3A_582 = arith.extui %lt3A_581 : i1 to i32
        %cond3A_583 = arith.constant 0 : i32
        %cond3A_584 = arith.cmpi ne, %convert_element_type3A_582, %cond3A_583 : i32
        scf.if %cond3A_584 {
          %mul3A_586 = arith.constant 128 : i32
          %mul3A_587 = arith.muli %add3A_580, %mul3A_586 : i32
          "tpu.region"() ({
            %run_scoped3A = tpu.sem_alloc : memref<!tpu.dma_semaphore, #tpu.memory_space<semaphore_mem>>
            %dma_start3A_588 = arith.constant 0 : i32
            %dma_start3A_589 = tpu.memref_slice %arg20[%mul3A_587, %dma_start3A_588] : memref<50048x32xf32, #tpu.memory_space<vmem_shared>> -> memref<128x32xf32, #tpu.memory_space<vmem_shared>>
            %dma_start3A_590 = arith.constant 0 : i32
            %dma_start3A_591 = tpu.memref_slice %arg20[%mul3A_587, %dma_start3A_590] : memref<50048x32xf32, #tpu.memory_space<vmem_shared>> -> memref<128x32xf32, #tpu.memory_space<vmem_shared>>
            tpu.enqueue_dma source(%arg19 : memref<128x32xf32, #tpu.memory_space<vmem>>) target(%dma_start3A_591 : memref<128x32xf32, #tpu.memory_space<vmem_shared>>) target_semaphore(%run_scoped3A : memref<!tpu.dma_semaphore, #tpu.memory_space<semaphore_mem>>)
            %dma_wait3A_592 = arith.constant 0 : i32
            %dma_wait3A_593 = tpu.memref_slice %arg20[%mul3A_587, %dma_wait3A_592] : memref<50048x32xf32, #tpu.memory_space<vmem_shared>> -> memref<128x32xf32, #tpu.memory_space<vmem_shared>>
            %dma_wait3A_594 = arith.constant 0 : i32
            %dma_wait3A_595 = tpu.memref_slice %arg20[%mul3A_587, %dma_wait3A_594] : memref<50048x32xf32, #tpu.memory_space<vmem_shared>> -> memref<128x32xf32, #tpu.memory_space<vmem_shared>>
            tpu.wait_dma2 semaphore(%run_scoped3A : memref<!tpu.dma_semaphore, #tpu.memory_space<semaphore_mem>>) src(%arg19 : memref<128x32xf32, #tpu.memory_space<vmem>>) dst(%dma_wait3A_595 : memref<128x32xf32, #tpu.memory_space<vmem_shared>>)
            tpu.yield
          }) : () -> ()
        } else {
        }
        %scan3A_585 = arith.constant 0 : i32
        scf.yield %scan3A_585 : i32
      }
      %scan3A_198 = arith.constant 25 : i32
      %barrier3A_199 = arith.constant 0 : index
      tpu.barrier barrier_id(%barrier3A_199)
      %mul3A_200 = arith.constant 391 : i32
      %mul3A_201 = arith.muli %arg1, %mul3A_200 : i32
      %add3A_202 = arith.constant 0 : i32
      %add3A_203 = arith.addi %mul3A_201, %add3A_202 : i32
      %rem3A_204 = arith.constant 0 : i32
      %rem3A_205 = arith.constant 4 : i32
      %rem3A_206 = arith.remsi %rem3A_204, %rem3A_205 : i32
      %rem3A_207 = arith.constant 0 : i32
      %rem3A_208 = arith.constant 4 : i32
      %rem3A_209 = arith.remsi %rem3A_207, %rem3A_208 : i32
      %dma_start3A_210 = arith.constant 0 : i32
      %dma_start3A_211 = arith.constant 0 : i32
      %dma_start3A_212 = tpu.memref_slice %arg16[%rem3A_206, %dma_start3A_210, %dma_start3A_211] : memref<4x2x128xi32, #tpu.memory_space<vmem>> -> memref<1x2x128xi32, #tpu.memory_space<vmem>>
      %dma_start3A_213 = tpu.memref_squeeze %dma_start3A_212 : memref<1x2x128xi32, #tpu.memory_space<vmem>> -> memref<2x128xi32, #tpu.memory_space<vmem>>
      %dma_start3A_214 = arith.constant 0 : i32
      %dma_start3A_215 = arith.constant 0 : i32
      %dma_start3A_216 = tpu.memref_slice %arg8[%add3A_203, %dma_start3A_214, %dma_start3A_215] : memref<6272x2x128xi32, #tpu.memory_space<hbm>> -> memref<1x2x128xi32, #tpu.memory_space<hbm>>
      %dma_start3A_217 = tpu.memref_squeeze %dma_start3A_216 : memref<1x2x128xi32, #tpu.memory_space<hbm>> -> memref<2x128xi32, #tpu.memory_space<hbm>>
      %dma_start3A_218 = tpu.memref_slice %arg21[%rem3A_209] : memref<4x!tpu.dma_semaphore, #tpu.memory_space<semaphore_mem>> -> memref<1x!tpu.dma_semaphore, #tpu.memory_space<semaphore_mem>>
      %dma_start3A_219 = tpu.memref_squeeze %dma_start3A_218 : memref<1x!tpu.dma_semaphore, #tpu.memory_space<semaphore_mem>> -> memref<!tpu.dma_semaphore, #tpu.memory_space<semaphore_mem>>
      %dma_start3A_220 = arith.constant 0 : i32
      %dma_start3A_221 = arith.constant 0 : i32
      %dma_start3A_222 = tpu.memref_slice %arg16[%rem3A_206, %dma_start3A_220, %dma_start3A_221] : memref<4x2x128xi32, #tpu.memory_space<vmem>> -> memref<1x2x128xi32, #tpu.memory_space<vmem>>
      %dma_start3A_223 = tpu.memref_squeeze %dma_start3A_222 : memref<1x2x128xi32, #tpu.memory_space<vmem>> -> memref<2x128xi32, #tpu.memory_space<vmem>>
      %dma_start3A_224 = arith.constant 0 : i32
      %dma_start3A_225 = arith.constant 0 : i32
      %dma_start3A_226 = tpu.memref_slice %arg8[%add3A_203, %dma_start3A_224, %dma_start3A_225] : memref<6272x2x128xi32, #tpu.memory_space<hbm>> -> memref<1x2x128xi32, #tpu.memory_space<hbm>>
      %dma_start3A_227 = tpu.memref_squeeze %dma_start3A_226 : memref<1x2x128xi32, #tpu.memory_space<hbm>> -> memref<2x128xi32, #tpu.memory_space<hbm>>
      tpu.enqueue_dma source(%dma_start3A_227 : memref<2x128xi32, #tpu.memory_space<hbm>>) target(%dma_start3A_223 : memref<2x128xi32, #tpu.memory_space<vmem>>) target_semaphore(%dma_start3A_219 : memref<!tpu.dma_semaphore, #tpu.memory_space<semaphore_mem>>)
      %add3A_228 = arith.constant 1 : i32
      %add3A_229 = arith.addi %mul3A_201, %add3A_228 : i32
      %rem3A_230 = arith.constant 1 : i32
      %rem3A_231 = arith.constant 4 : i32
      %rem3A_232 = arith.remsi %rem3A_230, %rem3A_231 : i32
      %rem3A_233 = arith.constant 1 : i32
      %rem3A_234 = arith.constant 4 : i32
      %rem3A_235 = arith.remsi %rem3A_233, %rem3A_234 : i32
      %dma_start3A_236 = arith.constant 0 : i32
      %dma_start3A_237 = arith.constant 0 : i32
      %dma_start3A_238 = tpu.memref_slice %arg16[%rem3A_232, %dma_start3A_236, %dma_start3A_237] : memref<4x2x128xi32, #tpu.memory_space<vmem>> -> memref<1x2x128xi32, #tpu.memory_space<vmem>>
      %dma_start3A_239 = tpu.memref_squeeze %dma_start3A_238 : memref<1x2x128xi32, #tpu.memory_space<vmem>> -> memref<2x128xi32, #tpu.memory_space<vmem>>
      %dma_start3A_240 = arith.constant 0 : i32
      %dma_start3A_241 = arith.constant 0 : i32
      %dma_start3A_242 = tpu.memref_slice %arg8[%add3A_229, %dma_start3A_240, %dma_start3A_241] : memref<6272x2x128xi32, #tpu.memory_space<hbm>> -> memref<1x2x128xi32, #tpu.memory_space<hbm>>
      %dma_start3A_243 = tpu.memref_squeeze %dma_start3A_242 : memref<1x2x128xi32, #tpu.memory_space<hbm>> -> memref<2x128xi32, #tpu.memory_space<hbm>>
      %dma_start3A_244 = tpu.memref_slice %arg21[%rem3A_235] : memref<4x!tpu.dma_semaphore, #tpu.memory_space<semaphore_mem>> -> memref<1x!tpu.dma_semaphore, #tpu.memory_space<semaphore_mem>>
      %dma_start3A_245 = tpu.memref_squeeze %dma_start3A_244 : memref<1x!tpu.dma_semaphore, #tpu.memory_space<semaphore_mem>> -> memref<!tpu.dma_semaphore, #tpu.memory_space<semaphore_mem>>
      %dma_start3A_246 = arith.constant 0 : i32
      %dma_start3A_247 = arith.constant 0 : i32
      %dma_start3A_248 = tpu.memref_slice %arg16[%rem3A_232, %dma_start3A_246, %dma_start3A_247] : memref<4x2x128xi32, #tpu.memory_space<vmem>> -> memref<1x2x128xi32, #tpu.memory_space<vmem>>
      %dma_start3A_249 = tpu.memref_squeeze %dma_start3A_248 : memref<1x2x128xi32, #tpu.memory_space<vmem>> -> memref<2x128xi32, #tpu.memory_space<vmem>>
      %dma_start3A_250 = arith.constant 0 : i32
      %dma_start3A_251 = arith.constant 0 : i32
      %dma_start3A_252 = tpu.memref_slice %arg8[%add3A_229, %dma_start3A_250, %dma_start3A_251] : memref<6272x2x128xi32, #tpu.memory_space<hbm>> -> memref<1x2x128xi32, #tpu.memory_space<hbm>>
      %dma_start3A_253 = tpu.memref_squeeze %dma_start3A_252 : memref<1x2x128xi32, #tpu.memory_space<hbm>> -> memref<2x128xi32, #tpu.memory_space<hbm>>
      tpu.enqueue_dma source(%dma_start3A_253 : memref<2x128xi32, #tpu.memory_space<hbm>>) target(%dma_start3A_249 : memref<2x128xi32, #tpu.memory_space<vmem>>) target_semaphore(%dma_start3A_245 : memref<!tpu.dma_semaphore, #tpu.memory_space<semaphore_mem>>)
      %add3A_254 = arith.constant 2 : i32
      %add3A_255 = arith.addi %mul3A_201, %add3A_254 : i32
      %rem3A_256 = arith.constant 2 : i32
      %rem3A_257 = arith.constant 4 : i32
      %rem3A_258 = arith.remsi %rem3A_256, %rem3A_257 : i32
      %rem3A_259 = arith.constant 2 : i32
      %rem3A_260 = arith.constant 4 : i32
      %rem3A_261 = arith.remsi %rem3A_259, %rem3A_260 : i32
      %dma_start3A_262 = arith.constant 0 : i32
      %dma_start3A_263 = arith.constant 0 : i32
      %dma_start3A_264 = tpu.memref_slice %arg16[%rem3A_258, %dma_start3A_262, %dma_start3A_263] : memref<4x2x128xi32, #tpu.memory_space<vmem>> -> memref<1x2x128xi32, #tpu.memory_space<vmem>>
      %dma_start3A_265 = tpu.memref_squeeze %dma_start3A_264 : memref<1x2x128xi32, #tpu.memory_space<vmem>> -> memref<2x128xi32, #tpu.memory_space<vmem>>
      %dma_start3A_266 = arith.constant 0 : i32
      %dma_start3A_267 = arith.constant 0 : i32
      %dma_start3A_268 = tpu.memref_slice %arg8[%add3A_255, %dma_start3A_266, %dma_start3A_267] : memref<6272x2x128xi32, #tpu.memory_space<hbm>> -> memref<1x2x128xi32, #tpu.memory_space<hbm>>
      %dma_start3A_269 = tpu.memref_squeeze %dma_start3A_268 : memref<1x2x128xi32, #tpu.memory_space<hbm>> -> memref<2x128xi32, #tpu.memory_space<hbm>>
      %dma_start3A_270 = tpu.memref_slice %arg21[%rem3A_261] : memref<4x!tpu.dma_semaphore, #tpu.memory_space<semaphore_mem>> -> memref<1x!tpu.dma_semaphore, #tpu.memory_space<semaphore_mem>>
      %dma_start3A_271 = tpu.memref_squeeze %dma_start3A_270 : memref<1x!tpu.dma_semaphore, #tpu.memory_space<semaphore_mem>> -> memref<!tpu.dma_semaphore, #tpu.memory_space<semaphore_mem>>
      %dma_start3A_272 = arith.constant 0 : i32
      %dma_start3A_273 = arith.constant 0 : i32
      %dma_start3A_274 = tpu.memref_slice %arg16[%rem3A_258, %dma_start3A_272, %dma_start3A_273] : memref<4x2x128xi32, #tpu.memory_space<vmem>> -> memref<1x2x128xi32, #tpu.memory_space<vmem>>
      %dma_start3A_275 = tpu.memref_squeeze %dma_start3A_274 : memref<1x2x128xi32, #tpu.memory_space<vmem>> -> memref<2x128xi32, #tpu.memory_space<vmem>>
      %dma_start3A_276 = arith.constant 0 : i32
      %dma_start3A_277 = arith.constant 0 : i32
      %dma_start3A_278 = tpu.memref_slice %arg8[%add3A_255, %dma_start3A_276, %dma_start3A_277] : memref<6272x2x128xi32, #tpu.memory_space<hbm>> -> memref<1x2x128xi32, #tpu.memory_space<hbm>>
      %dma_start3A_279 = tpu.memref_squeeze %dma_start3A_278 : memref<1x2x128xi32, #tpu.memory_space<hbm>> -> memref<2x128xi32, #tpu.memory_space<hbm>>
      tpu.enqueue_dma source(%dma_start3A_279 : memref<2x128xi32, #tpu.memory_space<hbm>>) target(%dma_start3A_275 : memref<2x128xi32, #tpu.memory_space<vmem>>) target_semaphore(%dma_start3A_271 : memref<!tpu.dma_semaphore, #tpu.memory_space<semaphore_mem>>)
      %rem3A_280 = arith.constant 0 : i32
      %rem3A_281 = arith.constant 4 : i32
      %rem3A_282 = arith.remsi %rem3A_280, %rem3A_281 : i32
      %add3A_283 = arith.constant 0 : i32
      %add3A_284 = arith.addi %mul3A_201, %add3A_283 : i32
      %dma_wait3A_285 = arith.constant 0 : i32
      %dma_wait3A_286 = arith.constant 0 : i32
      %dma_wait3A_287 = tpu.memref_slice %arg16[%rem3A_282, %dma_wait3A_285, %dma_wait3A_286] : memref<4x2x128xi32, #tpu.memory_space<vmem>> -> memref<1x2x128xi32, #tpu.memory_space<vmem>>
      %dma_wait3A_288 = tpu.memref_squeeze %dma_wait3A_287 : memref<1x2x128xi32, #tpu.memory_space<vmem>> -> memref<2x128xi32, #tpu.memory_space<vmem>>
      %dma_wait3A_289 = arith.constant 0 : i32
      %dma_wait3A_290 = arith.constant 0 : i32
      %dma_wait3A_291 = tpu.memref_slice %arg8[%add3A_284, %dma_wait3A_289, %dma_wait3A_290] : memref<6272x2x128xi32, #tpu.memory_space<hbm>> -> memref<1x2x128xi32, #tpu.memory_space<hbm>>
      %dma_wait3A_292 = tpu.memref_squeeze %dma_wait3A_291 : memref<1x2x128xi32, #tpu.memory_space<hbm>> -> memref<2x128xi32, #tpu.memory_space<hbm>>
      %dma_wait3A_293 = tpu.memref_slice %arg21[%rem3A_282] : memref<4x!tpu.dma_semaphore, #tpu.memory_space<semaphore_mem>> -> memref<1x!tpu.dma_semaphore, #tpu.memory_space<semaphore_mem>>
      %dma_wait3A_294 = tpu.memref_squeeze %dma_wait3A_293 : memref<1x!tpu.dma_semaphore, #tpu.memory_space<semaphore_mem>> -> memref<!tpu.dma_semaphore, #tpu.memory_space<semaphore_mem>>
      %dma_wait3A_295 = arith.constant 0 : i32
      %dma_wait3A_296 = arith.constant 0 : i32
      %dma_wait3A_297 = tpu.memref_slice %arg16[%rem3A_282, %dma_wait3A_295, %dma_wait3A_296] : memref<4x2x128xi32, #tpu.memory_space<vmem>> -> memref<1x2x128xi32, #tpu.memory_space<vmem>>
      %dma_wait3A_298 = tpu.memref_squeeze %dma_wait3A_297 : memref<1x2x128xi32, #tpu.memory_space<vmem>> -> memref<2x128xi32, #tpu.memory_space<vmem>>
      %dma_wait3A_299 = arith.constant 0 : i32
      %dma_wait3A_300 = arith.constant 0 : i32
      %dma_wait3A_301 = tpu.memref_slice %arg8[%add3A_284, %dma_wait3A_299, %dma_wait3A_300] : memref<6272x2x128xi32, #tpu.memory_space<hbm>> -> memref<1x2x128xi32, #tpu.memory_space<hbm>>
      %dma_wait3A_302 = tpu.memref_squeeze %dma_wait3A_301 : memref<1x2x128xi32, #tpu.memory_space<hbm>> -> memref<2x128xi32, #tpu.memory_space<hbm>>
      tpu.wait_dma2 semaphore(%dma_wait3A_294 : memref<!tpu.dma_semaphore, #tpu.memory_space<semaphore_mem>>) src(%dma_wait3A_302 : memref<2x128xi32, #tpu.memory_space<hbm>>) dst(%dma_wait3A_298 : memref<2x128xi32, #tpu.memory_space<vmem>>)
      %dma_start3A_303 = arith.constant 0 : i32
      %dma_start3A_304 = arith.constant 0 : i32
      %dma_start3A_305 = arith.constant 0 : i32
      %dma_start3A_306 = tpu.memref_slice %arg17[%rem3A_282, %dma_start3A_304, %dma_start3A_305] : memref<4x128x32xf32, #tpu.memory_space<vmem>> -> memref<1x128x32xf32, #tpu.memory_space<vmem>>
      %dma_start3A_307 = tpu.memref_squeeze %dma_start3A_306 : memref<1x128x32xf32, #tpu.memory_space<vmem>> -> memref<128x32xf32, #tpu.memory_space<vmem>>
      %dma_start3A_308 = arith.constant 0 : i32
      %dma_start3A_309 = tpu.memref_slice %arg16[%rem3A_282, %dma_start3A_303, %dma_start3A_308] : memref<4x2x128xi32, #tpu.memory_space<vmem>> -> memref<1x1x128xi32, #tpu.memory_space<vmem>>
      %dma_start3A_310 = tpu.memref_squeeze %dma_start3A_309 : memref<1x1x128xi32, #tpu.memory_space<vmem>> -> memref<128xi32, #tpu.memory_space<vmem>>
      %dma_start3A_311 = arith.constant 0 : i32
      %dma_start3A_312 = arith.constant 0 : i32
      %dma_start3A_313 = tpu.memref_slice %arg6[%dma_start3A_311, %dma_start3A_312] : memref<50048x32xf32, #tpu.memory_space<hbm>> -> memref<50048x32xf32, #tpu.memory_space<hbm>>
      %dma_start3A_314 = tpu.memref_slice %arg22[%rem3A_282] : memref<4x!tpu.dma_semaphore, #tpu.memory_space<semaphore_mem>> -> memref<1x!tpu.dma_semaphore, #tpu.memory_space<semaphore_mem>>
      %dma_start3A_315 = tpu.memref_squeeze %dma_start3A_314 : memref<1x!tpu.dma_semaphore, #tpu.memory_space<semaphore_mem>> -> memref<!tpu.dma_semaphore, #tpu.memory_space<semaphore_mem>>
      tpu.enqueue_indirect_dma source(%dma_start3A_313 : memref<50048x32xf32, #tpu.memory_space<hbm>>) target(%dma_start3A_307 : memref<128x32xf32, #tpu.memory_space<vmem>>) offsets(%dma_start3A_310 : memref<128xi32, #tpu.memory_space<vmem>>) semaphore(%dma_start3A_315 : memref<!tpu.dma_semaphore, #tpu.memory_space<semaphore_mem>>)
      %rem3A_316 = arith.constant 1 : i32
      %rem3A_317 = arith.constant 4 : i32
      %rem3A_318 = arith.remsi %rem3A_316, %rem3A_317 : i32
      %add3A_319 = arith.constant 1 : i32
      %add3A_320 = arith.addi %mul3A_201, %add3A_319 : i32
      %dma_wait3A_321 = arith.constant 0 : i32
      %dma_wait3A_322 = arith.constant 0 : i32
      %dma_wait3A_323 = tpu.memref_slice %arg16[%rem3A_318, %dma_wait3A_321, %dma_wait3A_322] : memref<4x2x128xi32, #tpu.memory_space<vmem>> -> memref<1x2x128xi32, #tpu.memory_space<vmem>>
      %dma_wait3A_324 = tpu.memref_squeeze %dma_wait3A_323 : memref<1x2x128xi32, #tpu.memory_space<vmem>> -> memref<2x128xi32, #tpu.memory_space<vmem>>
      %dma_wait3A_325 = arith.constant 0 : i32
      %dma_wait3A_326 = arith.constant 0 : i32
      %dma_wait3A_327 = tpu.memref_slice %arg8[%add3A_320, %dma_wait3A_325, %dma_wait3A_326] : memref<6272x2x128xi32, #tpu.memory_space<hbm>> -> memref<1x2x128xi32, #tpu.memory_space<hbm>>
      %dma_wait3A_328 = tpu.memref_squeeze %dma_wait3A_327 : memref<1x2x128xi32, #tpu.memory_space<hbm>> -> memref<2x128xi32, #tpu.memory_space<hbm>>
      %dma_wait3A_329 = tpu.memref_slice %arg21[%rem3A_318] : memref<4x!tpu.dma_semaphore, #tpu.memory_space<semaphore_mem>> -> memref<1x!tpu.dma_semaphore, #tpu.memory_space<semaphore_mem>>
      %dma_wait3A_330 = tpu.memref_squeeze %dma_wait3A_329 : memref<1x!tpu.dma_semaphore, #tpu.memory_space<semaphore_mem>> -> memref<!tpu.dma_semaphore, #tpu.memory_space<semaphore_mem>>
      %dma_wait3A_331 = arith.constant 0 : i32
      %dma_wait3A_332 = arith.constant 0 : i32
      %dma_wait3A_333 = tpu.memref_slice %arg16[%rem3A_318, %dma_wait3A_331, %dma_wait3A_332] : memref<4x2x128xi32, #tpu.memory_space<vmem>> -> memref<1x2x128xi32, #tpu.memory_space<vmem>>
      %dma_wait3A_334 = tpu.memref_squeeze %dma_wait3A_333 : memref<1x2x128xi32, #tpu.memory_space<vmem>> -> memref<2x128xi32, #tpu.memory_space<vmem>>
      %dma_wait3A_335 = arith.constant 0 : i32
      %dma_wait3A_336 = arith.constant 0 : i32
      %dma_wait3A_337 = tpu.memref_slice %arg8[%add3A_320, %dma_wait3A_335, %dma_wait3A_336] : memref<6272x2x128xi32, #tpu.memory_space<hbm>> -> memref<1x2x128xi32, #tpu.memory_space<hbm>>
      %dma_wait3A_338 = tpu.memref_squeeze %dma_wait3A_337 : memref<1x2x128xi32, #tpu.memory_space<hbm>> -> memref<2x128xi32, #tpu.memory_space<hbm>>
      tpu.wait_dma2 semaphore(%dma_wait3A_330 : memref<!tpu.dma_semaphore, #tpu.memory_space<semaphore_mem>>) src(%dma_wait3A_338 : memref<2x128xi32, #tpu.memory_space<hbm>>) dst(%dma_wait3A_334 : memref<2x128xi32, #tpu.memory_space<vmem>>)
      %dma_start3A_339 = arith.constant 0 : i32
      %dma_start3A_340 = arith.constant 0 : i32
      %dma_start3A_341 = arith.constant 0 : i32
      %dma_start3A_342 = tpu.memref_slice %arg17[%rem3A_318, %dma_start3A_340, %dma_start3A_341] : memref<4x128x32xf32, #tpu.memory_space<vmem>> -> memref<1x128x32xf32, #tpu.memory_space<vmem>>
      %dma_start3A_343 = tpu.memref_squeeze %dma_start3A_342 : memref<1x128x32xf32, #tpu.memory_space<vmem>> -> memref<128x32xf32, #tpu.memory_space<vmem>>
      %dma_start3A_344 = arith.constant 0 : i32
      %dma_start3A_345 = tpu.memref_slice %arg16[%rem3A_318, %dma_start3A_339, %dma_start3A_344] : memref<4x2x128xi32, #tpu.memory_space<vmem>> -> memref<1x1x128xi32, #tpu.memory_space<vmem>>
      %dma_start3A_346 = tpu.memref_squeeze %dma_start3A_345 : memref<1x1x128xi32, #tpu.memory_space<vmem>> -> memref<128xi32, #tpu.memory_space<vmem>>
      %dma_start3A_347 = arith.constant 0 : i32
      %dma_start3A_348 = arith.constant 0 : i32
      %dma_start3A_349 = tpu.memref_slice %arg6[%dma_start3A_347, %dma_start3A_348] : memref<50048x32xf32, #tpu.memory_space<hbm>> -> memref<50048x32xf32, #tpu.memory_space<hbm>>
      %dma_start3A_350 = tpu.memref_slice %arg22[%rem3A_318] : memref<4x!tpu.dma_semaphore, #tpu.memory_space<semaphore_mem>> -> memref<1x!tpu.dma_semaphore, #tpu.memory_space<semaphore_mem>>
      %dma_start3A_351 = tpu.memref_squeeze %dma_start3A_350 : memref<1x!tpu.dma_semaphore, #tpu.memory_space<semaphore_mem>> -> memref<!tpu.dma_semaphore, #tpu.memory_space<semaphore_mem>>
      tpu.enqueue_indirect_dma source(%dma_start3A_349 : memref<50048x32xf32, #tpu.memory_space<hbm>>) target(%dma_start3A_343 : memref<128x32xf32, #tpu.memory_space<vmem>>) offsets(%dma_start3A_346 : memref<128xi32, #tpu.memory_space<vmem>>) semaphore(%dma_start3A_351 : memref<!tpu.dma_semaphore, #tpu.memory_space<semaphore_mem>>)
      %scan3A_352 = arith.constant 0 : i32
      %scan3A_353 = arith.constant 0 : i32
      %scan3A_354 = arith.constant 391 : i32
      %scan3A_355 = arith.addi %scan3A_353, %scan3A_354 : i32
      %scan3A_356 = arith.constant 1 : i32
      %scan3A_357 = scf.for %scan3A_576 = %scan3A_353 to %scan3A_355 step %scan3A_356 iter_args(%scan3A_577 = %scan3A_352) -> (i32)  : i32 {
        %ge3A = arith.constant 1 : i32
        %ge3A_578 = arith.cmpi sge, %scan3A_576, %ge3A : i32
        %convert_element_type3A_579 = arith.extui %ge3A_578 : i1 to i32
        %cond3A_580 = arith.constant 0 : i32
        %cond3A_581 = arith.cmpi ne, %convert_element_type3A_579, %cond3A_580 : i32
        scf.if %cond3A_581 {
          %sub3A = arith.constant 1 : i32
          %sub3A_624 = arith.subi %scan3A_576, %sub3A : i32
          %rem3A_625 = arith.constant 4 : i32
          %rem3A_626 = arith.remsi %sub3A_624, %rem3A_625 : i32
          %dma_wait3A_627 = arith.constant 1 : i32
          %dma_wait3A_628 = arith.constant 0 : i32
          %dma_wait3A_629 = arith.constant 0 : i32
          %dma_wait3A_630 = tpu.memref_slice %arg17[%rem3A_626, %dma_wait3A_628, %dma_wait3A_629] : memref<4x128x32xf32, #tpu.memory_space<vmem>> -> memref<1x128x32xf32, #tpu.memory_space<vmem>>
          %dma_wait3A_631 = tpu.memref_squeeze %dma_wait3A_630 : memref<1x128x32xf32, #tpu.memory_space<vmem>> -> memref<128x32xf32, #tpu.memory_space<vmem>>
          %dma_wait3A_632 = arith.constant 0 : i32
          %dma_wait3A_633 = tpu.memref_slice %arg16[%rem3A_626, %dma_wait3A_627, %dma_wait3A_632] : memref<4x2x128xi32, #tpu.memory_space<vmem>> -> memref<1x1x128xi32, #tpu.memory_space<vmem>>
          %dma_wait3A_634 = tpu.memref_squeeze %dma_wait3A_633 : memref<1x1x128xi32, #tpu.memory_space<vmem>> -> memref<128xi32, #tpu.memory_space<vmem>>
          %dma_wait3A_635 = arith.constant 0 : i32
          %dma_wait3A_636 = arith.constant 0 : i32
          %dma_wait3A_637 = tpu.memref_slice %arg20[%dma_wait3A_635, %dma_wait3A_636] : memref<50048x32xf32, #tpu.memory_space<vmem_shared>> -> memref<50048x32xf32, #tpu.memory_space<vmem_shared>>
          %dma_wait3A_638 = tpu.memref_slice %arg23[%rem3A_626] : memref<4x!tpu.dma_semaphore, #tpu.memory_space<semaphore_mem>> -> memref<1x!tpu.dma_semaphore, #tpu.memory_space<semaphore_mem>>
          %dma_wait3A_639 = tpu.memref_squeeze %dma_wait3A_638 : memref<1x!tpu.dma_semaphore, #tpu.memory_space<semaphore_mem>> -> memref<!tpu.dma_semaphore, #tpu.memory_space<semaphore_mem>>
          tpu.wait_indirect_dma semaphore(%dma_wait3A_639 : memref<!tpu.dma_semaphore, #tpu.memory_space<semaphore_mem>>) src(%dma_wait3A_631 : memref<128x32xf32, #tpu.memory_space<vmem>>) dst(%dma_wait3A_637 : memref<50048x32xf32, #tpu.memory_space<vmem_shared>>)
        } else {
        }
        %add3A_582 = arith.constant 3 : i32
        %add3A_583 = arith.addi %scan3A_576, %add3A_582 : i32
        %lt3A = arith.constant 391 : i32
        %lt3A_584 = arith.cmpi slt, %add3A_583, %lt3A : i32
        %convert_element_type3A_585 = arith.extui %lt3A_584 : i1 to i32
        %cond3A_586 = arith.constant 0 : i32
        %cond3A_587 = arith.cmpi ne, %convert_element_type3A_585, %cond3A_586 : i32
        scf.if %cond3A_587 {
          %add3A_624 = arith.constant 3 : i32
          %add3A_625 = arith.addi %scan3A_576, %add3A_624 : i32
          %add3A_626 = arith.addi %mul3A_201, %add3A_625 : i32
          %rem3A_627 = arith.constant 4 : i32
          %rem3A_628 = arith.remsi %add3A_625, %rem3A_627 : i32
          %rem3A_629 = arith.constant 4 : i32
          %rem3A_630 = arith.remsi %add3A_625, %rem3A_629 : i32
          %dma_start3A_631 = arith.constant 0 : i32
          %dma_start3A_632 = arith.constant 0 : i32
          %dma_start3A_633 = tpu.memref_slice %arg16[%rem3A_628, %dma_start3A_631, %dma_start3A_632] : memref<4x2x128xi32, #tpu.memory_space<vmem>> -> memref<1x2x128xi32, #tpu.memory_space<vmem>>
          %dma_start3A_634 = tpu.memref_squeeze %dma_start3A_633 : memref<1x2x128xi32, #tpu.memory_space<vmem>> -> memref<2x128xi32, #tpu.memory_space<vmem>>
          %dma_start3A_635 = arith.constant 0 : i32
          %dma_start3A_636 = arith.constant 0 : i32
          %dma_start3A_637 = tpu.memref_slice %arg8[%add3A_626, %dma_start3A_635, %dma_start3A_636] : memref<6272x2x128xi32, #tpu.memory_space<hbm>> -> memref<1x2x128xi32, #tpu.memory_space<hbm>>
          %dma_start3A_638 = tpu.memref_squeeze %dma_start3A_637 : memref<1x2x128xi32, #tpu.memory_space<hbm>> -> memref<2x128xi32, #tpu.memory_space<hbm>>
          %dma_start3A_639 = tpu.memref_slice %arg21[%rem3A_630] : memref<4x!tpu.dma_semaphore, #tpu.memory_space<semaphore_mem>> -> memref<1x!tpu.dma_semaphore, #tpu.memory_space<semaphore_mem>>
          %dma_start3A_640 = tpu.memref_squeeze %dma_start3A_639 : memref<1x!tpu.dma_semaphore, #tpu.memory_space<semaphore_mem>> -> memref<!tpu.dma_semaphore, #tpu.memory_space<semaphore_mem>>
          %dma_start3A_641 = arith.constant 0 : i32
          %dma_start3A_642 = arith.constant 0 : i32
          %dma_start3A_643 = tpu.memref_slice %arg16[%rem3A_628, %dma_start3A_641, %dma_start3A_642] : memref<4x2x128xi32, #tpu.memory_space<vmem>> -> memref<1x2x128xi32, #tpu.memory_space<vmem>>
          %dma_start3A_644 = tpu.memref_squeeze %dma_start3A_643 : memref<1x2x128xi32, #tpu.memory_space<vmem>> -> memref<2x128xi32, #tpu.memory_space<vmem>>
          %dma_start3A_645 = arith.constant 0 : i32
          %dma_start3A_646 = arith.constant 0 : i32
          %dma_start3A_647 = tpu.memref_slice %arg8[%add3A_626, %dma_start3A_645, %dma_start3A_646] : memref<6272x2x128xi32, #tpu.memory_space<hbm>> -> memref<1x2x128xi32, #tpu.memory_space<hbm>>
          %dma_start3A_648 = tpu.memref_squeeze %dma_start3A_647 : memref<1x2x128xi32, #tpu.memory_space<hbm>> -> memref<2x128xi32, #tpu.memory_space<hbm>>
          tpu.enqueue_dma source(%dma_start3A_648 : memref<2x128xi32, #tpu.memory_space<hbm>>) target(%dma_start3A_644 : memref<2x128xi32, #tpu.memory_space<vmem>>) target_semaphore(%dma_start3A_640 : memref<!tpu.dma_semaphore, #tpu.memory_space<semaphore_mem>>)
        } else {
        }
        %add3A_588 = arith.constant 2 : i32
        %add3A_589 = arith.addi %scan3A_576, %add3A_588 : i32
        %lt3A_590 = arith.constant 391 : i32
        %lt3A_591 = arith.cmpi slt, %add3A_589, %lt3A_590 : i32
        %convert_element_type3A_592 = arith.extui %lt3A_591 : i1 to i32
        %cond3A_593 = arith.constant 0 : i32
        %cond3A_594 = arith.cmpi ne, %convert_element_type3A_592, %cond3A_593 : i32
        scf.if %cond3A_594 {
          %add3A_624 = arith.constant 2 : i32
          %add3A_625 = arith.addi %scan3A_576, %add3A_624 : i32
          %rem3A_626 = arith.constant 4 : i32
          %rem3A_627 = arith.remsi %add3A_625, %rem3A_626 : i32
          %add3A_628 = arith.addi %mul3A_201, %add3A_625 : i32
          %dma_wait3A_629 = arith.constant 0 : i32
          %dma_wait3A_630 = arith.constant 0 : i32
          %dma_wait3A_631 = tpu.memref_slice %arg16[%rem3A_627, %dma_wait3A_629, %dma_wait3A_630] : memref<4x2x128xi32, #tpu.memory_space<vmem>> -> memref<1x2x128xi32, #tpu.memory_space<vmem>>
          %dma_wait3A_632 = tpu.memref_squeeze %dma_wait3A_631 : memref<1x2x128xi32, #tpu.memory_space<vmem>> -> memref<2x128xi32, #tpu.memory_space<vmem>>
          %dma_wait3A_633 = arith.constant 0 : i32
          %dma_wait3A_634 = arith.constant 0 : i32
          %dma_wait3A_635 = tpu.memref_slice %arg8[%add3A_628, %dma_wait3A_633, %dma_wait3A_634] : memref<6272x2x128xi32, #tpu.memory_space<hbm>> -> memref<1x2x128xi32, #tpu.memory_space<hbm>>
          %dma_wait3A_636 = tpu.memref_squeeze %dma_wait3A_635 : memref<1x2x128xi32, #tpu.memory_space<hbm>> -> memref<2x128xi32, #tpu.memory_space<hbm>>
          %dma_wait3A_637 = tpu.memref_slice %arg21[%rem3A_627] : memref<4x!tpu.dma_semaphore, #tpu.memory_space<semaphore_mem>> -> memref<1x!tpu.dma_semaphore, #tpu.memory_space<semaphore_mem>>
          %dma_wait3A_638 = tpu.memref_squeeze %dma_wait3A_637 : memref<1x!tpu.dma_semaphore, #tpu.memory_space<semaphore_mem>> -> memref<!tpu.dma_semaphore, #tpu.memory_space<semaphore_mem>>
          %dma_wait3A_639 = arith.constant 0 : i32
          %dma_wait3A_640 = arith.constant 0 : i32
          %dma_wait3A_641 = tpu.memref_slice %arg16[%rem3A_627, %dma_wait3A_639, %dma_wait3A_640] : memref<4x2x128xi32, #tpu.memory_space<vmem>> -> memref<1x2x128xi32, #tpu.memory_space<vmem>>
          %dma_wait3A_642 = tpu.memref_squeeze %dma_wait3A_641 : memref<1x2x128xi32, #tpu.memory_space<vmem>> -> memref<2x128xi32, #tpu.memory_space<vmem>>
          %dma_wait3A_643 = arith.constant 0 : i32
          %dma_wait3A_644 = arith.constant 0 : i32
          %dma_wait3A_645 = tpu.memref_slice %arg8[%add3A_628, %dma_wait3A_643, %dma_wait3A_644] : memref<6272x2x128xi32, #tpu.memory_space<hbm>> -> memref<1x2x128xi32, #tpu.memory_space<hbm>>
          %dma_wait3A_646 = tpu.memref_squeeze %dma_wait3A_645 : memref<1x2x128xi32, #tpu.memory_space<hbm>> -> memref<2x128xi32, #tpu.memory_space<hbm>>
          tpu.wait_dma2 semaphore(%dma_wait3A_638 : memref<!tpu.dma_semaphore, #tpu.memory_space<semaphore_mem>>) src(%dma_wait3A_646 : memref<2x128xi32, #tpu.memory_space<hbm>>) dst(%dma_wait3A_642 : memref<2x128xi32, #tpu.memory_space<vmem>>)
          %dma_start3A_647 = arith.constant 0 : i32
          %dma_start3A_648 = arith.constant 0 : i32
          %dma_start3A_649 = arith.constant 0 : i32
          %dma_start3A_650 = tpu.memref_slice %arg17[%rem3A_627, %dma_start3A_648, %dma_start3A_649] : memref<4x128x32xf32, #tpu.memory_space<vmem>> -> memref<1x128x32xf32, #tpu.memory_space<vmem>>
          %dma_start3A_651 = tpu.memref_squeeze %dma_start3A_650 : memref<1x128x32xf32, #tpu.memory_space<vmem>> -> memref<128x32xf32, #tpu.memory_space<vmem>>
          %dma_start3A_652 = arith.constant 0 : i32
          %dma_start3A_653 = tpu.memref_slice %arg16[%rem3A_627, %dma_start3A_647, %dma_start3A_652] : memref<4x2x128xi32, #tpu.memory_space<vmem>> -> memref<1x1x128xi32, #tpu.memory_space<vmem>>
          %dma_start3A_654 = tpu.memref_squeeze %dma_start3A_653 : memref<1x1x128xi32, #tpu.memory_space<vmem>> -> memref<128xi32, #tpu.memory_space<vmem>>
          %dma_start3A_655 = arith.constant 0 : i32
          %dma_start3A_656 = arith.constant 0 : i32
          %dma_start3A_657 = tpu.memref_slice %arg6[%dma_start3A_655, %dma_start3A_656] : memref<50048x32xf32, #tpu.memory_space<hbm>> -> memref<50048x32xf32, #tpu.memory_space<hbm>>
          %dma_start3A_658 = tpu.memref_slice %arg22[%rem3A_627] : memref<4x!tpu.dma_semaphore, #tpu.memory_space<semaphore_mem>> -> memref<1x!tpu.dma_semaphore, #tpu.memory_space<semaphore_mem>>
          %dma_start3A_659 = tpu.memref_squeeze %dma_start3A_658 : memref<1x!tpu.dma_semaphore, #tpu.memory_space<semaphore_mem>> -> memref<!tpu.dma_semaphore, #tpu.memory_space<semaphore_mem>>
          tpu.enqueue_indirect_dma source(%dma_start3A_657 : memref<50048x32xf32, #tpu.memory_space<hbm>>) target(%dma_start3A_651 : memref<128x32xf32, #tpu.memory_space<vmem>>) offsets(%dma_start3A_654 : memref<128xi32, #tpu.memory_space<vmem>>) semaphore(%dma_start3A_659 : memref<!tpu.dma_semaphore, #tpu.memory_space<semaphore_mem>>)
        } else {
        }
        %rem3A_595 = arith.constant 4 : i32
        %rem3A_596 = arith.remsi %scan3A_576, %rem3A_595 : i32
        %dma_wait3A_597 = arith.constant 0 : i32
        %dma_wait3A_598 = arith.constant 0 : i32
        %dma_wait3A_599 = arith.constant 0 : i32
        %dma_wait3A_600 = tpu.memref_slice %arg17[%rem3A_596, %dma_wait3A_598, %dma_wait3A_599] : memref<4x128x32xf32, #tpu.memory_space<vmem>> -> memref<1x128x32xf32, #tpu.memory_space<vmem>>
        %dma_wait3A_601 = tpu.memref_squeeze %dma_wait3A_600 : memref<1x128x32xf32, #tpu.memory_space<vmem>> -> memref<128x32xf32, #tpu.memory_space<vmem>>
        %dma_wait3A_602 = arith.constant 0 : i32
        %dma_wait3A_603 = tpu.memref_slice %arg16[%rem3A_596, %dma_wait3A_597, %dma_wait3A_602] : memref<4x2x128xi32, #tpu.memory_space<vmem>> -> memref<1x1x128xi32, #tpu.memory_space<vmem>>
        %dma_wait3A_604 = tpu.memref_squeeze %dma_wait3A_603 : memref<1x1x128xi32, #tpu.memory_space<vmem>> -> memref<128xi32, #tpu.memory_space<vmem>>
        %dma_wait3A_605 = arith.constant 0 : i32
        %dma_wait3A_606 = arith.constant 0 : i32
        %dma_wait3A_607 = tpu.memref_slice %arg6[%dma_wait3A_605, %dma_wait3A_606] : memref<50048x32xf32, #tpu.memory_space<hbm>> -> memref<50048x32xf32, #tpu.memory_space<hbm>>
        %dma_wait3A_608 = tpu.memref_slice %arg22[%rem3A_596] : memref<4x!tpu.dma_semaphore, #tpu.memory_space<semaphore_mem>> -> memref<1x!tpu.dma_semaphore, #tpu.memory_space<semaphore_mem>>
        %dma_wait3A_609 = tpu.memref_squeeze %dma_wait3A_608 : memref<1x!tpu.dma_semaphore, #tpu.memory_space<semaphore_mem>> -> memref<!tpu.dma_semaphore, #tpu.memory_space<semaphore_mem>>
        tpu.wait_indirect_dma semaphore(%dma_wait3A_609 : memref<!tpu.dma_semaphore, #tpu.memory_space<semaphore_mem>>) src(%dma_wait3A_607 : memref<50048x32xf32, #tpu.memory_space<hbm>>) dst(%dma_wait3A_601 : memref<128x32xf32, #tpu.memory_space<vmem>>)
        %dma_start3A_610 = arith.constant 1 : i32
        %dma_start3A_611 = arith.constant 0 : i32
        %dma_start3A_612 = arith.constant 0 : i32
        %dma_start3A_613 = tpu.memref_slice %arg17[%rem3A_596, %dma_start3A_611, %dma_start3A_612] : memref<4x128x32xf32, #tpu.memory_space<vmem>> -> memref<1x128x32xf32, #tpu.memory_space<vmem>>
        %dma_start3A_614 = tpu.memref_squeeze %dma_start3A_613 : memref<1x128x32xf32, #tpu.memory_space<vmem>> -> memref<128x32xf32, #tpu.memory_space<vmem>>
        %dma_start3A_615 = arith.constant 0 : i32
        %dma_start3A_616 = tpu.memref_slice %arg16[%rem3A_596, %dma_start3A_610, %dma_start3A_615] : memref<4x2x128xi32, #tpu.memory_space<vmem>> -> memref<1x1x128xi32, #tpu.memory_space<vmem>>
        %dma_start3A_617 = tpu.memref_squeeze %dma_start3A_616 : memref<1x1x128xi32, #tpu.memory_space<vmem>> -> memref<128xi32, #tpu.memory_space<vmem>>
        %dma_start3A_618 = arith.constant 0 : i32
        %dma_start3A_619 = arith.constant 0 : i32
        %dma_start3A_620 = tpu.memref_slice %arg20[%dma_start3A_618, %dma_start3A_619] : memref<50048x32xf32, #tpu.memory_space<vmem_shared>> -> memref<50048x32xf32, #tpu.memory_space<vmem_shared>>
        %dma_start3A_621 = tpu.memref_slice %arg23[%rem3A_596] : memref<4x!tpu.dma_semaphore, #tpu.memory_space<semaphore_mem>> -> memref<1x!tpu.dma_semaphore, #tpu.memory_space<semaphore_mem>>
        %dma_start3A_622 = tpu.memref_squeeze %dma_start3A_621 : memref<1x!tpu.dma_semaphore, #tpu.memory_space<semaphore_mem>> -> memref<!tpu.dma_semaphore, #tpu.memory_space<semaphore_mem>>
        tpu.enqueue_indirect_dma source(%dma_start3A_614 : memref<128x32xf32, #tpu.memory_space<vmem>>) target(%dma_start3A_620 : memref<50048x32xf32, #tpu.memory_space<vmem_shared>>) offsets(%dma_start3A_617 : memref<128xi32, #tpu.memory_space<vmem>>) semaphore(%dma_start3A_622 : memref<!tpu.dma_semaphore, #tpu.memory_space<semaphore_mem>>) {add = true}
        %scan3A_623 = arith.constant 0 : i32
        scf.yield %scan3A_623 : i32
      }
      %scan3A_358 = arith.constant 391 : i32
      %rem3A_359 = arith.constant 390 : i32
      %rem3A_360 = arith.constant 4 : i32
      %rem3A_361 = arith.remsi %rem3A_359, %rem3A_360 : i32
      %dma_wait3A_362 = arith.constant 1 : i32
      %dma_wait3A_363 = arith.constant 0 : i32
      %dma_wait3A_364 = arith.constant 0 : i32
      %dma_wait3A_365 = tpu.memref_slice %arg17[%rem3A_361, %dma_wait3A_363, %dma_wait3A_364] : memref<4x128x32xf32, #tpu.memory_space<vmem>> -> memref<1x128x32xf32, #tpu.memory_space<vmem>>
      %dma_wait3A_366 = tpu.memref_squeeze %dma_wait3A_365 : memref<1x128x32xf32, #tpu.memory_space<vmem>> -> memref<128x32xf32, #tpu.memory_space<vmem>>
      %dma_wait3A_367 = arith.constant 0 : i32
      %dma_wait3A_368 = tpu.memref_slice %arg16[%rem3A_361, %dma_wait3A_362, %dma_wait3A_367] : memref<4x2x128xi32, #tpu.memory_space<vmem>> -> memref<1x1x128xi32, #tpu.memory_space<vmem>>
      %dma_wait3A_369 = tpu.memref_squeeze %dma_wait3A_368 : memref<1x1x128xi32, #tpu.memory_space<vmem>> -> memref<128xi32, #tpu.memory_space<vmem>>
      %dma_wait3A_370 = arith.constant 0 : i32
      %dma_wait3A_371 = arith.constant 0 : i32
      %dma_wait3A_372 = tpu.memref_slice %arg20[%dma_wait3A_370, %dma_wait3A_371] : memref<50048x32xf32, #tpu.memory_space<vmem_shared>> -> memref<50048x32xf32, #tpu.memory_space<vmem_shared>>
      %dma_wait3A_373 = tpu.memref_slice %arg23[%rem3A_361] : memref<4x!tpu.dma_semaphore, #tpu.memory_space<semaphore_mem>> -> memref<1x!tpu.dma_semaphore, #tpu.memory_space<semaphore_mem>>
      %dma_wait3A_374 = tpu.memref_squeeze %dma_wait3A_373 : memref<1x!tpu.dma_semaphore, #tpu.memory_space<semaphore_mem>> -> memref<!tpu.dma_semaphore, #tpu.memory_space<semaphore_mem>>
      tpu.wait_indirect_dma semaphore(%dma_wait3A_374 : memref<!tpu.dma_semaphore, #tpu.memory_space<semaphore_mem>>) src(%dma_wait3A_366 : memref<128x32xf32, #tpu.memory_space<vmem>>) dst(%dma_wait3A_372 : memref<50048x32xf32, #tpu.memory_space<vmem_shared>>)
      %barrier3A_375 = arith.constant 0 : index
      tpu.barrier barrier_id(%barrier3A_375)
      %scan3A_376 = arith.constant 0 : i32
      %scan3A_377 = arith.constant 0 : i32
      %scan3A_378 = arith.constant 25 : i32
      %scan3A_379 = arith.addi %scan3A_377, %scan3A_378 : i32
      %scan3A_380 = arith.constant 1 : i32
      %scan3A_381 = scf.for %scan3A_576 = %scan3A_377 to %scan3A_379 step %scan3A_380 iter_args(%scan3A_577 = %scan3A_376) -> (i32)  : i32 {
        %mul3A_578 = arith.constant 16 : i32
        %mul3A_579 = arith.muli %scan3A_576, %mul3A_578 : i32
        %add3A_580 = arith.addi %arg1, %mul3A_579 : i32
        %lt3A = arith.constant 391 : i32
        %lt3A_581 = arith.cmpi slt, %add3A_580, %lt3A : i32
        %convert_element_type3A_582 = arith.extui %lt3A_581 : i1 to i32
        %cond3A_583 = arith.constant 0 : i32
        %cond3A_584 = arith.cmpi ne, %convert_element_type3A_582, %cond3A_583 : i32
        scf.if %cond3A_584 {
          %mul3A_586 = arith.constant 128 : i32
          %mul3A_587 = arith.muli %add3A_580, %mul3A_586 : i32
          "tpu.region"() ({
            %run_scoped3A = tpu.sem_alloc : memref<!tpu.dma_semaphore, #tpu.memory_space<semaphore_mem>>
            %dma_start3A_588 = arith.constant 0 : i32
            %dma_start3A_589 = tpu.memref_slice %arg20[%mul3A_587, %dma_start3A_588] : memref<50048x32xf32, #tpu.memory_space<vmem_shared>> -> memref<128x32xf32, #tpu.memory_space<vmem_shared>>
            %dma_start3A_590 = arith.constant 0 : i32
            %dma_start3A_591 = tpu.memref_slice %arg20[%mul3A_587, %dma_start3A_590] : memref<50048x32xf32, #tpu.memory_space<vmem_shared>> -> memref<128x32xf32, #tpu.memory_space<vmem_shared>>
            tpu.enqueue_dma source(%dma_start3A_591 : memref<128x32xf32, #tpu.memory_space<vmem_shared>>) target(%arg18 : memref<128x32xf32, #tpu.memory_space<vmem>>) target_semaphore(%run_scoped3A : memref<!tpu.dma_semaphore, #tpu.memory_space<semaphore_mem>>)
            %dma_wait3A_592 = arith.constant 0 : i32
            %dma_wait3A_593 = tpu.memref_slice %arg20[%mul3A_587, %dma_wait3A_592] : memref<50048x32xf32, #tpu.memory_space<vmem_shared>> -> memref<128x32xf32, #tpu.memory_space<vmem_shared>>
            %dma_wait3A_594 = arith.constant 0 : i32
            %dma_wait3A_595 = tpu.memref_slice %arg20[%mul3A_587, %dma_wait3A_594] : memref<50048x32xf32, #tpu.memory_space<vmem_shared>> -> memref<128x32xf32, #tpu.memory_space<vmem_shared>>
            tpu.wait_dma2 semaphore(%run_scoped3A : memref<!tpu.dma_semaphore, #tpu.memory_space<semaphore_mem>>) src(%dma_wait3A_595 : memref<128x32xf32, #tpu.memory_space<vmem_shared>>) dst(%arg18 : memref<128x32xf32, #tpu.memory_space<vmem>>)
            tpu.yield
          }) : () -> ()
          "tpu.region"() ({
            %run_scoped3A = tpu.sem_alloc : memref<!tpu.dma_semaphore, #tpu.memory_space<semaphore_mem>>
            %dma_start3A_588 = arith.constant 0 : i32
            %dma_start3A_589 = tpu.memref_slice %arg14[%mul3A_587, %dma_start3A_588] : memref<50048x32xf32, #tpu.memory_space<hbm>> -> memref<128x32xf32, #tpu.memory_space<hbm>>
            %dma_start3A_590 = arith.constant 0 : i32
            %dma_start3A_591 = tpu.memref_slice %arg14[%mul3A_587, %dma_start3A_590] : memref<50048x32xf32, #tpu.memory_space<hbm>> -> memref<128x32xf32, #tpu.memory_space<hbm>>
            tpu.enqueue_dma source(%arg18 : memref<128x32xf32, #tpu.memory_space<vmem>>) target(%dma_start3A_591 : memref<128x32xf32, #tpu.memory_space<hbm>>) target_semaphore(%run_scoped3A : memref<!tpu.dma_semaphore, #tpu.memory_space<semaphore_mem>>)
            %dma_wait3A_592 = arith.constant 0 : i32
            %dma_wait3A_593 = tpu.memref_slice %arg14[%mul3A_587, %dma_wait3A_592] : memref<50048x32xf32, #tpu.memory_space<hbm>> -> memref<128x32xf32, #tpu.memory_space<hbm>>
            %dma_wait3A_594 = arith.constant 0 : i32
            %dma_wait3A_595 = tpu.memref_slice %arg14[%mul3A_587, %dma_wait3A_594] : memref<50048x32xf32, #tpu.memory_space<hbm>> -> memref<128x32xf32, #tpu.memory_space<hbm>>
            tpu.wait_dma2 semaphore(%run_scoped3A : memref<!tpu.dma_semaphore, #tpu.memory_space<semaphore_mem>>) src(%arg18 : memref<128x32xf32, #tpu.memory_space<vmem>>) dst(%dma_wait3A_595 : memref<128x32xf32, #tpu.memory_space<hbm>>)
            tpu.yield
          }) : () -> ()
        } else {
        }
        %scan3A_585 = arith.constant 0 : i32
        scf.yield %scan3A_585 : i32
      }
      %scan3A_382 = arith.constant 25 : i32
      %barrier3A_383 = arith.constant 0 : index
      tpu.barrier barrier_id(%barrier3A_383)
      %scan3A_384 = arith.constant 0 : i32
      %scan3A_385 = arith.constant 0 : i32
      %scan3A_386 = arith.constant 25 : i32
      %scan3A_387 = arith.addi %scan3A_385, %scan3A_386 : i32
      %scan3A_388 = arith.constant 1 : i32
      %scan3A_389 = scf.for %scan3A_576 = %scan3A_385 to %scan3A_387 step %scan3A_388 iter_args(%scan3A_577 = %scan3A_384) -> (i32)  : i32 {
        %mul3A_578 = arith.constant 16 : i32
        %mul3A_579 = arith.muli %scan3A_576, %mul3A_578 : i32
        %add3A_580 = arith.addi %arg1, %mul3A_579 : i32
        %lt3A = arith.constant 391 : i32
        %lt3A_581 = arith.cmpi slt, %add3A_580, %lt3A : i32
        %convert_element_type3A_582 = arith.extui %lt3A_581 : i1 to i32
        %cond3A_583 = arith.constant 0 : i32
        %cond3A_584 = arith.cmpi ne, %convert_element_type3A_582, %cond3A_583 : i32
        scf.if %cond3A_584 {
          %mul3A_586 = arith.constant 128 : i32
          %mul3A_587 = arith.muli %add3A_580, %mul3A_586 : i32
          "tpu.region"() ({
            %run_scoped3A = tpu.sem_alloc : memref<!tpu.dma_semaphore, #tpu.memory_space<semaphore_mem>>
            %dma_start3A_588 = arith.constant 0 : i32
            %dma_start3A_589 = tpu.memref_slice %arg20[%mul3A_587, %dma_start3A_588] : memref<50048x32xf32, #tpu.memory_space<vmem_shared>> -> memref<128x32xf32, #tpu.memory_space<vmem_shared>>
            %dma_start3A_590 = arith.constant 0 : i32
            %dma_start3A_591 = tpu.memref_slice %arg20[%mul3A_587, %dma_start3A_590] : memref<50048x32xf32, #tpu.memory_space<vmem_shared>> -> memref<128x32xf32, #tpu.memory_space<vmem_shared>>
            tpu.enqueue_dma source(%arg19 : memref<128x32xf32, #tpu.memory_space<vmem>>) target(%dma_start3A_591 : memref<128x32xf32, #tpu.memory_space<vmem_shared>>) target_semaphore(%run_scoped3A : memref<!tpu.dma_semaphore, #tpu.memory_space<semaphore_mem>>)
            %dma_wait3A_592 = arith.constant 0 : i32
            %dma_wait3A_593 = tpu.memref_slice %arg20[%mul3A_587, %dma_wait3A_592] : memref<50048x32xf32, #tpu.memory_space<vmem_shared>> -> memref<128x32xf32, #tpu.memory_space<vmem_shared>>
            %dma_wait3A_594 = arith.constant 0 : i32
            %dma_wait3A_595 = tpu.memref_slice %arg20[%mul3A_587, %dma_wait3A_594] : memref<50048x32xf32, #tpu.memory_space<vmem_shared>> -> memref<128x32xf32, #tpu.memory_space<vmem_shared>>
            tpu.wait_dma2 semaphore(%run_scoped3A : memref<!tpu.dma_semaphore, #tpu.memory_space<semaphore_mem>>) src(%arg19 : memref<128x32xf32, #tpu.memory_space<vmem>>) dst(%dma_wait3A_595 : memref<128x32xf32, #tpu.memory_space<vmem_shared>>)
            tpu.yield
          }) : () -> ()
        } else {
        }
        %scan3A_585 = arith.constant 0 : i32
        scf.yield %scan3A_585 : i32
      }
      %scan3A_390 = arith.constant 25 : i32
      %barrier3A_391 = arith.constant 0 : index
      tpu.barrier barrier_id(%barrier3A_391)
      %mul3A_392 = arith.constant 391 : i32
      %mul3A_393 = arith.muli %arg1, %mul3A_392 : i32
      %add3A_394 = arith.constant 0 : i32
      %add3A_395 = arith.addi %mul3A_393, %add3A_394 : i32
      %rem3A_396 = arith.constant 0 : i32
      %rem3A_397 = arith.constant 4 : i32
      %rem3A_398 = arith.remsi %rem3A_396, %rem3A_397 : i32
      %rem3A_399 = arith.constant 0 : i32
      %rem3A_400 = arith.constant 4 : i32
      %rem3A_401 = arith.remsi %rem3A_399, %rem3A_400 : i32
      %dma_start3A_402 = arith.constant 0 : i32
      %dma_start3A_403 = arith.constant 0 : i32
      %dma_start3A_404 = tpu.memref_slice %arg16[%rem3A_398, %dma_start3A_402, %dma_start3A_403] : memref<4x2x128xi32, #tpu.memory_space<vmem>> -> memref<1x2x128xi32, #tpu.memory_space<vmem>>
      %dma_start3A_405 = tpu.memref_squeeze %dma_start3A_404 : memref<1x2x128xi32, #tpu.memory_space<vmem>> -> memref<2x128xi32, #tpu.memory_space<vmem>>
      %dma_start3A_406 = arith.constant 0 : i32
      %dma_start3A_407 = arith.constant 0 : i32
      %dma_start3A_408 = tpu.memref_slice %arg8[%add3A_395, %dma_start3A_406, %dma_start3A_407] : memref<6272x2x128xi32, #tpu.memory_space<hbm>> -> memref<1x2x128xi32, #tpu.memory_space<hbm>>
      %dma_start3A_409 = tpu.memref_squeeze %dma_start3A_408 : memref<1x2x128xi32, #tpu.memory_space<hbm>> -> memref<2x128xi32, #tpu.memory_space<hbm>>
      %dma_start3A_410 = tpu.memref_slice %arg21[%rem3A_401] : memref<4x!tpu.dma_semaphore, #tpu.memory_space<semaphore_mem>> -> memref<1x!tpu.dma_semaphore, #tpu.memory_space<semaphore_mem>>
      %dma_start3A_411 = tpu.memref_squeeze %dma_start3A_410 : memref<1x!tpu.dma_semaphore, #tpu.memory_space<semaphore_mem>> -> memref<!tpu.dma_semaphore, #tpu.memory_space<semaphore_mem>>
      %dma_start3A_412 = arith.constant 0 : i32
      %dma_start3A_413 = arith.constant 0 : i32
      %dma_start3A_414 = tpu.memref_slice %arg16[%rem3A_398, %dma_start3A_412, %dma_start3A_413] : memref<4x2x128xi32, #tpu.memory_space<vmem>> -> memref<1x2x128xi32, #tpu.memory_space<vmem>>
      %dma_start3A_415 = tpu.memref_squeeze %dma_start3A_414 : memref<1x2x128xi32, #tpu.memory_space<vmem>> -> memref<2x128xi32, #tpu.memory_space<vmem>>
      %dma_start3A_416 = arith.constant 0 : i32
      %dma_start3A_417 = arith.constant 0 : i32
      %dma_start3A_418 = tpu.memref_slice %arg8[%add3A_395, %dma_start3A_416, %dma_start3A_417] : memref<6272x2x128xi32, #tpu.memory_space<hbm>> -> memref<1x2x128xi32, #tpu.memory_space<hbm>>
      %dma_start3A_419 = tpu.memref_squeeze %dma_start3A_418 : memref<1x2x128xi32, #tpu.memory_space<hbm>> -> memref<2x128xi32, #tpu.memory_space<hbm>>
      tpu.enqueue_dma source(%dma_start3A_419 : memref<2x128xi32, #tpu.memory_space<hbm>>) target(%dma_start3A_415 : memref<2x128xi32, #tpu.memory_space<vmem>>) target_semaphore(%dma_start3A_411 : memref<!tpu.dma_semaphore, #tpu.memory_space<semaphore_mem>>)
      %add3A_420 = arith.constant 1 : i32
      %add3A_421 = arith.addi %mul3A_393, %add3A_420 : i32
      %rem3A_422 = arith.constant 1 : i32
      %rem3A_423 = arith.constant 4 : i32
      %rem3A_424 = arith.remsi %rem3A_422, %rem3A_423 : i32
      %rem3A_425 = arith.constant 1 : i32
      %rem3A_426 = arith.constant 4 : i32
      %rem3A_427 = arith.remsi %rem3A_425, %rem3A_426 : i32
      %dma_start3A_428 = arith.constant 0 : i32
      %dma_start3A_429 = arith.constant 0 : i32
      %dma_start3A_430 = tpu.memref_slice %arg16[%rem3A_424, %dma_start3A_428, %dma_start3A_429] : memref<4x2x128xi32, #tpu.memory_space<vmem>> -> memref<1x2x128xi32, #tpu.memory_space<vmem>>
      %dma_start3A_431 = tpu.memref_squeeze %dma_start3A_430 : memref<1x2x128xi32, #tpu.memory_space<vmem>> -> memref<2x128xi32, #tpu.memory_space<vmem>>
      %dma_start3A_432 = arith.constant 0 : i32
      %dma_start3A_433 = arith.constant 0 : i32
      %dma_start3A_434 = tpu.memref_slice %arg8[%add3A_421, %dma_start3A_432, %dma_start3A_433] : memref<6272x2x128xi32, #tpu.memory_space<hbm>> -> memref<1x2x128xi32, #tpu.memory_space<hbm>>
      %dma_start3A_435 = tpu.memref_squeeze %dma_start3A_434 : memref<1x2x128xi32, #tpu.memory_space<hbm>> -> memref<2x128xi32, #tpu.memory_space<hbm>>
      %dma_start3A_436 = tpu.memref_slice %arg21[%rem3A_427] : memref<4x!tpu.dma_semaphore, #tpu.memory_space<semaphore_mem>> -> memref<1x!tpu.dma_semaphore, #tpu.memory_space<semaphore_mem>>
      %dma_start3A_437 = tpu.memref_squeeze %dma_start3A_436 : memref<1x!tpu.dma_semaphore, #tpu.memory_space<semaphore_mem>> -> memref<!tpu.dma_semaphore, #tpu.memory_space<semaphore_mem>>
      %dma_start3A_438 = arith.constant 0 : i32
      %dma_start3A_439 = arith.constant 0 : i32
      %dma_start3A_440 = tpu.memref_slice %arg16[%rem3A_424, %dma_start3A_438, %dma_start3A_439] : memref<4x2x128xi32, #tpu.memory_space<vmem>> -> memref<1x2x128xi32, #tpu.memory_space<vmem>>
      %dma_start3A_441 = tpu.memref_squeeze %dma_start3A_440 : memref<1x2x128xi32, #tpu.memory_space<vmem>> -> memref<2x128xi32, #tpu.memory_space<vmem>>
      %dma_start3A_442 = arith.constant 0 : i32
      %dma_start3A_443 = arith.constant 0 : i32
      %dma_start3A_444 = tpu.memref_slice %arg8[%add3A_421, %dma_start3A_442, %dma_start3A_443] : memref<6272x2x128xi32, #tpu.memory_space<hbm>> -> memref<1x2x128xi32, #tpu.memory_space<hbm>>
      %dma_start3A_445 = tpu.memref_squeeze %dma_start3A_444 : memref<1x2x128xi32, #tpu.memory_space<hbm>> -> memref<2x128xi32, #tpu.memory_space<hbm>>
      tpu.enqueue_dma source(%dma_start3A_445 : memref<2x128xi32, #tpu.memory_space<hbm>>) target(%dma_start3A_441 : memref<2x128xi32, #tpu.memory_space<vmem>>) target_semaphore(%dma_start3A_437 : memref<!tpu.dma_semaphore, #tpu.memory_space<semaphore_mem>>)
      %add3A_446 = arith.constant 2 : i32
      %add3A_447 = arith.addi %mul3A_393, %add3A_446 : i32
      %rem3A_448 = arith.constant 2 : i32
      %rem3A_449 = arith.constant 4 : i32
      %rem3A_450 = arith.remsi %rem3A_448, %rem3A_449 : i32
      %rem3A_451 = arith.constant 2 : i32
      %rem3A_452 = arith.constant 4 : i32
      %rem3A_453 = arith.remsi %rem3A_451, %rem3A_452 : i32
      %dma_start3A_454 = arith.constant 0 : i32
      %dma_start3A_455 = arith.constant 0 : i32
      %dma_start3A_456 = tpu.memref_slice %arg16[%rem3A_450, %dma_start3A_454, %dma_start3A_455] : memref<4x2x128xi32, #tpu.memory_space<vmem>> -> memref<1x2x128xi32, #tpu.memory_space<vmem>>
      %dma_start3A_457 = tpu.memref_squeeze %dma_start3A_456 : memref<1x2x128xi32, #tpu.memory_space<vmem>> -> memref<2x128xi32, #tpu.memory_space<vmem>>
      %dma_start3A_458 = arith.constant 0 : i32
      %dma_start3A_459 = arith.constant 0 : i32
      %dma_start3A_460 = tpu.memref_slice %arg8[%add3A_447, %dma_start3A_458, %dma_start3A_459] : memref<6272x2x128xi32, #tpu.memory_space<hbm>> -> memref<1x2x128xi32, #tpu.memory_space<hbm>>
      %dma_start3A_461 = tpu.memref_squeeze %dma_start3A_460 : memref<1x2x128xi32, #tpu.memory_space<hbm>> -> memref<2x128xi32, #tpu.memory_space<hbm>>
      %dma_start3A_462 = tpu.memref_slice %arg21[%rem3A_453] : memref<4x!tpu.dma_semaphore, #tpu.memory_space<semaphore_mem>> -> memref<1x!tpu.dma_semaphore, #tpu.memory_space<semaphore_mem>>
      %dma_start3A_463 = tpu.memref_squeeze %dma_start3A_462 : memref<1x!tpu.dma_semaphore, #tpu.memory_space<semaphore_mem>> -> memref<!tpu.dma_semaphore, #tpu.memory_space<semaphore_mem>>
      %dma_start3A_464 = arith.constant 0 : i32
      %dma_start3A_465 = arith.constant 0 : i32
      %dma_start3A_466 = tpu.memref_slice %arg16[%rem3A_450, %dma_start3A_464, %dma_start3A_465] : memref<4x2x128xi32, #tpu.memory_space<vmem>> -> memref<1x2x128xi32, #tpu.memory_space<vmem>>
      %dma_start3A_467 = tpu.memref_squeeze %dma_start3A_466 : memref<1x2x128xi32, #tpu.memory_space<vmem>> -> memref<2x128xi32, #tpu.memory_space<vmem>>
      %dma_start3A_468 = arith.constant 0 : i32
      %dma_start3A_469 = arith.constant 0 : i32
      %dma_start3A_470 = tpu.memref_slice %arg8[%add3A_447, %dma_start3A_468, %dma_start3A_469] : memref<6272x2x128xi32, #tpu.memory_space<hbm>> -> memref<1x2x128xi32, #tpu.memory_space<hbm>>
      %dma_start3A_471 = tpu.memref_squeeze %dma_start3A_470 : memref<1x2x128xi32, #tpu.memory_space<hbm>> -> memref<2x128xi32, #tpu.memory_space<hbm>>
      tpu.enqueue_dma source(%dma_start3A_471 : memref<2x128xi32, #tpu.memory_space<hbm>>) target(%dma_start3A_467 : memref<2x128xi32, #tpu.memory_space<vmem>>) target_semaphore(%dma_start3A_463 : memref<!tpu.dma_semaphore, #tpu.memory_space<semaphore_mem>>)
      %rem3A_472 = arith.constant 0 : i32
      %rem3A_473 = arith.constant 4 : i32
      %rem3A_474 = arith.remsi %rem3A_472, %rem3A_473 : i32
      %add3A_475 = arith.constant 0 : i32
      %add3A_476 = arith.addi %mul3A_393, %add3A_475 : i32
      %dma_wait3A_477 = arith.constant 0 : i32
      %dma_wait3A_478 = arith.constant 0 : i32
      %dma_wait3A_479 = tpu.memref_slice %arg16[%rem3A_474, %dma_wait3A_477, %dma_wait3A_478] : memref<4x2x128xi32, #tpu.memory_space<vmem>> -> memref<1x2x128xi32, #tpu.memory_space<vmem>>
      %dma_wait3A_480 = tpu.memref_squeeze %dma_wait3A_479 : memref<1x2x128xi32, #tpu.memory_space<vmem>> -> memref<2x128xi32, #tpu.memory_space<vmem>>
      %dma_wait3A_481 = arith.constant 0 : i32
      %dma_wait3A_482 = arith.constant 0 : i32
      %dma_wait3A_483 = tpu.memref_slice %arg8[%add3A_476, %dma_wait3A_481, %dma_wait3A_482] : memref<6272x2x128xi32, #tpu.memory_space<hbm>> -> memref<1x2x128xi32, #tpu.memory_space<hbm>>
      %dma_wait3A_484 = tpu.memref_squeeze %dma_wait3A_483 : memref<1x2x128xi32, #tpu.memory_space<hbm>> -> memref<2x128xi32, #tpu.memory_space<hbm>>
      %dma_wait3A_485 = tpu.memref_slice %arg21[%rem3A_474] : memref<4x!tpu.dma_semaphore, #tpu.memory_space<semaphore_mem>> -> memref<1x!tpu.dma_semaphore, #tpu.memory_space<semaphore_mem>>
      %dma_wait3A_486 = tpu.memref_squeeze %dma_wait3A_485 : memref<1x!tpu.dma_semaphore, #tpu.memory_space<semaphore_mem>> -> memref<!tpu.dma_semaphore, #tpu.memory_space<semaphore_mem>>
      %dma_wait3A_487 = arith.constant 0 : i32
      %dma_wait3A_488 = arith.constant 0 : i32
      %dma_wait3A_489 = tpu.memref_slice %arg16[%rem3A_474, %dma_wait3A_487, %dma_wait3A_488] : memref<4x2x128xi32, #tpu.memory_space<vmem>> -> memref<1x2x128xi32, #tpu.memory_space<vmem>>
      %dma_wait3A_490 = tpu.memref_squeeze %dma_wait3A_489 : memref<1x2x128xi32, #tpu.memory_space<vmem>> -> memref<2x128xi32, #tpu.memory_space<vmem>>
      %dma_wait3A_491 = arith.constant 0 : i32
      %dma_wait3A_492 = arith.constant 0 : i32
      %dma_wait3A_493 = tpu.memref_slice %arg8[%add3A_476, %dma_wait3A_491, %dma_wait3A_492] : memref<6272x2x128xi32, #tpu.memory_space<hbm>> -> memref<1x2x128xi32, #tpu.memory_space<hbm>>
      %dma_wait3A_494 = tpu.memref_squeeze %dma_wait3A_493 : memref<1x2x128xi32, #tpu.memory_space<hbm>> -> memref<2x128xi32, #tpu.memory_space<hbm>>
      tpu.wait_dma2 semaphore(%dma_wait3A_486 : memref<!tpu.dma_semaphore, #tpu.memory_space<semaphore_mem>>) src(%dma_wait3A_494 : memref<2x128xi32, #tpu.memory_space<hbm>>) dst(%dma_wait3A_490 : memref<2x128xi32, #tpu.memory_space<vmem>>)
      %dma_start3A_495 = arith.constant 0 : i32
      %dma_start3A_496 = arith.constant 0 : i32
      %dma_start3A_497 = arith.constant 0 : i32
      %dma_start3A_498 = tpu.memref_slice %arg17[%rem3A_474, %dma_start3A_496, %dma_start3A_497] : memref<4x128x32xf32, #tpu.memory_space<vmem>> -> memref<1x128x32xf32, #tpu.memory_space<vmem>>
      %dma_start3A_499 = tpu.memref_squeeze %dma_start3A_498 : memref<1x128x32xf32, #tpu.memory_space<vmem>> -> memref<128x32xf32, #tpu.memory_space<vmem>>
      %dma_start3A_500 = arith.constant 0 : i32
      %dma_start3A_501 = tpu.memref_slice %arg16[%rem3A_474, %dma_start3A_495, %dma_start3A_500] : memref<4x2x128xi32, #tpu.memory_space<vmem>> -> memref<1x1x128xi32, #tpu.memory_space<vmem>>
      %dma_start3A_502 = tpu.memref_squeeze %dma_start3A_501 : memref<1x1x128xi32, #tpu.memory_space<vmem>> -> memref<128xi32, #tpu.memory_space<vmem>>
      %dma_start3A_503 = arith.constant 0 : i32
      %dma_start3A_504 = arith.constant 0 : i32
      %dma_start3A_505 = tpu.memref_slice %arg7[%dma_start3A_503, %dma_start3A_504] : memref<50048x32xf32, #tpu.memory_space<hbm>> -> memref<50048x32xf32, #tpu.memory_space<hbm>>
      %dma_start3A_506 = tpu.memref_slice %arg22[%rem3A_474] : memref<4x!tpu.dma_semaphore, #tpu.memory_space<semaphore_mem>> -> memref<1x!tpu.dma_semaphore, #tpu.memory_space<semaphore_mem>>
      %dma_start3A_507 = tpu.memref_squeeze %dma_start3A_506 : memref<1x!tpu.dma_semaphore, #tpu.memory_space<semaphore_mem>> -> memref<!tpu.dma_semaphore, #tpu.memory_space<semaphore_mem>>
      tpu.enqueue_indirect_dma source(%dma_start3A_505 : memref<50048x32xf32, #tpu.memory_space<hbm>>) target(%dma_start3A_499 : memref<128x32xf32, #tpu.memory_space<vmem>>) offsets(%dma_start3A_502 : memref<128xi32, #tpu.memory_space<vmem>>) semaphore(%dma_start3A_507 : memref<!tpu.dma_semaphore, #tpu.memory_space<semaphore_mem>>)
      %rem3A_508 = arith.constant 1 : i32
      %rem3A_509 = arith.constant 4 : i32
      %rem3A_510 = arith.remsi %rem3A_508, %rem3A_509 : i32
      %add3A_511 = arith.constant 1 : i32
      %add3A_512 = arith.addi %mul3A_393, %add3A_511 : i32
      %dma_wait3A_513 = arith.constant 0 : i32
      %dma_wait3A_514 = arith.constant 0 : i32
      %dma_wait3A_515 = tpu.memref_slice %arg16[%rem3A_510, %dma_wait3A_513, %dma_wait3A_514] : memref<4x2x128xi32, #tpu.memory_space<vmem>> -> memref<1x2x128xi32, #tpu.memory_space<vmem>>
      %dma_wait3A_516 = tpu.memref_squeeze %dma_wait3A_515 : memref<1x2x128xi32, #tpu.memory_space<vmem>> -> memref<2x128xi32, #tpu.memory_space<vmem>>
      %dma_wait3A_517 = arith.constant 0 : i32
      %dma_wait3A_518 = arith.constant 0 : i32
      %dma_wait3A_519 = tpu.memref_slice %arg8[%add3A_512, %dma_wait3A_517, %dma_wait3A_518] : memref<6272x2x128xi32, #tpu.memory_space<hbm>> -> memref<1x2x128xi32, #tpu.memory_space<hbm>>
      %dma_wait3A_520 = tpu.memref_squeeze %dma_wait3A_519 : memref<1x2x128xi32, #tpu.memory_space<hbm>> -> memref<2x128xi32, #tpu.memory_space<hbm>>
      %dma_wait3A_521 = tpu.memref_slice %arg21[%rem3A_510] : memref<4x!tpu.dma_semaphore, #tpu.memory_space<semaphore_mem>> -> memref<1x!tpu.dma_semaphore, #tpu.memory_space<semaphore_mem>>
      %dma_wait3A_522 = tpu.memref_squeeze %dma_wait3A_521 : memref<1x!tpu.dma_semaphore, #tpu.memory_space<semaphore_mem>> -> memref<!tpu.dma_semaphore, #tpu.memory_space<semaphore_mem>>
      %dma_wait3A_523 = arith.constant 0 : i32
      %dma_wait3A_524 = arith.constant 0 : i32
      %dma_wait3A_525 = tpu.memref_slice %arg16[%rem3A_510, %dma_wait3A_523, %dma_wait3A_524] : memref<4x2x128xi32, #tpu.memory_space<vmem>> -> memref<1x2x128xi32, #tpu.memory_space<vmem>>
      %dma_wait3A_526 = tpu.memref_squeeze %dma_wait3A_525 : memref<1x2x128xi32, #tpu.memory_space<vmem>> -> memref<2x128xi32, #tpu.memory_space<vmem>>
      %dma_wait3A_527 = arith.constant 0 : i32
      %dma_wait3A_528 = arith.constant 0 : i32
      %dma_wait3A_529 = tpu.memref_slice %arg8[%add3A_512, %dma_wait3A_527, %dma_wait3A_528] : memref<6272x2x128xi32, #tpu.memory_space<hbm>> -> memref<1x2x128xi32, #tpu.memory_space<hbm>>
      %dma_wait3A_530 = tpu.memref_squeeze %dma_wait3A_529 : memref<1x2x128xi32, #tpu.memory_space<hbm>> -> memref<2x128xi32, #tpu.memory_space<hbm>>
      tpu.wait_dma2 semaphore(%dma_wait3A_522 : memref<!tpu.dma_semaphore, #tpu.memory_space<semaphore_mem>>) src(%dma_wait3A_530 : memref<2x128xi32, #tpu.memory_space<hbm>>) dst(%dma_wait3A_526 : memref<2x128xi32, #tpu.memory_space<vmem>>)
      %dma_start3A_531 = arith.constant 0 : i32
      %dma_start3A_532 = arith.constant 0 : i32
      %dma_start3A_533 = arith.constant 0 : i32
      %dma_start3A_534 = tpu.memref_slice %arg17[%rem3A_510, %dma_start3A_532, %dma_start3A_533] : memref<4x128x32xf32, #tpu.memory_space<vmem>> -> memref<1x128x32xf32, #tpu.memory_space<vmem>>
      %dma_start3A_535 = tpu.memref_squeeze %dma_start3A_534 : memref<1x128x32xf32, #tpu.memory_space<vmem>> -> memref<128x32xf32, #tpu.memory_space<vmem>>
      %dma_start3A_536 = arith.constant 0 : i32
      %dma_start3A_537 = tpu.memref_slice %arg16[%rem3A_510, %dma_start3A_531, %dma_start3A_536] : memref<4x2x128xi32, #tpu.memory_space<vmem>> -> memref<1x1x128xi32, #tpu.memory_space<vmem>>
      %dma_start3A_538 = tpu.memref_squeeze %dma_start3A_537 : memref<1x1x128xi32, #tpu.memory_space<vmem>> -> memref<128xi32, #tpu.memory_space<vmem>>
      %dma_start3A_539 = arith.constant 0 : i32
      %dma_start3A_540 = arith.constant 0 : i32
      %dma_start3A_541 = tpu.memref_slice %arg7[%dma_start3A_539, %dma_start3A_540] : memref<50048x32xf32, #tpu.memory_space<hbm>> -> memref<50048x32xf32, #tpu.memory_space<hbm>>
      %dma_start3A_542 = tpu.memref_slice %arg22[%rem3A_510] : memref<4x!tpu.dma_semaphore, #tpu.memory_space<semaphore_mem>> -> memref<1x!tpu.dma_semaphore, #tpu.memory_space<semaphore_mem>>
      %dma_start3A_543 = tpu.memref_squeeze %dma_start3A_542 : memref<1x!tpu.dma_semaphore, #tpu.memory_space<semaphore_mem>> -> memref<!tpu.dma_semaphore, #tpu.memory_space<semaphore_mem>>
      tpu.enqueue_indirect_dma source(%dma_start3A_541 : memref<50048x32xf32, #tpu.memory_space<hbm>>) target(%dma_start3A_535 : memref<128x32xf32, #tpu.memory_space<vmem>>) offsets(%dma_start3A_538 : memref<128xi32, #tpu.memory_space<vmem>>) semaphore(%dma_start3A_543 : memref<!tpu.dma_semaphore, #tpu.memory_space<semaphore_mem>>)
      %scan3A_544 = arith.constant 0 : i32
      %scan3A_545 = arith.constant 0 : i32
      %scan3A_546 = arith.constant 391 : i32
      %scan3A_547 = arith.addi %scan3A_545, %scan3A_546 : i32
      %scan3A_548 = arith.constant 1 : i32
      %scan3A_549 = scf.for %scan3A_576 = %scan3A_545 to %scan3A_547 step %scan3A_548 iter_args(%scan3A_577 = %scan3A_544) -> (i32)  : i32 {
        %ge3A = arith.constant 1 : i32
        %ge3A_578 = arith.cmpi sge, %scan3A_576, %ge3A : i32
        %convert_element_type3A_579 = arith.extui %ge3A_578 : i1 to i32
        %cond3A_580 = arith.constant 0 : i32
        %cond3A_581 = arith.cmpi ne, %convert_element_type3A_579, %cond3A_580 : i32
        scf.if %cond3A_581 {
          %sub3A = arith.constant 1 : i32
          %sub3A_624 = arith.subi %scan3A_576, %sub3A : i32
          %rem3A_625 = arith.constant 4 : i32
          %rem3A_626 = arith.remsi %sub3A_624, %rem3A_625 : i32
          %dma_wait3A_627 = arith.constant 1 : i32
          %dma_wait3A_628 = arith.constant 0 : i32
          %dma_wait3A_629 = arith.constant 0 : i32
          %dma_wait3A_630 = tpu.memref_slice %arg17[%rem3A_626, %dma_wait3A_628, %dma_wait3A_629] : memref<4x128x32xf32, #tpu.memory_space<vmem>> -> memref<1x128x32xf32, #tpu.memory_space<vmem>>
          %dma_wait3A_631 = tpu.memref_squeeze %dma_wait3A_630 : memref<1x128x32xf32, #tpu.memory_space<vmem>> -> memref<128x32xf32, #tpu.memory_space<vmem>>
          %dma_wait3A_632 = arith.constant 0 : i32
          %dma_wait3A_633 = tpu.memref_slice %arg16[%rem3A_626, %dma_wait3A_627, %dma_wait3A_632] : memref<4x2x128xi32, #tpu.memory_space<vmem>> -> memref<1x1x128xi32, #tpu.memory_space<vmem>>
          %dma_wait3A_634 = tpu.memref_squeeze %dma_wait3A_633 : memref<1x1x128xi32, #tpu.memory_space<vmem>> -> memref<128xi32, #tpu.memory_space<vmem>>
          %dma_wait3A_635 = arith.constant 0 : i32
          %dma_wait3A_636 = arith.constant 0 : i32
          %dma_wait3A_637 = tpu.memref_slice %arg20[%dma_wait3A_635, %dma_wait3A_636] : memref<50048x32xf32, #tpu.memory_space<vmem_shared>> -> memref<50048x32xf32, #tpu.memory_space<vmem_shared>>
          %dma_wait3A_638 = tpu.memref_slice %arg23[%rem3A_626] : memref<4x!tpu.dma_semaphore, #tpu.memory_space<semaphore_mem>> -> memref<1x!tpu.dma_semaphore, #tpu.memory_space<semaphore_mem>>
          %dma_wait3A_639 = tpu.memref_squeeze %dma_wait3A_638 : memref<1x!tpu.dma_semaphore, #tpu.memory_space<semaphore_mem>> -> memref<!tpu.dma_semaphore, #tpu.memory_space<semaphore_mem>>
          tpu.wait_indirect_dma semaphore(%dma_wait3A_639 : memref<!tpu.dma_semaphore, #tpu.memory_space<semaphore_mem>>) src(%dma_wait3A_631 : memref<128x32xf32, #tpu.memory_space<vmem>>) dst(%dma_wait3A_637 : memref<50048x32xf32, #tpu.memory_space<vmem_shared>>)
        } else {
        }
        %add3A_582 = arith.constant 3 : i32
        %add3A_583 = arith.addi %scan3A_576, %add3A_582 : i32
        %lt3A = arith.constant 391 : i32
        %lt3A_584 = arith.cmpi slt, %add3A_583, %lt3A : i32
        %convert_element_type3A_585 = arith.extui %lt3A_584 : i1 to i32
        %cond3A_586 = arith.constant 0 : i32
        %cond3A_587 = arith.cmpi ne, %convert_element_type3A_585, %cond3A_586 : i32
        scf.if %cond3A_587 {
          %add3A_624 = arith.constant 3 : i32
          %add3A_625 = arith.addi %scan3A_576, %add3A_624 : i32
          %add3A_626 = arith.addi %mul3A_393, %add3A_625 : i32
          %rem3A_627 = arith.constant 4 : i32
          %rem3A_628 = arith.remsi %add3A_625, %rem3A_627 : i32
          %rem3A_629 = arith.constant 4 : i32
          %rem3A_630 = arith.remsi %add3A_625, %rem3A_629 : i32
          %dma_start3A_631 = arith.constant 0 : i32
          %dma_start3A_632 = arith.constant 0 : i32
          %dma_start3A_633 = tpu.memref_slice %arg16[%rem3A_628, %dma_start3A_631, %dma_start3A_632] : memref<4x2x128xi32, #tpu.memory_space<vmem>> -> memref<1x2x128xi32, #tpu.memory_space<vmem>>
          %dma_start3A_634 = tpu.memref_squeeze %dma_start3A_633 : memref<1x2x128xi32, #tpu.memory_space<vmem>> -> memref<2x128xi32, #tpu.memory_space<vmem>>
          %dma_start3A_635 = arith.constant 0 : i32
          %dma_start3A_636 = arith.constant 0 : i32
          %dma_start3A_637 = tpu.memref_slice %arg8[%add3A_626, %dma_start3A_635, %dma_start3A_636] : memref<6272x2x128xi32, #tpu.memory_space<hbm>> -> memref<1x2x128xi32, #tpu.memory_space<hbm>>
          %dma_start3A_638 = tpu.memref_squeeze %dma_start3A_637 : memref<1x2x128xi32, #tpu.memory_space<hbm>> -> memref<2x128xi32, #tpu.memory_space<hbm>>
          %dma_start3A_639 = tpu.memref_slice %arg21[%rem3A_630] : memref<4x!tpu.dma_semaphore, #tpu.memory_space<semaphore_mem>> -> memref<1x!tpu.dma_semaphore, #tpu.memory_space<semaphore_mem>>
          %dma_start3A_640 = tpu.memref_squeeze %dma_start3A_639 : memref<1x!tpu.dma_semaphore, #tpu.memory_space<semaphore_mem>> -> memref<!tpu.dma_semaphore, #tpu.memory_space<semaphore_mem>>
          %dma_start3A_641 = arith.constant 0 : i32
          %dma_start3A_642 = arith.constant 0 : i32
          %dma_start3A_643 = tpu.memref_slice %arg16[%rem3A_628, %dma_start3A_641, %dma_start3A_642] : memref<4x2x128xi32, #tpu.memory_space<vmem>> -> memref<1x2x128xi32, #tpu.memory_space<vmem>>
          %dma_start3A_644 = tpu.memref_squeeze %dma_start3A_643 : memref<1x2x128xi32, #tpu.memory_space<vmem>> -> memref<2x128xi32, #tpu.memory_space<vmem>>
          %dma_start3A_645 = arith.constant 0 : i32
          %dma_start3A_646 = arith.constant 0 : i32
          %dma_start3A_647 = tpu.memref_slice %arg8[%add3A_626, %dma_start3A_645, %dma_start3A_646] : memref<6272x2x128xi32, #tpu.memory_space<hbm>> -> memref<1x2x128xi32, #tpu.memory_space<hbm>>
          %dma_start3A_648 = tpu.memref_squeeze %dma_start3A_647 : memref<1x2x128xi32, #tpu.memory_space<hbm>> -> memref<2x128xi32, #tpu.memory_space<hbm>>
          tpu.enqueue_dma source(%dma_start3A_648 : memref<2x128xi32, #tpu.memory_space<hbm>>) target(%dma_start3A_644 : memref<2x128xi32, #tpu.memory_space<vmem>>) target_semaphore(%dma_start3A_640 : memref<!tpu.dma_semaphore, #tpu.memory_space<semaphore_mem>>)
        } else {
        }
        %add3A_588 = arith.constant 2 : i32
        %add3A_589 = arith.addi %scan3A_576, %add3A_588 : i32
        %lt3A_590 = arith.constant 391 : i32
        %lt3A_591 = arith.cmpi slt, %add3A_589, %lt3A_590 : i32
        %convert_element_type3A_592 = arith.extui %lt3A_591 : i1 to i32
        %cond3A_593 = arith.constant 0 : i32
        %cond3A_594 = arith.cmpi ne, %convert_element_type3A_592, %cond3A_593 : i32
        scf.if %cond3A_594 {
          %add3A_624 = arith.constant 2 : i32
          %add3A_625 = arith.addi %scan3A_576, %add3A_624 : i32
          %rem3A_626 = arith.constant 4 : i32
          %rem3A_627 = arith.remsi %add3A_625, %rem3A_626 : i32
          %add3A_628 = arith.addi %mul3A_393, %add3A_625 : i32
          %dma_wait3A_629 = arith.constant 0 : i32
          %dma_wait3A_630 = arith.constant 0 : i32
          %dma_wait3A_631 = tpu.memref_slice %arg16[%rem3A_627, %dma_wait3A_629, %dma_wait3A_630] : memref<4x2x128xi32, #tpu.memory_space<vmem>> -> memref<1x2x128xi32, #tpu.memory_space<vmem>>
          %dma_wait3A_632 = tpu.memref_squeeze %dma_wait3A_631 : memref<1x2x128xi32, #tpu.memory_space<vmem>> -> memref<2x128xi32, #tpu.memory_space<vmem>>
          %dma_wait3A_633 = arith.constant 0 : i32
          %dma_wait3A_634 = arith.constant 0 : i32
          %dma_wait3A_635 = tpu.memref_slice %arg8[%add3A_628, %dma_wait3A_633, %dma_wait3A_634] : memref<6272x2x128xi32, #tpu.memory_space<hbm>> -> memref<1x2x128xi32, #tpu.memory_space<hbm>>
          %dma_wait3A_636 = tpu.memref_squeeze %dma_wait3A_635 : memref<1x2x128xi32, #tpu.memory_space<hbm>> -> memref<2x128xi32, #tpu.memory_space<hbm>>
          %dma_wait3A_637 = tpu.memref_slice %arg21[%rem3A_627] : memref<4x!tpu.dma_semaphore, #tpu.memory_space<semaphore_mem>> -> memref<1x!tpu.dma_semaphore, #tpu.memory_space<semaphore_mem>>
          %dma_wait3A_638 = tpu.memref_squeeze %dma_wait3A_637 : memref<1x!tpu.dma_semaphore, #tpu.memory_space<semaphore_mem>> -> memref<!tpu.dma_semaphore, #tpu.memory_space<semaphore_mem>>
          %dma_wait3A_639 = arith.constant 0 : i32
          %dma_wait3A_640 = arith.constant 0 : i32
          %dma_wait3A_641 = tpu.memref_slice %arg16[%rem3A_627, %dma_wait3A_639, %dma_wait3A_640] : memref<4x2x128xi32, #tpu.memory_space<vmem>> -> memref<1x2x128xi32, #tpu.memory_space<vmem>>
          %dma_wait3A_642 = tpu.memref_squeeze %dma_wait3A_641 : memref<1x2x128xi32, #tpu.memory_space<vmem>> -> memref<2x128xi32, #tpu.memory_space<vmem>>
          %dma_wait3A_643 = arith.constant 0 : i32
          %dma_wait3A_644 = arith.constant 0 : i32
          %dma_wait3A_645 = tpu.memref_slice %arg8[%add3A_628, %dma_wait3A_643, %dma_wait3A_644] : memref<6272x2x128xi32, #tpu.memory_space<hbm>> -> memref<1x2x128xi32, #tpu.memory_space<hbm>>
          %dma_wait3A_646 = tpu.memref_squeeze %dma_wait3A_645 : memref<1x2x128xi32, #tpu.memory_space<hbm>> -> memref<2x128xi32, #tpu.memory_space<hbm>>
          tpu.wait_dma2 semaphore(%dma_wait3A_638 : memref<!tpu.dma_semaphore, #tpu.memory_space<semaphore_mem>>) src(%dma_wait3A_646 : memref<2x128xi32, #tpu.memory_space<hbm>>) dst(%dma_wait3A_642 : memref<2x128xi32, #tpu.memory_space<vmem>>)
          %dma_start3A_647 = arith.constant 0 : i32
          %dma_start3A_648 = arith.constant 0 : i32
          %dma_start3A_649 = arith.constant 0 : i32
          %dma_start3A_650 = tpu.memref_slice %arg17[%rem3A_627, %dma_start3A_648, %dma_start3A_649] : memref<4x128x32xf32, #tpu.memory_space<vmem>> -> memref<1x128x32xf32, #tpu.memory_space<vmem>>
          %dma_start3A_651 = tpu.memref_squeeze %dma_start3A_650 : memref<1x128x32xf32, #tpu.memory_space<vmem>> -> memref<128x32xf32, #tpu.memory_space<vmem>>
          %dma_start3A_652 = arith.constant 0 : i32
          %dma_start3A_653 = tpu.memref_slice %arg16[%rem3A_627, %dma_start3A_647, %dma_start3A_652] : memref<4x2x128xi32, #tpu.memory_space<vmem>> -> memref<1x1x128xi32, #tpu.memory_space<vmem>>
          %dma_start3A_654 = tpu.memref_squeeze %dma_start3A_653 : memref<1x1x128xi32, #tpu.memory_space<vmem>> -> memref<128xi32, #tpu.memory_space<vmem>>
          %dma_start3A_655 = arith.constant 0 : i32
          %dma_start3A_656 = arith.constant 0 : i32
          %dma_start3A_657 = tpu.memref_slice %arg7[%dma_start3A_655, %dma_start3A_656] : memref<50048x32xf32, #tpu.memory_space<hbm>> -> memref<50048x32xf32, #tpu.memory_space<hbm>>
          %dma_start3A_658 = tpu.memref_slice %arg22[%rem3A_627] : memref<4x!tpu.dma_semaphore, #tpu.memory_space<semaphore_mem>> -> memref<1x!tpu.dma_semaphore, #tpu.memory_space<semaphore_mem>>
          %dma_start3A_659 = tpu.memref_squeeze %dma_start3A_658 : memref<1x!tpu.dma_semaphore, #tpu.memory_space<semaphore_mem>> -> memref<!tpu.dma_semaphore, #tpu.memory_space<semaphore_mem>>
          tpu.enqueue_indirect_dma source(%dma_start3A_657 : memref<50048x32xf32, #tpu.memory_space<hbm>>) target(%dma_start3A_651 : memref<128x32xf32, #tpu.memory_space<vmem>>) offsets(%dma_start3A_654 : memref<128xi32, #tpu.memory_space<vmem>>) semaphore(%dma_start3A_659 : memref<!tpu.dma_semaphore, #tpu.memory_space<semaphore_mem>>)
        } else {
        }
        %rem3A_595 = arith.constant 4 : i32
        %rem3A_596 = arith.remsi %scan3A_576, %rem3A_595 : i32
        %dma_wait3A_597 = arith.constant 0 : i32
        %dma_wait3A_598 = arith.constant 0 : i32
        %dma_wait3A_599 = arith.constant 0 : i32
        %dma_wait3A_600 = tpu.memref_slice %arg17[%rem3A_596, %dma_wait3A_598, %dma_wait3A_599] : memref<4x128x32xf32, #tpu.memory_space<vmem>> -> memref<1x128x32xf32, #tpu.memory_space<vmem>>
        %dma_wait3A_601 = tpu.memref_squeeze %dma_wait3A_600 : memref<1x128x32xf32, #tpu.memory_space<vmem>> -> memref<128x32xf32, #tpu.memory_space<vmem>>
        %dma_wait3A_602 = arith.constant 0 : i32
        %dma_wait3A_603 = tpu.memref_slice %arg16[%rem3A_596, %dma_wait3A_597, %dma_wait3A_602] : memref<4x2x128xi32, #tpu.memory_space<vmem>> -> memref<1x1x128xi32, #tpu.memory_space<vmem>>
        %dma_wait3A_604 = tpu.memref_squeeze %dma_wait3A_603 : memref<1x1x128xi32, #tpu.memory_space<vmem>> -> memref<128xi32, #tpu.memory_space<vmem>>
        %dma_wait3A_605 = arith.constant 0 : i32
        %dma_wait3A_606 = arith.constant 0 : i32
        %dma_wait3A_607 = tpu.memref_slice %arg7[%dma_wait3A_605, %dma_wait3A_606] : memref<50048x32xf32, #tpu.memory_space<hbm>> -> memref<50048x32xf32, #tpu.memory_space<hbm>>
        %dma_wait3A_608 = tpu.memref_slice %arg22[%rem3A_596] : memref<4x!tpu.dma_semaphore, #tpu.memory_space<semaphore_mem>> -> memref<1x!tpu.dma_semaphore, #tpu.memory_space<semaphore_mem>>
        %dma_wait3A_609 = tpu.memref_squeeze %dma_wait3A_608 : memref<1x!tpu.dma_semaphore, #tpu.memory_space<semaphore_mem>> -> memref<!tpu.dma_semaphore, #tpu.memory_space<semaphore_mem>>
        tpu.wait_indirect_dma semaphore(%dma_wait3A_609 : memref<!tpu.dma_semaphore, #tpu.memory_space<semaphore_mem>>) src(%dma_wait3A_607 : memref<50048x32xf32, #tpu.memory_space<hbm>>) dst(%dma_wait3A_601 : memref<128x32xf32, #tpu.memory_space<vmem>>)
        %dma_start3A_610 = arith.constant 1 : i32
        %dma_start3A_611 = arith.constant 0 : i32
        %dma_start3A_612 = arith.constant 0 : i32
        %dma_start3A_613 = tpu.memref_slice %arg17[%rem3A_596, %dma_start3A_611, %dma_start3A_612] : memref<4x128x32xf32, #tpu.memory_space<vmem>> -> memref<1x128x32xf32, #tpu.memory_space<vmem>>
        %dma_start3A_614 = tpu.memref_squeeze %dma_start3A_613 : memref<1x128x32xf32, #tpu.memory_space<vmem>> -> memref<128x32xf32, #tpu.memory_space<vmem>>
        %dma_start3A_615 = arith.constant 0 : i32
        %dma_start3A_616 = tpu.memref_slice %arg16[%rem3A_596, %dma_start3A_610, %dma_start3A_615] : memref<4x2x128xi32, #tpu.memory_space<vmem>> -> memref<1x1x128xi32, #tpu.memory_space<vmem>>
        %dma_start3A_617 = tpu.memref_squeeze %dma_start3A_616 : memref<1x1x128xi32, #tpu.memory_space<vmem>> -> memref<128xi32, #tpu.memory_space<vmem>>
        %dma_start3A_618 = arith.constant 0 : i32
        %dma_start3A_619 = arith.constant 0 : i32
        %dma_start3A_620 = tpu.memref_slice %arg20[%dma_start3A_618, %dma_start3A_619] : memref<50048x32xf32, #tpu.memory_space<vmem_shared>> -> memref<50048x32xf32, #tpu.memory_space<vmem_shared>>
        %dma_start3A_621 = tpu.memref_slice %arg23[%rem3A_596] : memref<4x!tpu.dma_semaphore, #tpu.memory_space<semaphore_mem>> -> memref<1x!tpu.dma_semaphore, #tpu.memory_space<semaphore_mem>>
        %dma_start3A_622 = tpu.memref_squeeze %dma_start3A_621 : memref<1x!tpu.dma_semaphore, #tpu.memory_space<semaphore_mem>> -> memref<!tpu.dma_semaphore, #tpu.memory_space<semaphore_mem>>
        tpu.enqueue_indirect_dma source(%dma_start3A_614 : memref<128x32xf32, #tpu.memory_space<vmem>>) target(%dma_start3A_620 : memref<50048x32xf32, #tpu.memory_space<vmem_shared>>) offsets(%dma_start3A_617 : memref<128xi32, #tpu.memory_space<vmem>>) semaphore(%dma_start3A_622 : memref<!tpu.dma_semaphore, #tpu.memory_space<semaphore_mem>>) {add = true}
        %scan3A_623 = arith.constant 0 : i32
        scf.yield %scan3A_623 : i32
      }
      %scan3A_550 = arith.constant 391 : i32
      %rem3A_551 = arith.constant 390 : i32
      %rem3A_552 = arith.constant 4 : i32
      %rem3A_553 = arith.remsi %rem3A_551, %rem3A_552 : i32
      %dma_wait3A_554 = arith.constant 1 : i32
      %dma_wait3A_555 = arith.constant 0 : i32
      %dma_wait3A_556 = arith.constant 0 : i32
      %dma_wait3A_557 = tpu.memref_slice %arg17[%rem3A_553, %dma_wait3A_555, %dma_wait3A_556] : memref<4x128x32xf32, #tpu.memory_space<vmem>> -> memref<1x128x32xf32, #tpu.memory_space<vmem>>
      %dma_wait3A_558 = tpu.memref_squeeze %dma_wait3A_557 : memref<1x128x32xf32, #tpu.memory_space<vmem>> -> memref<128x32xf32, #tpu.memory_space<vmem>>
      %dma_wait3A_559 = arith.constant 0 : i32
      %dma_wait3A_560 = tpu.memref_slice %arg16[%rem3A_553, %dma_wait3A_554, %dma_wait3A_559] : memref<4x2x128xi32, #tpu.memory_space<vmem>> -> memref<1x1x128xi32, #tpu.memory_space<vmem>>
      %dma_wait3A_561 = tpu.memref_squeeze %dma_wait3A_560 : memref<1x1x128xi32, #tpu.memory_space<vmem>> -> memref<128xi32, #tpu.memory_space<vmem>>
      %dma_wait3A_562 = arith.constant 0 : i32
      %dma_wait3A_563 = arith.constant 0 : i32
      %dma_wait3A_564 = tpu.memref_slice %arg20[%dma_wait3A_562, %dma_wait3A_563] : memref<50048x32xf32, #tpu.memory_space<vmem_shared>> -> memref<50048x32xf32, #tpu.memory_space<vmem_shared>>
      %dma_wait3A_565 = tpu.memref_slice %arg23[%rem3A_553] : memref<4x!tpu.dma_semaphore, #tpu.memory_space<semaphore_mem>> -> memref<1x!tpu.dma_semaphore, #tpu.memory_space<semaphore_mem>>
      %dma_wait3A_566 = tpu.memref_squeeze %dma_wait3A_565 : memref<1x!tpu.dma_semaphore, #tpu.memory_space<semaphore_mem>> -> memref<!tpu.dma_semaphore, #tpu.memory_space<semaphore_mem>>
      tpu.wait_indirect_dma semaphore(%dma_wait3A_566 : memref<!tpu.dma_semaphore, #tpu.memory_space<semaphore_mem>>) src(%dma_wait3A_558 : memref<128x32xf32, #tpu.memory_space<vmem>>) dst(%dma_wait3A_564 : memref<50048x32xf32, #tpu.memory_space<vmem_shared>>)
      %barrier3A_567 = arith.constant 0 : index
      tpu.barrier barrier_id(%barrier3A_567)
      %scan3A_568 = arith.constant 0 : i32
      %scan3A_569 = arith.constant 0 : i32
      %scan3A_570 = arith.constant 25 : i32
      %scan3A_571 = arith.addi %scan3A_569, %scan3A_570 : i32
      %scan3A_572 = arith.constant 1 : i32
      %scan3A_573 = scf.for %scan3A_576 = %scan3A_569 to %scan3A_571 step %scan3A_572 iter_args(%scan3A_577 = %scan3A_568) -> (i32)  : i32 {
        %mul3A_578 = arith.constant 16 : i32
        %mul3A_579 = arith.muli %scan3A_576, %mul3A_578 : i32
        %add3A_580 = arith.addi %arg1, %mul3A_579 : i32
        %lt3A = arith.constant 391 : i32
        %lt3A_581 = arith.cmpi slt, %add3A_580, %lt3A : i32
        %convert_element_type3A_582 = arith.extui %lt3A_581 : i1 to i32
        %cond3A_583 = arith.constant 0 : i32
        %cond3A_584 = arith.cmpi ne, %convert_element_type3A_582, %cond3A_583 : i32
        scf.if %cond3A_584 {
          %mul3A_586 = arith.constant 128 : i32
          %mul3A_587 = arith.muli %add3A_580, %mul3A_586 : i32
          "tpu.region"() ({
            %run_scoped3A = tpu.sem_alloc : memref<!tpu.dma_semaphore, #tpu.memory_space<semaphore_mem>>
            %dma_start3A_588 = arith.constant 0 : i32
            %dma_start3A_589 = tpu.memref_slice %arg20[%mul3A_587, %dma_start3A_588] : memref<50048x32xf32, #tpu.memory_space<vmem_shared>> -> memref<128x32xf32, #tpu.memory_space<vmem_shared>>
            %dma_start3A_590 = arith.constant 0 : i32
            %dma_start3A_591 = tpu.memref_slice %arg20[%mul3A_587, %dma_start3A_590] : memref<50048x32xf32, #tpu.memory_space<vmem_shared>> -> memref<128x32xf32, #tpu.memory_space<vmem_shared>>
            tpu.enqueue_dma source(%dma_start3A_591 : memref<128x32xf32, #tpu.memory_space<vmem_shared>>) target(%arg18 : memref<128x32xf32, #tpu.memory_space<vmem>>) target_semaphore(%run_scoped3A : memref<!tpu.dma_semaphore, #tpu.memory_space<semaphore_mem>>)
            %dma_wait3A_592 = arith.constant 0 : i32
            %dma_wait3A_593 = tpu.memref_slice %arg20[%mul3A_587, %dma_wait3A_592] : memref<50048x32xf32, #tpu.memory_space<vmem_shared>> -> memref<128x32xf32, #tpu.memory_space<vmem_shared>>
            %dma_wait3A_594 = arith.constant 0 : i32
            %dma_wait3A_595 = tpu.memref_slice %arg20[%mul3A_587, %dma_wait3A_594] : memref<50048x32xf32, #tpu.memory_space<vmem_shared>> -> memref<128x32xf32, #tpu.memory_space<vmem_shared>>
            tpu.wait_dma2 semaphore(%run_scoped3A : memref<!tpu.dma_semaphore, #tpu.memory_space<semaphore_mem>>) src(%dma_wait3A_595 : memref<128x32xf32, #tpu.memory_space<vmem_shared>>) dst(%arg18 : memref<128x32xf32, #tpu.memory_space<vmem>>)
            tpu.yield
          }) : () -> ()
          "tpu.region"() ({
            %run_scoped3A = tpu.sem_alloc : memref<!tpu.dma_semaphore, #tpu.memory_space<semaphore_mem>>
            %dma_start3A_588 = arith.constant 0 : i32
            %dma_start3A_589 = tpu.memref_slice %arg15[%mul3A_587, %dma_start3A_588] : memref<50048x32xf32, #tpu.memory_space<hbm>> -> memref<128x32xf32, #tpu.memory_space<hbm>>
            %dma_start3A_590 = arith.constant 0 : i32
            %dma_start3A_591 = tpu.memref_slice %arg15[%mul3A_587, %dma_start3A_590] : memref<50048x32xf32, #tpu.memory_space<hbm>> -> memref<128x32xf32, #tpu.memory_space<hbm>>
            tpu.enqueue_dma source(%arg18 : memref<128x32xf32, #tpu.memory_space<vmem>>) target(%dma_start3A_591 : memref<128x32xf32, #tpu.memory_space<hbm>>) target_semaphore(%run_scoped3A : memref<!tpu.dma_semaphore, #tpu.memory_space<semaphore_mem>>)
            %dma_wait3A_592 = arith.constant 0 : i32
            %dma_wait3A_593 = tpu.memref_slice %arg15[%mul3A_587, %dma_wait3A_592] : memref<50048x32xf32, #tpu.memory_space<hbm>> -> memref<128x32xf32, #tpu.memory_space<hbm>>
            %dma_wait3A_594 = arith.constant 0 : i32
            %dma_wait3A_595 = tpu.memref_slice %arg15[%mul3A_587, %dma_wait3A_594] : memref<50048x32xf32, #tpu.memory_space<hbm>> -> memref<128x32xf32, #tpu.memory_space<hbm>>
            tpu.wait_dma2 semaphore(%run_scoped3A : memref<!tpu.dma_semaphore, #tpu.memory_space<semaphore_mem>>) src(%arg18 : memref<128x32xf32, #tpu.memory_space<vmem>>) dst(%dma_wait3A_595 : memref<128x32xf32, #tpu.memory_space<hbm>>)
            tpu.yield
          }) : () -> ()
        } else {
        }
        %scan3A_585 = arith.constant 0 : i32
        scf.yield %scan3A_585 : i32
      }
      %scan3A_574 = arith.constant 25 : i32
      %barrier3A_575 = arith.constant 0 : index
      tpu.barrier barrier_id(%barrier3A_575)
    } else {
    }
    return
  }
}

module attributes {stable_mosaic.version = 14 : i64} {
  func.func @_l1_body(%arg0: i32, %arg1: memref<736x128xf32, #tpu.memory_space<vmem>>, %arg2: memref<8x64xf32, #tpu.memory_space<vmem>>, %arg3: memref<736x128xf32, #tpu.memory_space<vmem>>, %arg4: memref<736x128xf32, #tpu.memory_space<vmem>>, %arg5: memref<736x128xf32, #tpu.memory_space<vmem>>, %arg6: memref<736x128xf32, #tpu.memory_space<vmem>>, %arg7: memref<736x128xf32, #tpu.memory_space<vmem>>, %arg8: memref<736x128xf32, #tpu.memory_space<vmem>>) attributes {dimension_semantics = [#tpu.dimension_semantics<arbitrary>], iteration_bounds = array<i64: 17>, scalar_prefetch = 0 : i64, scratch_operands = 0 : i64, tpu.core_type = #tpu.core_type<tc>, window_params = [{transform_indices = @transform_0, window_bounds = array<i64: 736, 128>}, {pipeline_mode = #tpu.pipeline_mode<synchronous>, transform_indices = @transform_1, window_bounds = array<i64: 8, 64>}, {transform_indices = @transform_2, window_bounds = array<i64: 736, 128>}, {transform_indices = @transform_3, window_bounds = array<i64: 736, 128>}, {transform_indices = @transform_4, window_bounds = array<i64: 736, 128>}, {transform_indices = @transform_5, window_bounds = array<i64: 736, 128>}, {transform_indices = @transform_6, window_bounds = array<i64: 736, 128>}, {transform_indices = @transform_7, window_bounds = array<i64: 736, 128>}]} {
    %get3A = arith.constant 0 : index
    %get3A_0 = arith.constant 0 : index
    %get3A_1 = vector.load %arg2[%get3A, %get3A_0] : memref<8x64xf32, #tpu.memory_space<vmem>>, vector<1x64xf32>
    %get3A_2 = arith.constant 1 : index
    %get3A_3 = arith.constant 0 : index
    %get3A_4 = vector.load %arg2[%get3A_2, %get3A_3] : memref<8x64xf32, #tpu.memory_space<vmem>>, vector<1x64xf32>
    %get3A_5 = arith.constant 2 : index
    %get3A_6 = arith.constant 0 : index
    %get3A_7 = vector.load %arg2[%get3A_5, %get3A_6] : memref<8x64xf32, #tpu.memory_space<vmem>>, vector<1x64xf32>
    %get3A_8 = arith.constant 3 : index
    %get3A_9 = arith.constant 0 : index
    %get3A_10 = vector.load %arg2[%get3A_8, %get3A_9] : memref<8x64xf32, #tpu.memory_space<vmem>>, vector<1x64xf32>
    %get3A_11 = arith.constant 4 : index
    %get3A_12 = arith.constant 0 : index
    %get3A_13 = vector.load %arg2[%get3A_11, %get3A_12] : memref<8x64xf32, #tpu.memory_space<vmem>>, vector<1x64xf32>
    %get3A_14 = arith.constant 5 : index
    %get3A_15 = arith.constant 0 : index
    %get3A_16 = vector.load %arg2[%get3A_14, %get3A_15] : memref<8x64xf32, #tpu.memory_space<vmem>>, vector<1x64xf32>
    %get3A_17 = arith.constant 0 : index
    %get3A_18 = arith.constant 0 : index
    %get3A_19 = vector.load %arg1[%get3A_17, %get3A_18] : memref<736x128xf32, #tpu.memory_space<vmem>>, vector<736x3xf32>
    %get3A_20 = arith.constant 0 : index
    %get3A_21 = arith.constant 16 : index
    %get3A_22 = vector.load %arg1[%get3A_20, %get3A_21] : memref<736x128xf32, #tpu.memory_space<vmem>>, vector<736x3xf32>
    %mul3A = arith.mulf %get3A_19, %get3A_19 : vector<736x3xf32>
    %reduce_sum3A = arith.constant dense<0.000000e+00> : vector<736xf32>
    %reduce_sum3A_23 = vector.multi_reduction <add>, %mul3A, %reduce_sum3A [1] : vector<736x3xf32> to vector<736xf32>
    %broadcast_in_dim3A = vector.shape_cast %reduce_sum3A_23 : vector<736xf32> to vector<736x1xf32>
    %mul3A_24 = arith.mulf %get3A_19, %get3A_22 : vector<736x3xf32>
    %reduce_sum3A_25 = arith.constant dense<0.000000e+00> : vector<736xf32>
    %reduce_sum3A_26 = vector.multi_reduction <add>, %mul3A_24, %reduce_sum3A_25 [1] : vector<736x3xf32> to vector<736xf32>
    %broadcast_in_dim3A_27 = vector.shape_cast %reduce_sum3A_26 : vector<736xf32> to vector<736x1xf32>
    %mul3A_28 = arith.mulf %get3A_22, %get3A_22 : vector<736x3xf32>
    %reduce_sum3A_29 = arith.constant dense<0.000000e+00> : vector<736xf32>
    %reduce_sum3A_30 = vector.multi_reduction <add>, %mul3A_28, %reduce_sum3A_29 [1] : vector<736x3xf32> to vector<736xf32>
    %broadcast_in_dim3A_31 = vector.shape_cast %reduce_sum3A_30 : vector<736xf32> to vector<736x1xf32>
    %reduce_sum3A_32 = arith.constant dense<0.000000e+00> : vector<736xf32>
    %reduce_sum3A_33 = vector.multi_reduction <add>, %get3A_19, %reduce_sum3A_32 [1] : vector<736x3xf32> to vector<736xf32>
    %broadcast_in_dim3A_34 = vector.shape_cast %reduce_sum3A_33 : vector<736xf32> to vector<736x1xf32>
    %reduce_sum3A_35 = arith.constant dense<0.000000e+00> : vector<736xf32>
    %reduce_sum3A_36 = vector.multi_reduction <add>, %get3A_22, %reduce_sum3A_35 [1] : vector<736x3xf32> to vector<736xf32>
    %broadcast_in_dim3A_37 = vector.shape_cast %reduce_sum3A_36 : vector<736xf32> to vector<736x1xf32>
    %mul3A_38 = arith.mulf %get3A_1, %get3A_10 : vector<1x64xf32>
    %mul3A_39 = vector.broadcast %broadcast_in_dim3A : vector<736x1xf32> to vector<736x64xf32>
    %mul3A_40 = vector.broadcast %mul3A_38 : vector<1x64xf32> to vector<736x64xf32>
    %mul3A_41 = arith.mulf %mul3A_39, %mul3A_40 : vector<736x64xf32>
    %mul3A_42 = arith.mulf %get3A_1, %get3A_13 : vector<1x64xf32>
    %mul3A_43 = arith.mulf %get3A_4, %get3A_10 : vector<1x64xf32>
    %add3A = arith.addf %mul3A_42, %mul3A_43 : vector<1x64xf32>
    %mul3A_44 = vector.broadcast %broadcast_in_dim3A_27 : vector<736x1xf32> to vector<736x64xf32>
    %mul3A_45 = vector.broadcast %add3A : vector<1x64xf32> to vector<736x64xf32>
    %mul3A_46 = arith.mulf %mul3A_44, %mul3A_45 : vector<736x64xf32>
    %add3A_47 = arith.addf %mul3A_41, %mul3A_46 : vector<736x64xf32>
    %mul3A_48 = arith.mulf %get3A_4, %get3A_13 : vector<1x64xf32>
    %mul3A_49 = vector.broadcast %broadcast_in_dim3A_31 : vector<736x1xf32> to vector<736x64xf32>
    %mul3A_50 = vector.broadcast %mul3A_48 : vector<1x64xf32> to vector<736x64xf32>
    %mul3A_51 = arith.mulf %mul3A_49, %mul3A_50 : vector<736x64xf32>
    %add3A_52 = arith.addf %add3A_47, %mul3A_51 : vector<736x64xf32>
    %mul3A_53 = arith.mulf %get3A_1, %get3A_16 : vector<1x64xf32>
    %mul3A_54 = arith.mulf %get3A_7, %get3A_10 : vector<1x64xf32>
    %add3A_55 = arith.addf %mul3A_53, %mul3A_54 : vector<1x64xf32>
    %mul3A_56 = vector.broadcast %broadcast_in_dim3A_34 : vector<736x1xf32> to vector<736x64xf32>
    %mul3A_57 = vector.broadcast %add3A_55 : vector<1x64xf32> to vector<736x64xf32>
    %mul3A_58 = arith.mulf %mul3A_56, %mul3A_57 : vector<736x64xf32>
    %add3A_59 = arith.addf %add3A_52, %mul3A_58 : vector<736x64xf32>
    %mul3A_60 = arith.mulf %get3A_4, %get3A_16 : vector<1x64xf32>
    %mul3A_61 = arith.mulf %get3A_7, %get3A_13 : vector<1x64xf32>
    %add3A_62 = arith.addf %mul3A_60, %mul3A_61 : vector<1x64xf32>
    %mul3A_63 = vector.broadcast %broadcast_in_dim3A_37 : vector<736x1xf32> to vector<736x64xf32>
    %mul3A_64 = vector.broadcast %add3A_62 : vector<1x64xf32> to vector<736x64xf32>
    %mul3A_65 = arith.mulf %mul3A_63, %mul3A_64 : vector<736x64xf32>
    %add3A_66 = arith.addf %add3A_59, %mul3A_65 : vector<736x64xf32>
    %mul3A_67 = arith.constant 3.000000e+00 : f32
    %mul3A_68 = vector.broadcast %mul3A_67 : f32 to vector<1x64xf32>
    %mul3A_69 = arith.mulf %mul3A_68, %get3A_7 : vector<1x64xf32>
    %mul3A_70 = arith.mulf %mul3A_69, %get3A_16 : vector<1x64xf32>
    %add3A_71 = vector.broadcast %mul3A_70 : vector<1x64xf32> to vector<736x64xf32>
    %add3A_72 = arith.addf %add3A_66, %add3A_71 : vector<736x64xf32>
    %mul3A_73 = vector.broadcast %broadcast_in_dim3A : vector<736x1xf32> to vector<736x64xf32>
    %mul3A_74 = vector.broadcast %get3A_10 : vector<1x64xf32> to vector<736x64xf32>
    %mul3A_75 = arith.mulf %mul3A_73, %mul3A_74 : vector<736x64xf32>
    %mul3A_76 = vector.broadcast %get3A_10 : vector<1x64xf32> to vector<736x64xf32>
    %mul3A_77 = arith.mulf %mul3A_75, %mul3A_76 : vector<736x64xf32>
    %mul3A_78 = arith.constant 2.000000e+00 : f32
    %mul3A_79 = vector.broadcast %mul3A_78 : f32 to vector<736x1xf32>
    %mul3A_80 = arith.mulf %mul3A_79, %broadcast_in_dim3A_27 : vector<736x1xf32>
    %mul3A_81 = vector.broadcast %mul3A_80 : vector<736x1xf32> to vector<736x64xf32>
    %mul3A_82 = vector.broadcast %get3A_10 : vector<1x64xf32> to vector<736x64xf32>
    %mul3A_83 = arith.mulf %mul3A_81, %mul3A_82 : vector<736x64xf32>
    %mul3A_84 = vector.broadcast %get3A_13 : vector<1x64xf32> to vector<736x64xf32>
    %mul3A_85 = arith.mulf %mul3A_83, %mul3A_84 : vector<736x64xf32>
    %add3A_86 = arith.addf %mul3A_77, %mul3A_85 : vector<736x64xf32>
    %mul3A_87 = vector.broadcast %broadcast_in_dim3A_31 : vector<736x1xf32> to vector<736x64xf32>
    %mul3A_88 = vector.broadcast %get3A_13 : vector<1x64xf32> to vector<736x64xf32>
    %mul3A_89 = arith.mulf %mul3A_87, %mul3A_88 : vector<736x64xf32>
    %mul3A_90 = vector.broadcast %get3A_13 : vector<1x64xf32> to vector<736x64xf32>
    %mul3A_91 = arith.mulf %mul3A_89, %mul3A_90 : vector<736x64xf32>
    %add3A_92 = arith.addf %add3A_86, %mul3A_91 : vector<736x64xf32>
    %mul3A_93 = arith.constant 2.000000e+00 : f32
    %mul3A_94 = vector.broadcast %mul3A_93 : f32 to vector<736x1xf32>
    %mul3A_95 = arith.mulf %mul3A_94, %broadcast_in_dim3A_34 : vector<736x1xf32>
    %mul3A_96 = vector.broadcast %mul3A_95 : vector<736x1xf32> to vector<736x64xf32>
    %mul3A_97 = vector.broadcast %get3A_10 : vector<1x64xf32> to vector<736x64xf32>
    %mul3A_98 = arith.mulf %mul3A_96, %mul3A_97 : vector<736x64xf32>
    %mul3A_99 = vector.broadcast %get3A_16 : vector<1x64xf32> to vector<736x64xf32>
    %mul3A_100 = arith.mulf %mul3A_98, %mul3A_99 : vector<736x64xf32>
    %add3A_101 = arith.addf %add3A_92, %mul3A_100 : vector<736x64xf32>
    %mul3A_102 = arith.constant 2.000000e+00 : f32
    %mul3A_103 = vector.broadcast %mul3A_102 : f32 to vector<736x1xf32>
    %mul3A_104 = arith.mulf %mul3A_103, %broadcast_in_dim3A_37 : vector<736x1xf32>
    %mul3A_105 = vector.broadcast %mul3A_104 : vector<736x1xf32> to vector<736x64xf32>
    %mul3A_106 = vector.broadcast %get3A_13 : vector<1x64xf32> to vector<736x64xf32>
    %mul3A_107 = arith.mulf %mul3A_105, %mul3A_106 : vector<736x64xf32>
    %mul3A_108 = vector.broadcast %get3A_16 : vector<1x64xf32> to vector<736x64xf32>
    %mul3A_109 = arith.mulf %mul3A_107, %mul3A_108 : vector<736x64xf32>
    %add3A_110 = arith.addf %add3A_101, %mul3A_109 : vector<736x64xf32>
    %mul3A_111 = arith.constant 3.000000e+00 : f32
    %mul3A_112 = vector.broadcast %mul3A_111 : f32 to vector<1x64xf32>
    %mul3A_113 = arith.mulf %mul3A_112, %get3A_16 : vector<1x64xf32>
    %mul3A_114 = arith.mulf %mul3A_113, %get3A_16 : vector<1x64xf32>
    %add3A_115 = vector.broadcast %mul3A_114 : vector<1x64xf32> to vector<736x64xf32>
    %add3A_116 = arith.addf %add3A_110, %add3A_115 : vector<736x64xf32>
    %lt3A = arith.constant 0.000000e+00 : f32
    %lt3A_117 = vector.broadcast %lt3A : f32 to vector<736x64xf32>
    %lt3A_118 = arith.cmpf olt, %add3A_72, %lt3A_117 : vector<736x64xf32>
    %add3A_119 = arith.constant 9.99999997E-7 : f32
    %add3A_120 = vector.broadcast %add3A_119 : f32 to vector<736x64xf32>
    %add3A_121 = arith.addf %add3A_116, %add3A_120 : vector<736x64xf32>
    %div3A = arith.divf %add3A_72, %add3A_121 : vector<736x64xf32>
    %jit3A = arith.constant 0.000000e+00 : f32
    %broadcast_in_dim3A_122 = vector.broadcast %jit3A : f32 to vector<736x64xf32>
    %select_n3A = arith.select %lt3A_118, %div3A, %broadcast_in_dim3A_122 : vector<736x64xi1>, vector<736x64xf32>
    %mul3A_123 = arith.constant 8.000000e-01 : f32
    %mul3A_124 = vector.broadcast %mul3A_123 : f32 to vector<736x64xf32>
    %mul3A_125 = arith.mulf %mul3A_124, %select_n3A : vector<736x64xf32>
    %add3A_126 = arith.constant 1.000000e+00 : f32
    %add3A_127 = vector.broadcast %add3A_126 : f32 to vector<1x64xf32>
    %add3A_128 = arith.addf %add3A_127, %get3A_1 : vector<1x64xf32>
    %mul3A_129 = vector.broadcast %get3A_10 : vector<1x64xf32> to vector<736x64xf32>
    %mul3A_130 = arith.mulf %mul3A_125, %mul3A_129 : vector<736x64xf32>
    %sub3A = vector.broadcast %add3A_128 : vector<1x64xf32> to vector<736x64xf32>
    %sub3A_131 = arith.subf %sub3A, %mul3A_130 : vector<736x64xf32>
    %mul3A_132 = vector.broadcast %get3A_13 : vector<1x64xf32> to vector<736x64xf32>
    %mul3A_133 = arith.mulf %mul3A_125, %mul3A_132 : vector<736x64xf32>
    %sub3A_134 = vector.broadcast %get3A_4 : vector<1x64xf32> to vector<736x64xf32>
    %sub3A_135 = arith.subf %sub3A_134, %mul3A_133 : vector<736x64xf32>
    %mul3A_136 = vector.broadcast %get3A_16 : vector<1x64xf32> to vector<736x64xf32>
    %mul3A_137 = arith.mulf %mul3A_125, %mul3A_136 : vector<736x64xf32>
    %sub3A_138 = vector.broadcast %get3A_7 : vector<1x64xf32> to vector<736x64xf32>
    %sub3A_139 = arith.subf %sub3A_138, %mul3A_137 : vector<736x64xf32>
    %slice3A = vector.extract_strided_slice %get3A_19 {offsets = [0, 0], sizes = [736, 1], strides = [1, 1]} : vector<736x3xf32> to vector<736x1xf32>
    %mul3A_140 = vector.broadcast %slice3A : vector<736x1xf32> to vector<736x64xf32>
    %mul3A_141 = arith.mulf %sub3A_131, %mul3A_140 : vector<736x64xf32>
    %slice3A_142 = vector.extract_strided_slice %get3A_22 {offsets = [0, 0], sizes = [736, 1], strides = [1, 1]} : vector<736x3xf32> to vector<736x1xf32>
    %mul3A_143 = vector.broadcast %slice3A_142 : vector<736x1xf32> to vector<736x64xf32>
    %mul3A_144 = arith.mulf %sub3A_135, %mul3A_143 : vector<736x64xf32>
    %add3A_145 = arith.addf %mul3A_141, %mul3A_144 : vector<736x64xf32>
    %add3A_146 = arith.addf %add3A_145, %sub3A_139 : vector<736x64xf32>
    %slice3A_147 = vector.extract_strided_slice %get3A_19 {offsets = [0, 1], sizes = [736, 1], strides = [1, 1]} : vector<736x3xf32> to vector<736x1xf32>
    %mul3A_148 = vector.broadcast %slice3A_147 : vector<736x1xf32> to vector<736x64xf32>
    %mul3A_149 = arith.mulf %sub3A_131, %mul3A_148 : vector<736x64xf32>
    %slice3A_150 = vector.extract_strided_slice %get3A_22 {offsets = [0, 1], sizes = [736, 1], strides = [1, 1]} : vector<736x3xf32> to vector<736x1xf32>
    %mul3A_151 = vector.broadcast %slice3A_150 : vector<736x1xf32> to vector<736x64xf32>
    %mul3A_152 = arith.mulf %sub3A_135, %mul3A_151 : vector<736x64xf32>
    %add3A_153 = arith.addf %mul3A_149, %mul3A_152 : vector<736x64xf32>
    %add3A_154 = arith.addf %add3A_153, %sub3A_139 : vector<736x64xf32>
    %slice3A_155 = vector.extract_strided_slice %get3A_19 {offsets = [0, 2], sizes = [736, 1], strides = [1, 1]} : vector<736x3xf32> to vector<736x1xf32>
    %mul3A_156 = vector.broadcast %slice3A_155 : vector<736x1xf32> to vector<736x64xf32>
    %mul3A_157 = arith.mulf %sub3A_131, %mul3A_156 : vector<736x64xf32>
    %slice3A_158 = vector.extract_strided_slice %get3A_22 {offsets = [0, 2], sizes = [736, 1], strides = [1, 1]} : vector<736x3xf32> to vector<736x1xf32>
    %mul3A_159 = vector.broadcast %slice3A_158 : vector<736x1xf32> to vector<736x64xf32>
    %mul3A_160 = arith.mulf %sub3A_135, %mul3A_159 : vector<736x64xf32>
    %add3A_161 = arith.addf %mul3A_157, %mul3A_160 : vector<736x64xf32>
    %add3A_162 = arith.addf %add3A_161, %sub3A_139 : vector<736x64xf32>
    %get3A_163 = arith.constant 0 : index
    %get3A_164 = arith.constant 32 : index
    %get3A_165 = vector.load %arg1[%get3A_163, %get3A_164] : memref<736x128xf32, #tpu.memory_space<vmem>>, vector<736x3xf32>
    %get3A_166 = arith.constant 0 : index
    %get3A_167 = arith.constant 48 : index
    %get3A_168 = vector.load %arg1[%get3A_166, %get3A_167] : memref<736x128xf32, #tpu.memory_space<vmem>>, vector<736x3xf32>
    %mul3A_169 = arith.mulf %get3A_165, %get3A_165 : vector<736x3xf32>
    %reduce_sum3A_170 = arith.constant dense<0.000000e+00> : vector<736xf32>
    %reduce_sum3A_171 = vector.multi_reduction <add>, %mul3A_169, %reduce_sum3A_170 [1] : vector<736x3xf32> to vector<736xf32>
    %broadcast_in_dim3A_172 = vector.shape_cast %reduce_sum3A_171 : vector<736xf32> to vector<736x1xf32>
    %mul3A_173 = arith.mulf %get3A_165, %get3A_168 : vector<736x3xf32>
    %reduce_sum3A_174 = arith.constant dense<0.000000e+00> : vector<736xf32>
    %reduce_sum3A_175 = vector.multi_reduction <add>, %mul3A_173, %reduce_sum3A_174 [1] : vector<736x3xf32> to vector<736xf32>
    %broadcast_in_dim3A_176 = vector.shape_cast %reduce_sum3A_175 : vector<736xf32> to vector<736x1xf32>
    %mul3A_177 = arith.mulf %get3A_168, %get3A_168 : vector<736x3xf32>
    %reduce_sum3A_178 = arith.constant dense<0.000000e+00> : vector<736xf32>
    %reduce_sum3A_179 = vector.multi_reduction <add>, %mul3A_177, %reduce_sum3A_178 [1] : vector<736x3xf32> to vector<736xf32>
    %broadcast_in_dim3A_180 = vector.shape_cast %reduce_sum3A_179 : vector<736xf32> to vector<736x1xf32>
    %reduce_sum3A_181 = arith.constant dense<0.000000e+00> : vector<736xf32>
    %reduce_sum3A_182 = vector.multi_reduction <add>, %get3A_165, %reduce_sum3A_181 [1] : vector<736x3xf32> to vector<736xf32>
    %broadcast_in_dim3A_183 = vector.shape_cast %reduce_sum3A_182 : vector<736xf32> to vector<736x1xf32>
    %reduce_sum3A_184 = arith.constant dense<0.000000e+00> : vector<736xf32>
    %reduce_sum3A_185 = vector.multi_reduction <add>, %get3A_168, %reduce_sum3A_184 [1] : vector<736x3xf32> to vector<736xf32>
    %broadcast_in_dim3A_186 = vector.shape_cast %reduce_sum3A_185 : vector<736xf32> to vector<736x1xf32>
    %mul3A_187 = arith.mulf %get3A_1, %get3A_10 : vector<1x64xf32>
    %mul3A_188 = vector.broadcast %broadcast_in_dim3A_172 : vector<736x1xf32> to vector<736x64xf32>
    %mul3A_189 = vector.broadcast %mul3A_187 : vector<1x64xf32> to vector<736x64xf32>
    %mul3A_190 = arith.mulf %mul3A_188, %mul3A_189 : vector<736x64xf32>
    %mul3A_191 = arith.mulf %get3A_1, %get3A_13 : vector<1x64xf32>
    %mul3A_192 = arith.mulf %get3A_4, %get3A_10 : vector<1x64xf32>
    %add3A_193 = arith.addf %mul3A_191, %mul3A_192 : vector<1x64xf32>
    %mul3A_194 = vector.broadcast %broadcast_in_dim3A_176 : vector<736x1xf32> to vector<736x64xf32>
    %mul3A_195 = vector.broadcast %add3A_193 : vector<1x64xf32> to vector<736x64xf32>
    %mul3A_196 = arith.mulf %mul3A_194, %mul3A_195 : vector<736x64xf32>
    %add3A_197 = arith.addf %mul3A_190, %mul3A_196 : vector<736x64xf32>
    %mul3A_198 = arith.mulf %get3A_4, %get3A_13 : vector<1x64xf32>
    %mul3A_199 = vector.broadcast %broadcast_in_dim3A_180 : vector<736x1xf32> to vector<736x64xf32>
    %mul3A_200 = vector.broadcast %mul3A_198 : vector<1x64xf32> to vector<736x64xf32>
    %mul3A_201 = arith.mulf %mul3A_199, %mul3A_200 : vector<736x64xf32>
    %add3A_202 = arith.addf %add3A_197, %mul3A_201 : vector<736x64xf32>
    %mul3A_203 = arith.mulf %get3A_1, %get3A_16 : vector<1x64xf32>
    %mul3A_204 = arith.mulf %get3A_7, %get3A_10 : vector<1x64xf32>
    %add3A_205 = arith.addf %mul3A_203, %mul3A_204 : vector<1x64xf32>
    %mul3A_206 = vector.broadcast %broadcast_in_dim3A_183 : vector<736x1xf32> to vector<736x64xf32>
    %mul3A_207 = vector.broadcast %add3A_205 : vector<1x64xf32> to vector<736x64xf32>
    %mul3A_208 = arith.mulf %mul3A_206, %mul3A_207 : vector<736x64xf32>
    %add3A_209 = arith.addf %add3A_202, %mul3A_208 : vector<736x64xf32>
    %mul3A_210 = arith.mulf %get3A_4, %get3A_16 : vector<1x64xf32>
    %mul3A_211 = arith.mulf %get3A_7, %get3A_13 : vector<1x64xf32>
    %add3A_212 = arith.addf %mul3A_210, %mul3A_211 : vector<1x64xf32>
    %mul3A_213 = vector.broadcast %broadcast_in_dim3A_186 : vector<736x1xf32> to vector<736x64xf32>
    %mul3A_214 = vector.broadcast %add3A_212 : vector<1x64xf32> to vector<736x64xf32>
    %mul3A_215 = arith.mulf %mul3A_213, %mul3A_214 : vector<736x64xf32>
    %add3A_216 = arith.addf %add3A_209, %mul3A_215 : vector<736x64xf32>
    %mul3A_217 = arith.constant 3.000000e+00 : f32
    %mul3A_218 = vector.broadcast %mul3A_217 : f32 to vector<1x64xf32>
    %mul3A_219 = arith.mulf %mul3A_218, %get3A_7 : vector<1x64xf32>
    %mul3A_220 = arith.mulf %mul3A_219, %get3A_16 : vector<1x64xf32>
    %add3A_221 = vector.broadcast %mul3A_220 : vector<1x64xf32> to vector<736x64xf32>
    %add3A_222 = arith.addf %add3A_216, %add3A_221 : vector<736x64xf32>
    %mul3A_223 = vector.broadcast %broadcast_in_dim3A_172 : vector<736x1xf32> to vector<736x64xf32>
    %mul3A_224 = vector.broadcast %get3A_10 : vector<1x64xf32> to vector<736x64xf32>
    %mul3A_225 = arith.mulf %mul3A_223, %mul3A_224 : vector<736x64xf32>
    %mul3A_226 = vector.broadcast %get3A_10 : vector<1x64xf32> to vector<736x64xf32>
    %mul3A_227 = arith.mulf %mul3A_225, %mul3A_226 : vector<736x64xf32>
    %mul3A_228 = arith.constant 2.000000e+00 : f32
    %mul3A_229 = vector.broadcast %mul3A_228 : f32 to vector<736x1xf32>
    %mul3A_230 = arith.mulf %mul3A_229, %broadcast_in_dim3A_176 : vector<736x1xf32>
    %mul3A_231 = vector.broadcast %mul3A_230 : vector<736x1xf32> to vector<736x64xf32>
    %mul3A_232 = vector.broadcast %get3A_10 : vector<1x64xf32> to vector<736x64xf32>
    %mul3A_233 = arith.mulf %mul3A_231, %mul3A_232 : vector<736x64xf32>
    %mul3A_234 = vector.broadcast %get3A_13 : vector<1x64xf32> to vector<736x64xf32>
    %mul3A_235 = arith.mulf %mul3A_233, %mul3A_234 : vector<736x64xf32>
    %add3A_236 = arith.addf %mul3A_227, %mul3A_235 : vector<736x64xf32>
    %mul3A_237 = vector.broadcast %broadcast_in_dim3A_180 : vector<736x1xf32> to vector<736x64xf32>
    %mul3A_238 = vector.broadcast %get3A_13 : vector<1x64xf32> to vector<736x64xf32>
    %mul3A_239 = arith.mulf %mul3A_237, %mul3A_238 : vector<736x64xf32>
    %mul3A_240 = vector.broadcast %get3A_13 : vector<1x64xf32> to vector<736x64xf32>
    %mul3A_241 = arith.mulf %mul3A_239, %mul3A_240 : vector<736x64xf32>
    %add3A_242 = arith.addf %add3A_236, %mul3A_241 : vector<736x64xf32>
    %mul3A_243 = arith.constant 2.000000e+00 : f32
    %mul3A_244 = vector.broadcast %mul3A_243 : f32 to vector<736x1xf32>
    %mul3A_245 = arith.mulf %mul3A_244, %broadcast_in_dim3A_183 : vector<736x1xf32>
    %mul3A_246 = vector.broadcast %mul3A_245 : vector<736x1xf32> to vector<736x64xf32>
    %mul3A_247 = vector.broadcast %get3A_10 : vector<1x64xf32> to vector<736x64xf32>
    %mul3A_248 = arith.mulf %mul3A_246, %mul3A_247 : vector<736x64xf32>
    %mul3A_249 = vector.broadcast %get3A_16 : vector<1x64xf32> to vector<736x64xf32>
    %mul3A_250 = arith.mulf %mul3A_248, %mul3A_249 : vector<736x64xf32>
    %add3A_251 = arith.addf %add3A_242, %mul3A_250 : vector<736x64xf32>
    %mul3A_252 = arith.constant 2.000000e+00 : f32
    %mul3A_253 = vector.broadcast %mul3A_252 : f32 to vector<736x1xf32>
    %mul3A_254 = arith.mulf %mul3A_253, %broadcast_in_dim3A_186 : vector<736x1xf32>
    %mul3A_255 = vector.broadcast %mul3A_254 : vector<736x1xf32> to vector<736x64xf32>
    %mul3A_256 = vector.broadcast %get3A_13 : vector<1x64xf32> to vector<736x64xf32>
    %mul3A_257 = arith.mulf %mul3A_255, %mul3A_256 : vector<736x64xf32>
    %mul3A_258 = vector.broadcast %get3A_16 : vector<1x64xf32> to vector<736x64xf32>
    %mul3A_259 = arith.mulf %mul3A_257, %mul3A_258 : vector<736x64xf32>
    %add3A_260 = arith.addf %add3A_251, %mul3A_259 : vector<736x64xf32>
    %mul3A_261 = arith.constant 3.000000e+00 : f32
    %mul3A_262 = vector.broadcast %mul3A_261 : f32 to vector<1x64xf32>
    %mul3A_263 = arith.mulf %mul3A_262, %get3A_16 : vector<1x64xf32>
    %mul3A_264 = arith.mulf %mul3A_263, %get3A_16 : vector<1x64xf32>
    %add3A_265 = vector.broadcast %mul3A_264 : vector<1x64xf32> to vector<736x64xf32>
    %add3A_266 = arith.addf %add3A_260, %add3A_265 : vector<736x64xf32>
    %lt3A_267 = arith.constant 0.000000e+00 : f32
    %lt3A_268 = vector.broadcast %lt3A_267 : f32 to vector<736x64xf32>
    %lt3A_269 = arith.cmpf olt, %add3A_222, %lt3A_268 : vector<736x64xf32>
    %add3A_270 = arith.constant 9.99999997E-7 : f32
    %add3A_271 = vector.broadcast %add3A_270 : f32 to vector<736x64xf32>
    %add3A_272 = arith.addf %add3A_266, %add3A_271 : vector<736x64xf32>
    %div3A_273 = arith.divf %add3A_222, %add3A_272 : vector<736x64xf32>
    %jit3A_274 = arith.constant 0.000000e+00 : f32
    %broadcast_in_dim3A_275 = vector.broadcast %jit3A_274 : f32 to vector<736x64xf32>
    %select_n3A_276 = arith.select %lt3A_269, %div3A_273, %broadcast_in_dim3A_275 : vector<736x64xi1>, vector<736x64xf32>
    %mul3A_277 = arith.constant 8.000000e-01 : f32
    %mul3A_278 = vector.broadcast %mul3A_277 : f32 to vector<736x64xf32>
    %mul3A_279 = arith.mulf %mul3A_278, %select_n3A_276 : vector<736x64xf32>
    %add3A_280 = arith.constant 1.000000e+00 : f32
    %add3A_281 = vector.broadcast %add3A_280 : f32 to vector<1x64xf32>
    %add3A_282 = arith.addf %add3A_281, %get3A_1 : vector<1x64xf32>
    %mul3A_283 = vector.broadcast %get3A_10 : vector<1x64xf32> to vector<736x64xf32>
    %mul3A_284 = arith.mulf %mul3A_279, %mul3A_283 : vector<736x64xf32>
    %sub3A_285 = vector.broadcast %add3A_282 : vector<1x64xf32> to vector<736x64xf32>
    %sub3A_286 = arith.subf %sub3A_285, %mul3A_284 : vector<736x64xf32>
    %mul3A_287 = vector.broadcast %get3A_13 : vector<1x64xf32> to vector<736x64xf32>
    %mul3A_288 = arith.mulf %mul3A_279, %mul3A_287 : vector<736x64xf32>
    %sub3A_289 = vector.broadcast %get3A_4 : vector<1x64xf32> to vector<736x64xf32>
    %sub3A_290 = arith.subf %sub3A_289, %mul3A_288 : vector<736x64xf32>
    %mul3A_291 = vector.broadcast %get3A_16 : vector<1x64xf32> to vector<736x64xf32>
    %mul3A_292 = arith.mulf %mul3A_279, %mul3A_291 : vector<736x64xf32>
    %sub3A_293 = vector.broadcast %get3A_7 : vector<1x64xf32> to vector<736x64xf32>
    %sub3A_294 = arith.subf %sub3A_293, %mul3A_292 : vector<736x64xf32>
    %slice3A_295 = vector.extract_strided_slice %get3A_165 {offsets = [0, 0], sizes = [736, 1], strides = [1, 1]} : vector<736x3xf32> to vector<736x1xf32>
    %mul3A_296 = vector.broadcast %slice3A_295 : vector<736x1xf32> to vector<736x64xf32>
    %mul3A_297 = arith.mulf %sub3A_286, %mul3A_296 : vector<736x64xf32>
    %slice3A_298 = vector.extract_strided_slice %get3A_168 {offsets = [0, 0], sizes = [736, 1], strides = [1, 1]} : vector<736x3xf32> to vector<736x1xf32>
    %mul3A_299 = vector.broadcast %slice3A_298 : vector<736x1xf32> to vector<736x64xf32>
    %mul3A_300 = arith.mulf %sub3A_290, %mul3A_299 : vector<736x64xf32>
    %add3A_301 = arith.addf %mul3A_297, %mul3A_300 : vector<736x64xf32>
    %add3A_302 = arith.addf %add3A_301, %sub3A_294 : vector<736x64xf32>
    %slice3A_303 = vector.extract_strided_slice %get3A_165 {offsets = [0, 1], sizes = [736, 1], strides = [1, 1]} : vector<736x3xf32> to vector<736x1xf32>
    %mul3A_304 = vector.broadcast %slice3A_303 : vector<736x1xf32> to vector<736x64xf32>
    %mul3A_305 = arith.mulf %sub3A_286, %mul3A_304 : vector<736x64xf32>
    %slice3A_306 = vector.extract_strided_slice %get3A_168 {offsets = [0, 1], sizes = [736, 1], strides = [1, 1]} : vector<736x3xf32> to vector<736x1xf32>
    %mul3A_307 = vector.broadcast %slice3A_306 : vector<736x1xf32> to vector<736x64xf32>
    %mul3A_308 = arith.mulf %sub3A_290, %mul3A_307 : vector<736x64xf32>
    %add3A_309 = arith.addf %mul3A_305, %mul3A_308 : vector<736x64xf32>
    %add3A_310 = arith.addf %add3A_309, %sub3A_294 : vector<736x64xf32>
    %slice3A_311 = vector.extract_strided_slice %get3A_165 {offsets = [0, 2], sizes = [736, 1], strides = [1, 1]} : vector<736x3xf32> to vector<736x1xf32>
    %mul3A_312 = vector.broadcast %slice3A_311 : vector<736x1xf32> to vector<736x64xf32>
    %mul3A_313 = arith.mulf %sub3A_286, %mul3A_312 : vector<736x64xf32>
    %slice3A_314 = vector.extract_strided_slice %get3A_168 {offsets = [0, 2], sizes = [736, 1], strides = [1, 1]} : vector<736x3xf32> to vector<736x1xf32>
    %mul3A_315 = vector.broadcast %slice3A_314 : vector<736x1xf32> to vector<736x64xf32>
    %mul3A_316 = arith.mulf %sub3A_290, %mul3A_315 : vector<736x64xf32>
    %add3A_317 = arith.addf %mul3A_313, %mul3A_316 : vector<736x64xf32>
    %add3A_318 = arith.addf %add3A_317, %sub3A_294 : vector<736x64xf32>
    %get3A_319 = arith.constant 0 : index
    %get3A_320 = arith.constant 64 : index
    %get3A_321 = vector.load %arg1[%get3A_319, %get3A_320] : memref<736x128xf32, #tpu.memory_space<vmem>>, vector<736x3xf32>
    %get3A_322 = arith.constant 0 : index
    %get3A_323 = arith.constant 80 : index
    %get3A_324 = vector.load %arg1[%get3A_322, %get3A_323] : memref<736x128xf32, #tpu.memory_space<vmem>>, vector<736x3xf32>
    %mul3A_325 = arith.mulf %get3A_321, %get3A_321 : vector<736x3xf32>
    %reduce_sum3A_326 = arith.constant dense<0.000000e+00> : vector<736xf32>
    %reduce_sum3A_327 = vector.multi_reduction <add>, %mul3A_325, %reduce_sum3A_326 [1] : vector<736x3xf32> to vector<736xf32>
    %broadcast_in_dim3A_328 = vector.shape_cast %reduce_sum3A_327 : vector<736xf32> to vector<736x1xf32>
    %mul3A_329 = arith.mulf %get3A_321, %get3A_324 : vector<736x3xf32>
    %reduce_sum3A_330 = arith.constant dense<0.000000e+00> : vector<736xf32>
    %reduce_sum3A_331 = vector.multi_reduction <add>, %mul3A_329, %reduce_sum3A_330 [1] : vector<736x3xf32> to vector<736xf32>
    %broadcast_in_dim3A_332 = vector.shape_cast %reduce_sum3A_331 : vector<736xf32> to vector<736x1xf32>
    %mul3A_333 = arith.mulf %get3A_324, %get3A_324 : vector<736x3xf32>
    %reduce_sum3A_334 = arith.constant dense<0.000000e+00> : vector<736xf32>
    %reduce_sum3A_335 = vector.multi_reduction <add>, %mul3A_333, %reduce_sum3A_334 [1] : vector<736x3xf32> to vector<736xf32>
    %broadcast_in_dim3A_336 = vector.shape_cast %reduce_sum3A_335 : vector<736xf32> to vector<736x1xf32>
    %reduce_sum3A_337 = arith.constant dense<0.000000e+00> : vector<736xf32>
    %reduce_sum3A_338 = vector.multi_reduction <add>, %get3A_321, %reduce_sum3A_337 [1] : vector<736x3xf32> to vector<736xf32>
    %broadcast_in_dim3A_339 = vector.shape_cast %reduce_sum3A_338 : vector<736xf32> to vector<736x1xf32>
    %reduce_sum3A_340 = arith.constant dense<0.000000e+00> : vector<736xf32>
    %reduce_sum3A_341 = vector.multi_reduction <add>, %get3A_324, %reduce_sum3A_340 [1] : vector<736x3xf32> to vector<736xf32>
    %broadcast_in_dim3A_342 = vector.shape_cast %reduce_sum3A_341 : vector<736xf32> to vector<736x1xf32>
    %mul3A_343 = arith.mulf %get3A_1, %get3A_10 : vector<1x64xf32>
    %mul3A_344 = vector.broadcast %broadcast_in_dim3A_328 : vector<736x1xf32> to vector<736x64xf32>
    %mul3A_345 = vector.broadcast %mul3A_343 : vector<1x64xf32> to vector<736x64xf32>
    %mul3A_346 = arith.mulf %mul3A_344, %mul3A_345 : vector<736x64xf32>
    %mul3A_347 = arith.mulf %get3A_1, %get3A_13 : vector<1x64xf32>
    %mul3A_348 = arith.mulf %get3A_4, %get3A_10 : vector<1x64xf32>
    %add3A_349 = arith.addf %mul3A_347, %mul3A_348 : vector<1x64xf32>
    %mul3A_350 = vector.broadcast %broadcast_in_dim3A_332 : vector<736x1xf32> to vector<736x64xf32>
    %mul3A_351 = vector.broadcast %add3A_349 : vector<1x64xf32> to vector<736x64xf32>
    %mul3A_352 = arith.mulf %mul3A_350, %mul3A_351 : vector<736x64xf32>
    %add3A_353 = arith.addf %mul3A_346, %mul3A_352 : vector<736x64xf32>
    %mul3A_354 = arith.mulf %get3A_4, %get3A_13 : vector<1x64xf32>
    %mul3A_355 = vector.broadcast %broadcast_in_dim3A_336 : vector<736x1xf32> to vector<736x64xf32>
    %mul3A_356 = vector.broadcast %mul3A_354 : vector<1x64xf32> to vector<736x64xf32>
    %mul3A_357 = arith.mulf %mul3A_355, %mul3A_356 : vector<736x64xf32>
    %add3A_358 = arith.addf %add3A_353, %mul3A_357 : vector<736x64xf32>
    %mul3A_359 = arith.mulf %get3A_1, %get3A_16 : vector<1x64xf32>
    %mul3A_360 = arith.mulf %get3A_7, %get3A_10 : vector<1x64xf32>
    %add3A_361 = arith.addf %mul3A_359, %mul3A_360 : vector<1x64xf32>
    %mul3A_362 = vector.broadcast %broadcast_in_dim3A_339 : vector<736x1xf32> to vector<736x64xf32>
    %mul3A_363 = vector.broadcast %add3A_361 : vector<1x64xf32> to vector<736x64xf32>
    %mul3A_364 = arith.mulf %mul3A_362, %mul3A_363 : vector<736x64xf32>
    %add3A_365 = arith.addf %add3A_358, %mul3A_364 : vector<736x64xf32>
    %mul3A_366 = arith.mulf %get3A_4, %get3A_16 : vector<1x64xf32>
    %mul3A_367 = arith.mulf %get3A_7, %get3A_13 : vector<1x64xf32>
    %add3A_368 = arith.addf %mul3A_366, %mul3A_367 : vector<1x64xf32>
    %mul3A_369 = vector.broadcast %broadcast_in_dim3A_342 : vector<736x1xf32> to vector<736x64xf32>
    %mul3A_370 = vector.broadcast %add3A_368 : vector<1x64xf32> to vector<736x64xf32>
    %mul3A_371 = arith.mulf %mul3A_369, %mul3A_370 : vector<736x64xf32>
    %add3A_372 = arith.addf %add3A_365, %mul3A_371 : vector<736x64xf32>
    %mul3A_373 = arith.constant 3.000000e+00 : f32
    %mul3A_374 = vector.broadcast %mul3A_373 : f32 to vector<1x64xf32>
    %mul3A_375 = arith.mulf %mul3A_374, %get3A_7 : vector<1x64xf32>
    %mul3A_376 = arith.mulf %mul3A_375, %get3A_16 : vector<1x64xf32>
    %add3A_377 = vector.broadcast %mul3A_376 : vector<1x64xf32> to vector<736x64xf32>
    %add3A_378 = arith.addf %add3A_372, %add3A_377 : vector<736x64xf32>
    %mul3A_379 = vector.broadcast %broadcast_in_dim3A_328 : vector<736x1xf32> to vector<736x64xf32>
    %mul3A_380 = vector.broadcast %get3A_10 : vector<1x64xf32> to vector<736x64xf32>
    %mul3A_381 = arith.mulf %mul3A_379, %mul3A_380 : vector<736x64xf32>
    %mul3A_382 = vector.broadcast %get3A_10 : vector<1x64xf32> to vector<736x64xf32>
    %mul3A_383 = arith.mulf %mul3A_381, %mul3A_382 : vector<736x64xf32>
    %mul3A_384 = arith.constant 2.000000e+00 : f32
    %mul3A_385 = vector.broadcast %mul3A_384 : f32 to vector<736x1xf32>
    %mul3A_386 = arith.mulf %mul3A_385, %broadcast_in_dim3A_332 : vector<736x1xf32>
    %mul3A_387 = vector.broadcast %mul3A_386 : vector<736x1xf32> to vector<736x64xf32>
    %mul3A_388 = vector.broadcast %get3A_10 : vector<1x64xf32> to vector<736x64xf32>
    %mul3A_389 = arith.mulf %mul3A_387, %mul3A_388 : vector<736x64xf32>
    %mul3A_390 = vector.broadcast %get3A_13 : vector<1x64xf32> to vector<736x64xf32>
    %mul3A_391 = arith.mulf %mul3A_389, %mul3A_390 : vector<736x64xf32>
    %add3A_392 = arith.addf %mul3A_383, %mul3A_391 : vector<736x64xf32>
    %mul3A_393 = vector.broadcast %broadcast_in_dim3A_336 : vector<736x1xf32> to vector<736x64xf32>
    %mul3A_394 = vector.broadcast %get3A_13 : vector<1x64xf32> to vector<736x64xf32>
    %mul3A_395 = arith.mulf %mul3A_393, %mul3A_394 : vector<736x64xf32>
    %mul3A_396 = vector.broadcast %get3A_13 : vector<1x64xf32> to vector<736x64xf32>
    %mul3A_397 = arith.mulf %mul3A_395, %mul3A_396 : vector<736x64xf32>
    %add3A_398 = arith.addf %add3A_392, %mul3A_397 : vector<736x64xf32>
    %mul3A_399 = arith.constant 2.000000e+00 : f32
    %mul3A_400 = vector.broadcast %mul3A_399 : f32 to vector<736x1xf32>
    %mul3A_401 = arith.mulf %mul3A_400, %broadcast_in_dim3A_339 : vector<736x1xf32>
    %mul3A_402 = vector.broadcast %mul3A_401 : vector<736x1xf32> to vector<736x64xf32>
    %mul3A_403 = vector.broadcast %get3A_10 : vector<1x64xf32> to vector<736x64xf32>
    %mul3A_404 = arith.mulf %mul3A_402, %mul3A_403 : vector<736x64xf32>
    %mul3A_405 = vector.broadcast %get3A_16 : vector<1x64xf32> to vector<736x64xf32>
    %mul3A_406 = arith.mulf %mul3A_404, %mul3A_405 : vector<736x64xf32>
    %add3A_407 = arith.addf %add3A_398, %mul3A_406 : vector<736x64xf32>
    %mul3A_408 = arith.constant 2.000000e+00 : f32
    %mul3A_409 = vector.broadcast %mul3A_408 : f32 to vector<736x1xf32>
    %mul3A_410 = arith.mulf %mul3A_409, %broadcast_in_dim3A_342 : vector<736x1xf32>
    %mul3A_411 = vector.broadcast %mul3A_410 : vector<736x1xf32> to vector<736x64xf32>
    %mul3A_412 = vector.broadcast %get3A_13 : vector<1x64xf32> to vector<736x64xf32>
    %mul3A_413 = arith.mulf %mul3A_411, %mul3A_412 : vector<736x64xf32>
    %mul3A_414 = vector.broadcast %get3A_16 : vector<1x64xf32> to vector<736x64xf32>
    %mul3A_415 = arith.mulf %mul3A_413, %mul3A_414 : vector<736x64xf32>
    %add3A_416 = arith.addf %add3A_407, %mul3A_415 : vector<736x64xf32>
    %mul3A_417 = arith.constant 3.000000e+00 : f32
    %mul3A_418 = vector.broadcast %mul3A_417 : f32 to vector<1x64xf32>
    %mul3A_419 = arith.mulf %mul3A_418, %get3A_16 : vector<1x64xf32>
    %mul3A_420 = arith.mulf %mul3A_419, %get3A_16 : vector<1x64xf32>
    %add3A_421 = vector.broadcast %mul3A_420 : vector<1x64xf32> to vector<736x64xf32>
    %add3A_422 = arith.addf %add3A_416, %add3A_421 : vector<736x64xf32>
    %lt3A_423 = arith.constant 0.000000e+00 : f32
    %lt3A_424 = vector.broadcast %lt3A_423 : f32 to vector<736x64xf32>
    %lt3A_425 = arith.cmpf olt, %add3A_378, %lt3A_424 : vector<736x64xf32>
    %add3A_426 = arith.constant 9.99999997E-7 : f32
    %add3A_427 = vector.broadcast %add3A_426 : f32 to vector<736x64xf32>
    %add3A_428 = arith.addf %add3A_422, %add3A_427 : vector<736x64xf32>
    %div3A_429 = arith.divf %add3A_378, %add3A_428 : vector<736x64xf32>
    %jit3A_430 = arith.constant 0.000000e+00 : f32
    %broadcast_in_dim3A_431 = vector.broadcast %jit3A_430 : f32 to vector<736x64xf32>
    %select_n3A_432 = arith.select %lt3A_425, %div3A_429, %broadcast_in_dim3A_431 : vector<736x64xi1>, vector<736x64xf32>
    %mul3A_433 = arith.constant 8.000000e-01 : f32
    %mul3A_434 = vector.broadcast %mul3A_433 : f32 to vector<736x64xf32>
    %mul3A_435 = arith.mulf %mul3A_434, %select_n3A_432 : vector<736x64xf32>
    %add3A_436 = arith.constant 1.000000e+00 : f32
    %add3A_437 = vector.broadcast %add3A_436 : f32 to vector<1x64xf32>
    %add3A_438 = arith.addf %add3A_437, %get3A_1 : vector<1x64xf32>
    %mul3A_439 = vector.broadcast %get3A_10 : vector<1x64xf32> to vector<736x64xf32>
    %mul3A_440 = arith.mulf %mul3A_435, %mul3A_439 : vector<736x64xf32>
    %sub3A_441 = vector.broadcast %add3A_438 : vector<1x64xf32> to vector<736x64xf32>
    %sub3A_442 = arith.subf %sub3A_441, %mul3A_440 : vector<736x64xf32>
    %mul3A_443 = vector.broadcast %get3A_13 : vector<1x64xf32> to vector<736x64xf32>
    %mul3A_444 = arith.mulf %mul3A_435, %mul3A_443 : vector<736x64xf32>
    %sub3A_445 = vector.broadcast %get3A_4 : vector<1x64xf32> to vector<736x64xf32>
    %sub3A_446 = arith.subf %sub3A_445, %mul3A_444 : vector<736x64xf32>
    %mul3A_447 = vector.broadcast %get3A_16 : vector<1x64xf32> to vector<736x64xf32>
    %mul3A_448 = arith.mulf %mul3A_435, %mul3A_447 : vector<736x64xf32>
    %sub3A_449 = vector.broadcast %get3A_7 : vector<1x64xf32> to vector<736x64xf32>
    %sub3A_450 = arith.subf %sub3A_449, %mul3A_448 : vector<736x64xf32>
    %slice3A_451 = vector.extract_strided_slice %get3A_321 {offsets = [0, 0], sizes = [736, 1], strides = [1, 1]} : vector<736x3xf32> to vector<736x1xf32>
    %mul3A_452 = vector.broadcast %slice3A_451 : vector<736x1xf32> to vector<736x64xf32>
    %mul3A_453 = arith.mulf %sub3A_442, %mul3A_452 : vector<736x64xf32>
    %slice3A_454 = vector.extract_strided_slice %get3A_324 {offsets = [0, 0], sizes = [736, 1], strides = [1, 1]} : vector<736x3xf32> to vector<736x1xf32>
    %mul3A_455 = vector.broadcast %slice3A_454 : vector<736x1xf32> to vector<736x64xf32>
    %mul3A_456 = arith.mulf %sub3A_446, %mul3A_455 : vector<736x64xf32>
    %add3A_457 = arith.addf %mul3A_453, %mul3A_456 : vector<736x64xf32>
    %add3A_458 = arith.addf %add3A_457, %sub3A_450 : vector<736x64xf32>
    %slice3A_459 = vector.extract_strided_slice %get3A_321 {offsets = [0, 1], sizes = [736, 1], strides = [1, 1]} : vector<736x3xf32> to vector<736x1xf32>
    %mul3A_460 = vector.broadcast %slice3A_459 : vector<736x1xf32> to vector<736x64xf32>
    %mul3A_461 = arith.mulf %sub3A_442, %mul3A_460 : vector<736x64xf32>
    %slice3A_462 = vector.extract_strided_slice %get3A_324 {offsets = [0, 1], sizes = [736, 1], strides = [1, 1]} : vector<736x3xf32> to vector<736x1xf32>
    %mul3A_463 = vector.broadcast %slice3A_462 : vector<736x1xf32> to vector<736x64xf32>
    %mul3A_464 = arith.mulf %sub3A_446, %mul3A_463 : vector<736x64xf32>
    %add3A_465 = arith.addf %mul3A_461, %mul3A_464 : vector<736x64xf32>
    %add3A_466 = arith.addf %add3A_465, %sub3A_450 : vector<736x64xf32>
    %slice3A_467 = vector.extract_strided_slice %get3A_321 {offsets = [0, 2], sizes = [736, 1], strides = [1, 1]} : vector<736x3xf32> to vector<736x1xf32>
    %mul3A_468 = vector.broadcast %slice3A_467 : vector<736x1xf32> to vector<736x64xf32>
    %mul3A_469 = arith.mulf %sub3A_442, %mul3A_468 : vector<736x64xf32>
    %slice3A_470 = vector.extract_strided_slice %get3A_324 {offsets = [0, 2], sizes = [736, 1], strides = [1, 1]} : vector<736x3xf32> to vector<736x1xf32>
    %mul3A_471 = vector.broadcast %slice3A_470 : vector<736x1xf32> to vector<736x64xf32>
    %mul3A_472 = arith.mulf %sub3A_446, %mul3A_471 : vector<736x64xf32>
    %add3A_473 = arith.addf %mul3A_469, %mul3A_472 : vector<736x64xf32>
    %add3A_474 = arith.addf %add3A_473, %sub3A_450 : vector<736x64xf32>
    %get3A_475 = arith.constant 0 : index
    %get3A_476 = arith.constant 96 : index
    %get3A_477 = vector.load %arg1[%get3A_475, %get3A_476] : memref<736x128xf32, #tpu.memory_space<vmem>>, vector<736x3xf32>
    %get3A_478 = arith.constant 0 : index
    %get3A_479 = arith.constant 112 : index
    %get3A_480 = vector.load %arg1[%get3A_478, %get3A_479] : memref<736x128xf32, #tpu.memory_space<vmem>>, vector<736x3xf32>
    %mul3A_481 = arith.mulf %get3A_477, %get3A_477 : vector<736x3xf32>
    %reduce_sum3A_482 = arith.constant dense<0.000000e+00> : vector<736xf32>
    %reduce_sum3A_483 = vector.multi_reduction <add>, %mul3A_481, %reduce_sum3A_482 [1] : vector<736x3xf32> to vector<736xf32>
    %broadcast_in_dim3A_484 = vector.shape_cast %reduce_sum3A_483 : vector<736xf32> to vector<736x1xf32>
    %mul3A_485 = arith.mulf %get3A_477, %get3A_480 : vector<736x3xf32>
    %reduce_sum3A_486 = arith.constant dense<0.000000e+00> : vector<736xf32>
    %reduce_sum3A_487 = vector.multi_reduction <add>, %mul3A_485, %reduce_sum3A_486 [1] : vector<736x3xf32> to vector<736xf32>
    %broadcast_in_dim3A_488 = vector.shape_cast %reduce_sum3A_487 : vector<736xf32> to vector<736x1xf32>
    %mul3A_489 = arith.mulf %get3A_480, %get3A_480 : vector<736x3xf32>
    %reduce_sum3A_490 = arith.constant dense<0.000000e+00> : vector<736xf32>
    %reduce_sum3A_491 = vector.multi_reduction <add>, %mul3A_489, %reduce_sum3A_490 [1] : vector<736x3xf32> to vector<736xf32>
    %broadcast_in_dim3A_492 = vector.shape_cast %reduce_sum3A_491 : vector<736xf32> to vector<736x1xf32>
    %reduce_sum3A_493 = arith.constant dense<0.000000e+00> : vector<736xf32>
    %reduce_sum3A_494 = vector.multi_reduction <add>, %get3A_477, %reduce_sum3A_493 [1] : vector<736x3xf32> to vector<736xf32>
    %broadcast_in_dim3A_495 = vector.shape_cast %reduce_sum3A_494 : vector<736xf32> to vector<736x1xf32>
    %reduce_sum3A_496 = arith.constant dense<0.000000e+00> : vector<736xf32>
    %reduce_sum3A_497 = vector.multi_reduction <add>, %get3A_480, %reduce_sum3A_496 [1] : vector<736x3xf32> to vector<736xf32>
    %broadcast_in_dim3A_498 = vector.shape_cast %reduce_sum3A_497 : vector<736xf32> to vector<736x1xf32>
    %mul3A_499 = arith.mulf %get3A_1, %get3A_10 : vector<1x64xf32>
    %mul3A_500 = vector.broadcast %broadcast_in_dim3A_484 : vector<736x1xf32> to vector<736x64xf32>
    %mul3A_501 = vector.broadcast %mul3A_499 : vector<1x64xf32> to vector<736x64xf32>
    %mul3A_502 = arith.mulf %mul3A_500, %mul3A_501 : vector<736x64xf32>
    %mul3A_503 = arith.mulf %get3A_1, %get3A_13 : vector<1x64xf32>
    %mul3A_504 = arith.mulf %get3A_4, %get3A_10 : vector<1x64xf32>
    %add3A_505 = arith.addf %mul3A_503, %mul3A_504 : vector<1x64xf32>
    %mul3A_506 = vector.broadcast %broadcast_in_dim3A_488 : vector<736x1xf32> to vector<736x64xf32>
    %mul3A_507 = vector.broadcast %add3A_505 : vector<1x64xf32> to vector<736x64xf32>
    %mul3A_508 = arith.mulf %mul3A_506, %mul3A_507 : vector<736x64xf32>
    %add3A_509 = arith.addf %mul3A_502, %mul3A_508 : vector<736x64xf32>
    %mul3A_510 = arith.mulf %get3A_4, %get3A_13 : vector<1x64xf32>
    %mul3A_511 = vector.broadcast %broadcast_in_dim3A_492 : vector<736x1xf32> to vector<736x64xf32>
    %mul3A_512 = vector.broadcast %mul3A_510 : vector<1x64xf32> to vector<736x64xf32>
    %mul3A_513 = arith.mulf %mul3A_511, %mul3A_512 : vector<736x64xf32>
    %add3A_514 = arith.addf %add3A_509, %mul3A_513 : vector<736x64xf32>
    %mul3A_515 = arith.mulf %get3A_1, %get3A_16 : vector<1x64xf32>
    %mul3A_516 = arith.mulf %get3A_7, %get3A_10 : vector<1x64xf32>
    %add3A_517 = arith.addf %mul3A_515, %mul3A_516 : vector<1x64xf32>
    %mul3A_518 = vector.broadcast %broadcast_in_dim3A_495 : vector<736x1xf32> to vector<736x64xf32>
    %mul3A_519 = vector.broadcast %add3A_517 : vector<1x64xf32> to vector<736x64xf32>
    %mul3A_520 = arith.mulf %mul3A_518, %mul3A_519 : vector<736x64xf32>
    %add3A_521 = arith.addf %add3A_514, %mul3A_520 : vector<736x64xf32>
    %mul3A_522 = arith.mulf %get3A_4, %get3A_16 : vector<1x64xf32>
    %mul3A_523 = arith.mulf %get3A_7, %get3A_13 : vector<1x64xf32>
    %add3A_524 = arith.addf %mul3A_522, %mul3A_523 : vector<1x64xf32>
    %mul3A_525 = vector.broadcast %broadcast_in_dim3A_498 : vector<736x1xf32> to vector<736x64xf32>
    %mul3A_526 = vector.broadcast %add3A_524 : vector<1x64xf32> to vector<736x64xf32>
    %mul3A_527 = arith.mulf %mul3A_525, %mul3A_526 : vector<736x64xf32>
    %add3A_528 = arith.addf %add3A_521, %mul3A_527 : vector<736x64xf32>
    %mul3A_529 = arith.constant 3.000000e+00 : f32
    %mul3A_530 = vector.broadcast %mul3A_529 : f32 to vector<1x64xf32>
    %mul3A_531 = arith.mulf %mul3A_530, %get3A_7 : vector<1x64xf32>
    %mul3A_532 = arith.mulf %mul3A_531, %get3A_16 : vector<1x64xf32>
    %add3A_533 = vector.broadcast %mul3A_532 : vector<1x64xf32> to vector<736x64xf32>
    %add3A_534 = arith.addf %add3A_528, %add3A_533 : vector<736x64xf32>
    %mul3A_535 = vector.broadcast %broadcast_in_dim3A_484 : vector<736x1xf32> to vector<736x64xf32>
    %mul3A_536 = vector.broadcast %get3A_10 : vector<1x64xf32> to vector<736x64xf32>
    %mul3A_537 = arith.mulf %mul3A_535, %mul3A_536 : vector<736x64xf32>
    %mul3A_538 = vector.broadcast %get3A_10 : vector<1x64xf32> to vector<736x64xf32>
    %mul3A_539 = arith.mulf %mul3A_537, %mul3A_538 : vector<736x64xf32>
    %mul3A_540 = arith.constant 2.000000e+00 : f32
    %mul3A_541 = vector.broadcast %mul3A_540 : f32 to vector<736x1xf32>
    %mul3A_542 = arith.mulf %mul3A_541, %broadcast_in_dim3A_488 : vector<736x1xf32>
    %mul3A_543 = vector.broadcast %mul3A_542 : vector<736x1xf32> to vector<736x64xf32>
    %mul3A_544 = vector.broadcast %get3A_10 : vector<1x64xf32> to vector<736x64xf32>
    %mul3A_545 = arith.mulf %mul3A_543, %mul3A_544 : vector<736x64xf32>
    %mul3A_546 = vector.broadcast %get3A_13 : vector<1x64xf32> to vector<736x64xf32>
    %mul3A_547 = arith.mulf %mul3A_545, %mul3A_546 : vector<736x64xf32>
    %add3A_548 = arith.addf %mul3A_539, %mul3A_547 : vector<736x64xf32>
    %mul3A_549 = vector.broadcast %broadcast_in_dim3A_492 : vector<736x1xf32> to vector<736x64xf32>
    %mul3A_550 = vector.broadcast %get3A_13 : vector<1x64xf32> to vector<736x64xf32>
    %mul3A_551 = arith.mulf %mul3A_549, %mul3A_550 : vector<736x64xf32>
    %mul3A_552 = vector.broadcast %get3A_13 : vector<1x64xf32> to vector<736x64xf32>
    %mul3A_553 = arith.mulf %mul3A_551, %mul3A_552 : vector<736x64xf32>
    %add3A_554 = arith.addf %add3A_548, %mul3A_553 : vector<736x64xf32>
    %mul3A_555 = arith.constant 2.000000e+00 : f32
    %mul3A_556 = vector.broadcast %mul3A_555 : f32 to vector<736x1xf32>
    %mul3A_557 = arith.mulf %mul3A_556, %broadcast_in_dim3A_495 : vector<736x1xf32>
    %mul3A_558 = vector.broadcast %mul3A_557 : vector<736x1xf32> to vector<736x64xf32>
    %mul3A_559 = vector.broadcast %get3A_10 : vector<1x64xf32> to vector<736x64xf32>
    %mul3A_560 = arith.mulf %mul3A_558, %mul3A_559 : vector<736x64xf32>
    %mul3A_561 = vector.broadcast %get3A_16 : vector<1x64xf32> to vector<736x64xf32>
    %mul3A_562 = arith.mulf %mul3A_560, %mul3A_561 : vector<736x64xf32>
    %add3A_563 = arith.addf %add3A_554, %mul3A_562 : vector<736x64xf32>
    %mul3A_564 = arith.constant 2.000000e+00 : f32
    %mul3A_565 = vector.broadcast %mul3A_564 : f32 to vector<736x1xf32>
    %mul3A_566 = arith.mulf %mul3A_565, %broadcast_in_dim3A_498 : vector<736x1xf32>
    %mul3A_567 = vector.broadcast %mul3A_566 : vector<736x1xf32> to vector<736x64xf32>
    %mul3A_568 = vector.broadcast %get3A_13 : vector<1x64xf32> to vector<736x64xf32>
    %mul3A_569 = arith.mulf %mul3A_567, %mul3A_568 : vector<736x64xf32>
    %mul3A_570 = vector.broadcast %get3A_16 : vector<1x64xf32> to vector<736x64xf32>
    %mul3A_571 = arith.mulf %mul3A_569, %mul3A_570 : vector<736x64xf32>
    %add3A_572 = arith.addf %add3A_563, %mul3A_571 : vector<736x64xf32>
    %mul3A_573 = arith.constant 3.000000e+00 : f32
    %mul3A_574 = vector.broadcast %mul3A_573 : f32 to vector<1x64xf32>
    %mul3A_575 = arith.mulf %mul3A_574, %get3A_16 : vector<1x64xf32>
    %mul3A_576 = arith.mulf %mul3A_575, %get3A_16 : vector<1x64xf32>
    %add3A_577 = vector.broadcast %mul3A_576 : vector<1x64xf32> to vector<736x64xf32>
    %add3A_578 = arith.addf %add3A_572, %add3A_577 : vector<736x64xf32>
    %lt3A_579 = arith.constant 0.000000e+00 : f32
    %lt3A_580 = vector.broadcast %lt3A_579 : f32 to vector<736x64xf32>
    %lt3A_581 = arith.cmpf olt, %add3A_534, %lt3A_580 : vector<736x64xf32>
    %add3A_582 = arith.constant 9.99999997E-7 : f32
    %add3A_583 = vector.broadcast %add3A_582 : f32 to vector<736x64xf32>
    %add3A_584 = arith.addf %add3A_578, %add3A_583 : vector<736x64xf32>
    %div3A_585 = arith.divf %add3A_534, %add3A_584 : vector<736x64xf32>
    %jit3A_586 = arith.constant 0.000000e+00 : f32
    %broadcast_in_dim3A_587 = vector.broadcast %jit3A_586 : f32 to vector<736x64xf32>
    %select_n3A_588 = arith.select %lt3A_581, %div3A_585, %broadcast_in_dim3A_587 : vector<736x64xi1>, vector<736x64xf32>
    %mul3A_589 = arith.constant 8.000000e-01 : f32
    %mul3A_590 = vector.broadcast %mul3A_589 : f32 to vector<736x64xf32>
    %mul3A_591 = arith.mulf %mul3A_590, %select_n3A_588 : vector<736x64xf32>
    %add3A_592 = arith.constant 1.000000e+00 : f32
    %add3A_593 = vector.broadcast %add3A_592 : f32 to vector<1x64xf32>
    %add3A_594 = arith.addf %add3A_593, %get3A_1 : vector<1x64xf32>
    %mul3A_595 = vector.broadcast %get3A_10 : vector<1x64xf32> to vector<736x64xf32>
    %mul3A_596 = arith.mulf %mul3A_591, %mul3A_595 : vector<736x64xf32>
    %sub3A_597 = vector.broadcast %add3A_594 : vector<1x64xf32> to vector<736x64xf32>
    %sub3A_598 = arith.subf %sub3A_597, %mul3A_596 : vector<736x64xf32>
    %mul3A_599 = vector.broadcast %get3A_13 : vector<1x64xf32> to vector<736x64xf32>
    %mul3A_600 = arith.mulf %mul3A_591, %mul3A_599 : vector<736x64xf32>
    %sub3A_601 = vector.broadcast %get3A_4 : vector<1x64xf32> to vector<736x64xf32>
    %sub3A_602 = arith.subf %sub3A_601, %mul3A_600 : vector<736x64xf32>
    %mul3A_603 = vector.broadcast %get3A_16 : vector<1x64xf32> to vector<736x64xf32>
    %mul3A_604 = arith.mulf %mul3A_591, %mul3A_603 : vector<736x64xf32>
    %sub3A_605 = vector.broadcast %get3A_7 : vector<1x64xf32> to vector<736x64xf32>
    %sub3A_606 = arith.subf %sub3A_605, %mul3A_604 : vector<736x64xf32>
    %slice3A_607 = vector.extract_strided_slice %get3A_477 {offsets = [0, 0], sizes = [736, 1], strides = [1, 1]} : vector<736x3xf32> to vector<736x1xf32>
    %mul3A_608 = vector.broadcast %slice3A_607 : vector<736x1xf32> to vector<736x64xf32>
    %mul3A_609 = arith.mulf %sub3A_598, %mul3A_608 : vector<736x64xf32>
    %slice3A_610 = vector.extract_strided_slice %get3A_480 {offsets = [0, 0], sizes = [736, 1], strides = [1, 1]} : vector<736x3xf32> to vector<736x1xf32>
    %mul3A_611 = vector.broadcast %slice3A_610 : vector<736x1xf32> to vector<736x64xf32>
    %mul3A_612 = arith.mulf %sub3A_602, %mul3A_611 : vector<736x64xf32>
    %add3A_613 = arith.addf %mul3A_609, %mul3A_612 : vector<736x64xf32>
    %add3A_614 = arith.addf %add3A_613, %sub3A_606 : vector<736x64xf32>
    %slice3A_615 = vector.extract_strided_slice %get3A_477 {offsets = [0, 1], sizes = [736, 1], strides = [1, 1]} : vector<736x3xf32> to vector<736x1xf32>
    %mul3A_616 = vector.broadcast %slice3A_615 : vector<736x1xf32> to vector<736x64xf32>
    %mul3A_617 = arith.mulf %sub3A_598, %mul3A_616 : vector<736x64xf32>
    %slice3A_618 = vector.extract_strided_slice %get3A_480 {offsets = [0, 1], sizes = [736, 1], strides = [1, 1]} : vector<736x3xf32> to vector<736x1xf32>
    %mul3A_619 = vector.broadcast %slice3A_618 : vector<736x1xf32> to vector<736x64xf32>
    %mul3A_620 = arith.mulf %sub3A_602, %mul3A_619 : vector<736x64xf32>
    %add3A_621 = arith.addf %mul3A_617, %mul3A_620 : vector<736x64xf32>
    %add3A_622 = arith.addf %add3A_621, %sub3A_606 : vector<736x64xf32>
    %slice3A_623 = vector.extract_strided_slice %get3A_477 {offsets = [0, 2], sizes = [736, 1], strides = [1, 1]} : vector<736x3xf32> to vector<736x1xf32>
    %mul3A_624 = vector.broadcast %slice3A_623 : vector<736x1xf32> to vector<736x64xf32>
    %mul3A_625 = arith.mulf %sub3A_598, %mul3A_624 : vector<736x64xf32>
    %slice3A_626 = vector.extract_strided_slice %get3A_480 {offsets = [0, 2], sizes = [736, 1], strides = [1, 1]} : vector<736x3xf32> to vector<736x1xf32>
    %mul3A_627 = vector.broadcast %slice3A_626 : vector<736x1xf32> to vector<736x64xf32>
    %mul3A_628 = arith.mulf %sub3A_602, %mul3A_627 : vector<736x64xf32>
    %add3A_629 = arith.addf %mul3A_625, %mul3A_628 : vector<736x64xf32>
    %add3A_630 = arith.addf %add3A_629, %sub3A_606 : vector<736x64xf32>
    %slice3A_631 = vector.extract_strided_slice %add3A_146 {offsets = [0, 0], sizes = [736, 32], strides = [1, 1]} : vector<736x64xf32> to vector<736x32xf32>
    %slice3A_632 = vector.extract_strided_slice %add3A_302 {offsets = [0, 0], sizes = [736, 32], strides = [1, 1]} : vector<736x64xf32> to vector<736x32xf32>
    %slice3A_633 = vector.extract_strided_slice %add3A_458 {offsets = [0, 0], sizes = [736, 32], strides = [1, 1]} : vector<736x64xf32> to vector<736x32xf32>
    %slice3A_634 = vector.extract_strided_slice %add3A_614 {offsets = [0, 0], sizes = [736, 32], strides = [1, 1]} : vector<736x64xf32> to vector<736x32xf32>
    %concatenate3A = tpu.concatenate %slice3A_631, %slice3A_632, %slice3A_633, %slice3A_634 in 1 : vector<736x32xf32>, vector<736x32xf32>, vector<736x32xf32>, vector<736x32xf32> -> vector<736x128xf32>
    %swap3A = arith.constant 0 : index
    %swap3A_635 = arith.constant 0 : index
    %swap3A_636 = vector.load %arg3[%swap3A, %swap3A_635] : memref<736x128xf32, #tpu.memory_space<vmem>>, vector<736x128xf32>
    tpu.vector_store %arg3[%swap3A, %swap3A_635], %concatenate3A {strides = array<i32>} : memref<736x128xf32, #tpu.memory_space<vmem>>, vector<736x128xf32>,
    %slice3A_637 = vector.extract_strided_slice %add3A_146 {offsets = [0, 32], sizes = [736, 32], strides = [1, 1]} : vector<736x64xf32> to vector<736x32xf32>
    %slice3A_638 = vector.extract_strided_slice %add3A_302 {offsets = [0, 32], sizes = [736, 32], strides = [1, 1]} : vector<736x64xf32> to vector<736x32xf32>
    %slice3A_639 = vector.extract_strided_slice %add3A_458 {offsets = [0, 32], sizes = [736, 32], strides = [1, 1]} : vector<736x64xf32> to vector<736x32xf32>
    %slice3A_640 = vector.extract_strided_slice %add3A_614 {offsets = [0, 32], sizes = [736, 32], strides = [1, 1]} : vector<736x64xf32> to vector<736x32xf32>
    %concatenate3A_641 = tpu.concatenate %slice3A_637, %slice3A_638, %slice3A_639, %slice3A_640 in 1 : vector<736x32xf32>, vector<736x32xf32>, vector<736x32xf32>, vector<736x32xf32> -> vector<736x128xf32>
    %swap3A_642 = arith.constant 0 : index
    %swap3A_643 = arith.constant 0 : index
    %swap3A_644 = vector.load %arg4[%swap3A_642, %swap3A_643] : memref<736x128xf32, #tpu.memory_space<vmem>>, vector<736x128xf32>
    tpu.vector_store %arg4[%swap3A_642, %swap3A_643], %concatenate3A_641 {strides = array<i32>} : memref<736x128xf32, #tpu.memory_space<vmem>>, vector<736x128xf32>,
    %slice3A_645 = vector.extract_strided_slice %add3A_154 {offsets = [0, 0], sizes = [736, 32], strides = [1, 1]} : vector<736x64xf32> to vector<736x32xf32>
    %slice3A_646 = vector.extract_strided_slice %add3A_310 {offsets = [0, 0], sizes = [736, 32], strides = [1, 1]} : vector<736x64xf32> to vector<736x32xf32>
    %slice3A_647 = vector.extract_strided_slice %add3A_466 {offsets = [0, 0], sizes = [736, 32], strides = [1, 1]} : vector<736x64xf32> to vector<736x32xf32>
    %slice3A_648 = vector.extract_strided_slice %add3A_622 {offsets = [0, 0], sizes = [736, 32], strides = [1, 1]} : vector<736x64xf32> to vector<736x32xf32>
    %concatenate3A_649 = tpu.concatenate %slice3A_645, %slice3A_646, %slice3A_647, %slice3A_648 in 1 : vector<736x32xf32>, vector<736x32xf32>, vector<736x32xf32>, vector<736x32xf32> -> vector<736x128xf32>
    %swap3A_650 = arith.constant 0 : index
    %swap3A_651 = arith.constant 0 : index
    %swap3A_652 = vector.load %arg5[%swap3A_650, %swap3A_651] : memref<736x128xf32, #tpu.memory_space<vmem>>, vector<736x128xf32>
    tpu.vector_store %arg5[%swap3A_650, %swap3A_651], %concatenate3A_649 {strides = array<i32>} : memref<736x128xf32, #tpu.memory_space<vmem>>, vector<736x128xf32>,
    %slice3A_653 = vector.extract_strided_slice %add3A_154 {offsets = [0, 32], sizes = [736, 32], strides = [1, 1]} : vector<736x64xf32> to vector<736x32xf32>
    %slice3A_654 = vector.extract_strided_slice %add3A_310 {offsets = [0, 32], sizes = [736, 32], strides = [1, 1]} : vector<736x64xf32> to vector<736x32xf32>
    %slice3A_655 = vector.extract_strided_slice %add3A_466 {offsets = [0, 32], sizes = [736, 32], strides = [1, 1]} : vector<736x64xf32> to vector<736x32xf32>
    %slice3A_656 = vector.extract_strided_slice %add3A_622 {offsets = [0, 32], sizes = [736, 32], strides = [1, 1]} : vector<736x64xf32> to vector<736x32xf32>
    %concatenate3A_657 = tpu.concatenate %slice3A_653, %slice3A_654, %slice3A_655, %slice3A_656 in 1 : vector<736x32xf32>, vector<736x32xf32>, vector<736x32xf32>, vector<736x32xf32> -> vector<736x128xf32>
    %swap3A_658 = arith.constant 0 : index
    %swap3A_659 = arith.constant 0 : index
    %swap3A_660 = vector.load %arg6[%swap3A_658, %swap3A_659] : memref<736x128xf32, #tpu.memory_space<vmem>>, vector<736x128xf32>
    tpu.vector_store %arg6[%swap3A_658, %swap3A_659], %concatenate3A_657 {strides = array<i32>} : memref<736x128xf32, #tpu.memory_space<vmem>>, vector<736x128xf32>,
    %slice3A_661 = vector.extract_strided_slice %add3A_162 {offsets = [0, 0], sizes = [736, 32], strides = [1, 1]} : vector<736x64xf32> to vector<736x32xf32>
    %slice3A_662 = vector.extract_strided_slice %add3A_318 {offsets = [0, 0], sizes = [736, 32], strides = [1, 1]} : vector<736x64xf32> to vector<736x32xf32>
    %slice3A_663 = vector.extract_strided_slice %add3A_474 {offsets = [0, 0], sizes = [736, 32], strides = [1, 1]} : vector<736x64xf32> to vector<736x32xf32>
    %slice3A_664 = vector.extract_strided_slice %add3A_630 {offsets = [0, 0], sizes = [736, 32], strides = [1, 1]} : vector<736x64xf32> to vector<736x32xf32>
    %concatenate3A_665 = tpu.concatenate %slice3A_661, %slice3A_662, %slice3A_663, %slice3A_664 in 1 : vector<736x32xf32>, vector<736x32xf32>, vector<736x32xf32>, vector<736x32xf32> -> vector<736x128xf32>
    %swap3A_666 = arith.constant 0 : index
    %swap3A_667 = arith.constant 0 : index
    %swap3A_668 = vector.load %arg7[%swap3A_666, %swap3A_667] : memref<736x128xf32, #tpu.memory_space<vmem>>, vector<736x128xf32>
    tpu.vector_store %arg7[%swap3A_666, %swap3A_667], %concatenate3A_665 {strides = array<i32>} : memref<736x128xf32, #tpu.memory_space<vmem>>, vector<736x128xf32>,
    %slice3A_669 = vector.extract_strided_slice %add3A_162 {offsets = [0, 32], sizes = [736, 32], strides = [1, 1]} : vector<736x64xf32> to vector<736x32xf32>
    %slice3A_670 = vector.extract_strided_slice %add3A_318 {offsets = [0, 32], sizes = [736, 32], strides = [1, 1]} : vector<736x64xf32> to vector<736x32xf32>
    %slice3A_671 = vector.extract_strided_slice %add3A_474 {offsets = [0, 32], sizes = [736, 32], strides = [1, 1]} : vector<736x64xf32> to vector<736x32xf32>
    %slice3A_672 = vector.extract_strided_slice %add3A_630 {offsets = [0, 32], sizes = [736, 32], strides = [1, 1]} : vector<736x64xf32> to vector<736x32xf32>
    %concatenate3A_673 = tpu.concatenate %slice3A_669, %slice3A_670, %slice3A_671, %slice3A_672 in 1 : vector<736x32xf32>, vector<736x32xf32>, vector<736x32xf32>, vector<736x32xf32> -> vector<736x128xf32>
    %swap3A_674 = arith.constant 0 : index
    %swap3A_675 = arith.constant 0 : index
    %swap3A_676 = vector.load %arg8[%swap3A_674, %swap3A_675] : memref<736x128xf32, #tpu.memory_space<vmem>>, vector<736x128xf32>
    tpu.vector_store %arg8[%swap3A_674, %swap3A_675], %concatenate3A_673 {strides = array<i32>} : memref<736x128xf32, #tpu.memory_space<vmem>>, vector<736x128xf32>,
    return
  }
  func.func @transform_0(%arg0: i32) -> (i32, i32) {
    %c0_i32 = arith.constant 0 : i32
    %c0_i32_0 = arith.constant 0 : i32
    return %arg0, %c0_i32 : i32, i32
  }
  func.func @transform_1(%arg0: i32) -> (i32, i32) {
    %c0_i32 = arith.constant 0 : i32
    %c0_i32_0 = arith.constant 0 : i32
    %c0_i32_1 = arith.constant 0 : i32
    return %c0_i32, %c0_i32_0 : i32, i32
  }
  func.func @transform_2(%arg0: i32) -> (i32, i32) {
    %c0_i32 = arith.constant 0 : i32
    %c0_i32_0 = arith.constant 0 : i32
    return %arg0, %c0_i32 : i32, i32
  }
  func.func @transform_3(%arg0: i32) -> (i32, i32) {
    %c0_i32 = arith.constant 0 : i32
    %c0_i32_0 = arith.constant 0 : i32
    return %arg0, %c0_i32 : i32, i32
  }
  func.func @transform_4(%arg0: i32) -> (i32, i32) {
    %c0_i32 = arith.constant 0 : i32
    %c0_i32_0 = arith.constant 0 : i32
    return %arg0, %c0_i32 : i32, i32
  }
  func.func @transform_5(%arg0: i32) -> (i32, i32) {
    %c0_i32 = arith.constant 0 : i32
    %c0_i32_0 = arith.constant 0 : i32
    return %arg0, %c0_i32 : i32, i32
  }
  func.func @transform_6(%arg0: i32) -> (i32, i32) {
    %c0_i32 = arith.constant 0 : i32
    %c0_i32_0 = arith.constant 0 : i32
    return %arg0, %c0_i32 : i32, i32
  }
  func.func @transform_7(%arg0: i32) -> (i32, i32) {
    %c0_i32 = arith.constant 0 : i32
    %c0_i32_0 = arith.constant 0 : i32
    return %arg0, %c0_i32 : i32, i32
  }
}

module attributes {stable_mosaic.version = 14 : i64} {
  func.func @_l2_body(%arg0: i32, %arg1: memref<736x128xf32, #tpu.memory_space<vmem>>, %arg2: memref<736x128xf32, #tpu.memory_space<vmem>>, %arg3: memref<736x128xf32, #tpu.memory_space<vmem>>, %arg4: memref<736x128xf32, #tpu.memory_space<vmem>>, %arg5: memref<736x128xf32, #tpu.memory_space<vmem>>, %arg6: memref<736x128xf32, #tpu.memory_space<vmem>>, %arg7: memref<736x128xf32, #tpu.memory_space<vmem>>, %arg8: memref<736x128xf32, #tpu.memory_space<vmem>>, %arg9: memref<736x128xf32, #tpu.memory_space<vmem>>, %arg10: memref<736x128xf32, #tpu.memory_space<vmem>>, %arg11: memref<736x128xf32, #tpu.memory_space<vmem>>, %arg12: memref<736x128xf32, #tpu.memory_space<vmem>>, %arg13: memref<128x256xf32, #tpu.memory_space<vmem>>, %arg14: memref<128x256xf32, #tpu.memory_space<vmem>>, %arg15: memref<128x256xf32, #tpu.memory_space<vmem>>, %arg16: memref<128x256xf32, #tpu.memory_space<vmem>>, %arg17: memref<256x256xf32, #tpu.memory_space<vmem>>, %arg18: memref<1x256xf32, #tpu.memory_space<vmem>>, %arg19: memref<3x256xf32, #tpu.memory_space<vmem>>) attributes {dimension_semantics = [#tpu.dimension_semantics<arbitrary>], iteration_bounds = array<i64: 17>, scalar_prefetch = 0 : i64, scratch_operands = 0 : i64, tpu.core_type = #tpu.core_type<tc>, window_params = [{transform_indices = @transform_0, window_bounds = array<i64: 736, 128>}, {transform_indices = @transform_1, window_bounds = array<i64: 736, 128>}, {transform_indices = @transform_2, window_bounds = array<i64: 736, 128>}, {transform_indices = @transform_3, window_bounds = array<i64: 736, 128>}, {transform_indices = @transform_4, window_bounds = array<i64: 736, 128>}, {transform_indices = @transform_5, window_bounds = array<i64: 736, 128>}, {transform_indices = @transform_6, window_bounds = array<i64: 736, 128>}, {transform_indices = @transform_7, window_bounds = array<i64: 736, 128>}, {transform_indices = @transform_8, window_bounds = array<i64: 736, 128>}, {transform_indices = @transform_9, window_bounds = array<i64: 736, 128>}, {transform_indices = @transform_10, window_bounds = array<i64: 736, 128>}, {transform_indices = @transform_11, window_bounds = array<i64: 736, 128>}, {pipeline_mode = #tpu.pipeline_mode<synchronous>, transform_indices = @transform_12, window_bounds = array<i64: 128, 256>}, {pipeline_mode = #tpu.pipeline_mode<synchronous>, transform_indices = @transform_13, window_bounds = array<i64: 128, 256>}, {pipeline_mode = #tpu.pipeline_mode<synchronous>, transform_indices = @transform_14, window_bounds = array<i64: 128, 256>}, {pipeline_mode = #tpu.pipeline_mode<synchronous>, transform_indices = @transform_15, window_bounds = array<i64: 128, 256>}, {pipeline_mode = #tpu.pipeline_mode<synchronous>, transform_indices = @transform_16, window_bounds = array<i64: 256, 256>}, {pipeline_mode = #tpu.pipeline_mode<synchronous>, transform_indices = @transform_17, window_bounds = array<i64: 1, 256>}, {pipeline_mode = #tpu.pipeline_mode<synchronous>, transform_indices = @transform_18, window_bounds = array<i64: 3, 256>}]} {
    %mul3A = arith.constant 736 : i32
    %mul3A_0 = arith.muli %arg0, %mul3A : i32
    %iota3A = tpu.iota {dimensions = array<i32: 0>} : vector<736x1xi32>
    %add3A = vector.broadcast %mul3A_0 : i32 to vector<736x1xi32>
    %add3A_1 = arith.addi %add3A, %iota3A : vector<736x1xi32>
    %lt3A = arith.constant 12500 : i32
    %lt3A_2 = vector.broadcast %lt3A : i32 to vector<736x1xi32>
    %lt3A_3 = arith.cmpi slt, %add3A_1, %lt3A_2 : vector<736x1xi32>
    %get3A = arith.constant 0 : index
    %get3A_4 = arith.constant 0 : index
    %get3A_5 = vector.load %arg1[%get3A, %get3A_4] : memref<736x128xf32, #tpu.memory_space<vmem>>, vector<736x128xf32>
    %get3A_6 = arith.constant 0 : index
    %get3A_7 = arith.constant 0 : index
    %get3A_8 = vector.load %arg13[%get3A_6, %get3A_7] : memref<128x256xf32, #tpu.memory_space<vmem>>, vector<128x256xf32>
    %dot_general3A = arith.constant dense<0.000000e+00> : vector<736x256xf32>
    %dot_general3A_9 = tpu.matmul %get3A_5, %get3A_8, %dot_general3A {dimension_numbers = #tpu.dot_dimension_numbers<[1], [0], [0], [1], [0, 0, 1, 1], [], []>, transpose_lhs_hint = false} : vector<736x128xf32>, vector<128x256xf32>, vector<736x256xf32> -> vector<736x256xf32>
    %get3A_10 = arith.constant 0 : index
    %get3A_11 = arith.constant 0 : index
    %get3A_12 = vector.load %arg2[%get3A_10, %get3A_11] : memref<736x128xf32, #tpu.memory_space<vmem>>, vector<736x128xf32>
    %get3A_13 = arith.constant 0 : index
    %get3A_14 = arith.constant 0 : index
    %get3A_15 = vector.load %arg14[%get3A_13, %get3A_14] : memref<128x256xf32, #tpu.memory_space<vmem>>, vector<128x256xf32>
    %dot_general3A_16 = arith.constant dense<0.000000e+00> : vector<736x256xf32>
    %dot_general3A_17 = tpu.matmul %get3A_12, %get3A_15, %dot_general3A_16 {dimension_numbers = #tpu.dot_dimension_numbers<[1], [0], [0], [1], [0, 0, 1, 1], [], []>, transpose_lhs_hint = false} : vector<736x128xf32>, vector<128x256xf32>, vector<736x256xf32> -> vector<736x256xf32>
    %add3A_18 = arith.addf %dot_general3A_9, %dot_general3A_17 : vector<736x256xf32>
    %get3A_19 = arith.constant 0 : index
    %get3A_20 = arith.constant 0 : index
    %get3A_21 = vector.load %arg7[%get3A_19, %get3A_20] : memref<736x128xf32, #tpu.memory_space<vmem>>, vector<736x128xf32>
    %get3A_22 = arith.constant 0 : index
    %get3A_23 = arith.constant 0 : index
    %get3A_24 = vector.load %arg15[%get3A_22, %get3A_23] : memref<128x256xf32, #tpu.memory_space<vmem>>, vector<128x256xf32>
    %dot_general3A_25 = arith.constant dense<0.000000e+00> : vector<736x256xf32>
    %dot_general3A_26 = tpu.matmul %get3A_21, %get3A_24, %dot_general3A_25 {dimension_numbers = #tpu.dot_dimension_numbers<[1], [0], [0], [1], [0, 0, 1, 1], [], []>, transpose_lhs_hint = false} : vector<736x128xf32>, vector<128x256xf32>, vector<736x256xf32> -> vector<736x256xf32>
    %add3A_27 = arith.addf %add3A_18, %dot_general3A_26 : vector<736x256xf32>
    %get3A_28 = arith.constant 0 : index
    %get3A_29 = arith.constant 0 : index
    %get3A_30 = vector.load %arg8[%get3A_28, %get3A_29] : memref<736x128xf32, #tpu.memory_space<vmem>>, vector<736x128xf32>
    %get3A_31 = arith.constant 0 : index
    %get3A_32 = arith.constant 0 : index
    %get3A_33 = vector.load %arg16[%get3A_31, %get3A_32] : memref<128x256xf32, #tpu.memory_space<vmem>>, vector<128x256xf32>
    %dot_general3A_34 = arith.constant dense<0.000000e+00> : vector<736x256xf32>
    %dot_general3A_35 = tpu.matmul %get3A_30, %get3A_33, %dot_general3A_34 {dimension_numbers = #tpu.dot_dimension_numbers<[1], [0], [0], [1], [0, 0, 1, 1], [], []>, transpose_lhs_hint = false} : vector<736x128xf32>, vector<128x256xf32>, vector<736x256xf32> -> vector<736x256xf32>
    %add3A_36 = arith.addf %add3A_27, %dot_general3A_35 : vector<736x256xf32>
    %get3A_37 = arith.constant 0 : index
    %get3A_38 = arith.constant 0 : index
    %get3A_39 = vector.load %arg18[%get3A_37, %get3A_38] : memref<1x256xf32, #tpu.memory_space<vmem>>, vector<1x256xf32>
    %add3A_40 = vector.broadcast %get3A_39 : vector<1x256xf32> to vector<736x256xf32>
    %add3A_41 = arith.addf %add3A_36, %add3A_40 : vector<736x256xf32>
    %get3A_42 = arith.constant 0 : index
    %get3A_43 = arith.constant 0 : index
    %get3A_44 = vector.load %arg1[%get3A_42, %get3A_43] : memref<736x128xf32, #tpu.memory_space<vmem>>, vector<736x128xf32>
    %get3A_45 = arith.constant 0 : index
    %get3A_46 = arith.constant 0 : index
    %get3A_47 = vector.load %arg2[%get3A_45, %get3A_46] : memref<736x128xf32, #tpu.memory_space<vmem>>, vector<736x128xf32>
    %slice3A = vector.extract_strided_slice %get3A_44 {offsets = [0, 0], sizes = [736, 32], strides = [1, 1]} : vector<736x128xf32> to vector<736x32xf32>
    %slice3A_48 = vector.extract_strided_slice %get3A_47 {offsets = [0, 0], sizes = [736, 32], strides = [1, 1]} : vector<736x128xf32> to vector<736x32xf32>
    %slice3A_49 = vector.extract_strided_slice %get3A_44 {offsets = [0, 32], sizes = [736, 32], strides = [1, 1]} : vector<736x128xf32> to vector<736x32xf32>
    %slice3A_50 = vector.extract_strided_slice %get3A_47 {offsets = [0, 32], sizes = [736, 32], strides = [1, 1]} : vector<736x128xf32> to vector<736x32xf32>
    %slice3A_51 = vector.extract_strided_slice %get3A_44 {offsets = [0, 64], sizes = [736, 32], strides = [1, 1]} : vector<736x128xf32> to vector<736x32xf32>
    %slice3A_52 = vector.extract_strided_slice %get3A_47 {offsets = [0, 64], sizes = [736, 32], strides = [1, 1]} : vector<736x128xf32> to vector<736x32xf32>
    %slice3A_53 = vector.extract_strided_slice %get3A_44 {offsets = [0, 96], sizes = [736, 32], strides = [1, 1]} : vector<736x128xf32> to vector<736x32xf32>
    %slice3A_54 = vector.extract_strided_slice %get3A_47 {offsets = [0, 96], sizes = [736, 32], strides = [1, 1]} : vector<736x128xf32> to vector<736x32xf32>
    %concatenate3A = tpu.concatenate %slice3A, %slice3A_48, %slice3A_49, %slice3A_50, %slice3A_51, %slice3A_52, %slice3A_53, %slice3A_54 in 1 : vector<736x32xf32>, vector<736x32xf32>, vector<736x32xf32>, vector<736x32xf32>, vector<736x32xf32>, vector<736x32xf32>, vector<736x32xf32>, vector<736x32xf32> -> vector<736x256xf32>
    %get3A_55 = arith.constant 0 : index
    %get3A_56 = arith.constant 0 : index
    %get3A_57 = vector.load %arg3[%get3A_55, %get3A_56] : memref<736x128xf32, #tpu.memory_space<vmem>>, vector<736x128xf32>
    %get3A_58 = arith.constant 0 : index
    %get3A_59 = arith.constant 0 : index
    %get3A_60 = vector.load %arg13[%get3A_58, %get3A_59] : memref<128x256xf32, #tpu.memory_space<vmem>>, vector<128x256xf32>
    %dot_general3A_61 = arith.constant dense<0.000000e+00> : vector<736x256xf32>
    %dot_general3A_62 = tpu.matmul %get3A_57, %get3A_60, %dot_general3A_61 {dimension_numbers = #tpu.dot_dimension_numbers<[1], [0], [0], [1], [0, 0, 1, 1], [], []>, transpose_lhs_hint = false} : vector<736x128xf32>, vector<128x256xf32>, vector<736x256xf32> -> vector<736x256xf32>
    %get3A_63 = arith.constant 0 : index
    %get3A_64 = arith.constant 0 : index
    %get3A_65 = vector.load %arg4[%get3A_63, %get3A_64] : memref<736x128xf32, #tpu.memory_space<vmem>>, vector<736x128xf32>
    %get3A_66 = arith.constant 0 : index
    %get3A_67 = arith.constant 0 : index
    %get3A_68 = vector.load %arg14[%get3A_66, %get3A_67] : memref<128x256xf32, #tpu.memory_space<vmem>>, vector<128x256xf32>
    %dot_general3A_69 = arith.constant dense<0.000000e+00> : vector<736x256xf32>
    %dot_general3A_70 = tpu.matmul %get3A_65, %get3A_68, %dot_general3A_69 {dimension_numbers = #tpu.dot_dimension_numbers<[1], [0], [0], [1], [0, 0, 1, 1], [], []>, transpose_lhs_hint = false} : vector<736x128xf32>, vector<128x256xf32>, vector<736x256xf32> -> vector<736x256xf32>
    %add3A_71 = arith.addf %dot_general3A_62, %dot_general3A_70 : vector<736x256xf32>
    %get3A_72 = arith.constant 0 : index
    %get3A_73 = arith.constant 0 : index
    %get3A_74 = vector.load %arg9[%get3A_72, %get3A_73] : memref<736x128xf32, #tpu.memory_space<vmem>>, vector<736x128xf32>
    %get3A_75 = arith.constant 0 : index
    %get3A_76 = arith.constant 0 : index
    %get3A_77 = vector.load %arg15[%get3A_75, %get3A_76] : memref<128x256xf32, #tpu.memory_space<vmem>>, vector<128x256xf32>
    %dot_general3A_78 = arith.constant dense<0.000000e+00> : vector<736x256xf32>
    %dot_general3A_79 = tpu.matmul %get3A_74, %get3A_77, %dot_general3A_78 {dimension_numbers = #tpu.dot_dimension_numbers<[1], [0], [0], [1], [0, 0, 1, 1], [], []>, transpose_lhs_hint = false} : vector<736x128xf32>, vector<128x256xf32>, vector<736x256xf32> -> vector<736x256xf32>
    %add3A_80 = arith.addf %add3A_71, %dot_general3A_79 : vector<736x256xf32>
    %get3A_81 = arith.constant 0 : index
    %get3A_82 = arith.constant 0 : index
    %get3A_83 = vector.load %arg10[%get3A_81, %get3A_82] : memref<736x128xf32, #tpu.memory_space<vmem>>, vector<736x128xf32>
    %get3A_84 = arith.constant 0 : index
    %get3A_85 = arith.constant 0 : index
    %get3A_86 = vector.load %arg16[%get3A_84, %get3A_85] : memref<128x256xf32, #tpu.memory_space<vmem>>, vector<128x256xf32>
    %dot_general3A_87 = arith.constant dense<0.000000e+00> : vector<736x256xf32>
    %dot_general3A_88 = tpu.matmul %get3A_83, %get3A_86, %dot_general3A_87 {dimension_numbers = #tpu.dot_dimension_numbers<[1], [0], [0], [1], [0, 0, 1, 1], [], []>, transpose_lhs_hint = false} : vector<736x128xf32>, vector<128x256xf32>, vector<736x256xf32> -> vector<736x256xf32>
    %add3A_89 = arith.addf %add3A_80, %dot_general3A_88 : vector<736x256xf32>
    %get3A_90 = arith.constant 0 : index
    %get3A_91 = arith.constant 0 : index
    %get3A_92 = vector.load %arg18[%get3A_90, %get3A_91] : memref<1x256xf32, #tpu.memory_space<vmem>>, vector<1x256xf32>
    %add3A_93 = vector.broadcast %get3A_92 : vector<1x256xf32> to vector<736x256xf32>
    %add3A_94 = arith.addf %add3A_89, %add3A_93 : vector<736x256xf32>
    %get3A_95 = arith.constant 0 : index
    %get3A_96 = arith.constant 0 : index
    %get3A_97 = vector.load %arg3[%get3A_95, %get3A_96] : memref<736x128xf32, #tpu.memory_space<vmem>>, vector<736x128xf32>
    %get3A_98 = arith.constant 0 : index
    %get3A_99 = arith.constant 0 : index
    %get3A_100 = vector.load %arg4[%get3A_98, %get3A_99] : memref<736x128xf32, #tpu.memory_space<vmem>>, vector<736x128xf32>
    %slice3A_101 = vector.extract_strided_slice %get3A_97 {offsets = [0, 0], sizes = [736, 32], strides = [1, 1]} : vector<736x128xf32> to vector<736x32xf32>
    %slice3A_102 = vector.extract_strided_slice %get3A_100 {offsets = [0, 0], sizes = [736, 32], strides = [1, 1]} : vector<736x128xf32> to vector<736x32xf32>
    %slice3A_103 = vector.extract_strided_slice %get3A_97 {offsets = [0, 32], sizes = [736, 32], strides = [1, 1]} : vector<736x128xf32> to vector<736x32xf32>
    %slice3A_104 = vector.extract_strided_slice %get3A_100 {offsets = [0, 32], sizes = [736, 32], strides = [1, 1]} : vector<736x128xf32> to vector<736x32xf32>
    %slice3A_105 = vector.extract_strided_slice %get3A_97 {offsets = [0, 64], sizes = [736, 32], strides = [1, 1]} : vector<736x128xf32> to vector<736x32xf32>
    %slice3A_106 = vector.extract_strided_slice %get3A_100 {offsets = [0, 64], sizes = [736, 32], strides = [1, 1]} : vector<736x128xf32> to vector<736x32xf32>
    %slice3A_107 = vector.extract_strided_slice %get3A_97 {offsets = [0, 96], sizes = [736, 32], strides = [1, 1]} : vector<736x128xf32> to vector<736x32xf32>
    %slice3A_108 = vector.extract_strided_slice %get3A_100 {offsets = [0, 96], sizes = [736, 32], strides = [1, 1]} : vector<736x128xf32> to vector<736x32xf32>
    %concatenate3A_109 = tpu.concatenate %slice3A_101, %slice3A_102, %slice3A_103, %slice3A_104, %slice3A_105, %slice3A_106, %slice3A_107, %slice3A_108 in 1 : vector<736x32xf32>, vector<736x32xf32>, vector<736x32xf32>, vector<736x32xf32>, vector<736x32xf32>, vector<736x32xf32>, vector<736x32xf32>, vector<736x32xf32> -> vector<736x256xf32>
    %get3A_110 = arith.constant 0 : index
    %get3A_111 = arith.constant 0 : index
    %get3A_112 = vector.load %arg5[%get3A_110, %get3A_111] : memref<736x128xf32, #tpu.memory_space<vmem>>, vector<736x128xf32>
    %get3A_113 = arith.constant 0 : index
    %get3A_114 = arith.constant 0 : index
    %get3A_115 = vector.load %arg13[%get3A_113, %get3A_114] : memref<128x256xf32, #tpu.memory_space<vmem>>, vector<128x256xf32>
    %dot_general3A_116 = arith.constant dense<0.000000e+00> : vector<736x256xf32>
    %dot_general3A_117 = tpu.matmul %get3A_112, %get3A_115, %dot_general3A_116 {dimension_numbers = #tpu.dot_dimension_numbers<[1], [0], [0], [1], [0, 0, 1, 1], [], []>, transpose_lhs_hint = false} : vector<736x128xf32>, vector<128x256xf32>, vector<736x256xf32> -> vector<736x256xf32>
    %get3A_118 = arith.constant 0 : index
    %get3A_119 = arith.constant 0 : index
    %get3A_120 = vector.load %arg6[%get3A_118, %get3A_119] : memref<736x128xf32, #tpu.memory_space<vmem>>, vector<736x128xf32>
    %get3A_121 = arith.constant 0 : index
    %get3A_122 = arith.constant 0 : index
    %get3A_123 = vector.load %arg14[%get3A_121, %get3A_122] : memref<128x256xf32, #tpu.memory_space<vmem>>, vector<128x256xf32>
    %dot_general3A_124 = arith.constant dense<0.000000e+00> : vector<736x256xf32>
    %dot_general3A_125 = tpu.matmul %get3A_120, %get3A_123, %dot_general3A_124 {dimension_numbers = #tpu.dot_dimension_numbers<[1], [0], [0], [1], [0, 0, 1, 1], [], []>, transpose_lhs_hint = false} : vector<736x128xf32>, vector<128x256xf32>, vector<736x256xf32> -> vector<736x256xf32>
    %add3A_126 = arith.addf %dot_general3A_117, %dot_general3A_125 : vector<736x256xf32>
    %get3A_127 = arith.constant 0 : index
    %get3A_128 = arith.constant 0 : index
    %get3A_129 = vector.load %arg11[%get3A_127, %get3A_128] : memref<736x128xf32, #tpu.memory_space<vmem>>, vector<736x128xf32>
    %get3A_130 = arith.constant 0 : index
    %get3A_131 = arith.constant 0 : index
    %get3A_132 = vector.load %arg15[%get3A_130, %get3A_131] : memref<128x256xf32, #tpu.memory_space<vmem>>, vector<128x256xf32>
    %dot_general3A_133 = arith.constant dense<0.000000e+00> : vector<736x256xf32>
    %dot_general3A_134 = tpu.matmul %get3A_129, %get3A_132, %dot_general3A_133 {dimension_numbers = #tpu.dot_dimension_numbers<[1], [0], [0], [1], [0, 0, 1, 1], [], []>, transpose_lhs_hint = false} : vector<736x128xf32>, vector<128x256xf32>, vector<736x256xf32> -> vector<736x256xf32>
    %add3A_135 = arith.addf %add3A_126, %dot_general3A_134 : vector<736x256xf32>
    %get3A_136 = arith.constant 0 : index
    %get3A_137 = arith.constant 0 : index
    %get3A_138 = vector.load %arg12[%get3A_136, %get3A_137] : memref<736x128xf32, #tpu.memory_space<vmem>>, vector<736x128xf32>
    %get3A_139 = arith.constant 0 : index
    %get3A_140 = arith.constant 0 : index
    %get3A_141 = vector.load %arg16[%get3A_139, %get3A_140] : memref<128x256xf32, #tpu.memory_space<vmem>>, vector<128x256xf32>
    %dot_general3A_142 = arith.constant dense<0.000000e+00> : vector<736x256xf32>
    %dot_general3A_143 = tpu.matmul %get3A_138, %get3A_141, %dot_general3A_142 {dimension_numbers = #tpu.dot_dimension_numbers<[1], [0], [0], [1], [0, 0, 1, 1], [], []>, transpose_lhs_hint = false} : vector<736x128xf32>, vector<128x256xf32>, vector<736x256xf32> -> vector<736x256xf32>
    %add3A_144 = arith.addf %add3A_135, %dot_general3A_143 : vector<736x256xf32>
    %get3A_145 = arith.constant 0 : index
    %get3A_146 = arith.constant 0 : index
    %get3A_147 = vector.load %arg18[%get3A_145, %get3A_146] : memref<1x256xf32, #tpu.memory_space<vmem>>, vector<1x256xf32>
    %add3A_148 = vector.broadcast %get3A_147 : vector<1x256xf32> to vector<736x256xf32>
    %add3A_149 = arith.addf %add3A_144, %add3A_148 : vector<736x256xf32>
    %get3A_150 = arith.constant 0 : index
    %get3A_151 = arith.constant 0 : index
    %get3A_152 = vector.load %arg5[%get3A_150, %get3A_151] : memref<736x128xf32, #tpu.memory_space<vmem>>, vector<736x128xf32>
    %get3A_153 = arith.constant 0 : index
    %get3A_154 = arith.constant 0 : index
    %get3A_155 = vector.load %arg6[%get3A_153, %get3A_154] : memref<736x128xf32, #tpu.memory_space<vmem>>, vector<736x128xf32>
    %slice3A_156 = vector.extract_strided_slice %get3A_152 {offsets = [0, 0], sizes = [736, 32], strides = [1, 1]} : vector<736x128xf32> to vector<736x32xf32>
    %slice3A_157 = vector.extract_strided_slice %get3A_155 {offsets = [0, 0], sizes = [736, 32], strides = [1, 1]} : vector<736x128xf32> to vector<736x32xf32>
    %slice3A_158 = vector.extract_strided_slice %get3A_152 {offsets = [0, 32], sizes = [736, 32], strides = [1, 1]} : vector<736x128xf32> to vector<736x32xf32>
    %slice3A_159 = vector.extract_strided_slice %get3A_155 {offsets = [0, 32], sizes = [736, 32], strides = [1, 1]} : vector<736x128xf32> to vector<736x32xf32>
    %slice3A_160 = vector.extract_strided_slice %get3A_152 {offsets = [0, 64], sizes = [736, 32], strides = [1, 1]} : vector<736x128xf32> to vector<736x32xf32>
    %slice3A_161 = vector.extract_strided_slice %get3A_155 {offsets = [0, 64], sizes = [736, 32], strides = [1, 1]} : vector<736x128xf32> to vector<736x32xf32>
    %slice3A_162 = vector.extract_strided_slice %get3A_152 {offsets = [0, 96], sizes = [736, 32], strides = [1, 1]} : vector<736x128xf32> to vector<736x32xf32>
    %slice3A_163 = vector.extract_strided_slice %get3A_155 {offsets = [0, 96], sizes = [736, 32], strides = [1, 1]} : vector<736x128xf32> to vector<736x32xf32>
    %concatenate3A_164 = tpu.concatenate %slice3A_156, %slice3A_157, %slice3A_158, %slice3A_159, %slice3A_160, %slice3A_161, %slice3A_162, %slice3A_163 in 1 : vector<736x32xf32>, vector<736x32xf32>, vector<736x32xf32>, vector<736x32xf32>, vector<736x32xf32>, vector<736x32xf32>, vector<736x32xf32>, vector<736x32xf32> -> vector<736x256xf32>
    %get3A_165 = arith.constant 0 : index
    %get3A_166 = arith.constant 0 : index
    %get3A_167 = vector.load %arg17[%get3A_165, %get3A_166] : memref<256x256xf32, #tpu.memory_space<vmem>>, vector<256x256xf32>
    %dot_general3A_168 = arith.constant dense<0.000000e+00> : vector<736x256xf32>
    %dot_general3A_169 = tpu.matmul %add3A_41, %get3A_167, %dot_general3A_168 {dimension_numbers = #tpu.dot_dimension_numbers<[1], [0], [0], [1], [0, 0, 1, 1], [], []>, transpose_lhs_hint = false} : vector<736x256xf32>, vector<256x256xf32>, vector<736x256xf32> -> vector<736x256xf32>
    %get3A_170 = arith.constant 0 : index
    %get3A_171 = arith.constant 0 : index
    %get3A_172 = vector.load %arg17[%get3A_170, %get3A_171] : memref<256x256xf32, #tpu.memory_space<vmem>>, vector<256x256xf32>
    %dot_general3A_173 = arith.constant dense<0.000000e+00> : vector<736x256xf32>
    %dot_general3A_174 = tpu.matmul %add3A_94, %get3A_172, %dot_general3A_173 {dimension_numbers = #tpu.dot_dimension_numbers<[1], [0], [0], [1], [0, 0, 1, 1], [], []>, transpose_lhs_hint = false} : vector<736x256xf32>, vector<256x256xf32>, vector<736x256xf32> -> vector<736x256xf32>
    %get3A_175 = arith.constant 0 : index
    %get3A_176 = arith.constant 0 : index
    %get3A_177 = vector.load %arg17[%get3A_175, %get3A_176] : memref<256x256xf32, #tpu.memory_space<vmem>>, vector<256x256xf32>
    %dot_general3A_178 = arith.constant dense<0.000000e+00> : vector<736x256xf32>
    %dot_general3A_179 = tpu.matmul %add3A_149, %get3A_177, %dot_general3A_178 {dimension_numbers = #tpu.dot_dimension_numbers<[1], [0], [0], [1], [0, 0, 1, 1], [], []>, transpose_lhs_hint = false} : vector<736x256xf32>, vector<256x256xf32>, vector<736x256xf32> -> vector<736x256xf32>
    %mul3A_180 = arith.mulf %add3A_41, %dot_general3A_169 : vector<736x256xf32>
    %mul3A_181 = arith.mulf %add3A_94, %dot_general3A_174 : vector<736x256xf32>
    %add3A_182 = arith.addf %mul3A_180, %mul3A_181 : vector<736x256xf32>
    %mul3A_183 = arith.mulf %add3A_149, %dot_general3A_179 : vector<736x256xf32>
    %add3A_184 = arith.addf %add3A_182, %mul3A_183 : vector<736x256xf32>
    %mul3A_185 = arith.mulf %dot_general3A_169, %dot_general3A_169 : vector<736x256xf32>
    %mul3A_186 = arith.mulf %dot_general3A_174, %dot_general3A_174 : vector<736x256xf32>
    %add3A_187 = arith.addf %mul3A_185, %mul3A_186 : vector<736x256xf32>
    %mul3A_188 = arith.mulf %dot_general3A_179, %dot_general3A_179 : vector<736x256xf32>
    %add3A_189 = arith.addf %add3A_187, %mul3A_188 : vector<736x256xf32>
    %lt3A_190 = arith.constant 0.000000e+00 : f32
    %lt3A_191 = vector.broadcast %lt3A_190 : f32 to vector<736x256xf32>
    %lt3A_192 = arith.cmpf olt, %add3A_184, %lt3A_191 : vector<736x256xf32>
    %add3A_193 = arith.constant 9.99999997E-7 : f32
    %add3A_194 = vector.broadcast %add3A_193 : f32 to vector<736x256xf32>
    %add3A_195 = arith.addf %add3A_189, %add3A_194 : vector<736x256xf32>
    %div3A = arith.divf %add3A_184, %add3A_195 : vector<736x256xf32>
    %jit3A = arith.constant 0.000000e+00 : f32
    %broadcast_in_dim3A = vector.broadcast %jit3A : f32 to vector<736x256xf32>
    %select_n3A = arith.select %lt3A_192, %div3A, %broadcast_in_dim3A : vector<736x256xi1>, vector<736x256xf32>
    %mul3A_196 = arith.constant 8.000000e-01 : f32
    %mul3A_197 = vector.broadcast %mul3A_196 : f32 to vector<736x256xf32>
    %mul3A_198 = arith.mulf %mul3A_197, %select_n3A : vector<736x256xf32>
    %mul3A_199 = arith.mulf %mul3A_198, %dot_general3A_169 : vector<736x256xf32>
    %sub3A = arith.subf %add3A_41, %mul3A_199 : vector<736x256xf32>
    %add3A_200 = arith.addf %sub3A, %concatenate3A : vector<736x256xf32>
    %jit3A_201 = arith.constant 0.000000e+00 : f32
    %broadcast_in_dim3A_202 = vector.shape_cast %lt3A_3 : vector<736x1xi1> to vector<736x1xi1>
    %broadcast_in_dim3A_203 = vector.broadcast %broadcast_in_dim3A_202 : vector<736x1xi1> to vector<736x256xi1>
    %broadcast_in_dim3A_204 = vector.broadcast %jit3A_201 : f32 to vector<736x256xf32>
    %select_n3A_205 = arith.select %broadcast_in_dim3A_203, %add3A_200, %broadcast_in_dim3A_204 : vector<736x256xi1>, vector<736x256xf32>
    %reduce_sum3A = arith.constant dense<0.000000e+00> : vector<256xf32>
    %reduce_sum3A_206 = vector.multi_reduction <add>, %select_n3A_205, %reduce_sum3A [0] : vector<736x256xf32> to vector<256xf32>
    %mul3A_207 = arith.mulf %mul3A_198, %dot_general3A_174 : vector<736x256xf32>
    %sub3A_208 = arith.subf %add3A_94, %mul3A_207 : vector<736x256xf32>
    %add3A_209 = arith.addf %sub3A_208, %concatenate3A_109 : vector<736x256xf32>
    %jit3A_210 = arith.constant 0.000000e+00 : f32
    %broadcast_in_dim3A_211 = vector.shape_cast %lt3A_3 : vector<736x1xi1> to vector<736x1xi1>
    %broadcast_in_dim3A_212 = vector.broadcast %broadcast_in_dim3A_211 : vector<736x1xi1> to vector<736x256xi1>
    %broadcast_in_dim3A_213 = vector.broadcast %jit3A_210 : f32 to vector<736x256xf32>
    %select_n3A_214 = arith.select %broadcast_in_dim3A_212, %add3A_209, %broadcast_in_dim3A_213 : vector<736x256xi1>, vector<736x256xf32>
    %reduce_sum3A_215 = arith.constant dense<0.000000e+00> : vector<256xf32>
    %reduce_sum3A_216 = vector.multi_reduction <add>, %select_n3A_214, %reduce_sum3A_215 [0] : vector<736x256xf32> to vector<256xf32>
    %mul3A_217 = arith.mulf %mul3A_198, %dot_general3A_179 : vector<736x256xf32>
    %sub3A_218 = arith.subf %add3A_149, %mul3A_217 : vector<736x256xf32>
    %add3A_219 = arith.addf %sub3A_218, %concatenate3A_164 : vector<736x256xf32>
    %jit3A_220 = arith.constant 0.000000e+00 : f32
    %broadcast_in_dim3A_221 = vector.shape_cast %lt3A_3 : vector<736x1xi1> to vector<736x1xi1>
    %broadcast_in_dim3A_222 = vector.broadcast %broadcast_in_dim3A_221 : vector<736x1xi1> to vector<736x256xi1>
    %broadcast_in_dim3A_223 = vector.broadcast %jit3A_220 : f32 to vector<736x256xf32>
    %select_n3A_224 = arith.select %broadcast_in_dim3A_222, %add3A_219, %broadcast_in_dim3A_223 : vector<736x256xi1>, vector<736x256xf32>
    %reduce_sum3A_225 = arith.constant dense<0.000000e+00> : vector<256xf32>
    %reduce_sum3A_226 = vector.multi_reduction <add>, %select_n3A_224, %reduce_sum3A_225 [0] : vector<736x256xf32> to vector<256xf32>
    %stack3A = vector.shape_cast %reduce_sum3A_206 : vector<256xf32> to vector<1x256xf32>
    %stack3A_227 = vector.shape_cast %reduce_sum3A_216 : vector<256xf32> to vector<1x256xf32>
    %stack3A_228 = vector.shape_cast %reduce_sum3A_226 : vector<256xf32> to vector<1x256xf32>
    %stack3A_229 = tpu.concatenate %stack3A, %stack3A_227, %stack3A_228 in 0 : vector<1x256xf32>, vector<1x256xf32>, vector<1x256xf32> -> vector<3x256xf32>
    %eq3A = arith.constant 0 : i32
    %eq3A_230 = arith.cmpi eq, %arg0, %eq3A : i32
    %convert_element_type3A = arith.extui %eq3A_230 : i1 to i32
    %cond3A = arith.constant 0 : i32
    %cond3A_231 = arith.cmpi ne, %convert_element_type3A, %cond3A : i32
    scf.if %cond3A_231 {
      %swap3A = arith.constant 0 : index
      %swap3A_236 = arith.constant 0 : index
      %swap3A_237 = vector.load %arg19[%swap3A, %swap3A_236] : memref<3x256xf32, #tpu.memory_space<vmem>>, vector<3x256xf32>
      tpu.vector_store %arg19[%swap3A, %swap3A_236], %stack3A_229 {strides = array<i32>} : memref<3x256xf32, #tpu.memory_space<vmem>>, vector<3x256xf32>,
    } else {
    }
    %ne3A = arith.constant 0 : i32
    %ne3A_232 = arith.cmpi ne, %arg0, %ne3A : i32
    %convert_element_type3A_233 = arith.extui %ne3A_232 : i1 to i32
    %cond3A_234 = arith.constant 0 : i32
    %cond3A_235 = arith.cmpi ne, %convert_element_type3A_233, %cond3A_234 : i32
    scf.if %cond3A_235 {
      %get3A_236 = arith.constant 0 : index
      %get3A_237 = arith.constant 0 : index
      %get3A_238 = vector.load %arg19[%get3A_236, %get3A_237] : memref<3x256xf32, #tpu.memory_space<vmem>>, vector<3x256xf32>
      %add3A_239 = arith.addf %get3A_238, %stack3A_229 : vector<3x256xf32>
      %swap3A = arith.constant 0 : index
      %swap3A_240 = arith.constant 0 : index
      %swap3A_241 = vector.load %arg19[%swap3A, %swap3A_240] : memref<3x256xf32, #tpu.memory_space<vmem>>, vector<3x256xf32>
      tpu.vector_store %arg19[%swap3A, %swap3A_240], %add3A_239 {strides = array<i32>} : memref<3x256xf32, #tpu.memory_space<vmem>>, vector<3x256xf32>,
    } else {
    }
    return
  }
  func.func @transform_0(%arg0: i32) -> (i32, i32) {
    %c0_i32 = arith.constant 0 : i32
    %c0_i32_0 = arith.constant 0 : i32
    return %arg0, %c0_i32 : i32, i32
  }
  func.func @transform_1(%arg0: i32) -> (i32, i32) {
    %c0_i32 = arith.constant 0 : i32
    %c0_i32_0 = arith.constant 0 : i32
    return %arg0, %c0_i32 : i32, i32
  }
  func.func @transform_2(%arg0: i32) -> (i32, i32) {
    %c0_i32 = arith.constant 0 : i32
    %c0_i32_0 = arith.constant 0 : i32
    return %arg0, %c0_i32 : i32, i32
  }
  func.func @transform_3(%arg0: i32) -> (i32, i32) {
    %c0_i32 = arith.constant 0 : i32
    %c0_i32_0 = arith.constant 0 : i32
    return %arg0, %c0_i32 : i32, i32
  }
  func.func @transform_4(%arg0: i32) -> (i32, i32) {
    %c0_i32 = arith.constant 0 : i32
    %c0_i32_0 = arith.constant 0 : i32
    return %arg0, %c0_i32 : i32, i32
  }
  func.func @transform_5(%arg0: i32) -> (i32, i32) {
    %c0_i32 = arith.constant 0 : i32
    %c0_i32_0 = arith.constant 0 : i32
    return %arg0, %c0_i32 : i32, i32
  }
  func.func @transform_6(%arg0: i32) -> (i32, i32) {
    %c0_i32 = arith.constant 0 : i32
    %c0_i32_0 = arith.constant 0 : i32
    return %arg0, %c0_i32 : i32, i32
  }
  func.func @transform_7(%arg0: i32) -> (i32, i32) {
    %c0_i32 = arith.constant 0 : i32
    %c0_i32_0 = arith.constant 0 : i32
    return %arg0, %c0_i32 : i32, i32
  }
  func.func @transform_8(%arg0: i32) -> (i32, i32) {
    %c0_i32 = arith.constant 0 : i32
    %c0_i32_0 = arith.constant 0 : i32
    return %arg0, %c0_i32 : i32, i32
  }
  func.func @transform_9(%arg0: i32) -> (i32, i32) {
    %c0_i32 = arith.constant 0 : i32
    %c0_i32_0 = arith.constant 0 : i32
    return %arg0, %c0_i32 : i32, i32
  }
  func.func @transform_10(%arg0: i32) -> (i32, i32) {
    %c0_i32 = arith.constant 0 : i32
    %c0_i32_0 = arith.constant 0 : i32
    return %arg0, %c0_i32 : i32, i32
  }
  func.func @transform_11(%arg0: i32) -> (i32, i32) {
    %c0_i32 = arith.constant 0 : i32
    %c0_i32_0 = arith.constant 0 : i32
    return %arg0, %c0_i32 : i32, i32
  }
  func.func @transform_12(%arg0: i32) -> (i32, i32) {
    %c0_i32 = arith.constant 0 : i32
    %c0_i32_0 = arith.constant 0 : i32
    %c0_i32_1 = arith.constant 0 : i32
    return %c0_i32, %c0_i32_0 : i32, i32
  }
  func.func @transform_13(%arg0: i32) -> (i32, i32) {
    %c0_i32 = arith.constant 0 : i32
    %c0_i32_0 = arith.constant 0 : i32
    %c0_i32_1 = arith.constant 0 : i32
    return %c0_i32, %c0_i32_0 : i32, i32
  }
  func.func @transform_14(%arg0: i32) -> (i32, i32) {
    %c0_i32 = arith.constant 0 : i32
    %c0_i32_0 = arith.constant 0 : i32
    %c0_i32_1 = arith.constant 0 : i32
    return %c0_i32, %c0_i32_0 : i32, i32
  }
  func.func @transform_15(%arg0: i32) -> (i32, i32) {
    %c0_i32 = arith.constant 0 : i32
    %c0_i32_0 = arith.constant 0 : i32
    %c0_i32_1 = arith.constant 0 : i32
    return %c0_i32, %c0_i32_0 : i32, i32
  }
  func.func @transform_16(%arg0: i32) -> (i32, i32) {
    %c0_i32 = arith.constant 0 : i32
    %c0_i32_0 = arith.constant 0 : i32
    %c0_i32_1 = arith.constant 0 : i32
    return %c0_i32, %c0_i32_0 : i32, i32
  }
  func.func @transform_17(%arg0: i32) -> (i32, i32) {
    %c0_i32 = arith.constant 0 : i32
    %c0_i32_0 = arith.constant 0 : i32
    %c0_i32_1 = arith.constant 0 : i32
    return %c0_i32, %c0_i32_0 : i32, i32
  }
  func.func @transform_18(%arg0: i32) -> (i32, i32) {
    %c0_i32 = arith.constant 0 : i32
    %c0_i32_0 = arith.constant 0 : i32
    %c0_i32_1 = arith.constant 0 : i32
    return %c0_i32, %c0_i32_0 : i32, i32
  }
}

</mosaic_0001>

<sc_bundles>
// kernel: kernel.6.cloned.1.call-start
scs
__scs_entry_jumppad:
0x0: {  	(pc) =	sbr.rel $0x88, $3  }
0x1: {  	(tag) =	ssettag $0x0;
	lr =	simm.s32 $0x1  }
0x2: {  	[smem:$0x3F93] =	sst lr;
	_ =	strace $0xD0000000  }
0x3: {  	_ = 	snop  }
0x4: {  	_ = 	snop  }
0x5: {  	_ = 	snop  }
0x6: {  	_ = 	snop  }
0x7: {  	_ = 	snop  }
__scs_overlays_trampoline_lowered:
0x8: {  	[smem:$0x3FA2] =	sst s0  }
0x9: {  	[smem:$0x3FA3] =	sst s1  }
0xa: {  	[smem:$0x3FA4] =	sst s2  }
0xb: {  	[smem:$0x3FA5] =	sst s3  }
0xc: {  	[smem:$0x3FA6] =	sst s4  }
0xd: {  	[smem:$0x3FA7] =	sst s5  }
0xe: {  	[smem:$0x3FA8] =	sst s6  }
0xf: {  	[smem:$0x3FA9] =	sst s7  }
0x10: {  	[smem:$0x3FAA] =	sst s8  }
0x11: {  	[smem:$0x3FAB] =	sst s9;
	s0 =	simm.s32 @!p0 $0x0  }
0x12: {  	s1 =	sld [smem:$0x3F91];
	s0 =	simm.s32 @p0 $0x1  }
0x13: {  	[smem:$0x3FAC] =	sst s0;
	s0 =	simm.s32 @!p1 $0x0  }
0x14: {  	s2 =	sld [smem:$0x3F90];
	s0 =	simm.s32 @p1 $0x1  }
0x15: {  	[smem:$0x3FAD] =	sst s0;
	s0 =	simm.s32 @!p2 $0x0  }
0x16: {  	s3 =	sld [smem:$0x3FDB];
	s0 =	simm.s32 @p2 $0x1  }
0x17: {  	s4 =	simm.s32 $0x1BF5;
	[smem:$0x3FAF] =	sst s0  }
0x18: {  	s0 =	sld [smem:$0x3F92];
	_ =	swait.ge [sflag:s4], $0x0  }
0x19: {  	s7 =	sld [smem:$0x3F93]  }
0x1a: {  	s8 =	sadd.s32 $0xFFFFE003, lr  }
0x1b: {  	s9 =	sadd.s32 $0xFFFFFEF7, lr;
	s5 =	simm.s32 $0xFFFFFFFF;
	p2 =	slt.u32 s8, $0xFFFFF086  }
0x1c: {  	p1 =	slt.u32 s9, $0xF7A;
	s5 =	simm.s32 @!p2 $0x0  }
0x1d: {  	s5 =	simm.s32 @p1 $0x1;
	p0 =	seq.s32 s7, s2  }
0x1e: {  	s7 =	smul.u32 @!p0 $0xF7A, s2;
	p2 =	seq.s32 @!p0 s5, $0x0  }
0x1f: {  	s9 =	smul.u32 $0xF7A, s1;
	s8 =	simm.s32 @!p0 $0x1BF5;
	p2 =	por !p2, p0  }
0x20: {  	[sflag:s8] =	ssyncset.s32 @!p0 $0xFFFFF086;
	s6 =	sadd.s32 @!p0 s3, s7;
	s7 =	simm.s32 @!p0 $0x108  }
0x21: {  	s3 =	sadd.s32 s3, s9;
	s6 =	sadd.s32 @!p0 $0x88, s6;
	s7 =	simm.s32 @p2 $0x1082  }
0x22: {  	[simem:s7], [sflag:s8] =	dma.local @!p0 [hbm:s6], $0xF7A  }
0x23: {  	s9 =	sor.u32 $0xD0000000, s2;
	s6 =	simm.s32 $0x108;
	_ =	swait.ge @!p0 [sflag:s8], $0x0  }
0x24: {  	s3 =	sadd.s32 $0x88, s3;
	s6 =	simm.s32 @!p1 $0x1082;
	[sflag:s4] =	ssyncset.s32 $0xFFFFF086  }
0x25: {  	[simem:s6], [sflag:s4] =	dma.local [hbm:s3], $0xF7A  }
0x26: {  	[smem:$0x3F93] =	sst s1;
	(tag) =	ssettag s2;
	_ =	strace s9  }
0x27: {  	s1 =	sld [smem:$0x3FA3]  }
0x28: {  	s2 =	sld [smem:$0x3FA4]  }
0x29: {  	s4 =	sld [smem:$0x3FA6]  }
0x2a: {  	p0 =	seq.s32 s5, $0x0;
	s5 =	sld [smem:$0x3FA7]  }
0x2b: {  	s6 =	sld [smem:$0x3FA8]  }
0x2c: {  	s7 =	sld [smem:$0x3FA9]  }
0x2d: {  	s3 =	simm.s32 $0x108;
	s8 =	sld [smem:$0x3FAA]  }
0x2e: {  	s3 =	simm.s32 @!p0 $0x1082;
	s9 =	sld [smem:$0x3FAB]  }
0x2f: {  	lr =	sadd.s32 s0, s3;
	s0 =	sld [smem:$0x3FA2]  }
0x30: {  	s3 =	sld [smem:$0x3FA5]  }
0x31: {  	[smem:$0x3FAE] =	sst s10  }
0x32: {  	s10 =	sld [smem:$0x3FAC];
	_ =	sdelay $0x3  }
0x33: {  	p0 =	seq.s32 s10, $0x1;
	s10 =	sld [smem:$0x3FAE];
	_ =	sdelay $0x3  }
0x34: {  	[smem:$0x3FAE] =	sst s10  }
0x35: {  	s10 =	sld [smem:$0x3FAD];
	_ =	sdelay $0x3  }
0x36: {  	p1 =	seq.s32 s10, $0x1;
	s10 =	sld [smem:$0x3FAE];
	_ =	sdelay $0x3  }
0x37: {  	[smem:$0x3FAE] =	sst s10  }
0x38: {  	s10 =	sld [smem:$0x3FAF]  }
0x39: {  	_ = 	snop;
	(pc) =	sbr.ind lr, $3  }
0x3a: {  	_ = 	snop  }
0x3b: {  	_ = 	snop  }
0x3c: {  	p2 =	seq.s32 s10, $0x1;
	s10 =	sld [smem:$0x3FAE]  }
0x3d: {  	_ =	shalt  }
0x3e: {  	_ =	shalt  }
0x3f: {  	_ =	shalt  }
0x40: {  	_ =	shalt  }
0x41: {  	_ =	shalt  }
0x42: {  	_ =	shalt  }
0x43: {  	_ =	shalt  }
0x44: {  	_ =	shalt  }
0x45: {  	_ =	shalt  }
0x46: {  	_ =	shalt  }
0x47: {  	_ =	shalt  }
0x48: {  	_ =	shalt  }
0x49: {  	_ =	shalt  }
0x4a: {  	_ =	shalt  }
0x4b: {  	_ =	shalt  }
0x4c: {  	_ =	shalt  }
0x4d: {  	_ =	shalt  }
0x4e: {  	_ =	shalt  }
0x4f: {  	_ =	shalt  }
0x50: {  	_ =	shalt  }
0x51: {  	_ =	shalt  }
0x52: {  	_ =	shalt  }
0x53: {  	_ =	shalt  }
0x54: {  	_ =	shalt  }
0x55: {  	_ =	shalt  }
0x56: {  	_ =	shalt  }
0x57: {  	_ =	shalt  }
0x58: {  	_ =	shalt  }
0x59: {  	_ =	shalt  }
0x5a: {  	_ =	shalt  }
0x5b: {  	_ =	shalt  }
0x5c: {  	_ =	shalt  }
0x5d: {  	_ =	shalt  }
0x5e: {  	_ =	shalt  }
0x5f: {  	_ =	shalt  }
0x60: {  	_ =	shalt  }
0x61: {  	_ =	shalt  }
0x62: {  	_ =	shalt  }
0x63: {  	_ =	shalt  }
0x64: {  	_ =	shalt  }
0x65: {  	_ =	shalt  }
0x66: {  	_ =	shalt  }
0x67: {  	_ =	shalt  }
0x68: {  	_ =	shalt  }
0x69: {  	_ =	shalt  }
0x6a: {  	_ =	shalt  }
0x6b: {  	_ =	shalt  }
0x6c: {  	_ =	shalt  }
0x6d: {  	_ =	shalt  }
0x6e: {  	_ =	shalt  }
0x6f: {  	_ =	shalt  }
0x70: {  	_ =	shalt  }
0x71: {  	_ =	shalt  }
0x72: {  	_ =	shalt  }
0x73: {  	_ =	shalt  }
0x74: {  	_ =	shalt  }
0x75: {  	_ =	shalt  }
0x76: {  	_ =	shalt  }
0x77: {  	_ =	shalt  }
0x78: {  	_ =	shalt  }
0x79: {  	_ =	shalt  }
0x7a: {  	_ =	shalt  }
0x7b: {  	_ =	shalt  }
0x7c: {  	_ =	shalt  }
0x7d: {  	_ =	shalt  }
0x7e: {  	_ =	shalt  }
0x7f: {  	_ =	shalt  }
0x80: {  	_ =	shalt  }
0x81: {  	_ =	shalt  }
0x82: {  	_ =	shalt  }
0x83: {  	_ =	shalt  }
0x84: {  	_ =	shalt  }
0x85: {  	_ =	shalt  }
0x86: {  	_ =	shalt  }
0x87: {  	_ =	shalt  }
.Lfunc_end0:
.L_simem_size_0:
called_computation_lowered:
.L_overlay_start_0:
0x88: {  	s2 =	sld [smem:$0x3FD9]  }
0x89: {  	s3 =	sld [smem:$0x3FFE];
	_ =	sdelay $0x1  }
0x8a: {  	s1 =	srdreg.scid  }
0x8b: {  	s0 =	sand.u32 $0x1, s1  }
0x8c: {  	s16 =	sshll.u32 s0, $0xA;
	s2 =	sadd.s32 s3, s2  }
0x8d: {  	s2 =	sadd.s32 s2, s16  }
0x8e: {  	[smem:$0x3FBA] =	sst s2  }
0x8f: {  	_ = 	snop  }
0x90: {  	(tm) =	ssettm $0x1  }
0x91: {  	s17 =	sld [smem:$0x3FFB];
	_ =	sdelay $0x3  }
0x92: {  	_ =	strace s17  }
0x93: {  	s2 =	sld [smem:$0x3FFC];
	_ =	sdelay $0x3  }
0x94: {  	_ =	strace s2  }
0x95: {  	s2 =	sld [smem:$0x3FFD];
	_ =	sdelay $0x3  }
0x96: {  	_ =	strace s2  }
0x97: {  	_ =	strace $0x8FFFFFFF  }
0x98: {  	s18 =	sld [smem:$0x3FDB];
	_ =	sdelay $0x1  }
0x99: {  	s19 =	simm.s32 $_scs_section_size  }
0x9a: {  	s4 =	simm.s32 $_size__tile_overlayer_lowered;
	s5 =	simm.s32 $_tile_overlayer_lowered  }
0x9b: {  	s22 =	simm.s32 $0x1BFF;
	s21 =	sshll.u32 s5, $0x1;
	s2 =	sadd.s32 s19, s18  }
0x9c: {  	s6 =	simm.s32 $0x0;
	s20 =	sshll.u32 s4, $0x1;
	s4 =	sadd.s32 s21, s2  }
0x9d: {  	[timem:s6], [sflag:s22] =	dma.local [hbm:s4], s20  }
0x9e: {  	_ =	swait.ge [sflag:s22], s20  }
0x9f: {  	s3 =	ssub.s32 $0x0, s20;
	[sflag:s22] =	ssyncset.done $0x0  }
0xa0: {  	[sflag:s22] =	ssyncadd.s32 s3;
	_ =	sdelay $0x1  }
0xa1: {  	s23 =	simm.s32 $0x1B8B  }
0xa2: {  	_ =	swait.ge [sflag:s23], $0x1  }
0xa3: {  	[sflag:s23] =	ssyncset.done $0x0  }
0xa4: {  	s25 =	simm.s32 $0x1B8E;
	s24 =	sld [smem:$0x3FFE];
	[sflag:s23] =	ssyncadd.s32 $0xFFFFFFFF  }
0xa5: {  	s26 =	simm.s32 $execute0_lowered;
	[smem:$0x3FD2] =	sst s25  }
0xa6: {  	s4 =	sshll.u32 s26, $0x1;
	_ =	strace $0x80000046;
	[dreg:$0x1] =	wrdreg $0xFFFFFFFF  }
0xa7: {  	s28 =	simm.s32 $_size_execute0_lowered;
	s2 =	sadd.s32 s2, s4;
	[dreg:$0x0] =	wrdreg $0x0  }
0xa8: {  	s4 =	sshll.u32 s28, $0x1;
	[dreg:$0x2] =	wrdreg s2  }
0xa9: {  	[dreg:$0x3] =	wrdreg s4  }
0xaa: {  	[dreg:$0x4] =	wrdreg $0xC0  }
0xab: {  	_ =	task [dreg:s6], $0x5FFFF  }
0xac: {  	[dreg:$0x1] =	wrdreg $0xFFFFFFFF  }
0xad: {  	[dreg:$0x0] =	wrdreg $0x60  }
0xae: {  	[dreg:$0x2] =	wrdreg s24  }
0xaf: {  	[dreg:$0x3] =	wrdreg $0x34000  }
0xb0: {  	[dreg:$0x4] =	wrdreg $0x9  }
0xb1: {  	_ =	task.clear_ibuf [dreg:s6], $0x5FFFF;
	_ =	strace $0x90000046  }
0xb2: {  	s29 =	simm.s32 $0x9;
	_ =	strace $0x80000048  }
0xb3: {  	_ =	swait.ge [sflag:s29], $0x1  }
0xb4: {  	[sflag:s29] =	ssyncadd.s32 $0xFFFFFFFF  }
0xb5: {  	_ =	strace $0x90000048  }
0xb6: {  	_ =	sfence  }
0xb7: {  	s30 =	sld [smem:$0x0];
	_ =	sdelay $0x2  }
0xb8: {  	s31 =	sshll.u32 s1, $0xD;
	s1 =	sshrl.u32 s1, $0x2  }
0xb9: {  	s3 =	sand.u32 $0x4000, s31;
	s1 =	sadd.s32 s1, s30  }
0xba: {  	s0 =	sor.u32 s3, s0;
	s1 =	sshll.u32 s1, $0x11  }
0xbb: {  	s0 =	sor.u32 s1, s0  }
0xbc: {  	s0 =	sadd.s32 $0x8F2B, s0  }
0xbd: {  	[sflag:s0] =	ssyncadd.remote.s32 $0x1  }
0xbe: {  	_ =	sfence.sel $0xFFFF  }
0xbf: {  	[dreg:$0x0] =	wrdreg $0xFFFFFFFF;
	(pc) =	sbr.abs _section_cstart, $3  }
0xc0: {  	[dreg:$0x1] =	wrdreg $0xFFFFFFFF  }
0xc1: {  	_ =	task.clear_ibuf [dreg:s6], $0x2FFFF;
	_ =	strace $0x9FFFFFFF  }
0xc2: {  	(tm) =	ssettm $0x7FFFFFFF  }
0xc3: {  	_ =	shalt  }
tec
execute0_lowered:
.L_overlay_start_1:
0x0: {  	(tag) =	ssettag $0x1  }
0x1: {  	s0 =	rddreg [dreg:$0x0]  }
0x2: {  	s1 =	rddreg [dreg:$0x1];
	s2 =	simm.s32 $0x0  }
0x3: {  	s3 =	srdreg.scid;
	s19 =	simm.s32 $0x2C00;
	s29 =	simm.s32 $0x3  }
0x4: {  	s31 =	simm.s32 $0x5;
	s18 =	simm.s32 $0x0;
	[smem:$0x7FF] =	sst s2  }
0x5: {  	s5 =	sand.u32 $0x1, s3;
	s4 =	sadd.s32 $0x3800, s0;
	s3 =	stileid.u32  }
0x6: {  	s9 =	sadd.s32 $0x1C000, s0;
	s14 =	sadd.s32 $0x4D000, s0;
	s11 =	sadd.s32 $0x65800, s0  }
0x7: {  	_ =	strace $0x80000047;
	s6 =	sshll.u32 s5, $0x4;
	s12 =	smul.u32 $0xC40, s5  }
0x8: {  	s8 =	sshll.u32 s3, $0x8;
	s7 =	ssub.s32 $0x2, s5;
	s22 =	smul.u32 $0xC4, s3  }
0x9: {  	p0 =	seq.s32 s5, $0x1;
	s26 =	sshll.u32 s3, $0xB;
	s6 =	sor.u32 s3, s6  }
0xa: {  	[dreg:$0x3] =	wrdreg s8;
	s10 =	sadd.s32 s8, s0;
	s21 =	sshrl.u32 s7, $0x1  }
0xb: {  	s8 =	sadd.s32 $0xC3000, s1;
	s28 =	sadd.s32 s26, s1;
	s6 =	smul.u32 $0x1880, s6  }
0xc: {  	s13 =	ssub.s32 s7, s21;
	s23 =	sadd.s32 s22, s12;
	s12 =	sadd.s32 $0x658A0, s0  }
.Ltmp0:
0xd: {  	s30 =	sadd.s32 $0x4D200, s10;
	s22 =	simm.s32 $0x1;
	(pc) =	sbr.rel .LBB2_1-.Ltmp0, $4  }
0xe: {  	s24 =	smax.u32 s13, $0x1;
	s25 =	sshll.u32 s23, $0x5;
	[dreg:$0x4] =	wrdreg s30  }
0xf: {  	s23 =	simm.s32 $0x80;
	s7 =	sadd.s32 s9, s6;
	s0 =	sadd.s32 s9, s25  }
0x10: {  	s25 =	simm.s32 $0x2;
	s20 =	sadd.s32 $0x20, s7;
	s21 =	sadd.s32 $0x40, s7  }
0x11: {  	s16 =	sadd.s32 $0x60, s7;
	s9 =	sadd.s32 $0x80, s0;
	s0 =	simm.s32 $0xC  }
.LBB2_13:
0x12: {  	[hbm4b:s17+s6] =	stream.linear.scatter @!p1 [tilespmem:s10], [sflag:$0xE], $0x800, $0x38;
	[tilespmem:$0xF758] =	vst v63  }
0x13: {  	_ =	swait.ge @!p1 [sflag:s5], $0x800  }
0x14: {  	p3 =	por p4, !p2;
	[sflag:s5] =	ssyncset.done @!p1 $0x0  }
0x15: {  	s6 =	simm.s32 @!p3 $0x2400;
	s10 =	simm.s32 @!p3 $0xE;
	[sflag:s5] =	ssyncadd.s32 @!p1 $0xFFFFF800  }
0x16: {  	[tilespmem:s6], [sflag:$0xE] =	stream.linear.gather @!p3 [spmem:s8], $0x500, $0x38;
	[tilespmem:$0xF758] =	vst v63  }
0x17: {  	_ =	swait.ge @!p3 [sflag:s10], $0x500  }
0x18: {  	[sflag:s10] =	ssyncset.done @!p3 $0x0  }
0x19: {  	s5 =	simm.s32 @!p3 $0x0;
	[sflag:s10] =	ssyncadd.s32 @!p3 $0xFFFFFB00;
	s10 =	simm.s32 @!p3 $0xD  }
0x1a: {  	[hbm4b:s11+s5] =	stream.linear.scatter @!p3 [tilespmem:s6], [sflag:$0xD], $0x500, $0x38;
	[tilespmem:$0xF758] =	vst v63  }
0x1b: {  	_ =	swait.ge @!p3 [sflag:s10], $0x500  }
0x1c: {  	p1 =	por p2, p2;
	s5 =	sadd.s32 $0x8000, s15;
	[sflag:s10] =	ssyncset.done @!p3 $0x0  }
0x1d: {  	s6 =	simm.s32 @!p1 $0xE;
	[sflag:s10] =	ssyncadd.s32 @!p3 $0xFFFFFB00;
	s10 =	simm.s32 @!p1 $0x2400  }
0x1e: {  	[tilespmem:s10], [sflag:$0xE] =	stream.linear.gather @!p1 [spmem:s5], $0x800, $0x38;
	[tilespmem:$0xF758] =	vst v63  }
0x1f: {  	_ =	swait.ge @!p1 [sflag:s6], $0x800  }
0x20: {  	[sflag:s6] =	ssyncset.done @!p1 $0x0  }
0x21: {  	s5 =	simm.s32 @!p1 $0x0;
	[sflag:s6] =	ssyncadd.s32 @!p1 $0xFFFFF800  }
0x22: {  	[hbm4b:s26+s5] =	stream.linear.scatter @!p1 [tilespmem:s10], [sflag:$0xE], $0x800, $0x38;
	[tilespmem:$0xF758] =	vst v63  }
0x23: {  	_ =	swait.ge @!p1 [sflag:s6], $0x800  }
0x24: {  	[sflag:s6] =	ssyncset.done @!p1 $0x0  }
0x25: {  	[sflag:s6] =	ssyncadd.s32 @!p1 $0xFFFFF800  }
.LBB2_17:
0x26: {  	s18 =	sadd.s32 $0x1, s18  }
0x27: {  	p1 =	sne.s32 s18, s24  }
.Ltmp1:
0x28: {  	_ = 	snop;
	(pc) =	sbr.rel @!p1 .LBB2_18-.Ltmp1, $2  }
0x29: {  	_ =	sdelay $0x1  }
0x2a: {  	[bflag:$0x0] =	sbarrier.arrive $0xFFFF;
	_ =	sdelay $0x1  }
.LBB2_1:
0x2b: {  	[tilespmem:s19], [sflag:$0xD] =	stream.linear.gather [hbm4b:s14+s2], $0x800, $0x38;
	[tilespmem:$0xF758] =	vst v63  }
0x2c: {  	s5 =	sadd.s32 $0xFFFFFE70, s3  }
0x2d: {  	s6 =	sadd.s32 $0x190, s5  }
0x2e: {  	s26 =	simm.s32 $0xD;
	p1 =	sgt.u32 s6, $0x185  }
0x2f: {  	_ =	swait.ge [sflag:s26], $0x800;
	p2 =	sne.s32 @p1 s5, $0xFFFFFFF6;
	p1 =	por p1, p1  }
0x30: {  	[sflag:s26] =	ssyncset.done $0x0;
	p2 =	por p2, !p1  }
0x31: {  	[sflag:s26] =	ssyncadd.s32 $0xFFFFF800;
	s5 =	simm.s32 @!p2 $0x2C00;
	s6 =	simm.s32 @!p2 $0xD  }
0x32: {  	[spmem:s8] =	stream.linear.scatter @!p2 [tilespmem:s5], [sflag:$0xD], $0x500, $0x38;
	[tilespmem:$0xF758] =	vst v63  }
0x33: {  	_ =	swait.ge @!p2 [sflag:s6], $0x500  }
0x34: {  	s17 =	sadd.s32 $0xFFFFFE80, s3;
	[sflag:s6] =	ssyncset.done @!p2 $0x0  }
0x35: {  	s10 =	simm.s32 @!p1 $0xE;
	s5 =	simm.s32 @!p1 $0x2C00;
	[sflag:s6] =	ssyncadd.s32 @!p2 $0xFFFFFB00  }
0x36: {  	[spmem:s28] =	stream.linear.scatter @!p1 [tilespmem:s5], [sflag:$0xE], $0x800, $0x38;
	[tilespmem:$0xF758] =	vst v63  }
0x37: {  	s15 =	simm.s32 $0xFFFFFE90;
	s30 =	sadd.s32 $0x190, s17;
	_ =	swait.ge @!p1 [sflag:s10], $0x800  }
0x38: {  	p3 =	sgt.u32 s30, $0x185;
	s5 =	sadd.s32 $0x8000, s28;
	[sflag:s10] =	ssyncset.done @!p1 $0x0  }
.LBB2_2:
0x39: {  	p4 =	sne.s32 @p3 s17, $0xFFFFFFF6;
	[sflag:s10] =	ssyncadd.s32 @!p1 $0xFFFFF800  }
0x3a: {  	s6 =	smov.u32 s15;
	s15 =	sadd.s32 $0x10, s15;
	p1 =	por p3, p3  }
0x3b: {  	p2 =	sne.s32 s15, $0x0;
	p3 =	por p4, !p1  }
0x3c: {  	s10 =	simm.s32 @!p3 $0x2C00;
	s26 =	simm.s32 @!p3 $0xD  }
0x3d: {  	[spmem:s8] =	stream.linear.scatter @!p3 [tilespmem:s10], [sflag:$0xD], $0x500, $0x38;
	[tilespmem:$0xF758] =	vst v63  }
0x3e: {  	_ =	swait.ge @!p3 [sflag:s26], $0x500  }
.Ltmp2:
0x3f: {  	s10 =	simm.s32 @!p1 $0xE;
	[sflag:s26] =	ssyncset.done @!p3 $0x0;
	(pc) =	sbr.rel @p2 .LBB2_2-.Ltmp2, $4  }
0x40: {  	s17 =	sadd.s32 s6, s3;
	s6 =	simm.s32 @!p1 $0x2C00;
	[sflag:s26] =	ssyncadd.s32 @!p3 $0xFFFFFB00  }
0x41: {  	[spmem:s5] =	stream.linear.scatter @!p1 [tilespmem:s6], [sflag:$0xE], $0x800, $0x38;
	[tilespmem:$0xF758] =	vst v63  }
0x42: {  	s6 =	sadd.s32 $0x190, s17;
	_ =	swait.ge @!p1 [sflag:s10], $0x800  }
0x43: {  	s5 =	sadd.s32 $0x8000, s5;
	p3 =	sgt.u32 s6, $0x185;
	[sflag:s10] =	ssyncset.done @!p1 $0x0  }
0x44: {  	p2 =	sne.s32 @p3 s17, $0xFFFFFFF6;
	p3 =	por p3, p3  }
0x45: {  	p2 =	por p2, !p3  }
0x46: {  	[sflag:s10] =	ssyncadd.s32 @!p1 $0xFFFFF800;
	s6 =	simm.s32 @!p2 $0x2C00;
	s10 =	simm.s32 @!p2 $0xD  }
0x47: {  	[spmem:s8] =	stream.linear.scatter @!p2 [tilespmem:s6], [sflag:$0xD], $0x500, $0x38;
	[tilespmem:$0xF758] =	vst v63  }
0x48: {  	_ =	swait.ge @!p2 [sflag:s10], $0x500  }
0x49: {  	[sflag:s10] =	ssyncset.done @!p2 $0x0  }
0x4a: {  	s6 =	simm.s32 @!p3 $0xE;
	[sflag:s10] =	ssyncadd.s32 @!p2 $0xFFFFFB00;
	s10 =	simm.s32 @!p3 $0x2C00  }
0x4b: {  	[spmem:s5] =	stream.linear.scatter @!p3 [tilespmem:s10], [sflag:$0xE], $0x800, $0x38;
	[tilespmem:$0xF758] =	vst v63  }
0x4c: {  	_ =	swait.ge @!p3 [sflag:s6], $0x800  }
0x4d: {  	[sflag:s6] =	ssyncset.done @!p3 $0x0  }
0x4e: {  	[sflag:s6] =	ssyncadd.s32 @!p3 $0xFFFFF800  }
0x4f: {  	[bflag:$0x0] =	sbarrier.arrive $0xFFFF  }
0x50: {  	[tilespmem:s2], [sflag:$0x1] =	stream.linear.gather [hbm4b:s7+s2], $0x100, $0x38;
	[tilespmem:$0xF758] =	vst v63  }
0x51: {  	s10 =	simm.s32 $0x100  }
0x52: {  	[tilespmem:s10], [sflag:$0x2] =	stream.linear.gather [hbm4b:s20+s2], $0x100, $0x38;
	[tilespmem:$0xF758] =	vst v63  }
0x53: {  	s15 =	simm.s32 $0x200  }
0x54: {  	[tilespmem:s15], [sflag:$0x3] =	stream.linear.gather [hbm4b:s21+s2], $0x100, $0x38;
	[tilespmem:$0xF758] =	vst v63  }
0x55: {  	_ =	swait.ge [sflag:s22], $0x100  }
0x56: {  	[sflag:s22] =	ssyncset.done $0x0  }
0x57: {  	s17 =	simm.s32 $0x400;
	[sflag:s22] =	ssyncadd.s32 $0xFFFFFF00  }
0x58: {  	[tilespmem:s17], [sflag:$0x5] =	stream.indirect.gather [hbm4b:s4+s23], $0x10, s2, s23, $0xb8;
	[tilespmem:$0xF758] =	vst v63  }
0x59: {  	_ =	swait.ge [sflag:s25], $0x100  }
0x5a: {  	[sflag:s25] =	ssyncset.done $0x0  }
0x5b: {  	s13 =	simm.s32 $0xC00;
	[sflag:s25] =	ssyncadd.s32 $0xFFFFFF00  }
0x5c: {  	[tilespmem:s13], [sflag:$0x6] =	stream.indirect.gather [hbm4b:s4+s23], $0x10, s10, s23, $0xb8;
	[tilespmem:$0xF758] =	vst v63  }
0x5d: {  	s26 =	simm.s32 $0x300  }
0x5e: {  	[tilespmem:s26], [sflag:$0x4] =	stream.linear.gather [hbm4b:s16+s2], $0x100, $0x38;
	[tilespmem:$0xF758] =	vst v63  }
0x5f: {  	_ =	swait.ge [sflag:s29], $0x100  }
0x60: {  	[sflag:s29] =	ssyncset.done $0x0  }
0x61: {  	s30 =	simm.s32 $0x1400;
	[sflag:s29] =	ssyncadd.s32 $0xFFFFFF00  }
0x62: {  	[tilespmem:s30], [sflag:$0x7] =	stream.indirect.gather [hbm4b:s4+s23], $0x10, s15, s23, $0xb8;
	[tilespmem:$0xF758] =	vst v63  }
.Ltmp3:
0x63: {  	_ = 	snop;
	(pc) =	sbr.rel .LBB2_4-.Ltmp3, $4  }
0x64: {  	_ =	swait.ge [sflag:s31], $0x800  }
0x65: {  	[sflag:s31] =	ssyncset.done $0x0  }
0x66: {  	s5 =	simm.s32 $0x4;
	s15 =	smov.u32 s9;
	[sflag:s31] =	ssyncadd.s32 $0xFFFFF800  }
0x67: {  	[spmem:s1] =	stream.indirect.scatter.add.f32 [tilespmem:s17], [sflag:$0x9], $0x10, s23, s23, $0xb8;
	[tilespmem:$0xF758] =	vst v63  }
.LBB2_8:
0x68: {  	s10 =	sand.u32 $0x3, s10  }
.LBB2_9:
0x69: {  	s5 =	sadd.s32 $0x1, s5  }
0x6a: {  	p1 =	sne.s32 s5, $0xC7  }
.Ltmp4:
0x6b: {  	s6 =	sadd.s32 $0x5, s10;
	(pc) =	sbr.rel @!p1 .LBB2_10-.Ltmp4, $4  }
0x6c: {  	s17 =	sshll.u32 s10, $0xB;
	s26 =	sshll.u32 s10, $0x8;
	_ =	swait.ge [sflag:s6], $0x800  }
0x6d: {  	s30 =	sadd.s32 $0x9, s10;
	s15 =	sadd.s32 $0x20, s15;
	[sflag:s6] =	ssyncset.done $0x0  }
0x6e: {  	s17 =	sor.u32 $0x400, s17;
	s26 =	sor.u32 $0x80, s26;
	[sflag:s6] =	ssyncadd.s32 $0xFFFFF800  }
0x6f: {  	[spmem:s1] =	stream.indirect.scatter.add.f32 [tilespmem:s17], [sflag:s30], $0x10, s26, s23, $0xb8;
	[tilespmem:$0xF758] =	vst v63  }
.LBB2_4:
0x70: {  	s10 =	sadd.s32 $0xFFFFFFFD, s5  }
0x71: {  	p1 =	sgt.u32 s10, $0xC0  }
.Ltmp5:
0x72: {  	s6 =	sand.u32 $0x3, s5;
	(pc) =	sbr.rel @p1 .LBB2_7-.Ltmp5, $4  }
0x73: {  	s17 =	sadd.s32 $0x9, s6  }
0x74: {  	_ =	swait.ge [sflag:s17], $0x800  }
0x75: {  	[sflag:s17] =	ssyncset.done $0x0  }
0x76: {  	[sflag:s17] =	ssyncadd.s32 $0xFFFFF800  }
.Ltmp6:
0x77: {  	(pc) =	sbr.rel .LBB2_6-.Ltmp6, $3  }
0x78: {  	_ =	sdelay $0x1  }
0x79: {  	s17 =	sshll.u32 s6, $0x8;
	s30 =	sadd.s32 $0x1, s6  }
0x7a: {  	[tilespmem:s17], [sflag:s30] =	stream.linear.gather [hbm4b:s15+s2], $0x100, $0x38;
	[tilespmem:$0xF758] =	vst v63  }
.LBB2_7:
0x7b: {  	p1 =	seq.s32 s5, $0xC4  }
.Ltmp7:
0x7c: {  	_ = 	snop;
	(pc) =	sbr.rel @!p1 .LBB2_8-.Ltmp7, $1  }
0x7d: {  	_ =	sdelay $0x3  }
.LBB2_6:
0x7e: {  	s10 =	sand.u32 $0x3, s10  }
0x7f: {  	s6 =	sxor.u32 $0x2, s10  }
.Ltmp8:
0x80: {  	s17 =	sadd.s32 $0x1, s6;
	(pc) =	sbr.rel .LBB2_9-.Ltmp8, $4  }
0x81: {  	_ =	swait.ge [sflag:s17], $0x100  }
0x82: {  	s30 =	sshll.u32 s6, $0xB;
	s26 =	sshll.u32 s6, $0x8;
	[sflag:s17] =	ssyncset.done $0x0  }
0x83: {  	s6 =	sadd.s32 $0x5, s6;
	[sflag:s17] =	ssyncadd.s32 $0xFFFFFF00;
	s17 =	sor.u32 $0x400, s30  }
0x84: {  	[tilespmem:s17], [sflag:s6] =	stream.indirect.gather [hbm4b:s4+s23], $0x10, s26, s23, $0xb8;
	[tilespmem:$0xF758] =	vst v63  }
.LBB2_10:
.Ltmp9:
0x85: {  	_ =	swait.ge [sflag:s0], $0x800;
	(pc) =	sbr.rel @!p0 .LBB2_11-.Ltmp9, $3  }
0x86: {  	[sflag:s0] =	ssyncset.done $0x0  }
0x87: {  	[sflag:s0] =	ssyncadd.s32 $0xFFFFF800  }
0x88: {  	[bflag:$0x0] =	sbarrier.arrive $0xFFFF;
	_ =	sdelay $0x1  }
0x89: {  	s5 =	sadd.s32 $0xFFFFFE70, s3  }
0x8a: {  	s6 =	sadd.s32 $0x190, s5  }
0x8b: {  	p1 =	sgt.u32 s6, $0x185  }
0x8c: {  	s19 =	smov.u32 s7;
	s7 =	smov.u32 s9;
	p2 =	sne.s32 @p1 s5, $0xFFFFFFF6  }
0x8d: {  	s9 =	smov.u32 s16;
	s16 =	smov.u32 s24;
	p2 =	por p2, !p1  }
0x8e: {  	s24 =	smov.u32 s21;
	s5 =	simm.s32 @!p2 $0x2400;
	s6 =	simm.s32 @!p2 $0xE  }
0x8f: {  	[tilespmem:s5], [sflag:$0xE] =	stream.linear.gather @!p2 [spmem:s8], $0x500, $0x38;
	[tilespmem:$0xF758] =	vst v63  }
0x90: {  	s21 =	smov.u32 s20;
	s20 =	smov.u32 s14;
	_ =	swait.ge @!p2 [sflag:s6], $0x500  }
0x91: {  	s30 =	simm.s32 $0xFFFFFE90;
	s10 =	simm.s32 @!p2 $0xD;
	[sflag:s6] =	ssyncset.done @!p2 $0x0  }
0x92: {  	s13 =	simm.s32 @!p2 $0x0;
	[sflag:s6] =	ssyncadd.s32 @!p2 $0xFFFFFB00;
	s6 =	sadd.s32 @!p2 $0x18600, s12  }
0x93: {  	[hbm4b:s6+s13] =	stream.linear.scatter @!p2 [tilespmem:s5], [sflag:$0xD], $0x500, $0x38;
	[tilespmem:$0xF758] =	vst v63  }
0x94: {  	p1 =	por p1, p1;
	s6 =	sadd.s32 $0xFFFFFE80, s3;
	_ =	swait.ge @!p2 [sflag:s10], $0x500  }
0x95: {  	s17 =	simm.s32 @!p1 $0x2400;
	s15 =	sadd.s32 $0x190, s6;
	[sflag:s10] =	ssyncset.done @!p2 $0x0  }
0x96: {  	s5 =	simm.s32 @!p1 $0xE;
	[sflag:s10] =	ssyncadd.s32 @!p2 $0xFFFFFB00;
	p2 =	sgt.u32 s15, $0x185  }
0x97: {  	[tilespmem:s17], [sflag:$0xE] =	stream.linear.gather @!p1 [spmem:s28], $0x800, $0x38;
	[tilespmem:$0xF758] =	vst v63  }
0x98: {  	s10 =	simm.s32 @!p1 $0x0;
	s15 =	smov.u32 s28;
	_ =	swait.ge @!p1 [sflag:s5], $0x800  }
0x99: {  	p4 =	sne.s32 @p2 s6, $0xFFFFFFF6;
	s13 =	rddreg [dreg:$0x3];
	[sflag:s5] =	ssyncset.done @!p1 $0x0  }
0x9a: {  	s26 =	sadd.s32 $0x1000, s13;
	[sflag:s5] =	ssyncadd.s32 @!p1 $0xFFFFF800;
	s6 =	sadd.s32 @!p1 s13, s12  }
.LBB2_15:
0x9b: {  	p4 =	por p4, !p2;
	s15 =	sadd.s32 $0x8000, s15  }
0x9c: {  	s13 =	smov.u32 s30;
	s30 =	sadd.s32 $0x10, s30;
	s14 =	smov.u32 s26  }
0x9d: {  	[hbm4b:s6+s10] =	stream.linear.scatter @!p1 [tilespmem:s17], [sflag:$0xE], $0x800, $0x38;
	[tilespmem:$0xF758] =	vst v63  }
0x9e: {  	p3 =	sne.s32 s30, $0x0;
	_ =	swait.ge @!p1 [sflag:s5], $0x800  }
0x9f: {  	[sflag:s5] =	ssyncset.done @!p1 $0x0  }
0xa0: {  	s6 =	simm.s32 @!p4 $0x2400;
	s10 =	simm.s32 @!p4 $0xE;
	[sflag:s5] =	ssyncadd.s32 @!p1 $0xFFFFF800  }
0xa1: {  	[tilespmem:s6], [sflag:$0xE] =	stream.linear.gather @!p4 [spmem:s8], $0x500, $0x38;
	[tilespmem:$0xF758] =	vst v63  }
0xa2: {  	p1 =	por p2, p2;
	_ =	swait.ge @!p4 [sflag:s10], $0x500  }
0xa3: {  	s17 =	simm.s32 @!p4 $0xD;
	[sflag:s10] =	ssyncset.done @!p4 $0x0  }
0xa4: {  	s5 =	sadd.s32 @!p4 $0x18600, s12;
	[sflag:s10] =	ssyncadd.s32 @!p4 $0xFFFFFB00;
	s10 =	simm.s32 @!p4 $0x0  }
0xa5: {  	[hbm4b:s5+s10] =	stream.linear.scatter @!p4 [tilespmem:s6], [sflag:$0xD], $0x500, $0x38;
	[tilespmem:$0xF758] =	vst v63  }
0xa6: {  	_ =	swait.ge @!p4 [sflag:s17], $0x500  }
0xa7: {  	s5 =	simm.s32 @!p1 $0xE;
	s6 =	sadd.s32 s13, s3;
	[sflag:s17] =	ssyncset.done @!p4 $0x0  }
.Ltmp10:
0xa8: {  	[sflag:s17] =	ssyncadd.s32 @!p4 $0xFFFFFB00;
	s17 =	simm.s32 @!p1 $0x2400;
	(pc) =	sbr.rel @p3 .LBB2_15-.Ltmp10, $4  }
0xa9: {  	[tilespmem:s17], [sflag:$0xE] =	stream.linear.gather @!p1 [spmem:s15], $0x800, $0x38;
	[tilespmem:$0xF758] =	vst v63  }
0xaa: {  	s26 =	sadd.s32 $0x1000, s26;
	s10 =	sadd.s32 $0x190, s6;
	_ =	swait.ge @!p1 [sflag:s5], $0x800  }
0xab: {  	p2 =	sgt.u32 s10, $0x185;
	s10 =	simm.s32 @!p1 $0x0;
	[sflag:s5] =	ssyncset.done @!p1 $0x0  }
0xac: {  	p4 =	sne.s32 @p2 s6, $0xFFFFFFF6;
	s6 =	sadd.s32 @!p1 s14, s12;
	[sflag:s5] =	ssyncadd.s32 @!p1 $0xFFFFF800  }
0xad: {  	[hbm4b:s6+s10] =	stream.linear.scatter @!p1 [tilespmem:s17], [sflag:$0xE], $0x800, $0x38;
	[tilespmem:$0xF758] =	vst v63  }
0xae: {  	_ =	swait.ge @!p1 [sflag:s5], $0x800  }
0xaf: {  	p3 =	por p4, !p2;
	[sflag:s5] =	ssyncset.done @!p1 $0x0  }
0xb0: {  	s6 =	simm.s32 @!p3 $0x2400;
	s10 =	simm.s32 @!p3 $0xE;
	[sflag:s5] =	ssyncadd.s32 @!p1 $0xFFFFF800  }
0xb1: {  	[tilespmem:s6], [sflag:$0xE] =	stream.linear.gather @!p3 [spmem:s8], $0x500, $0x38;
	[tilespmem:$0xF758] =	vst v63  }
0xb2: {  	_ =	swait.ge @!p3 [sflag:s10], $0x500  }
0xb3: {  	s13 =	simm.s32 @!p3 $0x0;
	[sflag:s10] =	ssyncset.done @!p3 $0x0  }
0xb4: {  	s5 =	simm.s32 @!p3 $0xD;
	[sflag:s10] =	ssyncadd.s32 @!p3 $0xFFFFFB00;
	s10 =	sadd.s32 @!p3 $0x18600, s12  }
0xb5: {  	[hbm4b:s10+s13] =	stream.linear.scatter @!p3 [tilespmem:s6], [sflag:$0xD], $0x500, $0x38;
	[tilespmem:$0xF758] =	vst v63  }
0xb6: {  	_ =	swait.ge @!p3 [sflag:s5], $0x500  }
0xb7: {  	p1 =	por p2, p2;
	s6 =	sadd.s32 $0x8000, s15;
	[sflag:s5] =	ssyncset.done @!p3 $0x0  }
0xb8: {  	s10 =	simm.s32 @!p1 $0xE;
	[sflag:s5] =	ssyncadd.s32 @!p3 $0xFFFFFB00;
	s5 =	simm.s32 @!p1 $0x2400  }
0xb9: {  	[tilespmem:s5], [sflag:$0xE] =	stream.linear.gather @!p1 [spmem:s6], $0x800, $0x38;
	[tilespmem:$0xF758] =	vst v63  }
0xba: {  	s14 =	smov.u32 s20;
	_ =	swait.ge @!p1 [sflag:s10], $0x800  }
0xbb: {  	s20 =	smov.u32 s21;
	s13 =	sadd.s32 @!p1 s26, s12;
	[sflag:s10] =	ssyncset.done @!p1 $0x0  }
.Ltmp11:
0xbc: {  	s6 =	simm.s32 @!p1 $0x0;
	[sflag:s10] =	ssyncadd.s32 @!p1 $0xFFFFF800;
	(pc) =	sbr.rel .LBB2_17-.Ltmp11, $4  }
0xbd: {  	[hbm4b:s13+s6] =	stream.linear.scatter @!p1 [tilespmem:s5], [sflag:$0xE], $0x800, $0x38;
	[tilespmem:$0xF758] =	vst v63  }
0xbe: {  	s21 =	smov.u32 s24;
	s24 =	smov.u32 s16;
	_ =	swait.ge @!p1 [sflag:s10], $0x800  }
0xbf: {  	s16 =	smov.u32 s9;
	s9 =	smov.u32 s7;
	[sflag:s10] =	ssyncset.done @!p1 $0x0  }
0xc0: {  	s7 =	smov.u32 s19;
	s19 =	simm.s32 $0x2C00;
	[sflag:s10] =	ssyncadd.s32 @!p1 $0xFFFFF800  }
.LBB2_11:
0xc1: {  	s5 =	sadd.s32 $0xFFFFFE70, s3  }
0xc2: {  	s6 =	sadd.s32 $0x190, s5  }
0xc3: {  	p1 =	sgt.u32 s6, $0x185  }
0xc4: {  	p2 =	sne.s32 @p1 s5, $0xFFFFFFF6  }
0xc5: {  	p2 =	por p2, !p1  }
0xc6: {  	s5 =	simm.s32 @!p2 $0x2400;
	s6 =	simm.s32 @!p2 $0xE  }
0xc7: {  	[tilespmem:s5], [sflag:$0xE] =	stream.linear.gather @!p2 [spmem:s8], $0x500, $0x38;
	[tilespmem:$0xF758] =	vst v63  }
0xc8: {  	_ =	swait.ge @!p2 [sflag:s6], $0x500  }
0xc9: {  	[sflag:s6] =	ssyncset.done @!p2 $0x0  }
0xca: {  	s10 =	simm.s32 @!p2 $0xD;
	[sflag:s6] =	ssyncadd.s32 @!p2 $0xFFFFFB00;
	s6 =	simm.s32 @!p2 $0x0  }
0xcb: {  	[hbm4b:s11+s6] =	stream.linear.scatter @!p2 [tilespmem:s5], [sflag:$0xD], $0x500, $0x38;
	[tilespmem:$0xF758] =	vst v63  }
0xcc: {  	s30 =	simm.s32 $0xFFFFFE90;
	p1 =	por p1, p1;
	_ =	swait.ge @!p2 [sflag:s10], $0x500  }
0xcd: {  	s5 =	simm.s32 @!p1 $0xE;
	s6 =	sadd.s32 $0xFFFFFE80, s3;
	[sflag:s10] =	ssyncset.done @!p2 $0x0  }
0xce: {  	s15 =	sadd.s32 $0x190, s6;
	[sflag:s10] =	ssyncadd.s32 @!p2 $0xFFFFFB00;
	s10 =	simm.s32 @!p1 $0x2400  }
0xcf: {  	[tilespmem:s10], [sflag:$0xE] =	stream.linear.gather @!p1 [spmem:s28], $0x800, $0x38;
	[tilespmem:$0xF758] =	vst v63  }
0xd0: {  	p2 =	sgt.u32 s15, $0x185;
	s15 =	smov.u32 s28;
	_ =	swait.ge @!p1 [sflag:s5], $0x800  }
0xd1: {  	p4 =	sne.s32 @p2 s6, $0xFFFFFFF6;
	[sflag:s5] =	ssyncset.done @!p1 $0x0;
	s17 =	rddreg [dreg:$0x4]  }
0xd2: {  	s6 =	simm.s32 @!p1 $0x0;
	s26 =	sadd.s32 $0x1000, s17;
	[sflag:s5] =	ssyncadd.s32 @!p1 $0xFFFFF800  }
.LBB2_12:
0xd3: {  	p4 =	por p4, !p2  }
0xd4: {  	s15 =	sadd.s32 $0x8000, s15;
	s13 =	smov.u32 s30;
	s30 =	sadd.s32 $0x10, s30  }
0xd5: {  	[hbm4b:s17+s6] =	stream.linear.scatter @!p1 [tilespmem:s10], [sflag:$0xE], $0x800, $0x38;
	[tilespmem:$0xF758] =	vst v63  }
0xd6: {  	p3 =	seq.s32 s30, $0x0;
	s17 =	smov.u32 s26;
	_ =	swait.ge @!p1 [sflag:s5], $0x800  }
0xd7: {  	[sflag:s5] =	ssyncset.done @!p1 $0x0  }
0xd8: {  	s6 =	simm.s32 @!p4 $0x2400;
	s10 =	simm.s32 @!p4 $0xE;
	[sflag:s5] =	ssyncadd.s32 @!p1 $0xFFFFF800  }
0xd9: {  	[tilespmem:s6], [sflag:$0xE] =	stream.linear.gather @!p4 [spmem:s8], $0x500, $0x38;
	[tilespmem:$0xF758] =	vst v63  }
0xda: {  	p1 =	por p2, p2;
	_ =	swait.ge @!p4 [sflag:s10], $0x500  }
0xdb: {  	[sflag:s10] =	ssyncset.done @!p4 $0x0  }
0xdc: {  	s5 =	simm.s32 @!p4 $0x0;
	[sflag:s10] =	ssyncadd.s32 @!p4 $0xFFFFFB00;
	s10 =	simm.s32 @!p4 $0xD  }
0xdd: {  	[hbm4b:s11+s5] =	stream.linear.scatter @!p4 [tilespmem:s6], [sflag:$0xD], $0x500, $0x38;
	[tilespmem:$0xF758] =	vst v63  }
0xde: {  	_ =	swait.ge @!p4 [sflag:s10], $0x500  }
0xdf: {  	s5 =	simm.s32 @!p1 $0xE;
	s6 =	sadd.s32 s13, s3;
	[sflag:s10] =	ssyncset.done @!p4 $0x0  }
.Ltmp12:
0xe0: {  	[sflag:s10] =	ssyncadd.s32 @!p4 $0xFFFFFB00;
	s10 =	simm.s32 @!p1 $0x2400;
	(pc) =	sbr.rel @!p3 .LBB2_12-.Ltmp12, $4  }
0xe1: {  	[tilespmem:s10], [sflag:$0xE] =	stream.linear.gather @!p1 [spmem:s15], $0x800, $0x38;
	[tilespmem:$0xF758] =	vst v63  }
0xe2: {  	s13 =	sadd.s32 $0x190, s6;
	_ =	swait.ge @!p1 [sflag:s5], $0x800  }
0xe3: {  	s26 =	sadd.s32 $0x1000, s26;
	p2 =	sgt.u32 s13, $0x185;
	[sflag:s5] =	ssyncset.done @!p1 $0x0  }
0xe4: {  	p4 =	sne.s32 @p2 s6, $0xFFFFFFF6;
	s6 =	simm.s32 @!p1 $0x0;
	[sflag:s5] =	ssyncadd.s32 @!p1 $0xFFFFF800  }
.Ltmp13:
0xe5: {  	_ = 	snop;
	(pc) =	sbr.rel .LBB2_13-.Ltmp13, $1  }
0xe6: {  	_ =	sdelay $0x3  }
.LBB2_18:
0xe7: {  	_ =	sfence.sel $0x180000  }
0xe8: {  	[bflag:$0x0] =	sbarrier.arrive $0xFFFF  }
0xe9: {  	_ =	strace $0x90000047  }
0xea: {  	[bflag:$0x2] =	sbarrier.arrive $0xFFFF  }
0xeb: {  	p0 =	sne.s32 s3, $0x0;
	s0 =	rddreg [dreg:$0x2]  }
0xec: {  	s0 =	sadd.s32 @!p0 $0x100000, s0  }
0xed: {  	[sflag:s0] =	ssyncadd.tile.s32 @!p0 $0x1;
	_ =	shalt  }
.Lfunc_end2:
_tile_overlayer_lowered:
.L_overlay_start_2:
0xee: {  	(tag) =	ssettag $0x2  }
0xef: {  	s0 =	rddreg [dreg:$0x0];
	s2 =	stileid.u32  }
0xf0: {  	s1 =	rddreg [dreg:$0x1];
	p0 =	sne.s32 s2, $0x0  }
0xf1: {  	s3 =	rddreg [dreg:$0x2];
	[bflag:$0x3] =	sbarrier.arrive $0xFFFF;
	s2 =	simm.s32 @!p0 $0x1C0D  }
0xf2: {  	[timem:s3], [sflag:s2] =	dma.local @!p0 [hbm:s0], s1  }
0xf3: {  	s0 =	simm.s32 @!p0 $0xD  }
0xf4: {  	_ =	swait.ge @!p0 [sflag:s0], s1  }
0xf5: {  	s1 =	ssub.s32 @!p0 $0x0, s1;
	[sflag:s0] =	ssyncset.done @!p0 $0x0  }
0xf6: {  	[sflag:s0] =	ssyncadd.s32 @!p0 s1  }
0xf7: {  	[bflag:$0x3] =	sbarrier.arrive $0xFFFF  }
0xf8: {  	_ =	shalt  }

// kernel: kernel.9.cloned.1.call-start
scs
__scs_entry_jumppad:
0x0: {  	(pc) =	sbr.rel $0x88, $3  }
0x1: {  	(tag) =	ssettag $0x0;
	lr =	simm.s32 $0x1  }
0x2: {  	[smem:$0x3F93] =	sst lr;
	_ =	strace $0xD0000000  }
0x3: {  	_ = 	snop  }
0x4: {  	_ = 	snop  }
0x5: {  	_ = 	snop  }
0x6: {  	_ = 	snop  }
0x7: {  	_ = 	snop  }
__scs_overlays_trampoline_lowered:
0x8: {  	[smem:$0x3FA2] =	sst s0  }
0x9: {  	[smem:$0x3FA3] =	sst s1  }
0xa: {  	[smem:$0x3FA4] =	sst s2  }
0xb: {  	[smem:$0x3FA5] =	sst s3  }
0xc: {  	[smem:$0x3FA6] =	sst s4  }
0xd: {  	[smem:$0x3FA7] =	sst s5  }
0xe: {  	[smem:$0x3FA8] =	sst s6  }
0xf: {  	[smem:$0x3FA9] =	sst s7  }
0x10: {  	[smem:$0x3FAA] =	sst s8  }
0x11: {  	[smem:$0x3FAB] =	sst s9;
	s0 =	simm.s32 @!p0 $0x0  }
0x12: {  	s1 =	sld [smem:$0x3F91];
	s0 =	simm.s32 @p0 $0x1  }
0x13: {  	[smem:$0x3FAC] =	sst s0;
	s0 =	simm.s32 @!p1 $0x0  }
0x14: {  	s2 =	sld [smem:$0x3F90];
	s0 =	simm.s32 @p1 $0x1  }
0x15: {  	[smem:$0x3FAD] =	sst s0;
	s0 =	simm.s32 @!p2 $0x0  }
0x16: {  	s3 =	sld [smem:$0x3FDB];
	s0 =	simm.s32 @p2 $0x1  }
0x17: {  	s4 =	simm.s32 $0x1BF5;
	[smem:$0x3FAF] =	sst s0  }
0x18: {  	s0 =	sld [smem:$0x3F92];
	_ =	swait.ge [sflag:s4], $0x0  }
0x19: {  	s7 =	sld [smem:$0x3F93]  }
0x1a: {  	s8 =	sadd.s32 $0xFFFFE003, lr  }
0x1b: {  	s9 =	sadd.s32 $0xFFFFFEF7, lr;
	s5 =	simm.s32 $0xFFFFFFFF;
	p2 =	slt.u32 s8, $0xFFFFF086  }
0x1c: {  	p1 =	slt.u32 s9, $0xF7A;
	s5 =	simm.s32 @!p2 $0x0  }
0x1d: {  	s5 =	simm.s32 @p1 $0x1;
	p0 =	seq.s32 s7, s2  }
0x1e: {  	s7 =	smul.u32 @!p0 $0xF7A, s2;
	p2 =	seq.s32 @!p0 s5, $0x0  }
0x1f: {  	s9 =	smul.u32 $0xF7A, s1;
	s8 =	simm.s32 @!p0 $0x1BF5;
	p2 =	por !p2, p0  }
0x20: {  	[sflag:s8] =	ssyncset.s32 @!p0 $0xFFFFF086;
	s6 =	sadd.s32 @!p0 s3, s7;
	s7 =	simm.s32 @!p0 $0x108  }
0x21: {  	s3 =	sadd.s32 s3, s9;
	s6 =	sadd.s32 @!p0 $0x88, s6;
	s7 =	simm.s32 @p2 $0x1082  }
0x22: {  	[simem:s7], [sflag:s8] =	dma.local @!p0 [hbm:s6], $0xF7A  }
0x23: {  	s9 =	sor.u32 $0xD0000000, s2;
	s6 =	simm.s32 $0x108;
	_ =	swait.ge @!p0 [sflag:s8], $0x0  }
0x24: {  	s3 =	sadd.s32 $0x88, s3;
	s6 =	simm.s32 @!p1 $0x1082;
	[sflag:s4] =	ssyncset.s32 $0xFFFFF086  }
0x25: {  	[simem:s6], [sflag:s4] =	dma.local [hbm:s3], $0xF7A  }
0x26: {  	[smem:$0x3F93] =	sst s1;
	(tag) =	ssettag s2;
	_ =	strace s9  }
0x27: {  	s1 =	sld [smem:$0x3FA3]  }
0x28: {  	s2 =	sld [smem:$0x3FA4]  }
0x29: {  	s4 =	sld [smem:$0x3FA6]  }
0x2a: {  	p0 =	seq.s32 s5, $0x0;
	s5 =	sld [smem:$0x3FA7]  }
0x2b: {  	s6 =	sld [smem:$0x3FA8]  }
0x2c: {  	s7 =	sld [smem:$0x3FA9]  }
0x2d: {  	s3 =	simm.s32 $0x108;
	s8 =	sld [smem:$0x3FAA]  }
0x2e: {  	s3 =	simm.s32 @!p0 $0x1082;
	s9 =	sld [smem:$0x3FAB]  }
0x2f: {  	lr =	sadd.s32 s0, s3;
	s0 =	sld [smem:$0x3FA2]  }
0x30: {  	s3 =	sld [smem:$0x3FA5]  }
0x31: {  	[smem:$0x3FAE] =	sst s10  }
0x32: {  	s10 =	sld [smem:$0x3FAC];
	_ =	sdelay $0x3  }
0x33: {  	p0 =	seq.s32 s10, $0x1;
	s10 =	sld [smem:$0x3FAE];
	_ =	sdelay $0x3  }
0x34: {  	[smem:$0x3FAE] =	sst s10  }
0x35: {  	s10 =	sld [smem:$0x3FAD];
	_ =	sdelay $0x3  }
0x36: {  	p1 =	seq.s32 s10, $0x1;
	s10 =	sld [smem:$0x3FAE];
	_ =	sdelay $0x3  }
0x37: {  	[smem:$0x3FAE] =	sst s10  }
0x38: {  	s10 =	sld [smem:$0x3FAF]  }
0x39: {  	_ = 	snop;
	(pc) =	sbr.ind lr, $3  }
0x3a: {  	_ = 	snop  }
0x3b: {  	_ = 	snop  }
0x3c: {  	p2 =	seq.s32 s10, $0x1;
	s10 =	sld [smem:$0x3FAE]  }
0x3d: {  	_ =	shalt  }
0x3e: {  	_ =	shalt  }
0x3f: {  	_ =	shalt  }
0x40: {  	_ =	shalt  }
0x41: {  	_ =	shalt  }
0x42: {  	_ =	shalt  }
0x43: {  	_ =	shalt  }
0x44: {  	_ =	shalt  }
0x45: {  	_ =	shalt  }
0x46: {  	_ =	shalt  }
0x47: {  	_ =	shalt  }
0x48: {  	_ =	shalt  }
0x49: {  	_ =	shalt  }
0x4a: {  	_ =	shalt  }
0x4b: {  	_ =	shalt  }
0x4c: {  	_ =	shalt  }
0x4d: {  	_ =	shalt  }
0x4e: {  	_ =	shalt  }
0x4f: {  	_ =	shalt  }
0x50: {  	_ =	shalt  }
0x51: {  	_ =	shalt  }
0x52: {  	_ =	shalt  }
0x53: {  	_ =	shalt  }
0x54: {  	_ =	shalt  }
0x55: {  	_ =	shalt  }
0x56: {  	_ =	shalt  }
0x57: {  	_ =	shalt  }
0x58: {  	_ =	shalt  }
0x59: {  	_ =	shalt  }
0x5a: {  	_ =	shalt  }
0x5b: {  	_ =	shalt  }
0x5c: {  	_ =	shalt  }
0x5d: {  	_ =	shalt  }
0x5e: {  	_ =	shalt  }
0x5f: {  	_ =	shalt  }
0x60: {  	_ =	shalt  }
0x61: {  	_ =	shalt  }
0x62: {  	_ =	shalt  }
0x63: {  	_ =	shalt  }
0x64: {  	_ =	shalt  }
0x65: {  	_ =	shalt  }
0x66: {  	_ =	shalt  }
0x67: {  	_ =	shalt  }
0x68: {  	_ =	shalt  }
0x69: {  	_ =	shalt  }
0x6a: {  	_ =	shalt  }
0x6b: {  	_ =	shalt  }
0x6c: {  	_ =	shalt  }
0x6d: {  	_ =	shalt  }
0x6e: {  	_ =	shalt  }
0x6f: {  	_ =	shalt  }
0x70: {  	_ =	shalt  }
0x71: {  	_ =	shalt  }
0x72: {  	_ =	shalt  }
0x73: {  	_ =	shalt  }
0x74: {  	_ =	shalt  }
0x75: {  	_ =	shalt  }
0x76: {  	_ =	shalt  }
0x77: {  	_ =	shalt  }
0x78: {  	_ =	shalt  }
0x79: {  	_ =	shalt  }
0x7a: {  	_ =	shalt  }
0x7b: {  	_ =	shalt  }
0x7c: {  	_ =	shalt  }
0x7d: {  	_ =	shalt  }
0x7e: {  	_ =	shalt  }
0x7f: {  	_ =	shalt  }
0x80: {  	_ =	shalt  }
0x81: {  	_ =	shalt  }
0x82: {  	_ =	shalt  }
0x83: {  	_ =	shalt  }
0x84: {  	_ =	shalt  }
0x85: {  	_ =	shalt  }
0x86: {  	_ =	shalt  }
0x87: {  	_ =	shalt  }
.Lfunc_end0:
.L_simem_size_0:
called_computation.1_lowered:
.L_overlay_start_0:
0x88: {  	s2 =	sld [smem:$0x3FD9]  }
0x89: {  	s3 =	sld [smem:$0x3FFE];
	_ =	sdelay $0x1  }
0x8a: {  	s1 =	srdreg.scid  }
0x8b: {  	s0 =	sand.u32 $0x1, s1  }
0x8c: {  	s16 =	sshll.u32 s0, $0xA;
	s2 =	sadd.s32 s3, s2  }
0x8d: {  	s2 =	sadd.s32 s2, s16  }
0x8e: {  	[smem:$0x3FBA] =	sst s2  }
0x8f: {  	_ = 	snop  }
0x90: {  	(tm) =	ssettm $0x1  }
0x91: {  	s17 =	sld [smem:$0x3FFB];
	_ =	sdelay $0x3  }
0x92: {  	_ =	strace s17  }
0x93: {  	s2 =	sld [smem:$0x3FFC];
	_ =	sdelay $0x3  }
0x94: {  	_ =	strace s2  }
0x95: {  	s2 =	sld [smem:$0x3FFD];
	_ =	sdelay $0x3  }
0x96: {  	_ =	strace s2  }
0x97: {  	_ =	strace $0x8FFFFFFF  }
0x98: {  	s18 =	sld [smem:$0x3FDB];
	_ =	sdelay $0x1  }
0x99: {  	s19 =	simm.s32 $_scs_section_size  }
0x9a: {  	s4 =	simm.s32 $_size__tile_overlayer_lowered;
	s5 =	simm.s32 $_tile_overlayer_lowered  }
0x9b: {  	s22 =	simm.s32 $0x1BFF;
	s21 =	sshll.u32 s5, $0x1;
	s2 =	sadd.s32 s19, s18  }
0x9c: {  	s6 =	simm.s32 $0x0;
	s20 =	sshll.u32 s4, $0x1;
	s4 =	sadd.s32 s21, s2  }
0x9d: {  	[timem:s6], [sflag:s22] =	dma.local [hbm:s4], s20  }
0x9e: {  	_ =	swait.ge [sflag:s22], s20  }
0x9f: {  	s3 =	ssub.s32 $0x0, s20;
	[sflag:s22] =	ssyncset.done $0x0  }
0xa0: {  	[sflag:s22] =	ssyncadd.s32 s3;
	_ =	sdelay $0x1  }
0xa1: {  	s23 =	simm.s32 $0x1B8B  }
0xa2: {  	_ =	swait.ge [sflag:s23], $0x1  }
0xa3: {  	[sflag:s23] =	ssyncset.done $0x0  }
0xa4: {  	s25 =	simm.s32 $0x1B8E;
	s24 =	sld [smem:$0x3FFE];
	[sflag:s23] =	ssyncadd.s32 $0xFFFFFFFF  }
0xa5: {  	s26 =	simm.s32 $execute0_lowered;
	[smem:$0x3FD2] =	sst s25  }
0xa6: {  	s4 =	sshll.u32 s26, $0x1;
	_ =	strace $0x80000049;
	[dreg:$0x1] =	wrdreg $0xFFFFFFFF  }
0xa7: {  	s28 =	simm.s32 $_size_execute0_lowered;
	s2 =	sadd.s32 s2, s4;
	[dreg:$0x0] =	wrdreg $0x0  }
0xa8: {  	s4 =	sshll.u32 s28, $0x1;
	[dreg:$0x2] =	wrdreg s2  }
0xa9: {  	[dreg:$0x3] =	wrdreg s4  }
0xaa: {  	[dreg:$0x4] =	wrdreg $0xC0  }
0xab: {  	_ =	task [dreg:s6], $0x5FFFF  }
0xac: {  	[dreg:$0x1] =	wrdreg $0xFFFFFFFF  }
0xad: {  	[dreg:$0x0] =	wrdreg $0x60  }
0xae: {  	[dreg:$0x2] =	wrdreg s24  }
0xaf: {  	[dreg:$0x3] =	wrdreg $0x64000  }
0xb0: {  	[dreg:$0x4] =	wrdreg $0x9  }
0xb1: {  	_ =	task.clear_ibuf [dreg:s6], $0x5FFFF;
	_ =	strace $0x90000049  }
0xb2: {  	s29 =	simm.s32 $0x9;
	_ =	strace $0x8000004B  }
0xb3: {  	_ =	swait.ge [sflag:s29], $0x1  }
0xb4: {  	[sflag:s29] =	ssyncadd.s32 $0xFFFFFFFF  }
0xb5: {  	_ =	strace $0x9000004B  }
0xb6: {  	_ =	sfence  }
0xb7: {  	s30 =	sld [smem:$0x0];
	_ =	sdelay $0x2  }
0xb8: {  	s31 =	sshll.u32 s1, $0xD;
	s1 =	sshrl.u32 s1, $0x2  }
0xb9: {  	s3 =	sand.u32 $0x4000, s31;
	s1 =	sadd.s32 s1, s30  }
0xba: {  	s0 =	sor.u32 s3, s0;
	s1 =	sshll.u32 s1, $0x11  }
0xbb: {  	s0 =	sor.u32 s1, s0  }
0xbc: {  	s0 =	sadd.s32 $0x8F2B, s0  }
0xbd: {  	[sflag:s0] =	ssyncadd.remote.s32 $0x1  }
0xbe: {  	_ =	sfence.sel $0xFFFF  }
0xbf: {  	[dreg:$0x0] =	wrdreg $0xFFFFFFFF;
	(pc) =	sbr.abs _section_cstart, $3  }
0xc0: {  	[dreg:$0x1] =	wrdreg $0xFFFFFFFF  }
0xc1: {  	_ =	task.clear_ibuf [dreg:s6], $0x2FFFF;
	_ =	strace $0x9FFFFFFF  }
0xc2: {  	(tm) =	ssettm $0x7FFFFFFF  }
0xc3: {  	_ =	shalt  }
tec
execute0_lowered:
.L_overlay_start_1:
0x0: {  	(tag) =	ssettag $0x1  }
0x1: {  	s0 =	rddreg [dreg:$0x0]  }
0x2: {  	s1 =	rddreg [dreg:$0x1];
	s2 =	simm.s32 $0x0  }
0x3: {  	s5 =	stileid.u32;
	s10 =	srdreg.scid;
	s28 =	simm.s32 $0x200  }
0x4: {  	s29 =	simm.s32 $0x1;
	s30 =	simm.s32 $0x80;
	s31 =	simm.s32 $0x400  }
0x5: {  	[smem:$0x7FF] =	sst s2;
	s3 =	sadd.s32 $0x4D000, s0;
	s4 =	sadd.s32 $0x110800, s0  }
0x6: {  	s6 =	sadd.s32 $0x141600, s0;
	s7 =	sadd.s32 $0x7DE00, s0;
	s8 =	sadd.s32 $0xAEC00, s0  }
0x7: {  	s9 =	sadd.s32 $0xDFA00, s0;
	s11 =	sadd.s32 $0x1C000, s0;
	s10 =	sand.u32 $0x1, s10  }
0x8: {  	s12 =	smul.u32 $0x18700, s5;
	s13 =	sadd.s32 $0x3800, s0;
	s17 =	sshll.u32 s5, $0x9  }
0x9: {  	s16 =	smul.u32 $0x30E0, s5;
	s21 =	sshll.u32 s5, $0xC;
	_ =	strace $0x8000004A  }
0xa: {  	[dreg:$0x3] =	wrdreg s13;
	s14 =	ssub.s32 $0x2, s10;
	s0 =	sadd.s32 s17, s0  }
0xb: {  	p0 =	seq.s32 s10, $0x1;
	s17 =	simm.s32 $0x5;
	s22 =	sadd.s32 $0x172400, s0  }
0xc: {  	s15 =	sshrl.u32 s14, $0x1;
	s23 =	sadd.s32 $0x1A3200, s0;
	[dreg:$0x6] =	wrdreg s22  }
0xd: {  	s12 =	sshrl.u32 s12, $0x3;
	s24 =	sadd.s32 $0x1D4000, s0;
	[dreg:$0x7] =	wrdreg s23  }
0xe: {  	s25 =	sadd.s32 $0x204E00, s0;
	s26 =	sadd.s32 $0x235C00, s0;
	[dreg:$0x8] =	wrdreg s24  }
0xf: {  	s0 =	sadd.s32 $0x266A00, s0;
	s14 =	ssub.s32 s14, s15;
	[dreg:$0x9] =	wrdreg s25  }
0x10: {  	s18 =	sadd.s32 s11, s12;
	s11 =	sadd.s32 s11, s16;
	[dreg:$0xa] =	wrdreg s26  }
.Ltmp0:
0x11: {  	[dreg:$0xb] =	wrdreg s0;
	s26 =	simm.s32 $0x100;
	(pc) =	sbr.rel .LBB2_1-.Ltmp0, $4  }
0x12: {  	s0 =	simm.s32 $0x2;
	s19 =	sadd.s32 $0x20, s18;
	s13 =	sadd.s32 $0x40, s18  }
0x13: {  	s20 =	smax.u32 s14, $0x1;
	s15 =	sadd.s32 $0x60, s11;
	s18 =	sadd.s32 s21, s1  }
0x14: {  	s23 =	sadd.s32 $0x80, s11;
	s14 =	simm.s32 $0x3;
	[dreg:$0x4] =	wrdreg s19  }
0x15: {  	[dreg:$0x5] =	wrdreg s20;
	s19 =	simm.s32 $0xB;
	s20 =	simm.s32 $0x0  }
.LBB2_69:
0x16: {  	s10 =	simm.s32 @!p2 $0x4400  }
0x17: {  	s12 =	simm.s32 @!p2 $0xE;
	[sflag:s24] =	ssyncadd.s32 @!p1 $0xFFFFF000;
	p1 =	por p2, p2  }
0x18: {  	[tilespmem:s10], [sflag:$0xE] =	stream.linear.gather @!p1 [spmem:s25], $0x1000, $0x38;
	[tilespmem:$0x1EB00] =	vst v63  }
0x19: {  	_ =	swait.ge @!p1 [sflag:s12], $0x1000  }
0x1a: {  	[sflag:s12] =	ssyncset.done @!p1 $0x0  }
0x1b: {  	s16 =	simm.s32 @!p1 $0xD;
	[sflag:s12] =	ssyncadd.s32 @!p1 $0xFFFFF000;
	s12 =	simm.s32 @!p1 $0x0  }
0x1c: {  	[hbm4b:s21+s12] =	stream.linear.scatter @!p1 [tilespmem:s10], [sflag:$0xD], $0x1000, $0x38;
	[tilespmem:$0x1EB00] =	vst v63  }
0x1d: {  	_ =	swait.ge @!p1 [sflag:s16], $0x1000  }
0x1e: {  	[sflag:s16] =	ssyncset.done @!p1 $0x0  }
0x1f: {  	[sflag:s16] =	ssyncadd.s32 @!p1 $0xFFFFF000  }
.LBB2_70:
0x20: {  	s20 =	sadd.s32 $0x1, s20;
	s10 =	rddreg [dreg:$0x5]  }
0x21: {  	p1 =	sne.s32 s20, s10  }
.Ltmp1:
0x22: {  	_ = 	snop;
	(pc) =	sbr.rel @!p1 .LBB2_71-.Ltmp1, $2  }
0x23: {  	_ =	sdelay $0x1  }
0x24: {  	[bflag:$0x0] =	sbarrier.arrive $0xFFFF;
	_ =	sdelay $0x1  }
.LBB2_1:
0x25: {  	s10 =	rddreg [dreg:$0x3]  }
.Ltmp2:
0x26: {  	s12 =	simm.s32 $0x5400;
	s25 =	simm.s32 $0xD;
	(pc) =	sbr.rel @!p0 .LBB2_2-.Ltmp2, $4  }
0x27: {  	[tilespmem:s12], [sflag:$0xD] =	stream.linear.gather [hbm4b:s10+s2], $0x1000, $0x38;
	[tilespmem:$0x1EB00] =	vst v63  }
0x28: {  	_ =	swait.ge [sflag:s25], $0x1000  }
0x29: {  	[sflag:s25] =	ssyncset.done $0x0  }
0x2a: {  	[sflag:s25] =	ssyncadd.s32 $0xFFFFF000  }
0x2b: {  	s10 =	sadd.s32 $0x0, s5  }
0x2c: {  	p1 =	sgt.u32 s10, $0x186  }
0x2d: {  	s10 =	simm.s32 @!p1 $0x5400;
	s25 =	simm.s32 @!p1 $0xD  }
0x2e: {  	[spmem:s18] =	stream.linear.scatter @!p1 [tilespmem:s10], [sflag:$0xD], $0x1000, $0x38;
	[tilespmem:$0x1EB00] =	vst v63  }
0x2f: {  	s22 =	simm.s32 $0x10;
	_ =	swait.ge @!p1 [sflag:s25], $0x1000  }
0x30: {  	s24 =	simm.s32 $0x20;
	s21 =	sadd.s32 $0x10000, s18;
	[sflag:s25] =	ssyncset.done @!p1 $0x0  }
.LBB2_37:
0x31: {  	s10 =	sadd.s32 s22, s5;
	s22 =	smov.u32 s24;
	s24 =	sadd.s32 $0x10, s24  }
0x32: {  	[sflag:s25] =	ssyncadd.s32 @!p1 $0xFFFFF000;
	p2 =	sne.s32 s24, $0x190  }
.Ltmp3:
0x33: {  	p1 =	sgt.u32 s10, $0x186;
	(pc) =	sbr.rel @p2 .LBB2_37-.Ltmp3, $4  }
0x34: {  	s10 =	simm.s32 @!p1 $0x5400;
	s25 =	simm.s32 @!p1 $0xD  }
0x35: {  	[spmem:s21] =	stream.linear.scatter @!p1 [tilespmem:s10], [sflag:$0xD], $0x1000, $0x38;
	[tilespmem:$0x1EB00] =	vst v63  }
0x36: {  	_ =	swait.ge @!p1 [sflag:s25], $0x1000  }
0x37: {  	s21 =	sadd.s32 $0x10000, s21;
	[sflag:s25] =	ssyncset.done @!p1 $0x0  }
0x38: {  	s10 =	sadd.s32 s22, s5  }
0x39: {  	p2 =	sgt.u32 s10, $0x186  }
0x3a: {  	[sflag:s25] =	ssyncadd.s32 @!p1 $0xFFFFF000;
	s10 =	simm.s32 @!p2 $0x5400;
	s12 =	simm.s32 @!p2 $0xD  }
0x3b: {  	[spmem:s21] =	stream.linear.scatter @!p2 [tilespmem:s10], [sflag:$0xD], $0x1000, $0x38;
	[tilespmem:$0x1EB00] =	vst v63  }
0x3c: {  	_ =	swait.ge @!p2 [sflag:s12], $0x1000  }
0x3d: {  	[sflag:s12] =	ssyncset.done @!p2 $0x0  }
0x3e: {  	[sflag:s12] =	ssyncadd.s32 @!p2 $0xFFFFF000  }
0x3f: {  	[bflag:$0x0] =	sbarrier.arrive $0xFFFF  }
0x40: {  	[tilespmem:s2], [sflag:$0x1] =	stream.linear.gather [hbm4b:s11+s2], $0x100, $0x38;
	[tilespmem:$0x1EB00] =	vst v63  }
0x41: {  	s21 =	rddreg [dreg:$0x4]  }
0x42: {  	[tilespmem:s26], [sflag:$0x2] =	stream.linear.gather [hbm4b:s21+s2], $0x100, $0x38;
	[tilespmem:$0x1EB00] =	vst v63  }
0x43: {  	_ = 	snop  }
0x44: {  	[tilespmem:s28], [sflag:$0x3] =	stream.linear.gather [hbm4b:s13+s2], $0x100, $0x38;
	[tilespmem:$0x1EB00] =	vst v63  }
0x45: {  	_ =	swait.ge [sflag:s29], $0x100  }
0x46: {  	[sflag:s29] =	ssyncset.done $0x0  }
0x47: {  	[sflag:s29] =	ssyncadd.s32 $0xFFFFFF00  }
0x48: {  	[tilespmem:s31], [sflag:$0x5] =	stream.indirect.gather [hbm4b:s7+s30], $0x20, s2, s30, $0xb8;
	[tilespmem:$0x1EB00] =	vst v63  }
0x49: {  	_ =	swait.ge [sflag:s0], $0x100  }
0x4a: {  	[sflag:s0] =	ssyncset.done $0x0  }
0x4b: {  	s22 =	simm.s32 $0x1400;
	[sflag:s0] =	ssyncadd.s32 $0xFFFFFF00  }
0x4c: {  	[tilespmem:s22], [sflag:$0x6] =	stream.indirect.gather [hbm4b:s7+s30], $0x20, s26, s30, $0xb8;
	[tilespmem:$0x1EB00] =	vst v63  }
0x4d: {  	s24 =	simm.s32 $0x300  }
0x4e: {  	[tilespmem:s24], [sflag:$0x4] =	stream.linear.gather [hbm4b:s15+s2], $0x100, $0x38;
	[tilespmem:$0x1EB00] =	vst v63  }
0x4f: {  	_ =	swait.ge [sflag:s14], $0x100  }
0x50: {  	[sflag:s14] =	ssyncset.done $0x0  }
0x51: {  	s25 =	simm.s32 $0x2400;
	[sflag:s14] =	ssyncadd.s32 $0xFFFFFF00  }
0x52: {  	[tilespmem:s25], [sflag:$0x7] =	stream.indirect.gather [hbm4b:s7+s30], $0x20, s28, s30, $0xb8;
	[tilespmem:$0x1EB00] =	vst v63  }
.Ltmp4:
0x53: {  	_ = 	snop;
	(pc) =	sbr.rel .LBB2_39-.Ltmp4, $4  }
0x54: {  	_ =	swait.ge [sflag:s17], $0x1000  }
0x55: {  	[sflag:s17] =	ssyncset.done $0x0  }
0x56: {  	s21 =	smov.u32 s23;
	s22 =	simm.s32 $0x4;
	[sflag:s17] =	ssyncadd.s32 $0xFFFFF000  }
0x57: {  	[spmem:s1] =	stream.indirect.scatter.add.f32 [tilespmem:s31], [sflag:$0x9], $0x20, s30, s30, $0xb8;
	[tilespmem:$0x1EB00] =	vst v63  }
.LBB2_43:
0x58: {  	s24 =	sand.u32 $0x3, s24  }
.LBB2_44:
0x59: {  	s22 =	sadd.s32 $0x1, s22  }
0x5a: {  	p1 =	sne.s32 s22, $0x18A  }
.Ltmp5:
0x5b: {  	s10 =	sadd.s32 $0x5, s24;
	(pc) =	sbr.rel @!p1 .LBB2_45-.Ltmp5, $4  }
0x5c: {  	s12 =	sshll.u32 s24, $0xC;
	s16 =	sshll.u32 s24, $0x8;
	_ =	swait.ge [sflag:s10], $0x1000  }
0x5d: {  	s25 =	sadd.s32 $0x9, s24;
	s21 =	sadd.s32 $0x20, s21;
	[sflag:s10] =	ssyncset.done $0x0  }
0x5e: {  	s12 =	sor.u32 $0x400, s12;
	s16 =	sor.u32 $0x80, s16;
	[sflag:s10] =	ssyncadd.s32 $0xFFFFF000  }
0x5f: {  	[spmem:s1] =	stream.indirect.scatter.add.f32 [tilespmem:s12], [sflag:s25], $0x20, s16, s30, $0xb8;
	[tilespmem:$0x1EB00] =	vst v63  }
.LBB2_39:
0x60: {  	s24 =	sadd.s32 $0xFFFFFFFD, s22  }
0x61: {  	p1 =	sgt.u32 s24, $0x183  }
.Ltmp6:
0x62: {  	s25 =	sand.u32 $0x3, s22;
	(pc) =	sbr.rel @p1 .LBB2_42-.Ltmp6, $4  }
0x63: {  	s10 =	sadd.s32 $0x9, s25  }
0x64: {  	_ =	swait.ge [sflag:s10], $0x1000  }
0x65: {  	[sflag:s10] =	ssyncset.done $0x0  }
0x66: {  	[sflag:s10] =	ssyncadd.s32 $0xFFFFF000  }
.Ltmp7:
0x67: {  	(pc) =	sbr.rel .LBB2_41-.Ltmp7, $3  }
0x68: {  	_ =	sdelay $0x1  }
0x69: {  	s10 =	sshll.u32 s25, $0x8;
	s12 =	sadd.s32 $0x1, s25  }
0x6a: {  	[tilespmem:s10], [sflag:s12] =	stream.linear.gather [hbm4b:s21+s2], $0x100, $0x38;
	[tilespmem:$0x1EB00] =	vst v63  }
.LBB2_42:
0x6b: {  	p1 =	seq.s32 s22, $0x187  }
.Ltmp8:
0x6c: {  	_ = 	snop;
	(pc) =	sbr.rel @!p1 .LBB2_43-.Ltmp8, $1  }
0x6d: {  	_ =	sdelay $0x3  }
.LBB2_41:
0x6e: {  	s24 =	sand.u32 $0x3, s24  }
0x6f: {  	s10 =	sxor.u32 $0x2, s24  }
.Ltmp9:
0x70: {  	s12 =	sadd.s32 $0x1, s10;
	(pc) =	sbr.rel .LBB2_44-.Ltmp9, $4  }
0x71: {  	_ =	swait.ge [sflag:s12], $0x100  }
0x72: {  	s25 =	sshll.u32 s10, $0xC;
	s16 =	sshll.u32 s10, $0x8;
	[sflag:s12] =	ssyncset.done $0x0  }
0x73: {  	s10 =	sadd.s32 $0x5, s10;
	[sflag:s12] =	ssyncadd.s32 $0xFFFFFF00;
	s12 =	sor.u32 $0x400, s25  }
0x74: {  	[tilespmem:s12], [sflag:s10] =	stream.indirect.gather [hbm4b:s7+s30], $0x20, s16, s30, $0xb8;
	[tilespmem:$0x1EB00] =	vst v63  }
.LBB2_2:
0x75: {  	s21 =	sadd.s32 $0x0, s5  }
0x76: {  	p1 =	sgt.u32 s21, $0x186  }
0x77: {  	s21 =	simm.s32 @!p1 $0x5400;
	s25 =	simm.s32 @!p1 $0xD  }
0x78: {  	[spmem:s18] =	stream.linear.scatter @!p1 [tilespmem:s21], [sflag:$0xD], $0x1000, $0x38;
	[tilespmem:$0x1EB00] =	vst v63  }
0x79: {  	s22 =	simm.s32 $0x10;
	_ =	swait.ge @!p1 [sflag:s25], $0x1000  }
0x7a: {  	s24 =	simm.s32 $0x20;
	s21 =	sadd.s32 $0x10000, s18;
	[sflag:s25] =	ssyncset.done @!p1 $0x0  }
.LBB2_3:
0x7b: {  	s10 =	sadd.s32 s22, s5;
	s22 =	smov.u32 s24;
	s24 =	sadd.s32 $0x10, s24  }
0x7c: {  	[sflag:s25] =	ssyncadd.s32 @!p1 $0xFFFFF000;
	p2 =	sne.s32 s24, $0x190  }
.Ltmp10:
0x7d: {  	p1 =	sgt.u32 s10, $0x186;
	(pc) =	sbr.rel @p2 .LBB2_3-.Ltmp10, $4  }
0x7e: {  	s10 =	simm.s32 @!p1 $0x5400;
	s25 =	simm.s32 @!p1 $0xD  }
0x7f: {  	[spmem:s21] =	stream.linear.scatter @!p1 [tilespmem:s10], [sflag:$0xD], $0x1000, $0x38;
	[tilespmem:$0x1EB00] =	vst v63  }
0x80: {  	_ =	swait.ge @!p1 [sflag:s25], $0x1000  }
0x81: {  	s21 =	sadd.s32 $0x10000, s21;
	[sflag:s25] =	ssyncset.done @!p1 $0x0  }
0x82: {  	s10 =	sadd.s32 s22, s5  }
0x83: {  	p2 =	sgt.u32 s10, $0x186  }
0x84: {  	[sflag:s25] =	ssyncadd.s32 @!p1 $0xFFFFF000;
	s10 =	simm.s32 @!p2 $0x5400;
	s22 =	simm.s32 @!p2 $0xD  }
0x85: {  	[spmem:s21] =	stream.linear.scatter @!p2 [tilespmem:s10], [sflag:$0xD], $0x1000, $0x38;
	[tilespmem:$0x1EB00] =	vst v63  }
0x86: {  	_ =	swait.ge @!p2 [sflag:s22], $0x1000  }
0x87: {  	[sflag:s22] =	ssyncset.done @!p2 $0x0  }
0x88: {  	[sflag:s22] =	ssyncadd.s32 @!p2 $0xFFFFF000  }
0x89: {  	[bflag:$0x0] =	sbarrier.arrive $0xFFFF  }
0x8a: {  	[tilespmem:s2], [sflag:$0x1] =	stream.linear.gather [hbm4b:s11+s2], $0x100, $0x38;
	[tilespmem:$0x1EB00] =	vst v63  }
0x8b: {  	s21 =	rddreg [dreg:$0x4]  }
0x8c: {  	[tilespmem:s26], [sflag:$0x2] =	stream.linear.gather [hbm4b:s21+s2], $0x100, $0x38;
	[tilespmem:$0x1EB00] =	vst v63  }
0x8d: {  	_ = 	snop  }
0x8e: {  	[tilespmem:s28], [sflag:$0x3] =	stream.linear.gather [hbm4b:s13+s2], $0x100, $0x38;
	[tilespmem:$0x1EB00] =	vst v63  }
0x8f: {  	_ =	swait.ge [sflag:s29], $0x100  }
0x90: {  	[sflag:s29] =	ssyncset.done $0x0  }
0x91: {  	[sflag:s29] =	ssyncadd.s32 $0xFFFFFF00  }
0x92: {  	[tilespmem:s31], [sflag:$0x5] =	stream.indirect.gather [hbm4b:s3+s30], $0x20, s2, s30, $0xb8;
	[tilespmem:$0x1EB00] =	vst v63  }
0x93: {  	_ =	swait.ge [sflag:s0], $0x100  }
0x94: {  	[sflag:s0] =	ssyncset.done $0x0  }
0x95: {  	s22 =	simm.s32 $0x1400;
	[sflag:s0] =	ssyncadd.s32 $0xFFFFFF00  }
0x96: {  	[tilespmem:s22], [sflag:$0x6] =	stream.indirect.gather [hbm4b:s3+s30], $0x20, s26, s30, $0xb8;
	[tilespmem:$0x1EB00] =	vst v63  }
0x97: {  	s24 =	simm.s32 $0x300  }
0x98: {  	[tilespmem:s24], [sflag:$0x4] =	stream.linear.gather [hbm4b:s15+s2], $0x100, $0x38;
	[tilespmem:$0x1EB00] =	vst v63  }
0x99: {  	_ =	swait.ge [sflag:s14], $0x100  }
0x9a: {  	[sflag:s14] =	ssyncset.done $0x0  }
0x9b: {  	s25 =	simm.s32 $0x2400;
	[sflag:s14] =	ssyncadd.s32 $0xFFFFFF00  }
0x9c: {  	[tilespmem:s25], [sflag:$0x7] =	stream.indirect.gather [hbm4b:s3+s30], $0x20, s28, s30, $0xb8;
	[tilespmem:$0x1EB00] =	vst v63  }
.Ltmp11:
0x9d: {  	_ = 	snop;
	(pc) =	sbr.rel .LBB2_5-.Ltmp11, $4  }
0x9e: {  	_ =	swait.ge [sflag:s17], $0x1000  }
0x9f: {  	[sflag:s17] =	ssyncset.done $0x0  }
0xa0: {  	s21 =	smov.u32 s23;
	s22 =	simm.s32 $0x4;
	[sflag:s17] =	ssyncadd.s32 $0xFFFFF000  }
0xa1: {  	[spmem:s1] =	stream.indirect.scatter.add.f32 [tilespmem:s31], [sflag:$0x9], $0x20, s30, s30, $0xb8;
	[tilespmem:$0x1EB00] =	vst v63  }
.LBB2_9:
0xa2: {  	s24 =	sand.u32 $0x3, s24  }
.LBB2_10:
0xa3: {  	s22 =	sadd.s32 $0x1, s22  }
0xa4: {  	p1 =	sne.s32 s22, $0x18A  }
.Ltmp12:
0xa5: {  	s10 =	sadd.s32 $0x5, s24;
	(pc) =	sbr.rel @!p1 .LBB2_11-.Ltmp12, $4  }
0xa6: {  	s16 =	sshll.u32 s24, $0xC;
	s25 =	sshll.u32 s24, $0x8;
	_ =	swait.ge [sflag:s10], $0x1000  }
0xa7: {  	s21 =	sadd.s32 $0x20, s21;
	s16 =	sor.u32 $0x400, s16;
	[sflag:s10] =	ssyncset.done $0x0  }
0xa8: {  	s12 =	sor.u32 $0x80, s25;
	s25 =	sadd.s32 $0x9, s24;
	[sflag:s10] =	ssyncadd.s32 $0xFFFFF000  }
0xa9: {  	[spmem:s1] =	stream.indirect.scatter.add.f32 [tilespmem:s16], [sflag:s25], $0x20, s12, s30, $0xb8;
	[tilespmem:$0x1EB00] =	vst v63  }
.LBB2_5:
0xaa: {  	s24 =	sadd.s32 $0xFFFFFFFD, s22  }
0xab: {  	p1 =	sgt.u32 s24, $0x183  }
.Ltmp13:
0xac: {  	s25 =	sand.u32 $0x3, s22;
	(pc) =	sbr.rel @p1 .LBB2_8-.Ltmp13, $4  }
0xad: {  	s10 =	sadd.s32 $0x9, s25  }
0xae: {  	_ =	swait.ge [sflag:s10], $0x1000  }
0xaf: {  	[sflag:s10] =	ssyncset.done $0x0  }
0xb0: {  	[sflag:s10] =	ssyncadd.s32 $0xFFFFF000  }
.Ltmp14:
0xb1: {  	(pc) =	sbr.rel .LBB2_7-.Ltmp14, $3  }
0xb2: {  	_ =	sdelay $0x1  }
0xb3: {  	s10 =	sshll.u32 s25, $0x8;
	s16 =	sadd.s32 $0x1, s25  }
0xb4: {  	[tilespmem:s10], [sflag:s16] =	stream.linear.gather [hbm4b:s21+s2], $0x100, $0x38;
	[tilespmem:$0x1EB00] =	vst v63  }
.LBB2_8:
0xb5: {  	p1 =	seq.s32 s22, $0x187  }
.Ltmp15:
0xb6: {  	_ = 	snop;
	(pc) =	sbr.rel @!p1 .LBB2_9-.Ltmp15, $1  }
0xb7: {  	_ =	sdelay $0x3  }
.LBB2_7:
0xb8: {  	s24 =	sand.u32 $0x3, s24  }
0xb9: {  	s10 =	sxor.u32 $0x2, s24  }
0xba: {  	s25 =	sadd.s32 $0x1, s10  }
.Ltmp16:
0xbb: {  	_ =	swait.ge [sflag:s25], $0x100;
	(pc) =	sbr.rel .LBB2_10-.Ltmp16, $4  }
0xbc: {  	[sflag:s25] =	ssyncset.done $0x0  }
0xbd: {  	s16 =	sshll.u32 s10, $0xC;
	[sflag:s25] =	ssyncadd.s32 $0xFFFFFF00  }
0xbe: {  	s25 =	sor.u32 $0x400, s16;
	s16 =	sshll.u32 s10, $0x8;
	s10 =	sadd.s32 $0x5, s10  }
0xbf: {  	[tilespmem:s25], [sflag:s10] =	stream.indirect.gather [hbm4b:s3+s30], $0x20, s16, s30, $0xb8;
	[tilespmem:$0x1EB00] =	vst v63  }
.LBB2_45:
0xc0: {  	_ =	swait.ge [sflag:s19], $0x1000;
	s10 =	sadd.s32 $0x0, s5  }
0xc1: {  	[sflag:s19] =	ssyncset.done $0x0;
	p1 =	sgt.u32 s10, $0x186  }
0xc2: {  	[sflag:s19] =	ssyncadd.s32 $0xFFFFF000;
	s10 =	simm.s32 @!p1 $0x4400  }
0xc3: {  	s12 =	simm.s32 @!p1 $0xE;
	p1 =	por p1, p1;
	[bflag:$0x0] =	sbarrier.arrive $0xFFFF  }
0xc4: {  	[tilespmem:s10], [sflag:$0xE] =	stream.linear.gather @!p1 [spmem:s18], $0x1000, $0x38;
	[tilespmem:$0x1EB00] =	vst v63  }
0xc5: {  	_ =	swait.ge @!p1 [sflag:s12], $0x1000  }
0xc6: {  	s25 =	sadd.s32 $0x10, s5;
	s24 =	simm.s32 @!p1 $0xD;
	[sflag:s12] =	ssyncset.done @!p1 $0x0  }
0xc7: {  	s16 =	rddreg [dreg:$0x9];
	[sflag:s12] =	ssyncadd.s32 @!p1 $0xFFFFF000;
	s12 =	simm.s32 @!p1 $0x0  }
0xc8: {  	[hbm4b:s16+s12] =	stream.linear.scatter @!p1 [tilespmem:s10], [sflag:$0xD], $0x1000, $0x38;
	[tilespmem:$0x1EB00] =	vst v63  }
0xc9: {  	s22 =	simm.s32 $0x20;
	p2 =	sgt.u32 s25, $0x186;
	_ =	swait.ge @!p1 [sflag:s24], $0x1000  }
0xca: {  	s25 =	sadd.s32 $0x10000, s18;
	s21 =	sadd.s32 $0x2000, s16;
	[sflag:s24] =	ssyncset.done @!p1 $0x0  }
.LBB2_46:
0xcb: {  	s10 =	simm.s32 @!p2 $0x4400;
	s12 =	simm.s32 @!p2 $0xE;
	[sflag:s24] =	ssyncadd.s32 @!p1 $0xFFFFF000  }
0xcc: {  	s16 =	smov.u32 s22;
	p1 =	por p2, p2;
	s22 =	sadd.s32 $0x10, s22  }
0xcd: {  	[tilespmem:s10], [sflag:$0xE] =	stream.linear.gather @!p1 [spmem:s25], $0x1000, $0x38;
	[tilespmem:$0x1EB00] =	vst v63  }
0xce: {  	p3 =	sne.s32 s22, $0x190;
	_ =	swait.ge @!p1 [sflag:s12], $0x1000  }
.Ltmp17:
0xcf: {  	[sflag:s12] =	ssyncset.done @!p1 $0x0;
	(pc) =	sbr.rel @p3 .LBB2_46-.Ltmp17, $4  }
0xd0: {  	s24 =	simm.s32 @!p1 $0xD;
	[sflag:s12] =	ssyncadd.s32 @!p1 $0xFFFFF000;
	s12 =	simm.s32 @!p1 $0x0  }
0xd1: {  	[hbm4b:s21+s12] =	stream.linear.scatter @!p1 [tilespmem:s10], [sflag:$0xD], $0x1000, $0x38;
	[tilespmem:$0x1EB00] =	vst v63  }
0xd2: {  	s10 =	sadd.s32 s16, s5;
	s21 =	sadd.s32 $0x2000, s21;
	_ =	swait.ge @!p1 [sflag:s24], $0x1000  }
0xd3: {  	s25 =	sadd.s32 $0x10000, s25;
	p2 =	sgt.u32 s10, $0x186;
	[sflag:s24] =	ssyncset.done @!p1 $0x0  }
0xd4: {  	s10 =	simm.s32 @!p2 $0x4400  }
0xd5: {  	s12 =	simm.s32 @!p2 $0xE;
	[sflag:s24] =	ssyncadd.s32 @!p1 $0xFFFFF000;
	p1 =	por p2, p2  }
0xd6: {  	[tilespmem:s10], [sflag:$0xE] =	stream.linear.gather @!p1 [spmem:s25], $0x1000, $0x38;
	[tilespmem:$0x1EB00] =	vst v63  }
0xd7: {  	_ =	swait.ge @!p1 [sflag:s12], $0x1000  }
0xd8: {  	[sflag:s12] =	ssyncset.done @!p1 $0x0  }
0xd9: {  	s16 =	simm.s32 @!p1 $0xD;
	[sflag:s12] =	ssyncadd.s32 @!p1 $0xFFFFF000;
	s12 =	simm.s32 @!p1 $0x0  }
0xda: {  	[hbm4b:s21+s12] =	stream.linear.scatter @!p1 [tilespmem:s10], [sflag:$0xD], $0x1000, $0x38;
	[tilespmem:$0x1EB00] =	vst v63  }
0xdb: {  	_ =	swait.ge @!p1 [sflag:s16], $0x1000  }
0xdc: {  	s25 =	sadd.s32 $0x0, s5;
	[sflag:s16] =	ssyncset.done @!p1 $0x0  }
0xdd: {  	[sflag:s16] =	ssyncadd.s32 @!p1 $0xFFFFF000;
	p1 =	sgt.u32 s25, $0x186  }
0xde: {  	[bflag:$0x0] =	sbarrier.arrive $0xFFFF;
	s10 =	simm.s32 @!p1 $0x5400;
	s25 =	simm.s32 @!p1 $0xD  }
0xdf: {  	[spmem:s18] =	stream.linear.scatter @!p1 [tilespmem:s10], [sflag:$0xD], $0x1000, $0x38;
	[tilespmem:$0x1EB00] =	vst v63  }
0xe0: {  	s22 =	simm.s32 $0x10;
	_ =	swait.ge @!p1 [sflag:s25], $0x1000  }
0xe1: {  	s24 =	simm.s32 $0x20;
	s21 =	sadd.s32 $0x10000, s18;
	[sflag:s25] =	ssyncset.done @!p1 $0x0  }
.LBB2_48:
0xe2: {  	s10 =	sadd.s32 s22, s5;
	s22 =	smov.u32 s24;
	s24 =	sadd.s32 $0x10, s24  }
0xe3: {  	[sflag:s25] =	ssyncadd.s32 @!p1 $0xFFFFF000;
	p2 =	sne.s32 s24, $0x190  }
.Ltmp18:
0xe4: {  	p1 =	sgt.u32 s10, $0x186;
	(pc) =	sbr.rel @p2 .LBB2_48-.Ltmp18, $4  }
0xe5: {  	s10 =	simm.s32 @!p1 $0x5400;
	s25 =	simm.s32 @!p1 $0xD  }
0xe6: {  	[spmem:s21] =	stream.linear.scatter @!p1 [tilespmem:s10], [sflag:$0xD], $0x1000, $0x38;
	[tilespmem:$0x1EB00] =	vst v63  }
0xe7: {  	_ =	swait.ge @!p1 [sflag:s25], $0x1000  }
0xe8: {  	s21 =	sadd.s32 $0x10000, s21;
	[sflag:s25] =	ssyncset.done @!p1 $0x0  }
0xe9: {  	s10 =	sadd.s32 s22, s5  }
0xea: {  	p2 =	sgt.u32 s10, $0x186  }
0xeb: {  	[sflag:s25] =	ssyncadd.s32 @!p1 $0xFFFFF000;
	s10 =	simm.s32 @!p2 $0x5400;
	s12 =	simm.s32 @!p2 $0xD  }
0xec: {  	[spmem:s21] =	stream.linear.scatter @!p2 [tilespmem:s10], [sflag:$0xD], $0x1000, $0x38;
	[tilespmem:$0x1EB00] =	vst v63  }
0xed: {  	_ =	swait.ge @!p2 [sflag:s12], $0x1000  }
0xee: {  	[sflag:s12] =	ssyncset.done @!p2 $0x0  }
0xef: {  	[sflag:s12] =	ssyncadd.s32 @!p2 $0xFFFFF000  }
0xf0: {  	[bflag:$0x0] =	sbarrier.arrive $0xFFFF  }
0xf1: {  	[tilespmem:s2], [sflag:$0x1] =	stream.linear.gather [hbm4b:s11+s2], $0x100, $0x38;
	[tilespmem:$0x1EB00] =	vst v63  }
0xf2: {  	s21 =	rddreg [dreg:$0x4]  }
0xf3: {  	[tilespmem:s26], [sflag:$0x2] =	stream.linear.gather [hbm4b:s21+s2], $0x100, $0x38;
	[tilespmem:$0x1EB00] =	vst v63  }
0xf4: {  	_ = 	snop  }
0xf5: {  	[tilespmem:s28], [sflag:$0x3] =	stream.linear.gather [hbm4b:s13+s2], $0x100, $0x38;
	[tilespmem:$0x1EB00] =	vst v63  }
0xf6: {  	_ =	swait.ge [sflag:s29], $0x100  }
0xf7: {  	[sflag:s29] =	ssyncset.done $0x0  }
0xf8: {  	[sflag:s29] =	ssyncadd.s32 $0xFFFFFF00  }
0xf9: {  	[tilespmem:s31], [sflag:$0x5] =	stream.indirect.gather [hbm4b:s8+s30], $0x20, s2, s30, $0xb8;
	[tilespmem:$0x1EB00] =	vst v63  }
0xfa: {  	_ =	swait.ge [sflag:s0], $0x100  }
0xfb: {  	[sflag:s0] =	ssyncset.done $0x0  }
0xfc: {  	s22 =	simm.s32 $0x1400;
	[sflag:s0] =	ssyncadd.s32 $0xFFFFFF00  }
0xfd: {  	[tilespmem:s22], [sflag:$0x6] =	stream.indirect.gather [hbm4b:s8+s30], $0x20, s26, s30, $0xb8;
	[tilespmem:$0x1EB00] =	vst v63  }
0xfe: {  	s24 =	simm.s32 $0x300  }
0xff: {  	[tilespmem:s24], [sflag:$0x4] =	stream.linear.gather [hbm4b:s15+s2], $0x100, $0x38;
	[tilespmem:$0x1EB00] =	vst v63  }
0x100: {  	_ =	swait.ge [sflag:s14], $0x100  }
0x101: {  	[sflag:s14] =	ssyncset.done $0x0  }
0x102: {  	s25 =	simm.s32 $0x2400;
	[sflag:s14] =	ssyncadd.s32 $0xFFFFFF00  }
0x103: {  	[tilespmem:s25], [sflag:$0x7] =	stream.indirect.gather [hbm4b:s8+s30], $0x20, s28, s30, $0xb8;
	[tilespmem:$0x1EB00] =	vst v63  }
.Ltmp19:
0x104: {  	_ = 	snop;
	(pc) =	sbr.rel .LBB2_50-.Ltmp19, $4  }
0x105: {  	_ =	swait.ge [sflag:s17], $0x1000  }
0x106: {  	[sflag:s17] =	ssyncset.done $0x0  }
0x107: {  	s21 =	smov.u32 s23;
	s22 =	simm.s32 $0x4;
	[sflag:s17] =	ssyncadd.s32 $0xFFFFF000  }
0x108: {  	[spmem:s1] =	stream.indirect.scatter.add.f32 [tilespmem:s31], [sflag:$0x9], $0x20, s30, s30, $0xb8;
	[tilespmem:$0x1EB00] =	vst v63  }
.LBB2_54:
0x109: {  	s24 =	sand.u32 $0x3, s24  }
.LBB2_55:
0x10a: {  	s22 =	sadd.s32 $0x1, s22  }
0x10b: {  	p1 =	sne.s32 s22, $0x18A  }
.Ltmp20:
0x10c: {  	s10 =	sadd.s32 $0x5, s24;
	(pc) =	sbr.rel @!p1 .LBB2_56-.Ltmp20, $4  }
0x10d: {  	s12 =	sshll.u32 s24, $0xC;
	s16 =	sshll.u32 s24, $0x8;
	_ =	swait.ge [sflag:s10], $0x1000  }
0x10e: {  	s25 =	sadd.s32 $0x9, s24;
	s21 =	sadd.s32 $0x20, s21;
	[sflag:s10] =	ssyncset.done $0x0  }
0x10f: {  	s12 =	sor.u32 $0x400, s12;
	s16 =	sor.u32 $0x80, s16;
	[sflag:s10] =	ssyncadd.s32 $0xFFFFF000  }
0x110: {  	[spmem:s1] =	stream.indirect.scatter.add.f32 [tilespmem:s12], [sflag:s25], $0x20, s16, s30, $0xb8;
	[tilespmem:$0x1EB00] =	vst v63  }
.LBB2_50:
0x111: {  	s24 =	sadd.s32 $0xFFFFFFFD, s22  }
0x112: {  	p1 =	sgt.u32 s24, $0x183  }
.Ltmp21:
0x113: {  	s25 =	sand.u32 $0x3, s22;
	(pc) =	sbr.rel @p1 .LBB2_53-.Ltmp21, $4  }
0x114: {  	s10 =	sadd.s32 $0x9, s25  }
0x115: {  	_ =	swait.ge [sflag:s10], $0x1000  }
0x116: {  	[sflag:s10] =	ssyncset.done $0x0  }
0x117: {  	[sflag:s10] =	ssyncadd.s32 $0xFFFFF000  }
.Ltmp22:
0x118: {  	(pc) =	sbr.rel .LBB2_52-.Ltmp22, $3  }
0x119: {  	_ =	sdelay $0x1  }
0x11a: {  	s10 =	sshll.u32 s25, $0x8;
	s12 =	sadd.s32 $0x1, s25  }
0x11b: {  	[tilespmem:s10], [sflag:s12] =	stream.linear.gather [hbm4b:s21+s2], $0x100, $0x38;
	[tilespmem:$0x1EB00] =	vst v63  }
.LBB2_53:
0x11c: {  	p1 =	seq.s32 s22, $0x187  }
.Ltmp23:
0x11d: {  	_ = 	snop;
	(pc) =	sbr.rel @!p1 .LBB2_54-.Ltmp23, $1  }
0x11e: {  	_ =	sdelay $0x3  }
.LBB2_52:
0x11f: {  	s24 =	sand.u32 $0x3, s24  }
0x120: {  	s10 =	sxor.u32 $0x2, s24  }
.Ltmp24:
0x121: {  	s12 =	sadd.s32 $0x1, s10;
	(pc) =	sbr.rel .LBB2_55-.Ltmp24, $4  }
0x122: {  	_ =	swait.ge [sflag:s12], $0x100  }
0x123: {  	s25 =	sshll.u32 s10, $0xC;
	s16 =	sshll.u32 s10, $0x8;
	[sflag:s12] =	ssyncset.done $0x0  }
0x124: {  	s10 =	sadd.s32 $0x5, s10;
	[sflag:s12] =	ssyncadd.s32 $0xFFFFFF00;
	s12 =	sor.u32 $0x400, s25  }
0x125: {  	[tilespmem:s12], [sflag:s10] =	stream.indirect.gather [hbm4b:s8+s30], $0x20, s16, s30, $0xb8;
	[tilespmem:$0x1EB00] =	vst v63  }
.LBB2_11:
0x126: {  	_ =	swait.ge [sflag:s19], $0x1000;
	s10 =	sadd.s32 $0x0, s5  }
0x127: {  	[sflag:s19] =	ssyncset.done $0x0;
	p1 =	sgt.u32 s10, $0x186  }
0x128: {  	[sflag:s19] =	ssyncadd.s32 $0xFFFFF000;
	s10 =	simm.s32 @!p1 $0x4400  }
0x129: {  	s16 =	simm.s32 @!p1 $0xE;
	p1 =	por p1, p1;
	[bflag:$0x0] =	sbarrier.arrive $0xFFFF  }
0x12a: {  	[tilespmem:s10], [sflag:$0xE] =	stream.linear.gather @!p1 [spmem:s18], $0x1000, $0x38;
	[tilespmem:$0x1EB00] =	vst v63  }
0x12b: {  	_ =	swait.ge @!p1 [sflag:s16], $0x1000  }
0x12c: {  	s25 =	sadd.s32 $0x10, s5;
	s24 =	simm.s32 @!p1 $0xD;
	[sflag:s16] =	ssyncset.done @!p1 $0x0  }
0x12d: {  	s12 =	rddreg [dreg:$0x6];
	[sflag:s16] =	ssyncadd.s32 @!p1 $0xFFFFF000;
	s16 =	simm.s32 @!p1 $0x0  }
0x12e: {  	[hbm4b:s12+s16] =	stream.linear.scatter @!p1 [tilespmem:s10], [sflag:$0xD], $0x1000, $0x38;
	[tilespmem:$0x1EB00] =	vst v63  }
0x12f: {  	s22 =	simm.s32 $0x20;
	p2 =	sgt.u32 s25, $0x186;
	_ =	swait.ge @!p1 [sflag:s24], $0x1000  }
0x130: {  	s25 =	sadd.s32 $0x10000, s18;
	s21 =	sadd.s32 $0x2000, s12;
	[sflag:s24] =	ssyncset.done @!p1 $0x0  }
.LBB2_12:
0x131: {  	s10 =	simm.s32 @!p2 $0x4400;
	s16 =	simm.s32 @!p2 $0xE;
	[sflag:s24] =	ssyncadd.s32 @!p1 $0xFFFFF000  }
0x132: {  	s12 =	smov.u32 s22;
	p1 =	por p2, p2;
	s22 =	sadd.s32 $0x10, s22  }
0x133: {  	[tilespmem:s10], [sflag:$0xE] =	stream.linear.gather @!p1 [spmem:s25], $0x1000, $0x38;
	[tilespmem:$0x1EB00] =	vst v63  }
0x134: {  	p3 =	sne.s32 s22, $0x190;
	_ =	swait.ge @!p1 [sflag:s16], $0x1000  }
.Ltmp25:
0x135: {  	[sflag:s16] =	ssyncset.done @!p1 $0x0;
	(pc) =	sbr.rel @p3 .LBB2_12-.Ltmp25, $4  }
0x136: {  	s24 =	simm.s32 @!p1 $0xD;
	[sflag:s16] =	ssyncadd.s32 @!p1 $0xFFFFF000;
	s16 =	simm.s32 @!p1 $0x0  }
0x137: {  	[hbm4b:s21+s16] =	stream.linear.scatter @!p1 [tilespmem:s10], [sflag:$0xD], $0x1000, $0x38;
	[tilespmem:$0x1EB00] =	vst v63  }
0x138: {  	s10 =	sadd.s32 s12, s5;
	s21 =	sadd.s32 $0x2000, s21;
	_ =	swait.ge @!p1 [sflag:s24], $0x1000  }
0x139: {  	s25 =	sadd.s32 $0x10000, s25;
	p2 =	sgt.u32 s10, $0x186;
	[sflag:s24] =	ssyncset.done @!p1 $0x0  }
0x13a: {  	s10 =	simm.s32 @!p2 $0x4400  }
0x13b: {  	s12 =	simm.s32 @!p2 $0xE;
	[sflag:s24] =	ssyncadd.s32 @!p1 $0xFFFFF000;
	p1 =	por p2, p2  }
0x13c: {  	[tilespmem:s10], [sflag:$0xE] =	stream.linear.gather @!p1 [spmem:s25], $0x1000, $0x38;
	[tilespmem:$0x1EB00] =	vst v63  }
0x13d: {  	_ =	swait.ge @!p1 [sflag:s12], $0x1000  }
0x13e: {  	[sflag:s12] =	ssyncset.done @!p1 $0x0  }
0x13f: {  	s16 =	simm.s32 @!p1 $0xD;
	[sflag:s12] =	ssyncadd.s32 @!p1 $0xFFFFF000;
	s12 =	simm.s32 @!p1 $0x0  }
0x140: {  	[hbm4b:s21+s12] =	stream.linear.scatter @!p1 [tilespmem:s10], [sflag:$0xD], $0x1000, $0x38;
	[tilespmem:$0x1EB00] =	vst v63  }
0x141: {  	_ =	swait.ge @!p1 [sflag:s16], $0x1000  }
0x142: {  	s25 =	sadd.s32 $0x0, s5;
	[sflag:s16] =	ssyncset.done @!p1 $0x0  }
0x143: {  	[sflag:s16] =	ssyncadd.s32 @!p1 $0xFFFFF000;
	p1 =	sgt.u32 s25, $0x186  }
0x144: {  	[bflag:$0x0] =	sbarrier.arrive $0xFFFF;
	s10 =	simm.s32 @!p1 $0x5400;
	s25 =	simm.s32 @!p1 $0xD  }
0x145: {  	[spmem:s18] =	stream.linear.scatter @!p1 [tilespmem:s10], [sflag:$0xD], $0x1000, $0x38;
	[tilespmem:$0x1EB00] =	vst v63  }
0x146: {  	s22 =	simm.s32 $0x10;
	_ =	swait.ge @!p1 [sflag:s25], $0x1000  }
0x147: {  	s24 =	simm.s32 $0x20;
	s21 =	sadd.s32 $0x10000, s18;
	[sflag:s25] =	ssyncset.done @!p1 $0x0  }
.LBB2_14:
0x148: {  	s10 =	sadd.s32 s22, s5;
	s22 =	smov.u32 s24;
	s24 =	sadd.s32 $0x10, s24  }
0x149: {  	[sflag:s25] =	ssyncadd.s32 @!p1 $0xFFFFF000;
	p2 =	sne.s32 s24, $0x190  }
.Ltmp26:
0x14a: {  	p1 =	sgt.u32 s10, $0x186;
	(pc) =	sbr.rel @p2 .LBB2_14-.Ltmp26, $4  }
0x14b: {  	s10 =	simm.s32 @!p1 $0x5400;
	s25 =	simm.s32 @!p1 $0xD  }
0x14c: {  	[spmem:s21] =	stream.linear.scatter @!p1 [tilespmem:s10], [sflag:$0xD], $0x1000, $0x38;
	[tilespmem:$0x1EB00] =	vst v63  }
0x14d: {  	_ =	swait.ge @!p1 [sflag:s25], $0x1000  }
0x14e: {  	s21 =	sadd.s32 $0x10000, s21;
	[sflag:s25] =	ssyncset.done @!p1 $0x0  }
0x14f: {  	s10 =	sadd.s32 s22, s5  }
0x150: {  	p2 =	sgt.u32 s10, $0x186  }
0x151: {  	[sflag:s25] =	ssyncadd.s32 @!p1 $0xFFFFF000;
	s10 =	simm.s32 @!p2 $0x5400;
	s12 =	simm.s32 @!p2 $0xD  }
0x152: {  	[spmem:s21] =	stream.linear.scatter @!p2 [tilespmem:s10], [sflag:$0xD], $0x1000, $0x38;
	[tilespmem:$0x1EB00] =	vst v63  }
0x153: {  	_ =	swait.ge @!p2 [sflag:s12], $0x1000  }
0x154: {  	[sflag:s12] =	ssyncset.done @!p2 $0x0  }
0x155: {  	[sflag:s12] =	ssyncadd.s32 @!p2 $0xFFFFF000  }
0x156: {  	[bflag:$0x0] =	sbarrier.arrive $0xFFFF  }
0x157: {  	[tilespmem:s2], [sflag:$0x1] =	stream.linear.gather [hbm4b:s11+s2], $0x100, $0x38;
	[tilespmem:$0x1EB00] =	vst v63  }
0x158: {  	s21 =	rddreg [dreg:$0x4]  }
0x159: {  	[tilespmem:s26], [sflag:$0x2] =	stream.linear.gather [hbm4b:s21+s2], $0x100, $0x38;
	[tilespmem:$0x1EB00] =	vst v63  }
0x15a: {  	_ = 	snop  }
0x15b: {  	[tilespmem:s28], [sflag:$0x3] =	stream.linear.gather [hbm4b:s13+s2], $0x100, $0x38;
	[tilespmem:$0x1EB00] =	vst v63  }
0x15c: {  	_ =	swait.ge [sflag:s29], $0x100  }
0x15d: {  	[sflag:s29] =	ssyncset.done $0x0  }
0x15e: {  	[sflag:s29] =	ssyncadd.s32 $0xFFFFFF00  }
0x15f: {  	[tilespmem:s31], [sflag:$0x5] =	stream.indirect.gather [hbm4b:s4+s30], $0x20, s2, s30, $0xb8;
	[tilespmem:$0x1EB00] =	vst v63  }
0x160: {  	_ =	swait.ge [sflag:s0], $0x100  }
0x161: {  	[sflag:s0] =	ssyncset.done $0x0  }
0x162: {  	s22 =	simm.s32 $0x1400;
	[sflag:s0] =	ssyncadd.s32 $0xFFFFFF00  }
0x163: {  	[tilespmem:s22], [sflag:$0x6] =	stream.indirect.gather [hbm4b:s4+s30], $0x20, s26, s30, $0xb8;
	[tilespmem:$0x1EB00] =	vst v63  }
0x164: {  	s24 =	simm.s32 $0x300  }
0x165: {  	[tilespmem:s24], [sflag:$0x4] =	stream.linear.gather [hbm4b:s15+s2], $0x100, $0x38;
	[tilespmem:$0x1EB00] =	vst v63  }
0x166: {  	_ =	swait.ge [sflag:s14], $0x100  }
0x167: {  	[sflag:s14] =	ssyncset.done $0x0  }
0x168: {  	s25 =	simm.s32 $0x2400;
	[sflag:s14] =	ssyncadd.s32 $0xFFFFFF00  }
0x169: {  	[tilespmem:s25], [sflag:$0x7] =	stream.indirect.gather [hbm4b:s4+s30], $0x20, s28, s30, $0xb8;
	[tilespmem:$0x1EB00] =	vst v63  }
.Ltmp27:
0x16a: {  	_ = 	snop;
	(pc) =	sbr.rel .LBB2_16-.Ltmp27, $4  }
0x16b: {  	_ =	swait.ge [sflag:s17], $0x1000  }
0x16c: {  	[sflag:s17] =	ssyncset.done $0x0  }
0x16d: {  	s21 =	smov.u32 s23;
	s22 =	simm.s32 $0x4;
	[sflag:s17] =	ssyncadd.s32 $0xFFFFF000  }
0x16e: {  	[spmem:s1] =	stream.indirect.scatter.add.f32 [tilespmem:s31], [sflag:$0x9], $0x20, s30, s30, $0xb8;
	[tilespmem:$0x1EB00] =	vst v63  }
.LBB2_20:
0x16f: {  	s24 =	sand.u32 $0x3, s24  }
.LBB2_21:
0x170: {  	s22 =	sadd.s32 $0x1, s22  }
0x171: {  	p1 =	sne.s32 s22, $0x18A  }
.Ltmp28:
0x172: {  	s10 =	sadd.s32 $0x5, s24;
	(pc) =	sbr.rel @!p1 .LBB2_22-.Ltmp28, $4  }
0x173: {  	s12 =	sshll.u32 s24, $0xC;
	s16 =	sshll.u32 s24, $0x8;
	_ =	swait.ge [sflag:s10], $0x1000  }
0x174: {  	s25 =	sadd.s32 $0x9, s24;
	s21 =	sadd.s32 $0x20, s21;
	[sflag:s10] =	ssyncset.done $0x0  }
0x175: {  	s12 =	sor.u32 $0x400, s12;
	s16 =	sor.u32 $0x80, s16;
	[sflag:s10] =	ssyncadd.s32 $0xFFFFF000  }
0x176: {  	[spmem:s1] =	stream.indirect.scatter.add.f32 [tilespmem:s12], [sflag:s25], $0x20, s16, s30, $0xb8;
	[tilespmem:$0x1EB00] =	vst v63  }
.LBB2_16:
0x177: {  	s24 =	sadd.s32 $0xFFFFFFFD, s22  }
0x178: {  	p1 =	sgt.u32 s24, $0x183  }
.Ltmp29:
0x179: {  	s25 =	sand.u32 $0x3, s22;
	(pc) =	sbr.rel @p1 .LBB2_19-.Ltmp29, $4  }
0x17a: {  	s10 =	sadd.s32 $0x9, s25  }
0x17b: {  	_ =	swait.ge [sflag:s10], $0x1000  }
0x17c: {  	[sflag:s10] =	ssyncset.done $0x0  }
0x17d: {  	[sflag:s10] =	ssyncadd.s32 $0xFFFFF000  }
.Ltmp30:
0x17e: {  	(pc) =	sbr.rel .LBB2_18-.Ltmp30, $3  }
0x17f: {  	_ =	sdelay $0x1  }
0x180: {  	s10 =	sshll.u32 s25, $0x8;
	s12 =	sadd.s32 $0x1, s25  }
0x181: {  	[tilespmem:s10], [sflag:s12] =	stream.linear.gather [hbm4b:s21+s2], $0x100, $0x38;
	[tilespmem:$0x1EB00] =	vst v63  }
.LBB2_19:
0x182: {  	p1 =	seq.s32 s22, $0x187  }
.Ltmp31:
0x183: {  	_ = 	snop;
	(pc) =	sbr.rel @!p1 .LBB2_20-.Ltmp31, $1  }
0x184: {  	_ =	sdelay $0x3  }
.LBB2_18:
0x185: {  	s24 =	sand.u32 $0x3, s24  }
0x186: {  	s10 =	sxor.u32 $0x2, s24  }
.Ltmp32:
0x187: {  	s12 =	sadd.s32 $0x1, s10;
	(pc) =	sbr.rel .LBB2_21-.Ltmp32, $4  }
0x188: {  	_ =	swait.ge [sflag:s12], $0x100  }
0x189: {  	s25 =	sshll.u32 s10, $0xC;
	s16 =	sshll.u32 s10, $0x8;
	[sflag:s12] =	ssyncset.done $0x0  }
0x18a: {  	s10 =	sadd.s32 $0x5, s10;
	[sflag:s12] =	ssyncadd.s32 $0xFFFFFF00;
	s12 =	sor.u32 $0x400, s25  }
0x18b: {  	[tilespmem:s12], [sflag:s10] =	stream.indirect.gather [hbm4b:s4+s30], $0x20, s16, s30, $0xb8;
	[tilespmem:$0x1EB00] =	vst v63  }
.LBB2_56:
0x18c: {  	_ =	swait.ge [sflag:s19], $0x1000;
	s10 =	sadd.s32 $0x0, s5  }
0x18d: {  	[sflag:s19] =	ssyncset.done $0x0;
	p1 =	sgt.u32 s10, $0x186  }
0x18e: {  	[sflag:s19] =	ssyncadd.s32 $0xFFFFF000;
	s10 =	simm.s32 @!p1 $0x4400  }
0x18f: {  	s12 =	simm.s32 @!p1 $0xE;
	p1 =	por p1, p1;
	[bflag:$0x0] =	sbarrier.arrive $0xFFFF  }
0x190: {  	[tilespmem:s10], [sflag:$0xE] =	stream.linear.gather @!p1 [spmem:s18], $0x1000, $0x38;
	[tilespmem:$0x1EB00] =	vst v63  }
0x191: {  	_ =	swait.ge @!p1 [sflag:s12], $0x1000  }
0x192: {  	s25 =	sadd.s32 $0x10, s5;
	s24 =	simm.s32 @!p1 $0xD;
	[sflag:s12] =	ssyncset.done @!p1 $0x0  }
0x193: {  	s16 =	rddreg [dreg:$0xa];
	[sflag:s12] =	ssyncadd.s32 @!p1 $0xFFFFF000;
	s12 =	simm.s32 @!p1 $0x0  }
0x194: {  	[hbm4b:s16+s12] =	stream.linear.scatter @!p1 [tilespmem:s10], [sflag:$0xD], $0x1000, $0x38;
	[tilespmem:$0x1EB00] =	vst v63  }
0x195: {  	s22 =	simm.s32 $0x20;
	p2 =	sgt.u32 s25, $0x186;
	_ =	swait.ge @!p1 [sflag:s24], $0x1000  }
0x196: {  	s25 =	sadd.s32 $0x10000, s18;
	s21 =	sadd.s32 $0x2000, s16;
	[sflag:s24] =	ssyncset.done @!p1 $0x0  }
.LBB2_57:
0x197: {  	s10 =	simm.s32 @!p2 $0x4400;
	s12 =	simm.s32 @!p2 $0xE;
	[sflag:s24] =	ssyncadd.s32 @!p1 $0xFFFFF000  }
0x198: {  	s16 =	smov.u32 s22;
	p1 =	por p2, p2;
	s22 =	sadd.s32 $0x10, s22  }
0x199: {  	[tilespmem:s10], [sflag:$0xE] =	stream.linear.gather @!p1 [spmem:s25], $0x1000, $0x38;
	[tilespmem:$0x1EB00] =	vst v63  }
0x19a: {  	p3 =	sne.s32 s22, $0x190;
	_ =	swait.ge @!p1 [sflag:s12], $0x1000  }
.Ltmp33:
0x19b: {  	[sflag:s12] =	ssyncset.done @!p1 $0x0;
	(pc) =	sbr.rel @p3 .LBB2_57-.Ltmp33, $4  }
0x19c: {  	s24 =	simm.s32 @!p1 $0xD;
	[sflag:s12] =	ssyncadd.s32 @!p1 $0xFFFFF000;
	s12 =	simm.s32 @!p1 $0x0  }
0x19d: {  	[hbm4b:s21+s12] =	stream.linear.scatter @!p1 [tilespmem:s10], [sflag:$0xD], $0x1000, $0x38;
	[tilespmem:$0x1EB00] =	vst v63  }
0x19e: {  	s10 =	sadd.s32 s16, s5;
	s21 =	sadd.s32 $0x2000, s21;
	_ =	swait.ge @!p1 [sflag:s24], $0x1000  }
0x19f: {  	s25 =	sadd.s32 $0x10000, s25;
	p2 =	sgt.u32 s10, $0x186;
	[sflag:s24] =	ssyncset.done @!p1 $0x0  }
0x1a0: {  	s10 =	simm.s32 @!p2 $0x4400  }
0x1a1: {  	s12 =	simm.s32 @!p2 $0xE;
	[sflag:s24] =	ssyncadd.s32 @!p1 $0xFFFFF000;
	p1 =	por p2, p2  }
0x1a2: {  	[tilespmem:s10], [sflag:$0xE] =	stream.linear.gather @!p1 [spmem:s25], $0x1000, $0x38;
	[tilespmem:$0x1EB00] =	vst v63  }
0x1a3: {  	_ =	swait.ge @!p1 [sflag:s12], $0x1000  }
0x1a4: {  	[sflag:s12] =	ssyncset.done @!p1 $0x0  }
0x1a5: {  	s16 =	simm.s32 @!p1 $0xD;
	[sflag:s12] =	ssyncadd.s32 @!p1 $0xFFFFF000;
	s12 =	simm.s32 @!p1 $0x0  }
0x1a6: {  	[hbm4b:s21+s12] =	stream.linear.scatter @!p1 [tilespmem:s10], [sflag:$0xD], $0x1000, $0x38;
	[tilespmem:$0x1EB00] =	vst v63  }
0x1a7: {  	_ =	swait.ge @!p1 [sflag:s16], $0x1000  }
0x1a8: {  	s25 =	sadd.s32 $0x0, s5;
	[sflag:s16] =	ssyncset.done @!p1 $0x0  }
0x1a9: {  	[sflag:s16] =	ssyncadd.s32 @!p1 $0xFFFFF000;
	p1 =	sgt.u32 s25, $0x186  }
0x1aa: {  	[bflag:$0x0] =	sbarrier.arrive $0xFFFF;
	s10 =	simm.s32 @!p1 $0x5400;
	s25 =	simm.s32 @!p1 $0xD  }
0x1ab: {  	[spmem:s18] =	stream.linear.scatter @!p1 [tilespmem:s10], [sflag:$0xD], $0x1000, $0x38;
	[tilespmem:$0x1EB00] =	vst v63  }
0x1ac: {  	s22 =	simm.s32 $0x10;
	_ =	swait.ge @!p1 [sflag:s25], $0x1000  }
0x1ad: {  	s24 =	simm.s32 $0x20;
	s21 =	sadd.s32 $0x10000, s18;
	[sflag:s25] =	ssyncset.done @!p1 $0x0  }
.LBB2_59:
0x1ae: {  	s10 =	sadd.s32 s22, s5;
	s22 =	smov.u32 s24;
	s24 =	sadd.s32 $0x10, s24  }
0x1af: {  	[sflag:s25] =	ssyncadd.s32 @!p1 $0xFFFFF000;
	p2 =	sne.s32 s24, $0x190  }
.Ltmp34:
0x1b0: {  	p1 =	sgt.u32 s10, $0x186;
	(pc) =	sbr.rel @p2 .LBB2_59-.Ltmp34, $4  }
0x1b1: {  	s10 =	simm.s32 @!p1 $0x5400;
	s25 =	simm.s32 @!p1 $0xD  }
0x1b2: {  	[spmem:s21] =	stream.linear.scatter @!p1 [tilespmem:s10], [sflag:$0xD], $0x1000, $0x38;
	[tilespmem:$0x1EB00] =	vst v63  }
0x1b3: {  	_ =	swait.ge @!p1 [sflag:s25], $0x1000  }
0x1b4: {  	s21 =	sadd.s32 $0x10000, s21;
	[sflag:s25] =	ssyncset.done @!p1 $0x0  }
0x1b5: {  	s10 =	sadd.s32 s22, s5  }
0x1b6: {  	p2 =	sgt.u32 s10, $0x186  }
0x1b7: {  	[sflag:s25] =	ssyncadd.s32 @!p1 $0xFFFFF000;
	s10 =	simm.s32 @!p2 $0x5400;
	s12 =	simm.s32 @!p2 $0xD  }
0x1b8: {  	[spmem:s21] =	stream.linear.scatter @!p2 [tilespmem:s10], [sflag:$0xD], $0x1000, $0x38;
	[tilespmem:$0x1EB00] =	vst v63  }
0x1b9: {  	_ =	swait.ge @!p2 [sflag:s12], $0x1000  }
0x1ba: {  	[sflag:s12] =	ssyncset.done @!p2 $0x0  }
0x1bb: {  	[sflag:s12] =	ssyncadd.s32 @!p2 $0xFFFFF000  }
0x1bc: {  	[bflag:$0x0] =	sbarrier.arrive $0xFFFF  }
0x1bd: {  	[tilespmem:s2], [sflag:$0x1] =	stream.linear.gather [hbm4b:s11+s2], $0x100, $0x38;
	[tilespmem:$0x1EB00] =	vst v63  }
0x1be: {  	s21 =	rddreg [dreg:$0x4]  }
0x1bf: {  	[tilespmem:s26], [sflag:$0x2] =	stream.linear.gather [hbm4b:s21+s2], $0x100, $0x38;
	[tilespmem:$0x1EB00] =	vst v63  }
0x1c0: {  	_ = 	snop  }
0x1c1: {  	[tilespmem:s28], [sflag:$0x3] =	stream.linear.gather [hbm4b:s13+s2], $0x100, $0x38;
	[tilespmem:$0x1EB00] =	vst v63  }
0x1c2: {  	_ =	swait.ge [sflag:s29], $0x100  }
0x1c3: {  	[sflag:s29] =	ssyncset.done $0x0  }
0x1c4: {  	[sflag:s29] =	ssyncadd.s32 $0xFFFFFF00  }
0x1c5: {  	[tilespmem:s31], [sflag:$0x5] =	stream.indirect.gather [hbm4b:s9+s30], $0x20, s2, s30, $0xb8;
	[tilespmem:$0x1EB00] =	vst v63  }
0x1c6: {  	_ =	swait.ge [sflag:s0], $0x100  }
0x1c7: {  	[sflag:s0] =	ssyncset.done $0x0  }
0x1c8: {  	s22 =	simm.s32 $0x1400;
	[sflag:s0] =	ssyncadd.s32 $0xFFFFFF00  }
0x1c9: {  	[tilespmem:s22], [sflag:$0x6] =	stream.indirect.gather [hbm4b:s9+s30], $0x20, s26, s30, $0xb8;
	[tilespmem:$0x1EB00] =	vst v63  }
0x1ca: {  	s24 =	simm.s32 $0x300  }
0x1cb: {  	[tilespmem:s24], [sflag:$0x4] =	stream.linear.gather [hbm4b:s15+s2], $0x100, $0x38;
	[tilespmem:$0x1EB00] =	vst v63  }
0x1cc: {  	_ =	swait.ge [sflag:s14], $0x100  }
0x1cd: {  	[sflag:s14] =	ssyncset.done $0x0  }
0x1ce: {  	s25 =	simm.s32 $0x2400;
	[sflag:s14] =	ssyncadd.s32 $0xFFFFFF00  }
0x1cf: {  	[tilespmem:s25], [sflag:$0x7] =	stream.indirect.gather [hbm4b:s9+s30], $0x20, s28, s30, $0xb8;
	[tilespmem:$0x1EB00] =	vst v63  }
.Ltmp35:
0x1d0: {  	_ = 	snop;
	(pc) =	sbr.rel .LBB2_61-.Ltmp35, $4  }
0x1d1: {  	_ =	swait.ge [sflag:s17], $0x1000  }
0x1d2: {  	[sflag:s17] =	ssyncset.done $0x0  }
0x1d3: {  	s21 =	smov.u32 s23;
	s22 =	simm.s32 $0x4;
	[sflag:s17] =	ssyncadd.s32 $0xFFFFF000  }
0x1d4: {  	[spmem:s1] =	stream.indirect.scatter.add.f32 [tilespmem:s31], [sflag:$0x9], $0x20, s30, s30, $0xb8;
	[tilespmem:$0x1EB00] =	vst v63  }
.LBB2_65:
0x1d5: {  	s24 =	sand.u32 $0x3, s24  }
.LBB2_66:
0x1d6: {  	s22 =	sadd.s32 $0x1, s22  }
0x1d7: {  	p1 =	sne.s32 s22, $0x18A  }
.Ltmp36:
0x1d8: {  	s10 =	sadd.s32 $0x5, s24;
	(pc) =	sbr.rel @!p1 .LBB2_67-.Ltmp36, $4  }
0x1d9: {  	s12 =	sshll.u32 s24, $0xC;
	s16 =	sshll.u32 s24, $0x8;
	_ =	swait.ge [sflag:s10], $0x1000  }
0x1da: {  	s25 =	sadd.s32 $0x9, s24;
	s21 =	sadd.s32 $0x20, s21;
	[sflag:s10] =	ssyncset.done $0x0  }
0x1db: {  	s12 =	sor.u32 $0x400, s12;
	s16 =	sor.u32 $0x80, s16;
	[sflag:s10] =	ssyncadd.s32 $0xFFFFF000  }
0x1dc: {  	[spmem:s1] =	stream.indirect.scatter.add.f32 [tilespmem:s12], [sflag:s25], $0x20, s16, s30, $0xb8;
	[tilespmem:$0x1EB00] =	vst v63  }
.LBB2_61:
0x1dd: {  	s24 =	sadd.s32 $0xFFFFFFFD, s22  }
0x1de: {  	p1 =	sgt.u32 s24, $0x183  }
.Ltmp37:
0x1df: {  	s25 =	sand.u32 $0x3, s22;
	(pc) =	sbr.rel @p1 .LBB2_64-.Ltmp37, $4  }
0x1e0: {  	s10 =	sadd.s32 $0x9, s25  }
0x1e1: {  	_ =	swait.ge [sflag:s10], $0x1000  }
0x1e2: {  	[sflag:s10] =	ssyncset.done $0x0  }
0x1e3: {  	[sflag:s10] =	ssyncadd.s32 $0xFFFFF000  }
.Ltmp38:
0x1e4: {  	(pc) =	sbr.rel .LBB2_63-.Ltmp38, $3  }
0x1e5: {  	_ =	sdelay $0x1  }
0x1e6: {  	s10 =	sshll.u32 s25, $0x8;
	s12 =	sadd.s32 $0x1, s25  }
0x1e7: {  	[tilespmem:s10], [sflag:s12] =	stream.linear.gather [hbm4b:s21+s2], $0x100, $0x38;
	[tilespmem:$0x1EB00] =	vst v63  }
.LBB2_64:
0x1e8: {  	p1 =	seq.s32 s22, $0x187  }
.Ltmp39:
0x1e9: {  	_ = 	snop;
	(pc) =	sbr.rel @!p1 .LBB2_65-.Ltmp39, $1  }
0x1ea: {  	_ =	sdelay $0x3  }
.LBB2_63:
0x1eb: {  	s24 =	sand.u32 $0x3, s24  }
0x1ec: {  	s10 =	sxor.u32 $0x2, s24  }
.Ltmp40:
0x1ed: {  	s12 =	sadd.s32 $0x1, s10;
	(pc) =	sbr.rel .LBB2_66-.Ltmp40, $4  }
0x1ee: {  	_ =	swait.ge [sflag:s12], $0x100  }
0x1ef: {  	s25 =	sshll.u32 s10, $0xC;
	s16 =	sshll.u32 s10, $0x8;
	[sflag:s12] =	ssyncset.done $0x0  }
0x1f0: {  	s10 =	sadd.s32 $0x5, s10;
	[sflag:s12] =	ssyncadd.s32 $0xFFFFFF00;
	s12 =	sor.u32 $0x400, s25  }
0x1f1: {  	[tilespmem:s12], [sflag:s10] =	stream.indirect.gather [hbm4b:s9+s30], $0x20, s16, s30, $0xb8;
	[tilespmem:$0x1EB00] =	vst v63  }
.LBB2_22:
0x1f2: {  	_ =	swait.ge [sflag:s19], $0x1000;
	s10 =	sadd.s32 $0x0, s5  }
0x1f3: {  	[sflag:s19] =	ssyncset.done $0x0;
	p1 =	sgt.u32 s10, $0x186  }
0x1f4: {  	[sflag:s19] =	ssyncadd.s32 $0xFFFFF000;
	s10 =	simm.s32 @!p1 $0x4400  }
0x1f5: {  	s12 =	simm.s32 @!p1 $0xE;
	p1 =	por p1, p1;
	[bflag:$0x0] =	sbarrier.arrive $0xFFFF  }
0x1f6: {  	[tilespmem:s10], [sflag:$0xE] =	stream.linear.gather @!p1 [spmem:s18], $0x1000, $0x38;
	[tilespmem:$0x1EB00] =	vst v63  }
0x1f7: {  	_ =	swait.ge @!p1 [sflag:s12], $0x1000  }
0x1f8: {  	s25 =	sadd.s32 $0x10, s5;
	s24 =	simm.s32 @!p1 $0xD;
	[sflag:s12] =	ssyncset.done @!p1 $0x0  }
0x1f9: {  	s16 =	rddreg [dreg:$0x7];
	[sflag:s12] =	ssyncadd.s32 @!p1 $0xFFFFF000;
	s12 =	simm.s32 @!p1 $0x0  }
0x1fa: {  	[hbm4b:s16+s12] =	stream.linear.scatter @!p1 [tilespmem:s10], [sflag:$0xD], $0x1000, $0x38;
	[tilespmem:$0x1EB00] =	vst v63  }
0x1fb: {  	s22 =	simm.s32 $0x20;
	p2 =	sgt.u32 s25, $0x186;
	_ =	swait.ge @!p1 [sflag:s24], $0x1000  }
0x1fc: {  	s25 =	sadd.s32 $0x10000, s18;
	s21 =	sadd.s32 $0x2000, s16;
	[sflag:s24] =	ssyncset.done @!p1 $0x0  }
.LBB2_23:
0x1fd: {  	s10 =	simm.s32 @!p2 $0x4400;
	s12 =	simm.s32 @!p2 $0xE;
	[sflag:s24] =	ssyncadd.s32 @!p1 $0xFFFFF000  }
0x1fe: {  	s16 =	smov.u32 s22;
	p1 =	por p2, p2;
	s22 =	sadd.s32 $0x10, s22  }
0x1ff: {  	[tilespmem:s10], [sflag:$0xE] =	stream.linear.gather @!p1 [spmem:s25], $0x1000, $0x38;
	[tilespmem:$0x1EB00] =	vst v63  }
0x200: {  	p3 =	sne.s32 s22, $0x190;
	_ =	swait.ge @!p1 [sflag:s12], $0x1000  }
.Ltmp41:
0x201: {  	[sflag:s12] =	ssyncset.done @!p1 $0x0;
	(pc) =	sbr.rel @p3 .LBB2_23-.Ltmp41, $4  }
0x202: {  	s24 =	simm.s32 @!p1 $0xD;
	[sflag:s12] =	ssyncadd.s32 @!p1 $0xFFFFF000;
	s12 =	simm.s32 @!p1 $0x0  }
0x203: {  	[hbm4b:s21+s12] =	stream.linear.scatter @!p1 [tilespmem:s10], [sflag:$0xD], $0x1000, $0x38;
	[tilespmem:$0x1EB00] =	vst v63  }
0x204: {  	s10 =	sadd.s32 s16, s5;
	s21 =	sadd.s32 $0x2000, s21;
	_ =	swait.ge @!p1 [sflag:s24], $0x1000  }
0x205: {  	s25 =	sadd.s32 $0x10000, s25;
	p2 =	sgt.u32 s10, $0x186;
	[sflag:s24] =	ssyncset.done @!p1 $0x0  }
0x206: {  	s10 =	simm.s32 @!p2 $0x4400  }
0x207: {  	s12 =	simm.s32 @!p2 $0xE;
	[sflag:s24] =	ssyncadd.s32 @!p1 $0xFFFFF000;
	p1 =	por p2, p2  }
0x208: {  	[tilespmem:s10], [sflag:$0xE] =	stream.linear.gather @!p1 [spmem:s25], $0x1000, $0x38;
	[tilespmem:$0x1EB00] =	vst v63  }
0x209: {  	_ =	swait.ge @!p1 [sflag:s12], $0x1000  }
0x20a: {  	[sflag:s12] =	ssyncset.done @!p1 $0x0  }
0x20b: {  	s16 =	simm.s32 @!p1 $0xD;
	[sflag:s12] =	ssyncadd.s32 @!p1 $0xFFFFF000;
	s12 =	simm.s32 @!p1 $0x0  }
0x20c: {  	[hbm4b:s21+s12] =	stream.linear.scatter @!p1 [tilespmem:s10], [sflag:$0xD], $0x1000, $0x38;
	[tilespmem:$0x1EB00] =	vst v63  }
0x20d: {  	_ =	swait.ge @!p1 [sflag:s16], $0x1000  }
0x20e: {  	s25 =	sadd.s32 $0x0, s5;
	[sflag:s16] =	ssyncset.done @!p1 $0x0  }
0x20f: {  	[sflag:s16] =	ssyncadd.s32 @!p1 $0xFFFFF000;
	p1 =	sgt.u32 s25, $0x186  }
0x210: {  	[bflag:$0x0] =	sbarrier.arrive $0xFFFF;
	s10 =	simm.s32 @!p1 $0x5400;
	s25 =	simm.s32 @!p1 $0xD  }
0x211: {  	[spmem:s18] =	stream.linear.scatter @!p1 [tilespmem:s10], [sflag:$0xD], $0x1000, $0x38;
	[tilespmem:$0x1EB00] =	vst v63  }
0x212: {  	s22 =	simm.s32 $0x10;
	_ =	swait.ge @!p1 [sflag:s25], $0x1000  }
0x213: {  	s24 =	simm.s32 $0x20;
	s21 =	sadd.s32 $0x10000, s18;
	[sflag:s25] =	ssyncset.done @!p1 $0x0  }
.LBB2_25:
0x214: {  	s10 =	sadd.s32 s22, s5;
	s22 =	smov.u32 s24;
	s24 =	sadd.s32 $0x10, s24  }
0x215: {  	[sflag:s25] =	ssyncadd.s32 @!p1 $0xFFFFF000;
	p2 =	sne.s32 s24, $0x190  }
.Ltmp42:
0x216: {  	p1 =	sgt.u32 s10, $0x186;
	(pc) =	sbr.rel @p2 .LBB2_25-.Ltmp42, $4  }
0x217: {  	s10 =	simm.s32 @!p1 $0x5400;
	s25 =	simm.s32 @!p1 $0xD  }
0x218: {  	[spmem:s21] =	stream.linear.scatter @!p1 [tilespmem:s10], [sflag:$0xD], $0x1000, $0x38;
	[tilespmem:$0x1EB00] =	vst v63  }
0x219: {  	_ =	swait.ge @!p1 [sflag:s25], $0x1000  }
0x21a: {  	s21 =	sadd.s32 $0x10000, s21;
	[sflag:s25] =	ssyncset.done @!p1 $0x0  }
0x21b: {  	s10 =	sadd.s32 s22, s5  }
0x21c: {  	p2 =	sgt.u32 s10, $0x186  }
0x21d: {  	[sflag:s25] =	ssyncadd.s32 @!p1 $0xFFFFF000;
	s10 =	simm.s32 @!p2 $0x5400;
	s12 =	simm.s32 @!p2 $0xD  }
0x21e: {  	[spmem:s21] =	stream.linear.scatter @!p2 [tilespmem:s10], [sflag:$0xD], $0x1000, $0x38;
	[tilespmem:$0x1EB00] =	vst v63  }
0x21f: {  	_ =	swait.ge @!p2 [sflag:s12], $0x1000  }
0x220: {  	[sflag:s12] =	ssyncset.done @!p2 $0x0  }
0x221: {  	[sflag:s12] =	ssyncadd.s32 @!p2 $0xFFFFF000  }
0x222: {  	[bflag:$0x0] =	sbarrier.arrive $0xFFFF  }
0x223: {  	[tilespmem:s2], [sflag:$0x1] =	stream.linear.gather [hbm4b:s11+s2], $0x100, $0x38;
	[tilespmem:$0x1EB00] =	vst v63  }
0x224: {  	s21 =	rddreg [dreg:$0x4]  }
0x225: {  	[tilespmem:s26], [sflag:$0x2] =	stream.linear.gather [hbm4b:s21+s2], $0x100, $0x38;
	[tilespmem:$0x1EB00] =	vst v63  }
0x226: {  	_ = 	snop  }
0x227: {  	[tilespmem:s28], [sflag:$0x3] =	stream.linear.gather [hbm4b:s13+s2], $0x100, $0x38;
	[tilespmem:$0x1EB00] =	vst v63  }
0x228: {  	_ =	swait.ge [sflag:s29], $0x100  }
0x229: {  	[sflag:s29] =	ssyncset.done $0x0  }
0x22a: {  	[sflag:s29] =	ssyncadd.s32 $0xFFFFFF00  }
0x22b: {  	[tilespmem:s31], [sflag:$0x5] =	stream.indirect.gather [hbm4b:s6+s30], $0x20, s2, s30, $0xb8;
	[tilespmem:$0x1EB00] =	vst v63  }
0x22c: {  	_ =	swait.ge [sflag:s0], $0x100  }
0x22d: {  	[sflag:s0] =	ssyncset.done $0x0  }
0x22e: {  	s22 =	simm.s32 $0x1400;
	[sflag:s0] =	ssyncadd.s32 $0xFFFFFF00  }
0x22f: {  	[tilespmem:s22], [sflag:$0x6] =	stream.indirect.gather [hbm4b:s6+s30], $0x20, s26, s30, $0xb8;
	[tilespmem:$0x1EB00] =	vst v63  }
0x230: {  	s24 =	simm.s32 $0x300  }
0x231: {  	[tilespmem:s24], [sflag:$0x4] =	stream.linear.gather [hbm4b:s15+s2], $0x100, $0x38;
	[tilespmem:$0x1EB00] =	vst v63  }
0x232: {  	_ =	swait.ge [sflag:s14], $0x100  }
0x233: {  	[sflag:s14] =	ssyncset.done $0x0  }
0x234: {  	s25 =	simm.s32 $0x2400;
	[sflag:s14] =	ssyncadd.s32 $0xFFFFFF00  }
0x235: {  	[tilespmem:s25], [sflag:$0x7] =	stream.indirect.gather [hbm4b:s6+s30], $0x20, s28, s30, $0xb8;
	[tilespmem:$0x1EB00] =	vst v63  }
.Ltmp43:
0x236: {  	_ = 	snop;
	(pc) =	sbr.rel .LBB2_27-.Ltmp43, $4  }
0x237: {  	_ =	swait.ge [sflag:s17], $0x1000  }
0x238: {  	[sflag:s17] =	ssyncset.done $0x0  }
0x239: {  	s21 =	smov.u32 s23;
	s22 =	simm.s32 $0x4;
	[sflag:s17] =	ssyncadd.s32 $0xFFFFF000  }
0x23a: {  	[spmem:s1] =	stream.indirect.scatter.add.f32 [tilespmem:s31], [sflag:$0x9], $0x20, s30, s30, $0xb8;
	[tilespmem:$0x1EB00] =	vst v63  }
.LBB2_31:
0x23b: {  	s24 =	sand.u32 $0x3, s24  }
.LBB2_32:
0x23c: {  	s22 =	sadd.s32 $0x1, s22  }
0x23d: {  	p1 =	sne.s32 s22, $0x18A  }
.Ltmp44:
0x23e: {  	s10 =	sadd.s32 $0x5, s24;
	(pc) =	sbr.rel @!p1 .LBB2_33-.Ltmp44, $4  }
0x23f: {  	s12 =	sshll.u32 s24, $0xC;
	s16 =	sshll.u32 s24, $0x8;
	_ =	swait.ge [sflag:s10], $0x1000  }
0x240: {  	s25 =	sadd.s32 $0x9, s24;
	s21 =	sadd.s32 $0x20, s21;
	[sflag:s10] =	ssyncset.done $0x0  }
0x241: {  	s12 =	sor.u32 $0x400, s12;
	s16 =	sor.u32 $0x80, s16;
	[sflag:s10] =	ssyncadd.s32 $0xFFFFF000  }
0x242: {  	[spmem:s1] =	stream.indirect.scatter.add.f32 [tilespmem:s12], [sflag:s25], $0x20, s16, s30, $0xb8;
	[tilespmem:$0x1EB00] =	vst v63  }
.LBB2_27:
0x243: {  	s24 =	sadd.s32 $0xFFFFFFFD, s22  }
0x244: {  	p1 =	sgt.u32 s24, $0x183  }
.Ltmp45:
0x245: {  	s25 =	sand.u32 $0x3, s22;
	(pc) =	sbr.rel @p1 .LBB2_30-.Ltmp45, $4  }
0x246: {  	s10 =	sadd.s32 $0x9, s25  }
0x247: {  	_ =	swait.ge [sflag:s10], $0x1000  }
0x248: {  	[sflag:s10] =	ssyncset.done $0x0  }
0x249: {  	[sflag:s10] =	ssyncadd.s32 $0xFFFFF000  }
.Ltmp46:
0x24a: {  	(pc) =	sbr.rel .LBB2_29-.Ltmp46, $3  }
0x24b: {  	_ =	sdelay $0x1  }
0x24c: {  	s10 =	sshll.u32 s25, $0x8;
	s12 =	sadd.s32 $0x1, s25  }
0x24d: {  	[tilespmem:s10], [sflag:s12] =	stream.linear.gather [hbm4b:s21+s2], $0x100, $0x38;
	[tilespmem:$0x1EB00] =	vst v63  }
.LBB2_30:
0x24e: {  	p1 =	seq.s32 s22, $0x187  }
.Ltmp47:
0x24f: {  	_ = 	snop;
	(pc) =	sbr.rel @!p1 .LBB2_31-.Ltmp47, $1  }
0x250: {  	_ =	sdelay $0x3  }
.LBB2_29:
0x251: {  	s24 =	sand.u32 $0x3, s24  }
0x252: {  	s10 =	sxor.u32 $0x2, s24  }
.Ltmp48:
0x253: {  	s12 =	sadd.s32 $0x1, s10;
	(pc) =	sbr.rel .LBB2_32-.Ltmp48, $4  }
0x254: {  	_ =	swait.ge [sflag:s12], $0x100  }
0x255: {  	s25 =	sshll.u32 s10, $0xC;
	s16 =	sshll.u32 s10, $0x8;
	[sflag:s12] =	ssyncset.done $0x0  }
0x256: {  	s10 =	sadd.s32 $0x5, s10;
	[sflag:s12] =	ssyncadd.s32 $0xFFFFFF00;
	s12 =	sor.u32 $0x400, s25  }
0x257: {  	[tilespmem:s12], [sflag:s10] =	stream.indirect.gather [hbm4b:s6+s30], $0x20, s16, s30, $0xb8;
	[tilespmem:$0x1EB00] =	vst v63  }
.LBB2_67:
0x258: {  	_ =	swait.ge [sflag:s19], $0x1000;
	s10 =	sadd.s32 $0x0, s5  }
0x259: {  	[sflag:s19] =	ssyncset.done $0x0;
	p1 =	sgt.u32 s10, $0x186  }
0x25a: {  	[sflag:s19] =	ssyncadd.s32 $0xFFFFF000;
	s10 =	simm.s32 @!p1 $0x4400  }
0x25b: {  	s12 =	simm.s32 @!p1 $0xE;
	p1 =	por p1, p1;
	[bflag:$0x0] =	sbarrier.arrive $0xFFFF  }
0x25c: {  	[tilespmem:s10], [sflag:$0xE] =	stream.linear.gather @!p1 [spmem:s18], $0x1000, $0x38;
	[tilespmem:$0x1EB00] =	vst v63  }
0x25d: {  	_ =	swait.ge @!p1 [sflag:s12], $0x1000  }
0x25e: {  	s25 =	sadd.s32 $0x10, s5;
	s24 =	simm.s32 @!p1 $0xD;
	[sflag:s12] =	ssyncset.done @!p1 $0x0  }
0x25f: {  	s16 =	rddreg [dreg:$0xb];
	[sflag:s12] =	ssyncadd.s32 @!p1 $0xFFFFF000;
	s12 =	simm.s32 @!p1 $0x0  }
0x260: {  	[hbm4b:s16+s12] =	stream.linear.scatter @!p1 [tilespmem:s10], [sflag:$0xD], $0x1000, $0x38;
	[tilespmem:$0x1EB00] =	vst v63  }
0x261: {  	s22 =	simm.s32 $0x20;
	p2 =	sgt.u32 s25, $0x186;
	_ =	swait.ge @!p1 [sflag:s24], $0x1000  }
0x262: {  	s25 =	sadd.s32 $0x10000, s18;
	s21 =	sadd.s32 $0x2000, s16;
	[sflag:s24] =	ssyncset.done @!p1 $0x0  }
.LBB2_68:
0x263: {  	s10 =	simm.s32 @!p2 $0x4400;
	s12 =	simm.s32 @!p2 $0xE;
	[sflag:s24] =	ssyncadd.s32 @!p1 $0xFFFFF000  }
0x264: {  	s16 =	smov.u32 s22;
	p1 =	por p2, p2;
	s22 =	sadd.s32 $0x10, s22  }
0x265: {  	[tilespmem:s10], [sflag:$0xE] =	stream.linear.gather @!p1 [spmem:s25], $0x1000, $0x38;
	[tilespmem:$0x1EB00] =	vst v63  }
0x266: {  	p3 =	sne.s32 s22, $0x190;
	_ =	swait.ge @!p1 [sflag:s12], $0x1000  }
.Ltmp49:
0x267: {  	[sflag:s12] =	ssyncset.done @!p1 $0x0;
	(pc) =	sbr.rel @p3 .LBB2_68-.Ltmp49, $4  }
0x268: {  	s24 =	simm.s32 @!p1 $0xD;
	[sflag:s12] =	ssyncadd.s32 @!p1 $0xFFFFF000;
	s12 =	simm.s32 @!p1 $0x0  }
0x269: {  	[hbm4b:s21+s12] =	stream.linear.scatter @!p1 [tilespmem:s10], [sflag:$0xD], $0x1000, $0x38;
	[tilespmem:$0x1EB00] =	vst v63  }
0x26a: {  	s10 =	sadd.s32 s16, s5;
	s21 =	sadd.s32 $0x2000, s21;
	_ =	swait.ge @!p1 [sflag:s24], $0x1000  }
0x26b: {  	s25 =	sadd.s32 $0x10000, s25;
	p2 =	sgt.u32 s10, $0x186;
	[sflag:s24] =	ssyncset.done @!p1 $0x0  }
.Ltmp50:
0x26c: {  	_ = 	snop;
	(pc) =	sbr.rel .LBB2_69-.Ltmp50, $1  }
0x26d: {  	_ =	sdelay $0x3  }
.LBB2_33:
0x26e: {  	_ =	swait.ge [sflag:s19], $0x1000;
	s10 =	sadd.s32 $0x0, s5  }
0x26f: {  	[sflag:s19] =	ssyncset.done $0x0;
	p1 =	sgt.u32 s10, $0x186  }
0x270: {  	[sflag:s19] =	ssyncadd.s32 $0xFFFFF000;
	s10 =	simm.s32 @!p1 $0x4400  }
0x271: {  	s12 =	simm.s32 @!p1 $0xE;
	p1 =	por p1, p1;
	[bflag:$0x0] =	sbarrier.arrive $0xFFFF  }
0x272: {  	[tilespmem:s10], [sflag:$0xE] =	stream.linear.gather @!p1 [spmem:s18], $0x1000, $0x38;
	[tilespmem:$0x1EB00] =	vst v63  }
0x273: {  	_ =	swait.ge @!p1 [sflag:s12], $0x1000  }
0x274: {  	s25 =	sadd.s32 $0x10, s5;
	s24 =	simm.s32 @!p1 $0xD;
	[sflag:s12] =	ssyncset.done @!p1 $0x0  }
0x275: {  	s16 =	rddreg [dreg:$0x8];
	[sflag:s12] =	ssyncadd.s32 @!p1 $0xFFFFF000;
	s12 =	simm.s32 @!p1 $0x0  }
0x276: {  	[hbm4b:s16+s12] =	stream.linear.scatter @!p1 [tilespmem:s10], [sflag:$0xD], $0x1000, $0x38;
	[tilespmem:$0x1EB00] =	vst v63  }
0x277: {  	s22 =	simm.s32 $0x20;
	p2 =	sgt.u32 s25, $0x186;
	_ =	swait.ge @!p1 [sflag:s24], $0x1000  }
0x278: {  	s25 =	sadd.s32 $0x10000, s18;
	s21 =	sadd.s32 $0x2000, s16;
	[sflag:s24] =	ssyncset.done @!p1 $0x0  }
.LBB2_34:
0x279: {  	s10 =	simm.s32 @!p2 $0x4400;
	s12 =	simm.s32 @!p2 $0xE;
	[sflag:s24] =	ssyncadd.s32 @!p1 $0xFFFFF000  }
0x27a: {  	s16 =	smov.u32 s22;
	p1 =	por p2, p2;
	s22 =	sadd.s32 $0x10, s22  }
0x27b: {  	[tilespmem:s10], [sflag:$0xE] =	stream.linear.gather @!p1 [spmem:s25], $0x1000, $0x38;
	[tilespmem:$0x1EB00] =	vst v63  }
0x27c: {  	p3 =	seq.s32 s22, $0x190;
	_ =	swait.ge @!p1 [sflag:s12], $0x1000  }
.Ltmp51:
0x27d: {  	[sflag:s12] =	ssyncset.done @!p1 $0x0;
	(pc) =	sbr.rel @!p3 .LBB2_34-.Ltmp51, $4  }
0x27e: {  	s24 =	simm.s32 @!p1 $0xD;
	[sflag:s12] =	ssyncadd.s32 @!p1 $0xFFFFF000;
	s12 =	simm.s32 @!p1 $0x0  }
0x27f: {  	[hbm4b:s21+s12] =	stream.linear.scatter @!p1 [tilespmem:s10], [sflag:$0xD], $0x1000, $0x38;
	[tilespmem:$0x1EB00] =	vst v63  }
0x280: {  	s10 =	sadd.s32 s16, s5;
	s21 =	sadd.s32 $0x2000, s21;
	_ =	swait.ge @!p1 [sflag:s24], $0x1000  }
0x281: {  	s25 =	sadd.s32 $0x10000, s25;
	p2 =	sgt.u32 s10, $0x186;
	[sflag:s24] =	ssyncset.done @!p1 $0x0  }
0x282: {  	s10 =	simm.s32 @!p2 $0x4400  }
0x283: {  	s12 =	simm.s32 @!p2 $0xE;
	[sflag:s24] =	ssyncadd.s32 @!p1 $0xFFFFF000;
	p1 =	por p2, p2  }
0x284: {  	[tilespmem:s10], [sflag:$0xE] =	stream.linear.gather @!p1 [spmem:s25], $0x1000, $0x38;
	[tilespmem:$0x1EB00] =	vst v63  }
0x285: {  	_ =	swait.ge @!p1 [sflag:s12], $0x1000  }
0x286: {  	s16 =	simm.s32 @!p1 $0xD;
	[sflag:s12] =	ssyncset.done @!p1 $0x0  }
.Ltmp52:
0x287: {  	[sflag:s12] =	ssyncadd.s32 @!p1 $0xFFFFF000;
	s12 =	simm.s32 @!p1 $0x0;
	(pc) =	sbr.rel .LBB2_70-.Ltmp52, $4  }
0x288: {  	[hbm4b:s21+s12] =	stream.linear.scatter @!p1 [tilespmem:s10], [sflag:$0xD], $0x1000, $0x38;
	[tilespmem:$0x1EB00] =	vst v63  }
0x289: {  	_ =	swait.ge @!p1 [sflag:s16], $0x1000  }
0x28a: {  	[sflag:s16] =	ssyncset.done @!p1 $0x0  }
0x28b: {  	[sflag:s16] =	ssyncadd.s32 @!p1 $0xFFFFF000  }
.LBB2_71:
0x28c: {  	_ =	sfence.sel $0x180000  }
0x28d: {  	[bflag:$0x0] =	sbarrier.arrive $0xFFFF  }
0x28e: {  	_ =	strace $0x9000004A  }
0x28f: {  	[bflag:$0x2] =	sbarrier.arrive $0xFFFF  }
0x290: {  	p0 =	sne.s32 s5, $0x0;
	s0 =	rddreg [dreg:$0x2]  }
0x291: {  	s0 =	sadd.s32 @!p0 $0x100000, s0  }
0x292: {  	[sflag:s0] =	ssyncadd.tile.s32 @!p0 $0x1;
	_ =	shalt  }
.Lfunc_end2:
_tile_overlayer_lowered:
.L_overlay_start_2:
0x293: {  	(tag) =	ssettag $0x2  }
0x294: {  	s0 =	rddreg [dreg:$0x0];
	s2 =	stileid.u32  }
0x295: {  	s1 =	rddreg [dreg:$0x1];
	p0 =	sne.s32 s2, $0x0  }
0x296: {  	s3 =	rddreg [dreg:$0x2];
	[bflag:$0x3] =	sbarrier.arrive $0xFFFF;
	s2 =	simm.s32 @!p0 $0x1C0D  }
0x297: {  	[timem:s3], [sflag:s2] =	dma.local @!p0 [hbm:s0], s1  }
0x298: {  	s0 =	simm.s32 @!p0 $0xD  }
0x299: {  	_ =	swait.ge @!p0 [sflag:s0], s1  }
0x29a: {  	s1 =	ssub.s32 @!p0 $0x0, s1;
	[sflag:s0] =	ssyncset.done @!p0 $0x0  }
0x29b: {  	[sflag:s0] =	ssyncadd.s32 @!p0 s1  }
0x29c: {  	[bflag:$0x3] =	sbarrier.arrive $0xFFFF  }
0x29d: {  	_ =	shalt  }

</sc_bundles>
